<compile_context>
chip_gen: v7x
topology: tpu7x:2x2x1
jax: 0.10.2.dev20260603
libtpu: 0.0.44.dev20260713+nightly
codegen_flags: <defaults>
</compile_context>

<pallas_src>
import functools

import jax
import jax.numpy as jnp
from jax import lax
from jax.experimental import pallas as pl
from jax.experimental.pallas import tpu as pltpu
from jax.experimental.pallas import tpu_sc as plsc

B, C, N, K, O = 8, 64, 2048, 16, 64
RB = 2048
NB = N // RB
NC, NS = 2, 16
NW = NC * NS
PW = (B * N) // NW
CP = 8
NCHUNK = PW // CP
GP = 128


def _knn_body(x_ref, w_ref, bias_ref, idx_ref, c_ref, g_ref, d_ref):
    b = pl.program_id(0)
    rb = pl.program_id(1)
    x = x_ref[0]
    xrow = x_ref[0, :, pl.ds(rb * RB, RB)]

    gram = lax.dot_general(xrow, x, (((0,), (0,)), ((), ())),
                           preferred_element_type=jnp.float32)
    sqcol = jnp.sum(x * x, axis=0, keepdims=True)
    d_ref[...] = sqcol - 2.0 * gram

    iota_col = lax.broadcasted_iota(jnp.int32, (RB, N), 1)
    lane_k = lax.broadcasted_iota(jnp.int32, (RB, K), 1)

    def body(k, mids):
        d = d_ref[...]
        midx = jnp.argmin(d, axis=1).astype(jnp.int32)[:, None]
        mids = jnp.where(lane_k == k, midx + b * N, mids)
        d_ref[...] = jnp.where(iota_col == midx, jnp.inf, d)
        return mids

    mids = lax.fori_loop(0, K, body, jnp.zeros((RB, K), jnp.int32))
    idx_ref[...] = mids

    w = w_ref[...]
    wd = w[:, :C] - w[:, C:]
    w2 = w[:, C:]
    c_ref[...] = lax.dot_general(xrow, wd, (((0,), (1,)), ((), ())),
                                 preferred_element_type=jnp.float32) + bias_ref[...]
    g = lax.dot_general(xrow, w2, (((0,), (1,)), ((), ())),
                        preferred_element_type=jnp.float32)
    g_ref[...] = jnp.concatenate([g, jnp.zeros((RB, GP - O), jnp.float32)], axis=1)


def _knn_call(x, w, bias2d, interpret=False):
    return pl.pallas_call(
        _knn_body,
        grid=(B, NB),
        in_specs=[
            pl.BlockSpec((1, C, N), lambda b, rb: (b, 0, 0)),
            pl.BlockSpec((O, 2 * C), lambda b, rb: (0, 0)),
            pl.BlockSpec((1, O), lambda b, rb: (0, 0)),
        ],
        out_specs=[
            pl.BlockSpec((RB, K), lambda b, rb: (b * NB + rb, 0)),
            pl.BlockSpec((RB, O), lambda b, rb: (b * NB + rb, 0)),
            pl.BlockSpec((RB, GP), lambda b, rb: (b * NB + rb, 0)),
        ],
        out_shape=[
            jax.ShapeDtypeStruct((B * N, K), jnp.int32),
            jax.ShapeDtypeStruct((B * N, O), jnp.float32),
            jax.ShapeDtypeStruct((B * N, GP), jnp.float32),
        ],
        scratch_shapes=[pltpu.VMEM((RB, N), jnp.float32)],
        compiler_params=pltpu.CompilerParams(
            dimension_semantics=("parallel", "parallel"),
            vmem_limit_bytes=60 * 1024 * 1024),
        interpret=interpret,
    )(x, w, bias2d)


NBUF = 4
LA = NBUF - 1
GPTS = NBUF * CP
NGRP = NCHUNK // NBUF


def _gather_body(g_hbm, idx_hbm, mx_hbm, s1_hbm, s2p_hbm,
                 idx_v, r0, r1, r2, r3, mx_v, s1_v, acc_v,
                 g0, g1, g2, g3, o0, o1):
    wid = lax.axis_index("s") * NC + lax.axis_index("c")
    base_pt = wid * PW
    bufs = [r0, r1, r2, r3]
    gsems = [g0, g1, g2, g3]
    osems = [o0, o1]
    outs = [mx_v, s1_v]
    out_hbm = [mx_hbm, s1_hbm]

    for j in range(O // 16):
        acc_v[0, pl.ds(j * 16, 16)] = jnp.zeros((16,), jnp.float32)

    pltpu.sync_copy(idx_hbm.at[pl.ds(base_pt * K, PW * K)], idx_v)

    def start(ci, b):
        pltpu.async_copy(g_hbm.at[idx_v.at[pl.ds(ci * CP * K, CP * K)]],
                         bufs[b], gsems[b])

    for b in range(LA):
        start(b, b)

    def group_body(g, _):
        par = lax.rem(g, 2)
        @pl.when(g >= 2)
        def _():
            for p in range(2):
                @pl.when(par == p)
                def _():
                    for a in range(2):
                        pltpu.make_async_copy(out_hbm[a].at[pl.ds(0, GPTS)],
                                              outs[a].at[p], osems[p]).wait()

        for b in range(NBUF):
            ci = g * NBUF + b

            @pl.when(ci + LA < NCHUNK)
            def _():
                start(ci + LA, (b + LA) % NBUF)

            pltpu.make_async_copy(g_hbm.at[pl.ds(0, CP * K)], bufs[b],
                                  gsems[b]).wait()
            rows_v = bufs[b]

            def pt_body(p, _):
                row = b * CP + p
                for j in range(O // 16):
                    sl = pl.ds(j * 16, 16)
                    r = rows_v[p * K, sl]
                    mx, s1, s2 = r, r, r * r
                    for k in range(1, K):
                        r = rows_v[p * K + k, sl]
                        mx = jnp.maximum(mx, r)
                        s1 = s1 + r
                        s2 = s2 + r * r
                    mx_v[par, row, sl] = mx
                    s1_v[par, row, sl] = s1
                    acc_v[0, sl] = acc_v[0, sl] + s2
                return 0

            lax.fori_loop(0, CP, pt_body, 0)

        pt0 = base_pt + g * GPTS
        for p in range(2):
            @pl.when(par == p)
            def _():
                for a in range(2):
                    pltpu.async_copy(outs[a].at[p],
                                     out_hbm[a].at[pl.ds(pt0, GPTS)], osems[p])
        return 0

    lax.fori_loop(0, NGRP, group_body, 0)
    pltpu.sync_copy(acc_v, s2p_hbm.at[pl.ds(wid, 1)])
    for p in range(2):
        for a in range(2):
            pltpu.make_async_copy(out_hbm[a].at[pl.ds(0, GPTS)],
                                  outs[a].at[p], osems[p]).wait()


def _gather_call(g, idx_flat):
    f32 = jnp.float32
    run = pl.kernel(
        _gather_body,
        out_type=[jax.ShapeDtypeStruct((B * N, O), f32),
                  jax.ShapeDtypeStruct((B * N, O), f32),
                  jax.ShapeDtypeStruct((NW, O), f32)],
        mesh=plsc.VectorSubcoreMesh(core_axis_name="c", subcore_axis_name="s"),
        scratch_types=(
            [pltpu.VMEM((PW * K,), jnp.int32)]
            + [pltpu.VMEM((CP * K, GP), f32) for _ in range(NBUF)]
            + [pltpu.VMEM((2, GPTS, O), f32) for _ in range(2)]
            + [pltpu.VMEM((1, O), f32)]
            + [pltpu.SemaphoreType.DMA for _ in range(NBUF)]
            + [pltpu.SemaphoreType.DMA for _ in range(2)]
        ),
    )
    return run(g, idx_flat)


def _stats_body(c_ref, s1_ref, s2p_ref, out_ref):
    pid = pl.program_id(0)
    c = c_ref[...]
    s1 = s1_ref[...]
    ps = jnp.sum(K * c + s1, axis=0, keepdims=True)
    psq = jnp.sum(K * (c * c) + 2.0 * (c * s1), axis=0, keepdims=True)
    blk = jnp.concatenate([ps, psq], axis=0)

    @pl.when(pid == 0)
    def _():
        s2tot = jnp.sum(s2p_ref[...], axis=0, keepdims=True)
        z = jnp.zeros((1, O), jnp.float32)
        out_ref[...] = blk + jnp.concatenate([z, s2tot], axis=0)

    @pl.when(pid != 0)
    def _():
        out_ref[...] = out_ref[...] + blk


def _stats_call(c, s1, s2p, interpret=False):
    grid = 16
    rows = (B * N) // grid
    return pl.pallas_call(
        _stats_body,
        grid=(grid,),
        in_specs=[pl.BlockSpec((rows, O), lambda i: (i, 0)),
                  pl.BlockSpec((rows, O), lambda i: (i, 0)),
                  pl.BlockSpec((NW, O), lambda i: (0, 0))],
        out_specs=pl.BlockSpec((2, O), lambda i: (0, 0)),
        out_shape=jax.ShapeDtypeStruct((2, O), jnp.float32),
        interpret=interpret,
    )(c, s1, s2p)


def _final_body(c_ref, mx_ref, stats_ref, gamma_ref, beta_ref, out_ref):
    cnt = float(B * N * K)
    mean = stats_ref[0:1, :] * (1.0 / cnt)
    ex2 = stats_ref[1:2, :] * (1.0 / cnt)
    var = ex2 - mean * mean
    rstd = lax.rsqrt(var + 1e-5)
    gamma = gamma_ref[...]
    beta = beta_ref[...]
    z = gamma * ((c_ref[...] + mx_ref[...]) - mean) * rstd + beta
    z = jnp.where(z > 0, z, 0.2 * z)
    out_ref[0] = z.T


FB = 512


def _final_call(c, mx, stats, gamma2d, beta2d, interpret=False):
    nfb = N // FB
    return pl.pallas_call(
        _final_body,
        grid=(B, nfb),
        in_specs=[
            pl.BlockSpec((FB, O), lambda b, i: (b * nfb + i, 0)),
            pl.BlockSpec((FB, O), lambda b, i: (b * nfb + i, 0)),
            pl.BlockSpec((2, O), lambda b, i: (0, 0)),
            pl.BlockSpec((1, O), lambda b, i: (0, 0)),
            pl.BlockSpec((1, O), lambda b, i: (0, 0)),
        ],
        out_specs=pl.BlockSpec((1, O, FB), lambda b, i: (b, 0, i)),
        out_shape=jax.ShapeDtypeStruct((B, O, N), jnp.float32),
        interpret=interpret,
    )(c, mx, stats, gamma2d, beta2d)


def kernel(x, W, b, gamma, beta):
    idx, c, g = _knn_call(x, W, b.reshape(1, O))
    mx, s1, s2p = _gather_call(g, idx.reshape(B * N * K))
    stats = _stats_call(c, s1, s2p)
    return _final_call(c, mx, stats, gamma.reshape(1, O), beta.reshape(1, O))

# --- scband reference (transcript-rebuilt; emitter-appended) ---
"""Pipeline reference for scband-edge-conv-41351945126431 (READ-ONLY COPY).

The authoritative reference and input builder live on the scoring server;
editing this copy changes nothing except your own understanding.
"""

import jax, jax.numpy as jnp
import numpy as np

K = 16

def setup_inputs(seed: int = 0) -> dict:
    key = jax.random.key(seed)
    k1, k2, k3, k4, k5 = jax.random.split(key, 5)
    x = jax.random.normal(k1, (8, 64, 2048), dtype=jnp.float32)
    # Conv2d(128 -> 64, kernel 1x1) weight flattened to [out, in]
    W = jax.random.normal(k2, (64, 128), dtype=jnp.float32) * 0.05
    b = jnp.zeros((64,), dtype=jnp.float32)
    gamma = jnp.ones((64,), dtype=jnp.float32)
    beta = jnp.zeros((64,), dtype=jnp.float32)
    return {"x": x, "W": W, "b": b, "gamma": gamma, "beta": beta}

def reference(x, W, b, gamma, beta):
    # x: [B, C, N] -> permute to [B, N, C]
    xp = jnp.transpose(x, (0, 2, 1))
    # kNN: pairwise squared euclidean distances, take K smallest per point
    sq = jnp.sum(xp * xp, axis=-1)                       # [B, N]
    dist = sq[:, :, None] + sq[:, None, :] - 2.0 * jnp.einsum('bnc,bmc->bnm', xp, xp)
    _, idx = jax.lax.top_k(-dist, K)                     # [B, N, K] nearest-neighbor indices
    # batched_index_select: gather neighbor features
    x_hat = jax.vmap(lambda xb, ib: xb[ib])(xp, idx)     # [B, N, K, C]
    xc = jnp.broadcast_to(xp[:, :, None, :], x_hat.shape)  # repeat center feature K times
    feat = jnp.concatenate([xc, x_hat - xc], axis=-1)    # [B, N, K, 2C]
    # 1x1 Conv2d over channel dim (input laid out as [B, 2C, N, K])
    y = jnp.einsum('bnkc,oc->bonk', feat, W) + b[None, :, None, None]  # [B, O, N, K]
    # BatchNorm2d (training-mode batch statistics)
    mean = jnp.mean(y, axis=(0, 2, 3), keepdims=True)
    var = jnp.var(y, axis=(0, 2, 3), keepdims=True)
    y = gamma[None, :, None, None] * (y - mean) / jnp.sqrt(var + 1e-5) + beta[None, :, None, None]
    # LeakyReLU(0.2)
    y = jnp.where(y > 0, y, 0.2 * y)
    # max over neighbor dim
    return jnp.max(y, axis=-1)                           # [B, O, N]

if __name__ == "__main__":
    import jax
    _d = setup_inputs()
    print(jax.jit(kernel)(*tuple(_d.values())))

</pallas_src>

<mosaic_0001>
#map = affine_map<(d0, d1) -> (0, 0)>
#map1 = affine_map<(d0, d1) -> (0)>
module attributes {stable_mosaic.version = 14 : i64} {
  func.func @_gather_body(%arg0: i32, %arg1: i32, %arg2: memref<16384x128xf32, #tpu.memory_space<hbm>>, %arg3: memref<262144xi32, #tpu.memory_space<hbm>>, %arg4: memref<16384x64xf32, #tpu.memory_space<hbm>>, %arg5: memref<16384x64xf32, #tpu.memory_space<hbm>>, %arg6: memref<32x64xf32, #tpu.memory_space<hbm>>, %arg7: memref<8192xi32, #tpu.memory_space<vmem>>, %arg8: memref<128x128xf32, #tpu.memory_space<vmem>>, %arg9: memref<128x128xf32, #tpu.memory_space<vmem>>, %arg10: memref<128x128xf32, #tpu.memory_space<vmem>>, %arg11: memref<128x128xf32, #tpu.memory_space<vmem>>, %arg12: memref<2x32x64xf32, #tpu.memory_space<vmem>>, %arg13: memref<2x32x64xf32, #tpu.memory_space<vmem>>, %arg14: memref<1x64xf32, #tpu.memory_space<vmem>>, %arg15: memref<!tpu.dma_semaphore, #tpu.memory_space<semaphore_mem>>, %arg16: memref<!tpu.dma_semaphore, #tpu.memory_space<semaphore_mem>>, %arg17: memref<!tpu.dma_semaphore, #tpu.memory_space<semaphore_mem>>, %arg18: memref<!tpu.dma_semaphore, #tpu.memory_space<semaphore_mem>>, %arg19: memref<!tpu.dma_semaphore, #tpu.memory_space<semaphore_mem>>, %arg20: memref<!tpu.dma_semaphore, #tpu.memory_space<semaphore_mem>>) attributes {dimension_semantics = [#tpu.dimension_semantics<core_parallel>, #tpu.dimension_semantics<subcore_parallel>], iteration_bounds = array<i64: 2, 16>, scalar_prefetch = 0 : i64, scratch_operands = 14 : i64, tpu.core_type = #tpu.core_type<sc_vector_subcore>, window_params = [{transform_indices = #map}, {transform_indices = #map1}, {transform_indices = #map}, {transform_indices = #map}, {transform_indices = #map}]} {
    %mul3A = arith.constant 2 : i32
    %mul3A_0 = arith.muli %arg1, %mul3A : i32
    %add3A = arith.addi %mul3A_0, %arg0 : i32
    %mul3A_1 = arith.constant 512 : i32
    %mul3A_2 = arith.muli %add3A, %mul3A_1 : i32
    %broadcast_in_dim3A = arith.constant 0.000000e+00 : f32
    %broadcast_in_dim3A_3 = vector.broadcast %broadcast_in_dim3A : f32 to vector<16xf32>
    %swap3A = arith.constant 0 : i32
    %swap3A_4 = arith.index_cast %swap3A : i32 to index
    %swap3A_5 = arith.constant 0 : index
    %swap3A_6 = tpu.vector_load %arg14[%swap3A_4, %swap3A_5] {strides = array<i32>} : memref<1x64xf32, #tpu.memory_space<vmem>>, vector<1x16xf32>,
    %swap3A_7 = vector.shape_cast %swap3A_6 : vector<1x16xf32> to vector<16xf32>
    %swap3A_8 = vector.shape_cast %broadcast_in_dim3A_3 : vector<16xf32> to vector<1x16xf32>
    tpu.vector_store %arg14[%swap3A_4, %swap3A_5], %swap3A_8 {strides = array<i32>} : memref<1x64xf32, #tpu.memory_space<vmem>>, vector<1x16xf32>,
    %broadcast_in_dim3A_9 = arith.constant 0.000000e+00 : f32
    %broadcast_in_dim3A_10 = vector.broadcast %broadcast_in_dim3A_9 : f32 to vector<16xf32>
    %swap3A_11 = arith.constant 0 : i32
    %swap3A_12 = arith.index_cast %swap3A_11 : i32 to index
    %swap3A_13 = arith.constant 16 : index
    %swap3A_14 = tpu.vector_load %arg14[%swap3A_12, %swap3A_13] {strides = array<i32>} : memref<1x64xf32, #tpu.memory_space<vmem>>, vector<1x16xf32>,
    %swap3A_15 = vector.shape_cast %swap3A_14 : vector<1x16xf32> to vector<16xf32>
    %swap3A_16 = vector.shape_cast %broadcast_in_dim3A_10 : vector<16xf32> to vector<1x16xf32>
    tpu.vector_store %arg14[%swap3A_12, %swap3A_13], %swap3A_16 {strides = array<i32>} : memref<1x64xf32, #tpu.memory_space<vmem>>, vector<1x16xf32>,
    %broadcast_in_dim3A_17 = arith.constant 0.000000e+00 : f32
    %broadcast_in_dim3A_18 = vector.broadcast %broadcast_in_dim3A_17 : f32 to vector<16xf32>
    %swap3A_19 = arith.constant 0 : i32
    %swap3A_20 = arith.index_cast %swap3A_19 : i32 to index
    %swap3A_21 = arith.constant 32 : index
    %swap3A_22 = tpu.vector_load %arg14[%swap3A_20, %swap3A_21] {strides = array<i32>} : memref<1x64xf32, #tpu.memory_space<vmem>>, vector<1x16xf32>,
    %swap3A_23 = vector.shape_cast %swap3A_22 : vector<1x16xf32> to vector<16xf32>
    %swap3A_24 = vector.shape_cast %broadcast_in_dim3A_18 : vector<16xf32> to vector<1x16xf32>
    tpu.vector_store %arg14[%swap3A_20, %swap3A_21], %swap3A_24 {strides = array<i32>} : memref<1x64xf32, #tpu.memory_space<vmem>>, vector<1x16xf32>,
    %broadcast_in_dim3A_25 = arith.constant 0.000000e+00 : f32
    %broadcast_in_dim3A_26 = vector.broadcast %broadcast_in_dim3A_25 : f32 to vector<16xf32>
    %swap3A_27 = arith.constant 0 : i32
    %swap3A_28 = arith.index_cast %swap3A_27 : i32 to index
    %swap3A_29 = arith.constant 48 : index
    %swap3A_30 = tpu.vector_load %arg14[%swap3A_28, %swap3A_29] {strides = array<i32>} : memref<1x64xf32, #tpu.memory_space<vmem>>, vector<1x16xf32>,
    %swap3A_31 = vector.shape_cast %swap3A_30 : vector<1x16xf32> to vector<16xf32>
    %swap3A_32 = vector.shape_cast %broadcast_in_dim3A_26 : vector<16xf32> to vector<1x16xf32>
    tpu.vector_store %arg14[%swap3A_28, %swap3A_29], %swap3A_32 {strides = array<i32>} : memref<1x64xf32, #tpu.memory_space<vmem>>, vector<1x16xf32>,
    %mul3A_33 = arith.constant 16 : i32
    %mul3A_34 = arith.muli %mul3A_2, %mul3A_33 : i32
    "tpu.region"() ({
      %run_scoped3A = tpu.sem_alloc : memref<!tpu.dma_semaphore, #tpu.memory_space<semaphore_mem>>
      %dma_start3A_114 = tpu.memref_slice %arg3[%mul3A_34] : memref<262144xi32, #tpu.memory_space<hbm>> -> memref<8192xi32, #tpu.memory_space<hbm>>
      %dma_start3A_115 = tpu.memref_slice %arg3[%mul3A_34] : memref<262144xi32, #tpu.memory_space<hbm>> -> memref<8192xi32, #tpu.memory_space<hbm>>
      tpu.enqueue_dma source(%dma_start3A_115 : memref<8192xi32, #tpu.memory_space<hbm>>) target(%arg7 : memref<8192xi32, #tpu.memory_space<vmem>>) target_semaphore(%run_scoped3A : memref<!tpu.dma_semaphore, #tpu.memory_space<semaphore_mem>>)
      %dma_wait3A_116 = tpu.memref_slice %arg3[%mul3A_34] : memref<262144xi32, #tpu.memory_space<hbm>> -> memref<8192xi32, #tpu.memory_space<hbm>>
      %dma_wait3A_117 = tpu.memref_slice %arg3[%mul3A_34] : memref<262144xi32, #tpu.memory_space<hbm>> -> memref<8192xi32, #tpu.memory_space<hbm>>
      tpu.wait_dma2 semaphore(%run_scoped3A : memref<!tpu.dma_semaphore, #tpu.memory_space<semaphore_mem>>) src(%dma_wait3A_117 : memref<8192xi32, #tpu.memory_space<hbm>>) dst(%arg7 : memref<8192xi32, #tpu.memory_space<vmem>>)
      tpu.yield
    }) : () -> ()
    %dma_start3A = arith.constant 0 : i32
    %dma_start3A_35 = tpu.memref_slice %arg7[%dma_start3A] : memref<8192xi32, #tpu.memory_space<vmem>> -> memref<128xi32, #tpu.memory_space<vmem>>
    %dma_start3A_36 = arith.constant 0 : i32
    %dma_start3A_37 = arith.constant 0 : i32
    %dma_start3A_38 = tpu.memref_slice %arg2[%dma_start3A_36, %dma_start3A_37] : memref<16384x128xf32, #tpu.memory_space<hbm>> -> memref<16384x128xf32, #tpu.memory_space<hbm>>
    tpu.enqueue_indirect_dma source(%dma_start3A_38 : memref<16384x128xf32, #tpu.memory_space<hbm>>) target(%arg8 : memref<128x128xf32, #tpu.memory_space<vmem>>) offsets(%dma_start3A_35 : memref<128xi32, #tpu.memory_space<vmem>>) semaphore(%arg15 : memref<!tpu.dma_semaphore, #tpu.memory_space<semaphore_mem>>)
    %dma_start3A_39 = arith.constant 128 : i32
    %dma_start3A_40 = tpu.memref_slice %arg7[%dma_start3A_39] : memref<8192xi32, #tpu.memory_space<vmem>> -> memref<128xi32, #tpu.memory_space<vmem>>
    %dma_start3A_41 = arith.constant 0 : i32
    %dma_start3A_42 = arith.constant 0 : i32
    %dma_start3A_43 = tpu.memref_slice %arg2[%dma_start3A_41, %dma_start3A_42] : memref<16384x128xf32, #tpu.memory_space<hbm>> -> memref<16384x128xf32, #tpu.memory_space<hbm>>
    tpu.enqueue_indirect_dma source(%dma_start3A_43 : memref<16384x128xf32, #tpu.memory_space<hbm>>) target(%arg9 : memref<128x128xf32, #tpu.memory_space<vmem>>) offsets(%dma_start3A_40 : memref<128xi32, #tpu.memory_space<vmem>>) semaphore(%arg16 : memref<!tpu.dma_semaphore, #tpu.memory_space<semaphore_mem>>)
    %dma_start3A_44 = arith.constant 256 : i32
    %dma_start3A_45 = tpu.memref_slice %arg7[%dma_start3A_44] : memref<8192xi32, #tpu.memory_space<vmem>> -> memref<128xi32, #tpu.memory_space<vmem>>
    %dma_start3A_46 = arith.constant 0 : i32
    %dma_start3A_47 = arith.constant 0 : i32
    %dma_start3A_48 = tpu.memref_slice %arg2[%dma_start3A_46, %dma_start3A_47] : memref<16384x128xf32, #tpu.memory_space<hbm>> -> memref<16384x128xf32, #tpu.memory_space<hbm>>
    tpu.enqueue_indirect_dma source(%dma_start3A_48 : memref<16384x128xf32, #tpu.memory_space<hbm>>) target(%arg10 : memref<128x128xf32, #tpu.memory_space<vmem>>) offsets(%dma_start3A_45 : memref<128xi32, #tpu.memory_space<vmem>>) semaphore(%arg17 : memref<!tpu.dma_semaphore, #tpu.memory_space<semaphore_mem>>)
    %scan3A = arith.constant 0 : i32
    %scan3A_49 = arith.constant 0 : i32
    %scan3A_50 = arith.constant 16 : i32
    %scan3A_51 = arith.addi %scan3A_49, %scan3A_50 : i32
    %scan3A_52 = arith.constant 1 : i32
    %scan3A_53 = scf.for %scan3A_114 = %scan3A_49 to %scan3A_51 step %scan3A_52 iter_args(%scan3A_115 = %scan3A) -> (i32)  : i32 {
      %rem3A = arith.constant 2 : i32
      %rem3A_116 = arith.remsi %scan3A_114, %rem3A : i32
      %ge3A = arith.constant 2 : i32
      %ge3A_117 = arith.cmpi sge, %scan3A_114, %ge3A : i32
      %convert_element_type3A = arith.extui %ge3A_117 : i1 to i32
      %cond3A = arith.constant 0 : i32
      %cond3A_118 = arith.cmpi ne, %convert_element_type3A, %cond3A : i32
      scf.if %cond3A_118 {
        %eq3A_227 = arith.constant 0 : i32
        %eq3A_228 = arith.cmpi eq, %rem3A_116, %eq3A_227 : i32
        %convert_element_type3A_229 = arith.extui %eq3A_228 : i1 to i32
        %cond3A_230 = arith.constant 0 : i32
        %cond3A_231 = arith.cmpi ne, %convert_element_type3A_229, %cond3A_230 : i32
        scf.if %cond3A_231 {
          %dma_wait3A_237 = arith.constant 0 : i32
          %dma_wait3A_238 = arith.constant 0 : i32
          %dma_wait3A_239 = arith.constant 0 : i32
          %dma_wait3A_240 = tpu.memref_slice %arg12[%dma_wait3A_237, %dma_wait3A_238, %dma_wait3A_239] : memref<2x32x64xf32, #tpu.memory_space<vmem>> -> memref<1x32x64xf32, #tpu.memory_space<vmem>>
          %dma_wait3A_241 = tpu.memref_squeeze %dma_wait3A_240 : memref<1x32x64xf32, #tpu.memory_space<vmem>> -> memref<32x64xf32, #tpu.memory_space<vmem>>
          %dma_wait3A_242 = arith.constant 0 : i32
          %dma_wait3A_243 = arith.constant 0 : i32
          %dma_wait3A_244 = tpu.memref_slice %arg4[%dma_wait3A_242, %dma_wait3A_243] : memref<16384x64xf32, #tpu.memory_space<hbm>> -> memref<32x64xf32, #tpu.memory_space<hbm>>
          %dma_wait3A_245 = arith.constant 0 : i32
          %dma_wait3A_246 = arith.constant 0 : i32
          %dma_wait3A_247 = tpu.memref_slice %arg12[%dma_wait3A_237, %dma_wait3A_245, %dma_wait3A_246] : memref<2x32x64xf32, #tpu.memory_space<vmem>> -> memref<1x32x64xf32, #tpu.memory_space<vmem>>
          %dma_wait3A_248 = tpu.memref_squeeze %dma_wait3A_247 : memref<1x32x64xf32, #tpu.memory_space<vmem>> -> memref<32x64xf32, #tpu.memory_space<vmem>>
          %dma_wait3A_249 = arith.constant 0 : i32
          %dma_wait3A_250 = arith.constant 0 : i32
          %dma_wait3A_251 = tpu.memref_slice %arg4[%dma_wait3A_249, %dma_wait3A_250] : memref<16384x64xf32, #tpu.memory_space<hbm>> -> memref<32x64xf32, #tpu.memory_space<hbm>>
          tpu.wait_dma2 semaphore(%arg19 : memref<!tpu.dma_semaphore, #tpu.memory_space<semaphore_mem>>) src(%dma_wait3A_251 : memref<32x64xf32, #tpu.memory_space<hbm>>) dst(%dma_wait3A_248 : memref<32x64xf32, #tpu.memory_space<vmem>>)
          %dma_wait3A_252 = arith.constant 0 : i32
          %dma_wait3A_253 = arith.constant 0 : i32
          %dma_wait3A_254 = arith.constant 0 : i32
          %dma_wait3A_255 = tpu.memref_slice %arg13[%dma_wait3A_252, %dma_wait3A_253, %dma_wait3A_254] : memref<2x32x64xf32, #tpu.memory_space<vmem>> -> memref<1x32x64xf32, #tpu.memory_space<vmem>>
          %dma_wait3A_256 = tpu.memref_squeeze %dma_wait3A_255 : memref<1x32x64xf32, #tpu.memory_space<vmem>> -> memref<32x64xf32, #tpu.memory_space<vmem>>
          %dma_wait3A_257 = arith.constant 0 : i32
          %dma_wait3A_258 = arith.constant 0 : i32
          %dma_wait3A_259 = tpu.memref_slice %arg5[%dma_wait3A_257, %dma_wait3A_258] : memref<16384x64xf32, #tpu.memory_space<hbm>> -> memref<32x64xf32, #tpu.memory_space<hbm>>
          %dma_wait3A_260 = arith.constant 0 : i32
          %dma_wait3A_261 = arith.constant 0 : i32
          %dma_wait3A_262 = tpu.memref_slice %arg13[%dma_wait3A_252, %dma_wait3A_260, %dma_wait3A_261] : memref<2x32x64xf32, #tpu.memory_space<vmem>> -> memref<1x32x64xf32, #tpu.memory_space<vmem>>
          %dma_wait3A_263 = tpu.memref_squeeze %dma_wait3A_262 : memref<1x32x64xf32, #tpu.memory_space<vmem>> -> memref<32x64xf32, #tpu.memory_space<vmem>>
          %dma_wait3A_264 = arith.constant 0 : i32
          %dma_wait3A_265 = arith.constant 0 : i32
          %dma_wait3A_266 = tpu.memref_slice %arg5[%dma_wait3A_264, %dma_wait3A_265] : memref<16384x64xf32, #tpu.memory_space<hbm>> -> memref<32x64xf32, #tpu.memory_space<hbm>>
          tpu.wait_dma2 semaphore(%arg19 : memref<!tpu.dma_semaphore, #tpu.memory_space<semaphore_mem>>) src(%dma_wait3A_266 : memref<32x64xf32, #tpu.memory_space<hbm>>) dst(%dma_wait3A_263 : memref<32x64xf32, #tpu.memory_space<vmem>>)
        } else {
        }
        %eq3A_232 = arith.constant 1 : i32
        %eq3A_233 = arith.cmpi eq, %rem3A_116, %eq3A_232 : i32
        %convert_element_type3A_234 = arith.extui %eq3A_233 : i1 to i32
        %cond3A_235 = arith.constant 0 : i32
        %cond3A_236 = arith.cmpi ne, %convert_element_type3A_234, %cond3A_235 : i32
        scf.if %cond3A_236 {
          %dma_wait3A_237 = arith.constant 1 : i32
          %dma_wait3A_238 = arith.constant 0 : i32
          %dma_wait3A_239 = arith.constant 0 : i32
          %dma_wait3A_240 = tpu.memref_slice %arg12[%dma_wait3A_237, %dma_wait3A_238, %dma_wait3A_239] : memref<2x32x64xf32, #tpu.memory_space<vmem>> -> memref<1x32x64xf32, #tpu.memory_space<vmem>>
          %dma_wait3A_241 = tpu.memref_squeeze %dma_wait3A_240 : memref<1x32x64xf32, #tpu.memory_space<vmem>> -> memref<32x64xf32, #tpu.memory_space<vmem>>
          %dma_wait3A_242 = arith.constant 0 : i32
          %dma_wait3A_243 = arith.constant 0 : i32
          %dma_wait3A_244 = tpu.memref_slice %arg4[%dma_wait3A_242, %dma_wait3A_243] : memref<16384x64xf32, #tpu.memory_space<hbm>> -> memref<32x64xf32, #tpu.memory_space<hbm>>
          %dma_wait3A_245 = arith.constant 0 : i32
          %dma_wait3A_246 = arith.constant 0 : i32
          %dma_wait3A_247 = tpu.memref_slice %arg12[%dma_wait3A_237, %dma_wait3A_245, %dma_wait3A_246] : memref<2x32x64xf32, #tpu.memory_space<vmem>> -> memref<1x32x64xf32, #tpu.memory_space<vmem>>
          %dma_wait3A_248 = tpu.memref_squeeze %dma_wait3A_247 : memref<1x32x64xf32, #tpu.memory_space<vmem>> -> memref<32x64xf32, #tpu.memory_space<vmem>>
          %dma_wait3A_249 = arith.constant 0 : i32
          %dma_wait3A_250 = arith.constant 0 : i32
          %dma_wait3A_251 = tpu.memref_slice %arg4[%dma_wait3A_249, %dma_wait3A_250] : memref<16384x64xf32, #tpu.memory_space<hbm>> -> memref<32x64xf32, #tpu.memory_space<hbm>>
          tpu.wait_dma2 semaphore(%arg20 : memref<!tpu.dma_semaphore, #tpu.memory_space<semaphore_mem>>) src(%dma_wait3A_251 : memref<32x64xf32, #tpu.memory_space<hbm>>) dst(%dma_wait3A_248 : memref<32x64xf32, #tpu.memory_space<vmem>>)
          %dma_wait3A_252 = arith.constant 1 : i32
          %dma_wait3A_253 = arith.constant 0 : i32
          %dma_wait3A_254 = arith.constant 0 : i32
          %dma_wait3A_255 = tpu.memref_slice %arg13[%dma_wait3A_252, %dma_wait3A_253, %dma_wait3A_254] : memref<2x32x64xf32, #tpu.memory_space<vmem>> -> memref<1x32x64xf32, #tpu.memory_space<vmem>>
          %dma_wait3A_256 = tpu.memref_squeeze %dma_wait3A_255 : memref<1x32x64xf32, #tpu.memory_space<vmem>> -> memref<32x64xf32, #tpu.memory_space<vmem>>
          %dma_wait3A_257 = arith.constant 0 : i32
          %dma_wait3A_258 = arith.constant 0 : i32
          %dma_wait3A_259 = tpu.memref_slice %arg5[%dma_wait3A_257, %dma_wait3A_258] : memref<16384x64xf32, #tpu.memory_space<hbm>> -> memref<32x64xf32, #tpu.memory_space<hbm>>
          %dma_wait3A_260 = arith.constant 0 : i32
          %dma_wait3A_261 = arith.constant 0 : i32
          %dma_wait3A_262 = tpu.memref_slice %arg13[%dma_wait3A_252, %dma_wait3A_260, %dma_wait3A_261] : memref<2x32x64xf32, #tpu.memory_space<vmem>> -> memref<1x32x64xf32, #tpu.memory_space<vmem>>
          %dma_wait3A_263 = tpu.memref_squeeze %dma_wait3A_262 : memref<1x32x64xf32, #tpu.memory_space<vmem>> -> memref<32x64xf32, #tpu.memory_space<vmem>>
          %dma_wait3A_264 = arith.constant 0 : i32
          %dma_wait3A_265 = arith.constant 0 : i32
          %dma_wait3A_266 = tpu.memref_slice %arg5[%dma_wait3A_264, %dma_wait3A_265] : memref<16384x64xf32, #tpu.memory_space<hbm>> -> memref<32x64xf32, #tpu.memory_space<hbm>>
          tpu.wait_dma2 semaphore(%arg20 : memref<!tpu.dma_semaphore, #tpu.memory_space<semaphore_mem>>) src(%dma_wait3A_266 : memref<32x64xf32, #tpu.memory_space<hbm>>) dst(%dma_wait3A_263 : memref<32x64xf32, #tpu.memory_space<vmem>>)
        } else {
        }
      } else {
      }
      %mul3A_119 = arith.constant 4 : i32
      %mul3A_120 = arith.muli %scan3A_114, %mul3A_119 : i32
      %add3A_121 = arith.constant 0 : i32
      %add3A_122 = arith.addi %mul3A_120, %add3A_121 : i32
      %add3A_123 = arith.constant 3 : i32
      %add3A_124 = arith.addi %add3A_122, %add3A_123 : i32
      %lt3A = arith.constant 64 : i32
      %lt3A_125 = arith.cmpi slt, %add3A_124, %lt3A : i32
      %convert_element_type3A_126 = arith.extui %lt3A_125 : i1 to i32
      %cond3A_127 = arith.constant 0 : i32
      %cond3A_128 = arith.cmpi ne, %convert_element_type3A_126, %cond3A_127 : i32
      scf.if %cond3A_128 {
        %add3A_227 = arith.constant 3 : i32
        %add3A_228 = arith.addi %add3A_122, %add3A_227 : i32
        %mul3A_229 = arith.constant 8 : i32
        %mul3A_230 = arith.muli %add3A_228, %mul3A_229 : i32
        %mul3A_231 = arith.constant 16 : i32
        %mul3A_232 = arith.muli %mul3A_230, %mul3A_231 : i32
        %dma_start3A_233 = tpu.memref_slice %arg7[%mul3A_232] : memref<8192xi32, #tpu.memory_space<vmem>> -> memref<128xi32, #tpu.memory_space<vmem>>
        %dma_start3A_234 = arith.constant 0 : i32
        %dma_start3A_235 = arith.constant 0 : i32
        %dma_start3A_236 = tpu.memref_slice %arg2[%dma_start3A_234, %dma_start3A_235] : memref<16384x128xf32, #tpu.memory_space<hbm>> -> memref<16384x128xf32, #tpu.memory_space<hbm>>
        tpu.enqueue_indirect_dma source(%dma_start3A_236 : memref<16384x128xf32, #tpu.memory_space<hbm>>) target(%arg11 : memref<128x128xf32, #tpu.memory_space<vmem>>) offsets(%dma_start3A_233 : memref<128xi32, #tpu.memory_space<vmem>>) semaphore(%arg18 : memref<!tpu.dma_semaphore, #tpu.memory_space<semaphore_mem>>)
      } else {
      }
      %dma_wait3A_129 = arith.constant 0 : i32
      %dma_wait3A_130 = arith.constant 0 : i32
      %dma_wait3A_131 = tpu.memref_slice %arg2[%dma_wait3A_129, %dma_wait3A_130] : memref<16384x128xf32, #tpu.memory_space<hbm>> -> memref<128x128xf32, #tpu.memory_space<hbm>>
      %dma_wait3A_132 = arith.constant 0 : i32
      %dma_wait3A_133 = arith.constant 0 : i32
      %dma_wait3A_134 = tpu.memref_slice %arg2[%dma_wait3A_132, %dma_wait3A_133] : memref<16384x128xf32, #tpu.memory_space<hbm>> -> memref<128x128xf32, #tpu.memory_space<hbm>>
      tpu.wait_dma2 semaphore(%arg15 : memref<!tpu.dma_semaphore, #tpu.memory_space<semaphore_mem>>) src(%dma_wait3A_134 : memref<128x128xf32, #tpu.memory_space<hbm>>) dst(%arg8 : memref<128x128xf32, #tpu.memory_space<vmem>>)
      %scan3A_135 = arith.constant 0 : i32
      %scan3A_136 = arith.constant 0 : i32
      %scan3A_137 = arith.constant 8 : i32
      %scan3A_138 = arith.addi %scan3A_136, %scan3A_137 : i32
      %scan3A_139 = arith.constant 1 : i32
      %scan3A_140 = scf.for %scan3A_227 = %scan3A_136 to %scan3A_138 step %scan3A_139 iter_args(%scan3A_228 = %scan3A_135) -> (i32)  : i32 {
        %add3A_229 = arith.constant 0 : i32
        %add3A_230 = arith.addi %add3A_229, %scan3A_227 : i32
        %mul3A_231 = arith.constant 16 : i32
        %mul3A_232 = arith.muli %scan3A_227, %mul3A_231 : i32
        %get3A = arith.index_cast %mul3A_232 : i32 to index
        %get3A_233 = arith.constant 0 : index
        %get3A_234 = tpu.vector_load %arg8[%get3A, %get3A_233] {strides = array<i32>} : memref<128x128xf32, #tpu.memory_space<vmem>>, vector<1x16xf32>,
        %get3A_235 = vector.shape_cast %get3A_234 : vector<1x16xf32> to vector<16xf32>
        %mul3A_236 = arith.mulf %get3A_235, %get3A_235 : vector<16xf32>
        %mul3A_237 = arith.constant 16 : i32
        %mul3A_238 = arith.muli %scan3A_227, %mul3A_237 : i32
        %add3A_239 = arith.constant 1 : i32
        %add3A_240 = arith.addi %mul3A_238, %add3A_239 : i32
        %get3A_241 = arith.index_cast %add3A_240 : i32 to index
        %get3A_242 = arith.constant 0 : index
        %get3A_243 = tpu.vector_load %arg8[%get3A_241, %get3A_242] {strides = array<i32>} : memref<128x128xf32, #tpu.memory_space<vmem>>, vector<1x16xf32>,
        %get3A_244 = vector.shape_cast %get3A_243 : vector<1x16xf32> to vector<16xf32>
        %max3A = arith.maximumf %get3A_235, %get3A_244 : vector<16xf32>
        %add3A_245 = arith.addf %get3A_235, %get3A_244 : vector<16xf32>
        %mul3A_246 = arith.mulf %get3A_244, %get3A_244 : vector<16xf32>
        %add3A_247 = arith.addf %mul3A_236, %mul3A_246 : vector<16xf32>
        %mul3A_248 = arith.constant 16 : i32
        %mul3A_249 = arith.muli %scan3A_227, %mul3A_248 : i32
        %add3A_250 = arith.constant 2 : i32
        %add3A_251 = arith.addi %mul3A_249, %add3A_250 : i32
        %get3A_252 = arith.index_cast %add3A_251 : i32 to index
        %get3A_253 = arith.constant 0 : index
        %get3A_254 = tpu.vector_load %arg8[%get3A_252, %get3A_253] {strides = array<i32>} : memref<128x128xf32, #tpu.memory_space<vmem>>, vector<1x16xf32>,
        %get3A_255 = vector.shape_cast %get3A_254 : vector<1x16xf32> to vector<16xf32>
        %max3A_256 = arith.maximumf %max3A, %get3A_255 : vector<16xf32>
        %add3A_257 = arith.addf %add3A_245, %get3A_255 : vector<16xf32>
        %mul3A_258 = arith.mulf %get3A_255, %get3A_255 : vector<16xf32>
        %add3A_259 = arith.addf %add3A_247, %mul3A_258 : vector<16xf32>
        %mul3A_260 = arith.constant 16 : i32
        %mul3A_261 = arith.muli %scan3A_227, %mul3A_260 : i32
        %add3A_262 = arith.constant 3 : i32
        %add3A_263 = arith.addi %mul3A_261, %add3A_262 : i32
        %get3A_264 = arith.index_cast %add3A_263 : i32 to index
        %get3A_265 = arith.constant 0 : index
        %get3A_266 = tpu.vector_load %arg8[%get3A_264, %get3A_265] {strides = array<i32>} : memref<128x128xf32, #tpu.memory_space<vmem>>, vector<1x16xf32>,
        %get3A_267 = vector.shape_cast %get3A_266 : vector<1x16xf32> to vector<16xf32>
        %max3A_268 = arith.maximumf %max3A_256, %get3A_267 : vector<16xf32>
        %add3A_269 = arith.addf %add3A_257, %get3A_267 : vector<16xf32>
        %mul3A_270 = arith.mulf %get3A_267, %get3A_267 : vector<16xf32>
        %add3A_271 = arith.addf %add3A_259, %mul3A_270 : vector<16xf32>
        %mul3A_272 = arith.constant 16 : i32
        %mul3A_273 = arith.muli %scan3A_227, %mul3A_272 : i32
        %add3A_274 = arith.constant 4 : i32
        %add3A_275 = arith.addi %mul3A_273, %add3A_274 : i32
        %get3A_276 = arith.index_cast %add3A_275 : i32 to index
        %get3A_277 = arith.constant 0 : index
        %get3A_278 = tpu.vector_load %arg8[%get3A_276, %get3A_277] {strides = array<i32>} : memref<128x128xf32, #tpu.memory_space<vmem>>, vector<1x16xf32>,
        %get3A_279 = vector.shape_cast %get3A_278 : vector<1x16xf32> to vector<16xf32>
        %max3A_280 = arith.maximumf %max3A_268, %get3A_279 : vector<16xf32>
        %add3A_281 = arith.addf %add3A_269, %get3A_279 : vector<16xf32>
        %mul3A_282 = arith.mulf %get3A_279, %get3A_279 : vector<16xf32>
        %add3A_283 = arith.addf %add3A_271, %mul3A_282 : vector<16xf32>
        %mul3A_284 = arith.constant 16 : i32
        %mul3A_285 = arith.muli %scan3A_227, %mul3A_284 : i32
        %add3A_286 = arith.constant 5 : i32
        %add3A_287 = arith.addi %mul3A_285, %add3A_286 : i32
        %get3A_288 = arith.index_cast %add3A_287 : i32 to index
        %get3A_289 = arith.constant 0 : index
        %get3A_290 = tpu.vector_load %arg8[%get3A_288, %get3A_289] {strides = array<i32>} : memref<128x128xf32, #tpu.memory_space<vmem>>, vector<1x16xf32>,
        %get3A_291 = vector.shape_cast %get3A_290 : vector<1x16xf32> to vector<16xf32>
        %max3A_292 = arith.maximumf %max3A_280, %get3A_291 : vector<16xf32>
        %add3A_293 = arith.addf %add3A_281, %get3A_291 : vector<16xf32>
        %mul3A_294 = arith.mulf %get3A_291, %get3A_291 : vector<16xf32>
        %add3A_295 = arith.addf %add3A_283, %mul3A_294 : vector<16xf32>
        %mul3A_296 = arith.constant 16 : i32
        %mul3A_297 = arith.muli %scan3A_227, %mul3A_296 : i32
        %add3A_298 = arith.constant 6 : i32
        %add3A_299 = arith.addi %mul3A_297, %add3A_298 : i32
        %get3A_300 = arith.index_cast %add3A_299 : i32 to index
        %get3A_301 = arith.constant 0 : index
        %get3A_302 = tpu.vector_load %arg8[%get3A_300, %get3A_301] {strides = array<i32>} : memref<128x128xf32, #tpu.memory_space<vmem>>, vector<1x16xf32>,
        %get3A_303 = vector.shape_cast %get3A_302 : vector<1x16xf32> to vector<16xf32>
        %max3A_304 = arith.maximumf %max3A_292, %get3A_303 : vector<16xf32>
        %add3A_305 = arith.addf %add3A_293, %get3A_303 : vector<16xf32>
        %mul3A_306 = arith.mulf %get3A_303, %get3A_303 : vector<16xf32>
        %add3A_307 = arith.addf %add3A_295, %mul3A_306 : vector<16xf32>
        %mul3A_308 = arith.constant 16 : i32
        %mul3A_309 = arith.muli %scan3A_227, %mul3A_308 : i32
        %add3A_310 = arith.constant 7 : i32
        %add3A_311 = arith.addi %mul3A_309, %add3A_310 : i32
        %get3A_312 = arith.index_cast %add3A_311 : i32 to index
        %get3A_313 = arith.constant 0 : index
        %get3A_314 = tpu.vector_load %arg8[%get3A_312, %get3A_313] {strides = array<i32>} : memref<128x128xf32, #tpu.memory_space<vmem>>, vector<1x16xf32>,
        %get3A_315 = vector.shape_cast %get3A_314 : vector<1x16xf32> to vector<16xf32>
        %max3A_316 = arith.maximumf %max3A_304, %get3A_315 : vector<16xf32>
        %add3A_317 = arith.addf %add3A_305, %get3A_315 : vector<16xf32>
        %mul3A_318 = arith.mulf %get3A_315, %get3A_315 : vector<16xf32>
        %add3A_319 = arith.addf %add3A_307, %mul3A_318 : vector<16xf32>
        %mul3A_320 = arith.constant 16 : i32
        %mul3A_321 = arith.muli %scan3A_227, %mul3A_320 : i32
        %add3A_322 = arith.constant 8 : i32
        %add3A_323 = arith.addi %mul3A_321, %add3A_322 : i32
        %get3A_324 = arith.index_cast %add3A_323 : i32 to index
        %get3A_325 = arith.constant 0 : index
        %get3A_326 = tpu.vector_load %arg8[%get3A_324, %get3A_325] {strides = array<i32>} : memref<128x128xf32, #tpu.memory_space<vmem>>, vector<1x16xf32>,
        %get3A_327 = vector.shape_cast %get3A_326 : vector<1x16xf32> to vector<16xf32>
        %max3A_328 = arith.maximumf %max3A_316, %get3A_327 : vector<16xf32>
        %add3A_329 = arith.addf %add3A_317, %get3A_327 : vector<16xf32>
        %mul3A_330 = arith.mulf %get3A_327, %get3A_327 : vector<16xf32>
        %add3A_331 = arith.addf %add3A_319, %mul3A_330 : vector<16xf32>
        %mul3A_332 = arith.constant 16 : i32
        %mul3A_333 = arith.muli %scan3A_227, %mul3A_332 : i32
        %add3A_334 = arith.constant 9 : i32
        %add3A_335 = arith.addi %mul3A_333, %add3A_334 : i32
        %get3A_336 = arith.index_cast %add3A_335 : i32 to index
        %get3A_337 = arith.constant 0 : index
        %get3A_338 = tpu.vector_load %arg8[%get3A_336, %get3A_337] {strides = array<i32>} : memref<128x128xf32, #tpu.memory_space<vmem>>, vector<1x16xf32>,
        %get3A_339 = vector.shape_cast %get3A_338 : vector<1x16xf32> to vector<16xf32>
        %max3A_340 = arith.maximumf %max3A_328, %get3A_339 : vector<16xf32>
        %add3A_341 = arith.addf %add3A_329, %get3A_339 : vector<16xf32>
        %mul3A_342 = arith.mulf %get3A_339, %get3A_339 : vector<16xf32>
        %add3A_343 = arith.addf %add3A_331, %mul3A_342 : vector<16xf32>
        %mul3A_344 = arith.constant 16 : i32
        %mul3A_345 = arith.muli %scan3A_227, %mul3A_344 : i32
        %add3A_346 = arith.constant 10 : i32
        %add3A_347 = arith.addi %mul3A_345, %add3A_346 : i32
        %get3A_348 = arith.index_cast %add3A_347 : i32 to index
        %get3A_349 = arith.constant 0 : index
        %get3A_350 = tpu.vector_load %arg8[%get3A_348, %get3A_349] {strides = array<i32>} : memref<128x128xf32, #tpu.memory_space<vmem>>, vector<1x16xf32>,
        %get3A_351 = vector.shape_cast %get3A_350 : vector<1x16xf32> to vector<16xf32>
        %max3A_352 = arith.maximumf %max3A_340, %get3A_351 : vector<16xf32>
        %add3A_353 = arith.addf %add3A_341, %get3A_351 : vector<16xf32>
        %mul3A_354 = arith.mulf %get3A_351, %get3A_351 : vector<16xf32>
        %add3A_355 = arith.addf %add3A_343, %mul3A_354 : vector<16xf32>
        %mul3A_356 = arith.constant 16 : i32
        %mul3A_357 = arith.muli %scan3A_227, %mul3A_356 : i32
        %add3A_358 = arith.constant 11 : i32
        %add3A_359 = arith.addi %mul3A_357, %add3A_358 : i32
        %get3A_360 = arith.index_cast %add3A_359 : i32 to index
        %get3A_361 = arith.constant 0 : index
        %get3A_362 = tpu.vector_load %arg8[%get3A_360, %get3A_361] {strides = array<i32>} : memref<128x128xf32, #tpu.memory_space<vmem>>, vector<1x16xf32>,
        %get3A_363 = vector.shape_cast %get3A_362 : vector<1x16xf32> to vector<16xf32>
        %max3A_364 = arith.maximumf %max3A_352, %get3A_363 : vector<16xf32>
        %add3A_365 = arith.addf %add3A_353, %get3A_363 : vector<16xf32>
        %mul3A_366 = arith.mulf %get3A_363, %get3A_363 : vector<16xf32>
        %add3A_367 = arith.addf %add3A_355, %mul3A_366 : vector<16xf32>
        %mul3A_368 = arith.constant 16 : i32
        %mul3A_369 = arith.muli %scan3A_227, %mul3A_368 : i32
        %add3A_370 = arith.constant 12 : i32
        %add3A_371 = arith.addi %mul3A_369, %add3A_370 : i32
        %get3A_372 = arith.index_cast %add3A_371 : i32 to index
        %get3A_373 = arith.constant 0 : index
        %get3A_374 = tpu.vector_load %arg8[%get3A_372, %get3A_373] {strides = array<i32>} : memref<128x128xf32, #tpu.memory_space<vmem>>, vector<1x16xf32>,
        %get3A_375 = vector.shape_cast %get3A_374 : vector<1x16xf32> to vector<16xf32>
        %max3A_376 = arith.maximumf %max3A_364, %get3A_375 : vector<16xf32>
        %add3A_377 = arith.addf %add3A_365, %get3A_375 : vector<16xf32>
        %mul3A_378 = arith.mulf %get3A_375, %get3A_375 : vector<16xf32>
        %add3A_379 = arith.addf %add3A_367, %mul3A_378 : vector<16xf32>
        %mul3A_380 = arith.constant 16 : i32
        %mul3A_381 = arith.muli %scan3A_227, %mul3A_380 : i32
        %add3A_382 = arith.constant 13 : i32
        %add3A_383 = arith.addi %mul3A_381, %add3A_382 : i32
        %get3A_384 = arith.index_cast %add3A_383 : i32 to index
        %get3A_385 = arith.constant 0 : index
        %get3A_386 = tpu.vector_load %arg8[%get3A_384, %get3A_385] {strides = array<i32>} : memref<128x128xf32, #tpu.memory_space<vmem>>, vector<1x16xf32>,
        %get3A_387 = vector.shape_cast %get3A_386 : vector<1x16xf32> to vector<16xf32>
        %max3A_388 = arith.maximumf %max3A_376, %get3A_387 : vector<16xf32>
        %add3A_389 = arith.addf %add3A_377, %get3A_387 : vector<16xf32>
        %mul3A_390 = arith.mulf %get3A_387, %get3A_387 : vector<16xf32>
        %add3A_391 = arith.addf %add3A_379, %mul3A_390 : vector<16xf32>
        %mul3A_392 = arith.constant 16 : i32
        %mul3A_393 = arith.muli %scan3A_227, %mul3A_392 : i32
        %add3A_394 = arith.constant 14 : i32
        %add3A_395 = arith.addi %mul3A_393, %add3A_394 : i32
        %get3A_396 = arith.index_cast %add3A_395 : i32 to index
        %get3A_397 = arith.constant 0 : index
        %get3A_398 = tpu.vector_load %arg8[%get3A_396, %get3A_397] {strides = array<i32>} : memref<128x128xf32, #tpu.memory_space<vmem>>, vector<1x16xf32>,
        %get3A_399 = vector.shape_cast %get3A_398 : vector<1x16xf32> to vector<16xf32>
        %max3A_400 = arith.maximumf %max3A_388, %get3A_399 : vector<16xf32>
        %add3A_401 = arith.addf %add3A_389, %get3A_399 : vector<16xf32>
        %mul3A_402 = arith.mulf %get3A_399, %get3A_399 : vector<16xf32>
        %add3A_403 = arith.addf %add3A_391, %mul3A_402 : vector<16xf32>
        %mul3A_404 = arith.constant 16 : i32
        %mul3A_405 = arith.muli %scan3A_227, %mul3A_404 : i32
        %add3A_406 = arith.constant 15 : i32
        %add3A_407 = arith.addi %mul3A_405, %add3A_406 : i32
        %get3A_408 = arith.index_cast %add3A_407 : i32 to index
        %get3A_409 = arith.constant 0 : index
        %get3A_410 = tpu.vector_load %arg8[%get3A_408, %get3A_409] {strides = array<i32>} : memref<128x128xf32, #tpu.memory_space<vmem>>, vector<1x16xf32>,
        %get3A_411 = vector.shape_cast %get3A_410 : vector<1x16xf32> to vector<16xf32>
        %max3A_412 = arith.maximumf %max3A_400, %get3A_411 : vector<16xf32>
        %add3A_413 = arith.addf %add3A_401, %get3A_411 : vector<16xf32>
        %mul3A_414 = arith.mulf %get3A_411, %get3A_411 : vector<16xf32>
        %add3A_415 = arith.addf %add3A_403, %mul3A_414 : vector<16xf32>
        %swap3A_416 = arith.index_cast %rem3A_116 : i32 to index
        %swap3A_417 = arith.index_cast %add3A_230 : i32 to index
        %swap3A_418 = arith.constant 0 : index
        %swap3A_419 = tpu.vector_load %arg12[%swap3A_416, %swap3A_417, %swap3A_418] {strides = array<i32>} : memref<2x32x64xf32, #tpu.memory_space<vmem>>, vector<1x1x16xf32>,
        %swap3A_420 = vector.shape_cast %swap3A_419 : vector<1x1x16xf32> to vector<16xf32>
        %swap3A_421 = vector.shape_cast %max3A_412 : vector<16xf32> to vector<1x1x16xf32>
        tpu.vector_store %arg12[%swap3A_416, %swap3A_417, %swap3A_418], %swap3A_421 {strides = array<i32>} : memref<2x32x64xf32, #tpu.memory_space<vmem>>, vector<1x1x16xf32>,
        %swap3A_422 = arith.index_cast %rem3A_116 : i32 to index
        %swap3A_423 = arith.index_cast %add3A_230 : i32 to index
        %swap3A_424 = arith.constant 0 : index
        %swap3A_425 = tpu.vector_load %arg13[%swap3A_422, %swap3A_423, %swap3A_424] {strides = array<i32>} : memref<2x32x64xf32, #tpu.memory_space<vmem>>, vector<1x1x16xf32>,
        %swap3A_426 = vector.shape_cast %swap3A_425 : vector<1x1x16xf32> to vector<16xf32>
        %swap3A_427 = vector.shape_cast %add3A_413 : vector<16xf32> to vector<1x1x16xf32>
        tpu.vector_store %arg13[%swap3A_422, %swap3A_423, %swap3A_424], %swap3A_427 {strides = array<i32>} : memref<2x32x64xf32, #tpu.memory_space<vmem>>, vector<1x1x16xf32>,
        %get3A_428 = arith.constant 0 : i32
        %get3A_429 = arith.index_cast %get3A_428 : i32 to index
        %get3A_430 = arith.constant 0 : index
        %get3A_431 = tpu.vector_load %arg14[%get3A_429, %get3A_430] {strides = array<i32>} : memref<1x64xf32, #tpu.memory_space<vmem>>, vector<1x16xf32>,
        %get3A_432 = vector.shape_cast %get3A_431 : vector<1x16xf32> to vector<16xf32>
        %add3A_433 = arith.addf %get3A_432, %add3A_415 : vector<16xf32>
        %swap3A_434 = arith.constant 0 : i32
        %swap3A_435 = arith.index_cast %swap3A_434 : i32 to index
        %swap3A_436 = arith.constant 0 : index
        %swap3A_437 = tpu.vector_load %arg14[%swap3A_435, %swap3A_436] {strides = array<i32>} : memref<1x64xf32, #tpu.memory_space<vmem>>, vector<1x16xf32>,
        %swap3A_438 = vector.shape_cast %swap3A_437 : vector<1x16xf32> to vector<16xf32>
        %swap3A_439 = vector.shape_cast %add3A_433 : vector<16xf32> to vector<1x16xf32>
        tpu.vector_store %arg14[%swap3A_435, %swap3A_436], %swap3A_439 {strides = array<i32>} : memref<1x64xf32, #tpu.memory_space<vmem>>, vector<1x16xf32>,
        %mul3A_440 = arith.constant 16 : i32
        %mul3A_441 = arith.muli %scan3A_227, %mul3A_440 : i32
        %get3A_442 = arith.index_cast %mul3A_441 : i32 to index
        %get3A_443 = arith.constant 16 : index
        %get3A_444 = tpu.vector_load %arg8[%get3A_442, %get3A_443] {strides = array<i32>} : memref<128x128xf32, #tpu.memory_space<vmem>>, vector<1x16xf32>,
        %get3A_445 = vector.shape_cast %get3A_444 : vector<1x16xf32> to vector<16xf32>
        %mul3A_446 = arith.mulf %get3A_445, %get3A_445 : vector<16xf32>
        %mul3A_447 = arith.constant 16 : i32
        %mul3A_448 = arith.muli %scan3A_227, %mul3A_447 : i32
        %add3A_449 = arith.constant 1 : i32
        %add3A_450 = arith.addi %mul3A_448, %add3A_449 : i32
        %get3A_451 = arith.index_cast %add3A_450 : i32 to index
        %get3A_452 = arith.constant 16 : index
        %get3A_453 = tpu.vector_load %arg8[%get3A_451, %get3A_452] {strides = array<i32>} : memref<128x128xf32, #tpu.memory_space<vmem>>, vector<1x16xf32>,
        %get3A_454 = vector.shape_cast %get3A_453 : vector<1x16xf32> to vector<16xf32>
        %max3A_455 = arith.maximumf %get3A_445, %get3A_454 : vector<16xf32>
        %add3A_456 = arith.addf %get3A_445, %get3A_454 : vector<16xf32>
        %mul3A_457 = arith.mulf %get3A_454, %get3A_454 : vector<16xf32>
        %add3A_458 = arith.addf %mul3A_446, %mul3A_457 : vector<16xf32>
        %mul3A_459 = arith.constant 16 : i32
        %mul3A_460 = arith.muli %scan3A_227, %mul3A_459 : i32
        %add3A_461 = arith.constant 2 : i32
        %add3A_462 = arith.addi %mul3A_460, %add3A_461 : i32
        %get3A_463 = arith.index_cast %add3A_462 : i32 to index
        %get3A_464 = arith.constant 16 : index
        %get3A_465 = tpu.vector_load %arg8[%get3A_463, %get3A_464] {strides = array<i32>} : memref<128x128xf32, #tpu.memory_space<vmem>>, vector<1x16xf32>,
        %get3A_466 = vector.shape_cast %get3A_465 : vector<1x16xf32> to vector<16xf32>
        %max3A_467 = arith.maximumf %max3A_455, %get3A_466 : vector<16xf32>
        %add3A_468 = arith.addf %add3A_456, %get3A_466 : vector<16xf32>
        %mul3A_469 = arith.mulf %get3A_466, %get3A_466 : vector<16xf32>
        %add3A_470 = arith.addf %add3A_458, %mul3A_469 : vector<16xf32>
        %mul3A_471 = arith.constant 16 : i32
        %mul3A_472 = arith.muli %scan3A_227, %mul3A_471 : i32
        %add3A_473 = arith.constant 3 : i32
        %add3A_474 = arith.addi %mul3A_472, %add3A_473 : i32
        %get3A_475 = arith.index_cast %add3A_474 : i32 to index
        %get3A_476 = arith.constant 16 : index
        %get3A_477 = tpu.vector_load %arg8[%get3A_475, %get3A_476] {strides = array<i32>} : memref<128x128xf32, #tpu.memory_space<vmem>>, vector<1x16xf32>,
        %get3A_478 = vector.shape_cast %get3A_477 : vector<1x16xf32> to vector<16xf32>
        %max3A_479 = arith.maximumf %max3A_467, %get3A_478 : vector<16xf32>
        %add3A_480 = arith.addf %add3A_468, %get3A_478 : vector<16xf32>
        %mul3A_481 = arith.mulf %get3A_478, %get3A_478 : vector<16xf32>
        %add3A_482 = arith.addf %add3A_470, %mul3A_481 : vector<16xf32>
        %mul3A_483 = arith.constant 16 : i32
        %mul3A_484 = arith.muli %scan3A_227, %mul3A_483 : i32
        %add3A_485 = arith.constant 4 : i32
        %add3A_486 = arith.addi %mul3A_484, %add3A_485 : i32
        %get3A_487 = arith.index_cast %add3A_486 : i32 to index
        %get3A_488 = arith.constant 16 : index
        %get3A_489 = tpu.vector_load %arg8[%get3A_487, %get3A_488] {strides = array<i32>} : memref<128x128xf32, #tpu.memory_space<vmem>>, vector<1x16xf32>,
        %get3A_490 = vector.shape_cast %get3A_489 : vector<1x16xf32> to vector<16xf32>
        %max3A_491 = arith.maximumf %max3A_479, %get3A_490 : vector<16xf32>
        %add3A_492 = arith.addf %add3A_480, %get3A_490 : vector<16xf32>
        %mul3A_493 = arith.mulf %get3A_490, %get3A_490 : vector<16xf32>
        %add3A_494 = arith.addf %add3A_482, %mul3A_493 : vector<16xf32>
        %mul3A_495 = arith.constant 16 : i32
        %mul3A_496 = arith.muli %scan3A_227, %mul3A_495 : i32
        %add3A_497 = arith.constant 5 : i32
        %add3A_498 = arith.addi %mul3A_496, %add3A_497 : i32
        %get3A_499 = arith.index_cast %add3A_498 : i32 to index
        %get3A_500 = arith.constant 16 : index
        %get3A_501 = tpu.vector_load %arg8[%get3A_499, %get3A_500] {strides = array<i32>} : memref<128x128xf32, #tpu.memory_space<vmem>>, vector<1x16xf32>,
        %get3A_502 = vector.shape_cast %get3A_501 : vector<1x16xf32> to vector<16xf32>
        %max3A_503 = arith.maximumf %max3A_491, %get3A_502 : vector<16xf32>
        %add3A_504 = arith.addf %add3A_492, %get3A_502 : vector<16xf32>
        %mul3A_505 = arith.mulf %get3A_502, %get3A_502 : vector<16xf32>
        %add3A_506 = arith.addf %add3A_494, %mul3A_505 : vector<16xf32>
        %mul3A_507 = arith.constant 16 : i32
        %mul3A_508 = arith.muli %scan3A_227, %mul3A_507 : i32
        %add3A_509 = arith.constant 6 : i32
        %add3A_510 = arith.addi %mul3A_508, %add3A_509 : i32
        %get3A_511 = arith.index_cast %add3A_510 : i32 to index
        %get3A_512 = arith.constant 16 : index
        %get3A_513 = tpu.vector_load %arg8[%get3A_511, %get3A_512] {strides = array<i32>} : memref<128x128xf32, #tpu.memory_space<vmem>>, vector<1x16xf32>,
        %get3A_514 = vector.shape_cast %get3A_513 : vector<1x16xf32> to vector<16xf32>
        %max3A_515 = arith.maximumf %max3A_503, %get3A_514 : vector<16xf32>
        %add3A_516 = arith.addf %add3A_504, %get3A_514 : vector<16xf32>
        %mul3A_517 = arith.mulf %get3A_514, %get3A_514 : vector<16xf32>
        %add3A_518 = arith.addf %add3A_506, %mul3A_517 : vector<16xf32>
        %mul3A_519 = arith.constant 16 : i32
        %mul3A_520 = arith.muli %scan3A_227, %mul3A_519 : i32
        %add3A_521 = arith.constant 7 : i32
        %add3A_522 = arith.addi %mul3A_520, %add3A_521 : i32
        %get3A_523 = arith.index_cast %add3A_522 : i32 to index
        %get3A_524 = arith.constant 16 : index
        %get3A_525 = tpu.vector_load %arg8[%get3A_523, %get3A_524] {strides = array<i32>} : memref<128x128xf32, #tpu.memory_space<vmem>>, vector<1x16xf32>,
        %get3A_526 = vector.shape_cast %get3A_525 : vector<1x16xf32> to vector<16xf32>
        %max3A_527 = arith.maximumf %max3A_515, %get3A_526 : vector<16xf32>
        %add3A_528 = arith.addf %add3A_516, %get3A_526 : vector<16xf32>
        %mul3A_529 = arith.mulf %get3A_526, %get3A_526 : vector<16xf32>
        %add3A_530 = arith.addf %add3A_518, %mul3A_529 : vector<16xf32>
        %mul3A_531 = arith.constant 16 : i32
        %mul3A_532 = arith.muli %scan3A_227, %mul3A_531 : i32
        %add3A_533 = arith.constant 8 : i32
        %add3A_534 = arith.addi %mul3A_532, %add3A_533 : i32
        %get3A_535 = arith.index_cast %add3A_534 : i32 to index
        %get3A_536 = arith.constant 16 : index
        %get3A_537 = tpu.vector_load %arg8[%get3A_535, %get3A_536] {strides = array<i32>} : memref<128x128xf32, #tpu.memory_space<vmem>>, vector<1x16xf32>,
        %get3A_538 = vector.shape_cast %get3A_537 : vector<1x16xf32> to vector<16xf32>
        %max3A_539 = arith.maximumf %max3A_527, %get3A_538 : vector<16xf32>
        %add3A_540 = arith.addf %add3A_528, %get3A_538 : vector<16xf32>
        %mul3A_541 = arith.mulf %get3A_538, %get3A_538 : vector<16xf32>
        %add3A_542 = arith.addf %add3A_530, %mul3A_541 : vector<16xf32>
        %mul3A_543 = arith.constant 16 : i32
        %mul3A_544 = arith.muli %scan3A_227, %mul3A_543 : i32
        %add3A_545 = arith.constant 9 : i32
        %add3A_546 = arith.addi %mul3A_544, %add3A_545 : i32
        %get3A_547 = arith.index_cast %add3A_546 : i32 to index
        %get3A_548 = arith.constant 16 : index
        %get3A_549 = tpu.vector_load %arg8[%get3A_547, %get3A_548] {strides = array<i32>} : memref<128x128xf32, #tpu.memory_space<vmem>>, vector<1x16xf32>,
        %get3A_550 = vector.shape_cast %get3A_549 : vector<1x16xf32> to vector<16xf32>
        %max3A_551 = arith.maximumf %max3A_539, %get3A_550 : vector<16xf32>
        %add3A_552 = arith.addf %add3A_540, %get3A_550 : vector<16xf32>
        %mul3A_553 = arith.mulf %get3A_550, %get3A_550 : vector<16xf32>
        %add3A_554 = arith.addf %add3A_542, %mul3A_553 : vector<16xf32>
        %mul3A_555 = arith.constant 16 : i32
        %mul3A_556 = arith.muli %scan3A_227, %mul3A_555 : i32
        %add3A_557 = arith.constant 10 : i32
        %add3A_558 = arith.addi %mul3A_556, %add3A_557 : i32
        %get3A_559 = arith.index_cast %add3A_558 : i32 to index
        %get3A_560 = arith.constant 16 : index
        %get3A_561 = tpu.vector_load %arg8[%get3A_559, %get3A_560] {strides = array<i32>} : memref<128x128xf32, #tpu.memory_space<vmem>>, vector<1x16xf32>,
        %get3A_562 = vector.shape_cast %get3A_561 : vector<1x16xf32> to vector<16xf32>
        %max3A_563 = arith.maximumf %max3A_551, %get3A_562 : vector<16xf32>
        %add3A_564 = arith.addf %add3A_552, %get3A_562 : vector<16xf32>
        %mul3A_565 = arith.mulf %get3A_562, %get3A_562 : vector<16xf32>
        %add3A_566 = arith.addf %add3A_554, %mul3A_565 : vector<16xf32>
        %mul3A_567 = arith.constant 16 : i32
        %mul3A_568 = arith.muli %scan3A_227, %mul3A_567 : i32
        %add3A_569 = arith.constant 11 : i32
        %add3A_570 = arith.addi %mul3A_568, %add3A_569 : i32
        %get3A_571 = arith.index_cast %add3A_570 : i32 to index
        %get3A_572 = arith.constant 16 : index
        %get3A_573 = tpu.vector_load %arg8[%get3A_571, %get3A_572] {strides = array<i32>} : memref<128x128xf32, #tpu.memory_space<vmem>>, vector<1x16xf32>,
        %get3A_574 = vector.shape_cast %get3A_573 : vector<1x16xf32> to vector<16xf32>
        %max3A_575 = arith.maximumf %max3A_563, %get3A_574 : vector<16xf32>
        %add3A_576 = arith.addf %add3A_564, %get3A_574 : vector<16xf32>
        %mul3A_577 = arith.mulf %get3A_574, %get3A_574 : vector<16xf32>
        %add3A_578 = arith.addf %add3A_566, %mul3A_577 : vector<16xf32>
        %mul3A_579 = arith.constant 16 : i32
        %mul3A_580 = arith.muli %scan3A_227, %mul3A_579 : i32
        %add3A_581 = arith.constant 12 : i32
        %add3A_582 = arith.addi %mul3A_580, %add3A_581 : i32
        %get3A_583 = arith.index_cast %add3A_582 : i32 to index
        %get3A_584 = arith.constant 16 : index
        %get3A_585 = tpu.vector_load %arg8[%get3A_583, %get3A_584] {strides = array<i32>} : memref<128x128xf32, #tpu.memory_space<vmem>>, vector<1x16xf32>,
        %get3A_586 = vector.shape_cast %get3A_585 : vector<1x16xf32> to vector<16xf32>
        %max3A_587 = arith.maximumf %max3A_575, %get3A_586 : vector<16xf32>
        %add3A_588 = arith.addf %add3A_576, %get3A_586 : vector<16xf32>
        %mul3A_589 = arith.mulf %get3A_586, %get3A_586 : vector<16xf32>
        %add3A_590 = arith.addf %add3A_578, %mul3A_589 : vector<16xf32>
        %mul3A_591 = arith.constant 16 : i32
        %mul3A_592 = arith.muli %scan3A_227, %mul3A_591 : i32
        %add3A_593 = arith.constant 13 : i32
        %add3A_594 = arith.addi %mul3A_592, %add3A_593 : i32
        %get3A_595 = arith.index_cast %add3A_594 : i32 to index
        %get3A_596 = arith.constant 16 : index
        %get3A_597 = tpu.vector_load %arg8[%get3A_595, %get3A_596] {strides = array<i32>} : memref<128x128xf32, #tpu.memory_space<vmem>>, vector<1x16xf32>,
        %get3A_598 = vector.shape_cast %get3A_597 : vector<1x16xf32> to vector<16xf32>
        %max3A_599 = arith.maximumf %max3A_587, %get3A_598 : vector<16xf32>
        %add3A_600 = arith.addf %add3A_588, %get3A_598 : vector<16xf32>
        %mul3A_601 = arith.mulf %get3A_598, %get3A_598 : vector<16xf32>
        %add3A_602 = arith.addf %add3A_590, %mul3A_601 : vector<16xf32>
        %mul3A_603 = arith.constant 16 : i32
        %mul3A_604 = arith.muli %scan3A_227, %mul3A_603 : i32
        %add3A_605 = arith.constant 14 : i32
        %add3A_606 = arith.addi %mul3A_604, %add3A_605 : i32
        %get3A_607 = arith.index_cast %add3A_606 : i32 to index
        %get3A_608 = arith.constant 16 : index
        %get3A_609 = tpu.vector_load %arg8[%get3A_607, %get3A_608] {strides = array<i32>} : memref<128x128xf32, #tpu.memory_space<vmem>>, vector<1x16xf32>,
        %get3A_610 = vector.shape_cast %get3A_609 : vector<1x16xf32> to vector<16xf32>
        %max3A_611 = arith.maximumf %max3A_599, %get3A_610 : vector<16xf32>
        %add3A_612 = arith.addf %add3A_600, %get3A_610 : vector<16xf32>
        %mul3A_613 = arith.mulf %get3A_610, %get3A_610 : vector<16xf32>
        %add3A_614 = arith.addf %add3A_602, %mul3A_613 : vector<16xf32>
        %mul3A_615 = arith.constant 16 : i32
        %mul3A_616 = arith.muli %scan3A_227, %mul3A_615 : i32
        %add3A_617 = arith.constant 15 : i32
        %add3A_618 = arith.addi %mul3A_616, %add3A_617 : i32
        %get3A_619 = arith.index_cast %add3A_618 : i32 to index
        %get3A_620 = arith.constant 16 : index
        %get3A_621 = tpu.vector_load %arg8[%get3A_619, %get3A_620] {strides = array<i32>} : memref<128x128xf32, #tpu.memory_space<vmem>>, vector<1x16xf32>,
        %get3A_622 = vector.shape_cast %get3A_621 : vector<1x16xf32> to vector<16xf32>
        %max3A_623 = arith.maximumf %max3A_611, %get3A_622 : vector<16xf32>
        %add3A_624 = arith.addf %add3A_612, %get3A_622 : vector<16xf32>
        %mul3A_625 = arith.mulf %get3A_622, %get3A_622 : vector<16xf32>
        %add3A_626 = arith.addf %add3A_614, %mul3A_625 : vector<16xf32>
        %swap3A_627 = arith.index_cast %rem3A_116 : i32 to index
        %swap3A_628 = arith.index_cast %add3A_230 : i32 to index
        %swap3A_629 = arith.constant 16 : index
        %swap3A_630 = tpu.vector_load %arg12[%swap3A_627, %swap3A_628, %swap3A_629] {strides = array<i32>} : memref<2x32x64xf32, #tpu.memory_space<vmem>>, vector<1x1x16xf32>,
        %swap3A_631 = vector.shape_cast %swap3A_630 : vector<1x1x16xf32> to vector<16xf32>
        %swap3A_632 = vector.shape_cast %max3A_623 : vector<16xf32> to vector<1x1x16xf32>
        tpu.vector_store %arg12[%swap3A_627, %swap3A_628, %swap3A_629], %swap3A_632 {strides = array<i32>} : memref<2x32x64xf32, #tpu.memory_space<vmem>>, vector<1x1x16xf32>,
        %swap3A_633 = arith.index_cast %rem3A_116 : i32 to index
        %swap3A_634 = arith.index_cast %add3A_230 : i32 to index
        %swap3A_635 = arith.constant 16 : index
        %swap3A_636 = tpu.vector_load %arg13[%swap3A_633, %swap3A_634, %swap3A_635] {strides = array<i32>} : memref<2x32x64xf32, #tpu.memory_space<vmem>>, vector<1x1x16xf32>,
        %swap3A_637 = vector.shape_cast %swap3A_636 : vector<1x1x16xf32> to vector<16xf32>
        %swap3A_638 = vector.shape_cast %add3A_624 : vector<16xf32> to vector<1x1x16xf32>
        tpu.vector_store %arg13[%swap3A_633, %swap3A_634, %swap3A_635], %swap3A_638 {strides = array<i32>} : memref<2x32x64xf32, #tpu.memory_space<vmem>>, vector<1x1x16xf32>,
        %get3A_639 = arith.constant 0 : i32
        %get3A_640 = arith.index_cast %get3A_639 : i32 to index
        %get3A_641 = arith.constant 16 : index
        %get3A_642 = tpu.vector_load %arg14[%get3A_640, %get3A_641] {strides = array<i32>} : memref<1x64xf32, #tpu.memory_space<vmem>>, vector<1x16xf32>,
        %get3A_643 = vector.shape_cast %get3A_642 : vector<1x16xf32> to vector<16xf32>
        %add3A_644 = arith.addf %get3A_643, %add3A_626 : vector<16xf32>
        %swap3A_645 = arith.constant 0 : i32
        %swap3A_646 = arith.index_cast %swap3A_645 : i32 to index
        %swap3A_647 = arith.constant 16 : index
        %swap3A_648 = tpu.vector_load %arg14[%swap3A_646, %swap3A_647] {strides = array<i32>} : memref<1x64xf32, #tpu.memory_space<vmem>>, vector<1x16xf32>,
        %swap3A_649 = vector.shape_cast %swap3A_648 : vector<1x16xf32> to vector<16xf32>
        %swap3A_650 = vector.shape_cast %add3A_644 : vector<16xf32> to vector<1x16xf32>
        tpu.vector_store %arg14[%swap3A_646, %swap3A_647], %swap3A_650 {strides = array<i32>} : memref<1x64xf32, #tpu.memory_space<vmem>>, vector<1x16xf32>,
        %mul3A_651 = arith.constant 16 : i32
        %mul3A_652 = arith.muli %scan3A_227, %mul3A_651 : i32
        %get3A_653 = arith.index_cast %mul3A_652 : i32 to index
        %get3A_654 = arith.constant 32 : index
        %get3A_655 = tpu.vector_load %arg8[%get3A_653, %get3A_654] {strides = array<i32>} : memref<128x128xf32, #tpu.memory_space<vmem>>, vector<1x16xf32>,
        %get3A_656 = vector.shape_cast %get3A_655 : vector<1x16xf32> to vector<16xf32>
        %mul3A_657 = arith.mulf %get3A_656, %get3A_656 : vector<16xf32>
        %mul3A_658 = arith.constant 16 : i32
        %mul3A_659 = arith.muli %scan3A_227, %mul3A_658 : i32
        %add3A_660 = arith.constant 1 : i32
        %add3A_661 = arith.addi %mul3A_659, %add3A_660 : i32
        %get3A_662 = arith.index_cast %add3A_661 : i32 to index
        %get3A_663 = arith.constant 32 : index
        %get3A_664 = tpu.vector_load %arg8[%get3A_662, %get3A_663] {strides = array<i32>} : memref<128x128xf32, #tpu.memory_space<vmem>>, vector<1x16xf32>,
        %get3A_665 = vector.shape_cast %get3A_664 : vector<1x16xf32> to vector<16xf32>
        %max3A_666 = arith.maximumf %get3A_656, %get3A_665 : vector<16xf32>
        %add3A_667 = arith.addf %get3A_656, %get3A_665 : vector<16xf32>
        %mul3A_668 = arith.mulf %get3A_665, %get3A_665 : vector<16xf32>
        %add3A_669 = arith.addf %mul3A_657, %mul3A_668 : vector<16xf32>
        %mul3A_670 = arith.constant 16 : i32
        %mul3A_671 = arith.muli %scan3A_227, %mul3A_670 : i32
        %add3A_672 = arith.constant 2 : i32
        %add3A_673 = arith.addi %mul3A_671, %add3A_672 : i32
        %get3A_674 = arith.index_cast %add3A_673 : i32 to index
        %get3A_675 = arith.constant 32 : index
        %get3A_676 = tpu.vector_load %arg8[%get3A_674, %get3A_675] {strides = array<i32>} : memref<128x128xf32, #tpu.memory_space<vmem>>, vector<1x16xf32>,
        %get3A_677 = vector.shape_cast %get3A_676 : vector<1x16xf32> to vector<16xf32>
        %max3A_678 = arith.maximumf %max3A_666, %get3A_677 : vector<16xf32>
        %add3A_679 = arith.addf %add3A_667, %get3A_677 : vector<16xf32>
        %mul3A_680 = arith.mulf %get3A_677, %get3A_677 : vector<16xf32>
        %add3A_681 = arith.addf %add3A_669, %mul3A_680 : vector<16xf32>
        %mul3A_682 = arith.constant 16 : i32
        %mul3A_683 = arith.muli %scan3A_227, %mul3A_682 : i32
        %add3A_684 = arith.constant 3 : i32
        %add3A_685 = arith.addi %mul3A_683, %add3A_684 : i32
        %get3A_686 = arith.index_cast %add3A_685 : i32 to index
        %get3A_687 = arith.constant 32 : index
        %get3A_688 = tpu.vector_load %arg8[%get3A_686, %get3A_687] {strides = array<i32>} : memref<128x128xf32, #tpu.memory_space<vmem>>, vector<1x16xf32>,
        %get3A_689 = vector.shape_cast %get3A_688 : vector<1x16xf32> to vector<16xf32>
        %max3A_690 = arith.maximumf %max3A_678, %get3A_689 : vector<16xf32>
        %add3A_691 = arith.addf %add3A_679, %get3A_689 : vector<16xf32>
        %mul3A_692 = arith.mulf %get3A_689, %get3A_689 : vector<16xf32>
        %add3A_693 = arith.addf %add3A_681, %mul3A_692 : vector<16xf32>
        %mul3A_694 = arith.constant 16 : i32
        %mul3A_695 = arith.muli %scan3A_227, %mul3A_694 : i32
        %add3A_696 = arith.constant 4 : i32
        %add3A_697 = arith.addi %mul3A_695, %add3A_696 : i32
        %get3A_698 = arith.index_cast %add3A_697 : i32 to index
        %get3A_699 = arith.constant 32 : index
        %get3A_700 = tpu.vector_load %arg8[%get3A_698, %get3A_699] {strides = array<i32>} : memref<128x128xf32, #tpu.memory_space<vmem>>, vector<1x16xf32>,
        %get3A_701 = vector.shape_cast %get3A_700 : vector<1x16xf32> to vector<16xf32>
        %max3A_702 = arith.maximumf %max3A_690, %get3A_701 : vector<16xf32>
        %add3A_703 = arith.addf %add3A_691, %get3A_701 : vector<16xf32>
        %mul3A_704 = arith.mulf %get3A_701, %get3A_701 : vector<16xf32>
        %add3A_705 = arith.addf %add3A_693, %mul3A_704 : vector<16xf32>
        %mul3A_706 = arith.constant 16 : i32
        %mul3A_707 = arith.muli %scan3A_227, %mul3A_706 : i32
        %add3A_708 = arith.constant 5 : i32
        %add3A_709 = arith.addi %mul3A_707, %add3A_708 : i32
        %get3A_710 = arith.index_cast %add3A_709 : i32 to index
        %get3A_711 = arith.constant 32 : index
        %get3A_712 = tpu.vector_load %arg8[%get3A_710, %get3A_711] {strides = array<i32>} : memref<128x128xf32, #tpu.memory_space<vmem>>, vector<1x16xf32>,
        %get3A_713 = vector.shape_cast %get3A_712 : vector<1x16xf32> to vector<16xf32>
        %max3A_714 = arith.maximumf %max3A_702, %get3A_713 : vector<16xf32>
        %add3A_715 = arith.addf %add3A_703, %get3A_713 : vector<16xf32>
        %mul3A_716 = arith.mulf %get3A_713, %get3A_713 : vector<16xf32>
        %add3A_717 = arith.addf %add3A_705, %mul3A_716 : vector<16xf32>
        %mul3A_718 = arith.constant 16 : i32
        %mul3A_719 = arith.muli %scan3A_227, %mul3A_718 : i32
        %add3A_720 = arith.constant 6 : i32
        %add3A_721 = arith.addi %mul3A_719, %add3A_720 : i32
        %get3A_722 = arith.index_cast %add3A_721 : i32 to index
        %get3A_723 = arith.constant 32 : index
        %get3A_724 = tpu.vector_load %arg8[%get3A_722, %get3A_723] {strides = array<i32>} : memref<128x128xf32, #tpu.memory_space<vmem>>, vector<1x16xf32>,
        %get3A_725 = vector.shape_cast %get3A_724 : vector<1x16xf32> to vector<16xf32>
        %max3A_726 = arith.maximumf %max3A_714, %get3A_725 : vector<16xf32>
        %add3A_727 = arith.addf %add3A_715, %get3A_725 : vector<16xf32>
        %mul3A_728 = arith.mulf %get3A_725, %get3A_725 : vector<16xf32>
        %add3A_729 = arith.addf %add3A_717, %mul3A_728 : vector<16xf32>
        %mul3A_730 = arith.constant 16 : i32
        %mul3A_731 = arith.muli %scan3A_227, %mul3A_730 : i32
        %add3A_732 = arith.constant 7 : i32
        %add3A_733 = arith.addi %mul3A_731, %add3A_732 : i32
        %get3A_734 = arith.index_cast %add3A_733 : i32 to index
        %get3A_735 = arith.constant 32 : index
        %get3A_736 = tpu.vector_load %arg8[%get3A_734, %get3A_735] {strides = array<i32>} : memref<128x128xf32, #tpu.memory_space<vmem>>, vector<1x16xf32>,
        %get3A_737 = vector.shape_cast %get3A_736 : vector<1x16xf32> to vector<16xf32>
        %max3A_738 = arith.maximumf %max3A_726, %get3A_737 : vector<16xf32>
        %add3A_739 = arith.addf %add3A_727, %get3A_737 : vector<16xf32>
        %mul3A_740 = arith.mulf %get3A_737, %get3A_737 : vector<16xf32>
        %add3A_741 = arith.addf %add3A_729, %mul3A_740 : vector<16xf32>
        %mul3A_742 = arith.constant 16 : i32
        %mul3A_743 = arith.muli %scan3A_227, %mul3A_742 : i32
        %add3A_744 = arith.constant 8 : i32
        %add3A_745 = arith.addi %mul3A_743, %add3A_744 : i32
        %get3A_746 = arith.index_cast %add3A_745 : i32 to index
        %get3A_747 = arith.constant 32 : index
        %get3A_748 = tpu.vector_load %arg8[%get3A_746, %get3A_747] {strides = array<i32>} : memref<128x128xf32, #tpu.memory_space<vmem>>, vector<1x16xf32>,
        %get3A_749 = vector.shape_cast %get3A_748 : vector<1x16xf32> to vector<16xf32>
        %max3A_750 = arith.maximumf %max3A_738, %get3A_749 : vector<16xf32>
        %add3A_751 = arith.addf %add3A_739, %get3A_749 : vector<16xf32>
        %mul3A_752 = arith.mulf %get3A_749, %get3A_749 : vector<16xf32>
        %add3A_753 = arith.addf %add3A_741, %mul3A_752 : vector<16xf32>
        %mul3A_754 = arith.constant 16 : i32
        %mul3A_755 = arith.muli %scan3A_227, %mul3A_754 : i32
        %add3A_756 = arith.constant 9 : i32
        %add3A_757 = arith.addi %mul3A_755, %add3A_756 : i32
        %get3A_758 = arith.index_cast %add3A_757 : i32 to index
        %get3A_759 = arith.constant 32 : index
        %get3A_760 = tpu.vector_load %arg8[%get3A_758, %get3A_759] {strides = array<i32>} : memref<128x128xf32, #tpu.memory_space<vmem>>, vector<1x16xf32>,
        %get3A_761 = vector.shape_cast %get3A_760 : vector<1x16xf32> to vector<16xf32>
        %max3A_762 = arith.maximumf %max3A_750, %get3A_761 : vector<16xf32>
        %add3A_763 = arith.addf %add3A_751, %get3A_761 : vector<16xf32>
        %mul3A_764 = arith.mulf %get3A_761, %get3A_761 : vector<16xf32>
        %add3A_765 = arith.addf %add3A_753, %mul3A_764 : vector<16xf32>
        %mul3A_766 = arith.constant 16 : i32
        %mul3A_767 = arith.muli %scan3A_227, %mul3A_766 : i32
        %add3A_768 = arith.constant 10 : i32
        %add3A_769 = arith.addi %mul3A_767, %add3A_768 : i32
        %get3A_770 = arith.index_cast %add3A_769 : i32 to index
        %get3A_771 = arith.constant 32 : index
        %get3A_772 = tpu.vector_load %arg8[%get3A_770, %get3A_771] {strides = array<i32>} : memref<128x128xf32, #tpu.memory_space<vmem>>, vector<1x16xf32>,
        %get3A_773 = vector.shape_cast %get3A_772 : vector<1x16xf32> to vector<16xf32>
        %max3A_774 = arith.maximumf %max3A_762, %get3A_773 : vector<16xf32>
        %add3A_775 = arith.addf %add3A_763, %get3A_773 : vector<16xf32>
        %mul3A_776 = arith.mulf %get3A_773, %get3A_773 : vector<16xf32>
        %add3A_777 = arith.addf %add3A_765, %mul3A_776 : vector<16xf32>
        %mul3A_778 = arith.constant 16 : i32
        %mul3A_779 = arith.muli %scan3A_227, %mul3A_778 : i32
        %add3A_780 = arith.constant 11 : i32
        %add3A_781 = arith.addi %mul3A_779, %add3A_780 : i32
        %get3A_782 = arith.index_cast %add3A_781 : i32 to index
        %get3A_783 = arith.constant 32 : index
        %get3A_784 = tpu.vector_load %arg8[%get3A_782, %get3A_783] {strides = array<i32>} : memref<128x128xf32, #tpu.memory_space<vmem>>, vector<1x16xf32>,
        %get3A_785 = vector.shape_cast %get3A_784 : vector<1x16xf32> to vector<16xf32>
        %max3A_786 = arith.maximumf %max3A_774, %get3A_785 : vector<16xf32>
        %add3A_787 = arith.addf %add3A_775, %get3A_785 : vector<16xf32>
        %mul3A_788 = arith.mulf %get3A_785, %get3A_785 : vector<16xf32>
        %add3A_789 = arith.addf %add3A_777, %mul3A_788 : vector<16xf32>
        %mul3A_790 = arith.constant 16 : i32
        %mul3A_791 = arith.muli %scan3A_227, %mul3A_790 : i32
        %add3A_792 = arith.constant 12 : i32
        %add3A_793 = arith.addi %mul3A_791, %add3A_792 : i32
        %get3A_794 = arith.index_cast %add3A_793 : i32 to index
        %get3A_795 = arith.constant 32 : index
        %get3A_796 = tpu.vector_load %arg8[%get3A_794, %get3A_795] {strides = array<i32>} : memref<128x128xf32, #tpu.memory_space<vmem>>, vector<1x16xf32>,
        %get3A_797 = vector.shape_cast %get3A_796 : vector<1x16xf32> to vector<16xf32>
        %max3A_798 = arith.maximumf %max3A_786, %get3A_797 : vector<16xf32>
        %add3A_799 = arith.addf %add3A_787, %get3A_797 : vector<16xf32>
        %mul3A_800 = arith.mulf %get3A_797, %get3A_797 : vector<16xf32>
        %add3A_801 = arith.addf %add3A_789, %mul3A_800 : vector<16xf32>
        %mul3A_802 = arith.constant 16 : i32
        %mul3A_803 = arith.muli %scan3A_227, %mul3A_802 : i32
        %add3A_804 = arith.constant 13 : i32
        %add3A_805 = arith.addi %mul3A_803, %add3A_804 : i32
        %get3A_806 = arith.index_cast %add3A_805 : i32 to index
        %get3A_807 = arith.constant 32 : index
        %get3A_808 = tpu.vector_load %arg8[%get3A_806, %get3A_807] {strides = array<i32>} : memref<128x128xf32, #tpu.memory_space<vmem>>, vector<1x16xf32>,
        %get3A_809 = vector.shape_cast %get3A_808 : vector<1x16xf32> to vector<16xf32>
        %max3A_810 = arith.maximumf %max3A_798, %get3A_809 : vector<16xf32>
        %add3A_811 = arith.addf %add3A_799, %get3A_809 : vector<16xf32>
        %mul3A_812 = arith.mulf %get3A_809, %get3A_809 : vector<16xf32>
        %add3A_813 = arith.addf %add3A_801, %mul3A_812 : vector<16xf32>
        %mul3A_814 = arith.constant 16 : i32
        %mul3A_815 = arith.muli %scan3A_227, %mul3A_814 : i32
        %add3A_816 = arith.constant 14 : i32
        %add3A_817 = arith.addi %mul3A_815, %add3A_816 : i32
        %get3A_818 = arith.index_cast %add3A_817 : i32 to index
        %get3A_819 = arith.constant 32 : index
        %get3A_820 = tpu.vector_load %arg8[%get3A_818, %get3A_819] {strides = array<i32>} : memref<128x128xf32, #tpu.memory_space<vmem>>, vector<1x16xf32>,
        %get3A_821 = vector.shape_cast %get3A_820 : vector<1x16xf32> to vector<16xf32>
        %max3A_822 = arith.maximumf %max3A_810, %get3A_821 : vector<16xf32>
        %add3A_823 = arith.addf %add3A_811, %get3A_821 : vector<16xf32>
        %mul3A_824 = arith.mulf %get3A_821, %get3A_821 : vector<16xf32>
        %add3A_825 = arith.addf %add3A_813, %mul3A_824 : vector<16xf32>
        %mul3A_826 = arith.constant 16 : i32
        %mul3A_827 = arith.muli %scan3A_227, %mul3A_826 : i32
        %add3A_828 = arith.constant 15 : i32
        %add3A_829 = arith.addi %mul3A_827, %add3A_828 : i32
        %get3A_830 = arith.index_cast %add3A_829 : i32 to index
        %get3A_831 = arith.constant 32 : index
        %get3A_832 = tpu.vector_load %arg8[%get3A_830, %get3A_831] {strides = array<i32>} : memref<128x128xf32, #tpu.memory_space<vmem>>, vector<1x16xf32>,
        %get3A_833 = vector.shape_cast %get3A_832 : vector<1x16xf32> to vector<16xf32>
        %max3A_834 = arith.maximumf %max3A_822, %get3A_833 : vector<16xf32>
        %add3A_835 = arith.addf %add3A_823, %get3A_833 : vector<16xf32>
        %mul3A_836 = arith.mulf %get3A_833, %get3A_833 : vector<16xf32>
        %add3A_837 = arith.addf %add3A_825, %mul3A_836 : vector<16xf32>
        %swap3A_838 = arith.index_cast %rem3A_116 : i32 to index
        %swap3A_839 = arith.index_cast %add3A_230 : i32 to index
        %swap3A_840 = arith.constant 32 : index
        %swap3A_841 = tpu.vector_load %arg12[%swap3A_838, %swap3A_839, %swap3A_840] {strides = array<i32>} : memref<2x32x64xf32, #tpu.memory_space<vmem>>, vector<1x1x16xf32>,
        %swap3A_842 = vector.shape_cast %swap3A_841 : vector<1x1x16xf32> to vector<16xf32>
        %swap3A_843 = vector.shape_cast %max3A_834 : vector<16xf32> to vector<1x1x16xf32>
        tpu.vector_store %arg12[%swap3A_838, %swap3A_839, %swap3A_840], %swap3A_843 {strides = array<i32>} : memref<2x32x64xf32, #tpu.memory_space<vmem>>, vector<1x1x16xf32>,
        %swap3A_844 = arith.index_cast %rem3A_116 : i32 to index
        %swap3A_845 = arith.index_cast %add3A_230 : i32 to index
        %swap3A_846 = arith.constant 32 : index
        %swap3A_847 = tpu.vector_load %arg13[%swap3A_844, %swap3A_845, %swap3A_846] {strides = array<i32>} : memref<2x32x64xf32, #tpu.memory_space<vmem>>, vector<1x1x16xf32>,
        %swap3A_848 = vector.shape_cast %swap3A_847 : vector<1x1x16xf32> to vector<16xf32>
        %swap3A_849 = vector.shape_cast %add3A_835 : vector<16xf32> to vector<1x1x16xf32>
        tpu.vector_store %arg13[%swap3A_844, %swap3A_845, %swap3A_846], %swap3A_849 {strides = array<i32>} : memref<2x32x64xf32, #tpu.memory_space<vmem>>, vector<1x1x16xf32>,
        %get3A_850 = arith.constant 0 : i32
        %get3A_851 = arith.index_cast %get3A_850 : i32 to index
        %get3A_852 = arith.constant 32 : index
        %get3A_853 = tpu.vector_load %arg14[%get3A_851, %get3A_852] {strides = array<i32>} : memref<1x64xf32, #tpu.memory_space<vmem>>, vector<1x16xf32>,
        %get3A_854 = vector.shape_cast %get3A_853 : vector<1x16xf32> to vector<16xf32>
        %add3A_855 = arith.addf %get3A_854, %add3A_837 : vector<16xf32>
        %swap3A_856 = arith.constant 0 : i32
        %swap3A_857 = arith.index_cast %swap3A_856 : i32 to index
        %swap3A_858 = arith.constant 32 : index
        %swap3A_859 = tpu.vector_load %arg14[%swap3A_857, %swap3A_858] {strides = array<i32>} : memref<1x64xf32, #tpu.memory_space<vmem>>, vector<1x16xf32>,
        %swap3A_860 = vector.shape_cast %swap3A_859 : vector<1x16xf32> to vector<16xf32>
        %swap3A_861 = vector.shape_cast %add3A_855 : vector<16xf32> to vector<1x16xf32>
        tpu.vector_store %arg14[%swap3A_857, %swap3A_858], %swap3A_861 {strides = array<i32>} : memref<1x64xf32, #tpu.memory_space<vmem>>, vector<1x16xf32>,
        %mul3A_862 = arith.constant 16 : i32
        %mul3A_863 = arith.muli %scan3A_227, %mul3A_862 : i32
        %get3A_864 = arith.index_cast %mul3A_863 : i32 to index
        %get3A_865 = arith.constant 48 : index
        %get3A_866 = tpu.vector_load %arg8[%get3A_864, %get3A_865] {strides = array<i32>} : memref<128x128xf32, #tpu.memory_space<vmem>>, vector<1x16xf32>,
        %get3A_867 = vector.shape_cast %get3A_866 : vector<1x16xf32> to vector<16xf32>
        %mul3A_868 = arith.mulf %get3A_867, %get3A_867 : vector<16xf32>
        %mul3A_869 = arith.constant 16 : i32
        %mul3A_870 = arith.muli %scan3A_227, %mul3A_869 : i32
        %add3A_871 = arith.constant 1 : i32
        %add3A_872 = arith.addi %mul3A_870, %add3A_871 : i32
        %get3A_873 = arith.index_cast %add3A_872 : i32 to index
        %get3A_874 = arith.constant 48 : index
        %get3A_875 = tpu.vector_load %arg8[%get3A_873, %get3A_874] {strides = array<i32>} : memref<128x128xf32, #tpu.memory_space<vmem>>, vector<1x16xf32>,
        %get3A_876 = vector.shape_cast %get3A_875 : vector<1x16xf32> to vector<16xf32>
        %max3A_877 = arith.maximumf %get3A_867, %get3A_876 : vector<16xf32>
        %add3A_878 = arith.addf %get3A_867, %get3A_876 : vector<16xf32>
        %mul3A_879 = arith.mulf %get3A_876, %get3A_876 : vector<16xf32>
        %add3A_880 = arith.addf %mul3A_868, %mul3A_879 : vector<16xf32>
        %mul3A_881 = arith.constant 16 : i32
        %mul3A_882 = arith.muli %scan3A_227, %mul3A_881 : i32
        %add3A_883 = arith.constant 2 : i32
        %add3A_884 = arith.addi %mul3A_882, %add3A_883 : i32
        %get3A_885 = arith.index_cast %add3A_884 : i32 to index
        %get3A_886 = arith.constant 48 : index
        %get3A_887 = tpu.vector_load %arg8[%get3A_885, %get3A_886] {strides = array<i32>} : memref<128x128xf32, #tpu.memory_space<vmem>>, vector<1x16xf32>,
        %get3A_888 = vector.shape_cast %get3A_887 : vector<1x16xf32> to vector<16xf32>
        %max3A_889 = arith.maximumf %max3A_877, %get3A_888 : vector<16xf32>
        %add3A_890 = arith.addf %add3A_878, %get3A_888 : vector<16xf32>
        %mul3A_891 = arith.mulf %get3A_888, %get3A_888 : vector<16xf32>
        %add3A_892 = arith.addf %add3A_880, %mul3A_891 : vector<16xf32>
        %mul3A_893 = arith.constant 16 : i32
        %mul3A_894 = arith.muli %scan3A_227, %mul3A_893 : i32
        %add3A_895 = arith.constant 3 : i32
        %add3A_896 = arith.addi %mul3A_894, %add3A_895 : i32
        %get3A_897 = arith.index_cast %add3A_896 : i32 to index
        %get3A_898 = arith.constant 48 : index
        %get3A_899 = tpu.vector_load %arg8[%get3A_897, %get3A_898] {strides = array<i32>} : memref<128x128xf32, #tpu.memory_space<vmem>>, vector<1x16xf32>,
        %get3A_900 = vector.shape_cast %get3A_899 : vector<1x16xf32> to vector<16xf32>
        %max3A_901 = arith.maximumf %max3A_889, %get3A_900 : vector<16xf32>
        %add3A_902 = arith.addf %add3A_890, %get3A_900 : vector<16xf32>
        %mul3A_903 = arith.mulf %get3A_900, %get3A_900 : vector<16xf32>
        %add3A_904 = arith.addf %add3A_892, %mul3A_903 : vector<16xf32>
        %mul3A_905 = arith.constant 16 : i32
        %mul3A_906 = arith.muli %scan3A_227, %mul3A_905 : i32
        %add3A_907 = arith.constant 4 : i32
        %add3A_908 = arith.addi %mul3A_906, %add3A_907 : i32
        %get3A_909 = arith.index_cast %add3A_908 : i32 to index
        %get3A_910 = arith.constant 48 : index
        %get3A_911 = tpu.vector_load %arg8[%get3A_909, %get3A_910] {strides = array<i32>} : memref<128x128xf32, #tpu.memory_space<vmem>>, vector<1x16xf32>,
        %get3A_912 = vector.shape_cast %get3A_911 : vector<1x16xf32> to vector<16xf32>
        %max3A_913 = arith.maximumf %max3A_901, %get3A_912 : vector<16xf32>
        %add3A_914 = arith.addf %add3A_902, %get3A_912 : vector<16xf32>
        %mul3A_915 = arith.mulf %get3A_912, %get3A_912 : vector<16xf32>
        %add3A_916 = arith.addf %add3A_904, %mul3A_915 : vector<16xf32>
        %mul3A_917 = arith.constant 16 : i32
        %mul3A_918 = arith.muli %scan3A_227, %mul3A_917 : i32
        %add3A_919 = arith.constant 5 : i32
        %add3A_920 = arith.addi %mul3A_918, %add3A_919 : i32
        %get3A_921 = arith.index_cast %add3A_920 : i32 to index
        %get3A_922 = arith.constant 48 : index
        %get3A_923 = tpu.vector_load %arg8[%get3A_921, %get3A_922] {strides = array<i32>} : memref<128x128xf32, #tpu.memory_space<vmem>>, vector<1x16xf32>,
        %get3A_924 = vector.shape_cast %get3A_923 : vector<1x16xf32> to vector<16xf32>
        %max3A_925 = arith.maximumf %max3A_913, %get3A_924 : vector<16xf32>
        %add3A_926 = arith.addf %add3A_914, %get3A_924 : vector<16xf32>
        %mul3A_927 = arith.mulf %get3A_924, %get3A_924 : vector<16xf32>
        %add3A_928 = arith.addf %add3A_916, %mul3A_927 : vector<16xf32>
        %mul3A_929 = arith.constant 16 : i32
        %mul3A_930 = arith.muli %scan3A_227, %mul3A_929 : i32
        %add3A_931 = arith.constant 6 : i32
        %add3A_932 = arith.addi %mul3A_930, %add3A_931 : i32
        %get3A_933 = arith.index_cast %add3A_932 : i32 to index
        %get3A_934 = arith.constant 48 : index
        %get3A_935 = tpu.vector_load %arg8[%get3A_933, %get3A_934] {strides = array<i32>} : memref<128x128xf32, #tpu.memory_space<vmem>>, vector<1x16xf32>,
        %get3A_936 = vector.shape_cast %get3A_935 : vector<1x16xf32> to vector<16xf32>
        %max3A_937 = arith.maximumf %max3A_925, %get3A_936 : vector<16xf32>
        %add3A_938 = arith.addf %add3A_926, %get3A_936 : vector<16xf32>
        %mul3A_939 = arith.mulf %get3A_936, %get3A_936 : vector<16xf32>
        %add3A_940 = arith.addf %add3A_928, %mul3A_939 : vector<16xf32>
        %mul3A_941 = arith.constant 16 : i32
        %mul3A_942 = arith.muli %scan3A_227, %mul3A_941 : i32
        %add3A_943 = arith.constant 7 : i32
        %add3A_944 = arith.addi %mul3A_942, %add3A_943 : i32
        %get3A_945 = arith.index_cast %add3A_944 : i32 to index
        %get3A_946 = arith.constant 48 : index
        %get3A_947 = tpu.vector_load %arg8[%get3A_945, %get3A_946] {strides = array<i32>} : memref<128x128xf32, #tpu.memory_space<vmem>>, vector<1x16xf32>,
        %get3A_948 = vector.shape_cast %get3A_947 : vector<1x16xf32> to vector<16xf32>
        %max3A_949 = arith.maximumf %max3A_937, %get3A_948 : vector<16xf32>
        %add3A_950 = arith.addf %add3A_938, %get3A_948 : vector<16xf32>
        %mul3A_951 = arith.mulf %get3A_948, %get3A_948 : vector<16xf32>
        %add3A_952 = arith.addf %add3A_940, %mul3A_951 : vector<16xf32>
        %mul3A_953 = arith.constant 16 : i32
        %mul3A_954 = arith.muli %scan3A_227, %mul3A_953 : i32
        %add3A_955 = arith.constant 8 : i32
        %add3A_956 = arith.addi %mul3A_954, %add3A_955 : i32
        %get3A_957 = arith.index_cast %add3A_956 : i32 to index
        %get3A_958 = arith.constant 48 : index
        %get3A_959 = tpu.vector_load %arg8[%get3A_957, %get3A_958] {strides = array<i32>} : memref<128x128xf32, #tpu.memory_space<vmem>>, vector<1x16xf32>,
        %get3A_960 = vector.shape_cast %get3A_959 : vector<1x16xf32> to vector<16xf32>
        %max3A_961 = arith.maximumf %max3A_949, %get3A_960 : vector<16xf32>
        %add3A_962 = arith.addf %add3A_950, %get3A_960 : vector<16xf32>
        %mul3A_963 = arith.mulf %get3A_960, %get3A_960 : vector<16xf32>
        %add3A_964 = arith.addf %add3A_952, %mul3A_963 : vector<16xf32>
        %mul3A_965 = arith.constant 16 : i32
        %mul3A_966 = arith.muli %scan3A_227, %mul3A_965 : i32
        %add3A_967 = arith.constant 9 : i32
        %add3A_968 = arith.addi %mul3A_966, %add3A_967 : i32
        %get3A_969 = arith.index_cast %add3A_968 : i32 to index
        %get3A_970 = arith.constant 48 : index
        %get3A_971 = tpu.vector_load %arg8[%get3A_969, %get3A_970] {strides = array<i32>} : memref<128x128xf32, #tpu.memory_space<vmem>>, vector<1x16xf32>,
        %get3A_972 = vector.shape_cast %get3A_971 : vector<1x16xf32> to vector<16xf32>
        %max3A_973 = arith.maximumf %max3A_961, %get3A_972 : vector<16xf32>
        %add3A_974 = arith.addf %add3A_962, %get3A_972 : vector<16xf32>
        %mul3A_975 = arith.mulf %get3A_972, %get3A_972 : vector<16xf32>
        %add3A_976 = arith.addf %add3A_964, %mul3A_975 : vector<16xf32>
        %mul3A_977 = arith.constant 16 : i32
        %mul3A_978 = arith.muli %scan3A_227, %mul3A_977 : i32
        %add3A_979 = arith.constant 10 : i32
        %add3A_980 = arith.addi %mul3A_978, %add3A_979 : i32
        %get3A_981 = arith.index_cast %add3A_980 : i32 to index
        %get3A_982 = arith.constant 48 : index
        %get3A_983 = tpu.vector_load %arg8[%get3A_981, %get3A_982] {strides = array<i32>} : memref<128x128xf32, #tpu.memory_space<vmem>>, vector<1x16xf32>,
        %get3A_984 = vector.shape_cast %get3A_983 : vector<1x16xf32> to vector<16xf32>
        %max3A_985 = arith.maximumf %max3A_973, %get3A_984 : vector<16xf32>
        %add3A_986 = arith.addf %add3A_974, %get3A_984 : vector<16xf32>
        %mul3A_987 = arith.mulf %get3A_984, %get3A_984 : vector<16xf32>
        %add3A_988 = arith.addf %add3A_976, %mul3A_987 : vector<16xf32>
        %mul3A_989 = arith.constant 16 : i32
        %mul3A_990 = arith.muli %scan3A_227, %mul3A_989 : i32
        %add3A_991 = arith.constant 11 : i32
        %add3A_992 = arith.addi %mul3A_990, %add3A_991 : i32
        %get3A_993 = arith.index_cast %add3A_992 : i32 to index
        %get3A_994 = arith.constant 48 : index
        %get3A_995 = tpu.vector_load %arg8[%get3A_993, %get3A_994] {strides = array<i32>} : memref<128x128xf32, #tpu.memory_space<vmem>>, vector<1x16xf32>,
        %get3A_996 = vector.shape_cast %get3A_995 : vector<1x16xf32> to vector<16xf32>
        %max3A_997 = arith.maximumf %max3A_985, %get3A_996 : vector<16xf32>
        %add3A_998 = arith.addf %add3A_986, %get3A_996 : vector<16xf32>
        %mul3A_999 = arith.mulf %get3A_996, %get3A_996 : vector<16xf32>
        %add3A_1000 = arith.addf %add3A_988, %mul3A_999 : vector<16xf32>
        %mul3A_1001 = arith.constant 16 : i32
        %mul3A_1002 = arith.muli %scan3A_227, %mul3A_1001 : i32
        %add3A_1003 = arith.constant 12 : i32
        %add3A_1004 = arith.addi %mul3A_1002, %add3A_1003 : i32
        %get3A_1005 = arith.index_cast %add3A_1004 : i32 to index
        %get3A_1006 = arith.constant 48 : index
        %get3A_1007 = tpu.vector_load %arg8[%get3A_1005, %get3A_1006] {strides = array<i32>} : memref<128x128xf32, #tpu.memory_space<vmem>>, vector<1x16xf32>,
        %get3A_1008 = vector.shape_cast %get3A_1007 : vector<1x16xf32> to vector<16xf32>
        %max3A_1009 = arith.maximumf %max3A_997, %get3A_1008 : vector<16xf32>
        %add3A_1010 = arith.addf %add3A_998, %get3A_1008 : vector<16xf32>
        %mul3A_1011 = arith.mulf %get3A_1008, %get3A_1008 : vector<16xf32>
        %add3A_1012 = arith.addf %add3A_1000, %mul3A_1011 : vector<16xf32>
        %mul3A_1013 = arith.constant 16 : i32
        %mul3A_1014 = arith.muli %scan3A_227, %mul3A_1013 : i32
        %add3A_1015 = arith.constant 13 : i32
        %add3A_1016 = arith.addi %mul3A_1014, %add3A_1015 : i32
        %get3A_1017 = arith.index_cast %add3A_1016 : i32 to index
        %get3A_1018 = arith.constant 48 : index
        %get3A_1019 = tpu.vector_load %arg8[%get3A_1017, %get3A_1018] {strides = array<i32>} : memref<128x128xf32, #tpu.memory_space<vmem>>, vector<1x16xf32>,
        %get3A_1020 = vector.shape_cast %get3A_1019 : vector<1x16xf32> to vector<16xf32>
        %max3A_1021 = arith.maximumf %max3A_1009, %get3A_1020 : vector<16xf32>
        %add3A_1022 = arith.addf %add3A_1010, %get3A_1020 : vector<16xf32>
        %mul3A_1023 = arith.mulf %get3A_1020, %get3A_1020 : vector<16xf32>
        %add3A_1024 = arith.addf %add3A_1012, %mul3A_1023 : vector<16xf32>
        %mul3A_1025 = arith.constant 16 : i32
        %mul3A_1026 = arith.muli %scan3A_227, %mul3A_1025 : i32
        %add3A_1027 = arith.constant 14 : i32
        %add3A_1028 = arith.addi %mul3A_1026, %add3A_1027 : i32
        %get3A_1029 = arith.index_cast %add3A_1028 : i32 to index
        %get3A_1030 = arith.constant 48 : index
        %get3A_1031 = tpu.vector_load %arg8[%get3A_1029, %get3A_1030] {strides = array<i32>} : memref<128x128xf32, #tpu.memory_space<vmem>>, vector<1x16xf32>,
        %get3A_1032 = vector.shape_cast %get3A_1031 : vector<1x16xf32> to vector<16xf32>
        %max3A_1033 = arith.maximumf %max3A_1021, %get3A_1032 : vector<16xf32>
        %add3A_1034 = arith.addf %add3A_1022, %get3A_1032 : vector<16xf32>
        %mul3A_1035 = arith.mulf %get3A_1032, %get3A_1032 : vector<16xf32>
        %add3A_1036 = arith.addf %add3A_1024, %mul3A_1035 : vector<16xf32>
        %mul3A_1037 = arith.constant 16 : i32
        %mul3A_1038 = arith.muli %scan3A_227, %mul3A_1037 : i32
        %add3A_1039 = arith.constant 15 : i32
        %add3A_1040 = arith.addi %mul3A_1038, %add3A_1039 : i32
        %get3A_1041 = arith.index_cast %add3A_1040 : i32 to index
        %get3A_1042 = arith.constant 48 : index
        %get3A_1043 = tpu.vector_load %arg8[%get3A_1041, %get3A_1042] {strides = array<i32>} : memref<128x128xf32, #tpu.memory_space<vmem>>, vector<1x16xf32>,
        %get3A_1044 = vector.shape_cast %get3A_1043 : vector<1x16xf32> to vector<16xf32>
        %max3A_1045 = arith.maximumf %max3A_1033, %get3A_1044 : vector<16xf32>
        %add3A_1046 = arith.addf %add3A_1034, %get3A_1044 : vector<16xf32>
        %mul3A_1047 = arith.mulf %get3A_1044, %get3A_1044 : vector<16xf32>
        %add3A_1048 = arith.addf %add3A_1036, %mul3A_1047 : vector<16xf32>
        %swap3A_1049 = arith.index_cast %rem3A_116 : i32 to index
        %swap3A_1050 = arith.index_cast %add3A_230 : i32 to index
        %swap3A_1051 = arith.constant 48 : index
        %swap3A_1052 = tpu.vector_load %arg12[%swap3A_1049, %swap3A_1050, %swap3A_1051] {strides = array<i32>} : memref<2x32x64xf32, #tpu.memory_space<vmem>>, vector<1x1x16xf32>,
        %swap3A_1053 = vector.shape_cast %swap3A_1052 : vector<1x1x16xf32> to vector<16xf32>
        %swap3A_1054 = vector.shape_cast %max3A_1045 : vector<16xf32> to vector<1x1x16xf32>
        tpu.vector_store %arg12[%swap3A_1049, %swap3A_1050, %swap3A_1051], %swap3A_1054 {strides = array<i32>} : memref<2x32x64xf32, #tpu.memory_space<vmem>>, vector<1x1x16xf32>,
        %swap3A_1055 = arith.index_cast %rem3A_116 : i32 to index
        %swap3A_1056 = arith.index_cast %add3A_230 : i32 to index
        %swap3A_1057 = arith.constant 48 : index
        %swap3A_1058 = tpu.vector_load %arg13[%swap3A_1055, %swap3A_1056, %swap3A_1057] {strides = array<i32>} : memref<2x32x64xf32, #tpu.memory_space<vmem>>, vector<1x1x16xf32>,
        %swap3A_1059 = vector.shape_cast %swap3A_1058 : vector<1x1x16xf32> to vector<16xf32>
        %swap3A_1060 = vector.shape_cast %add3A_1046 : vector<16xf32> to vector<1x1x16xf32>
        tpu.vector_store %arg13[%swap3A_1055, %swap3A_1056, %swap3A_1057], %swap3A_1060 {strides = array<i32>} : memref<2x32x64xf32, #tpu.memory_space<vmem>>, vector<1x1x16xf32>,
        %get3A_1061 = arith.constant 0 : i32
        %get3A_1062 = arith.index_cast %get3A_1061 : i32 to index
        %get3A_1063 = arith.constant 48 : index
        %get3A_1064 = tpu.vector_load %arg14[%get3A_1062, %get3A_1063] {strides = array<i32>} : memref<1x64xf32, #tpu.memory_space<vmem>>, vector<1x16xf32>,
        %get3A_1065 = vector.shape_cast %get3A_1064 : vector<1x16xf32> to vector<16xf32>
        %add3A_1066 = arith.addf %get3A_1065, %add3A_1048 : vector<16xf32>
        %swap3A_1067 = arith.constant 0 : i32
        %swap3A_1068 = arith.index_cast %swap3A_1067 : i32 to index
        %swap3A_1069 = arith.constant 48 : index
        %swap3A_1070 = tpu.vector_load %arg14[%swap3A_1068, %swap3A_1069] {strides = array<i32>} : memref<1x64xf32, #tpu.memory_space<vmem>>, vector<1x16xf32>,
        %swap3A_1071 = vector.shape_cast %swap3A_1070 : vector<1x16xf32> to vector<16xf32>
        %swap3A_1072 = vector.shape_cast %add3A_1066 : vector<16xf32> to vector<1x16xf32>
        tpu.vector_store %arg14[%swap3A_1068, %swap3A_1069], %swap3A_1072 {strides = array<i32>} : memref<1x64xf32, #tpu.memory_space<vmem>>, vector<1x16xf32>,
        %scan3A_1073 = arith.constant 0 : i32
        scf.yield %scan3A_1073 : i32
      }
      %scan3A_141 = arith.constant 8 : i32
      %mul3A_142 = arith.constant 4 : i32
      %mul3A_143 = arith.muli %scan3A_114, %mul3A_142 : i32
      %add3A_144 = arith.constant 1 : i32
      %add3A_145 = arith.addi %mul3A_143, %add3A_144 : i32
      %add3A_146 = arith.constant 3 : i32
      %add3A_147 = arith.addi %add3A_145, %add3A_146 : i32
      %lt3A_148 = arith.constant 64 : i32
      %lt3A_149 = arith.cmpi slt, %add3A_147, %lt3A_148 : i32
      %convert_element_type3A_150 = arith.extui %lt3A_149 : i1 to i32
      %cond3A_151 = arith.constant 0 : i32
      %cond3A_152 = arith.cmpi ne, %convert_element_type3A_150, %cond3A_151 : i32
      scf.if %cond3A_152 {
        %add3A_227 = arith.constant 3 : i32
        %add3A_228 = arith.addi %add3A_145, %add3A_227 : i32
        %mul3A_229 = arith.constant 8 : i32
        %mul3A_230 = arith.muli %add3A_228, %mul3A_229 : i32
        %mul3A_231 = arith.constant 16 : i32
        %mul3A_232 = arith.muli %mul3A_230, %mul3A_231 : i32
        %dma_start3A_233 = tpu.memref_slice %arg7[%mul3A_232] : memref<8192xi32, #tpu.memory_space<vmem>> -> memref<128xi32, #tpu.memory_space<vmem>>
        %dma_start3A_234 = arith.constant 0 : i32
        %dma_start3A_235 = arith.constant 0 : i32
        %dma_start3A_236 = tpu.memref_slice %arg2[%dma_start3A_234, %dma_start3A_235] : memref<16384x128xf32, #tpu.memory_space<hbm>> -> memref<16384x128xf32, #tpu.memory_space<hbm>>
        tpu.enqueue_indirect_dma source(%dma_start3A_236 : memref<16384x128xf32, #tpu.memory_space<hbm>>) target(%arg8 : memref<128x128xf32, #tpu.memory_space<vmem>>) offsets(%dma_start3A_233 : memref<128xi32, #tpu.memory_space<vmem>>) semaphore(%arg15 : memref<!tpu.dma_semaphore, #tpu.memory_space<semaphore_mem>>)
      } else {
      }
      %dma_wait3A_153 = arith.constant 0 : i32
      %dma_wait3A_154 = arith.constant 0 : i32
      %dma_wait3A_155 = tpu.memref_slice %arg2[%dma_wait3A_153, %dma_wait3A_154] : memref<16384x128xf32, #tpu.memory_space<hbm>> -> memref<128x128xf32, #tpu.memory_space<hbm>>
      %dma_wait3A_156 = arith.constant 0 : i32
      %dma_wait3A_157 = arith.constant 0 : i32
      %dma_wait3A_158 = tpu.memref_slice %arg2[%dma_wait3A_156, %dma_wait3A_157] : memref<16384x128xf32, #tpu.memory_space<hbm>> -> memref<128x128xf32, #tpu.memory_space<hbm>>
      tpu.wait_dma2 semaphore(%arg16 : memref<!tpu.dma_semaphore, #tpu.memory_space<semaphore_mem>>) src(%dma_wait3A_158 : memref<128x128xf32, #tpu.memory_space<hbm>>) dst(%arg9 : memref<128x128xf32, #tpu.memory_space<vmem>>)
      %scan3A_159 = arith.constant 0 : i32
      %scan3A_160 = arith.constant 0 : i32
      %scan3A_161 = arith.constant 8 : i32
      %scan3A_162 = arith.addi %scan3A_160, %scan3A_161 : i32
      %scan3A_163 = arith.constant 1 : i32
      %scan3A_164 = scf.for %scan3A_227 = %scan3A_160 to %scan3A_162 step %scan3A_163 iter_args(%scan3A_228 = %scan3A_159) -> (i32)  : i32 {
        %add3A_229 = arith.constant 8 : i32
        %add3A_230 = arith.addi %add3A_229, %scan3A_227 : i32
        %mul3A_231 = arith.constant 16 : i32
        %mul3A_232 = arith.muli %scan3A_227, %mul3A_231 : i32
        %get3A = arith.index_cast %mul3A_232 : i32 to index
        %get3A_233 = arith.constant 0 : index
        %get3A_234 = tpu.vector_load %arg9[%get3A, %get3A_233] {strides = array<i32>} : memref<128x128xf32, #tpu.memory_space<vmem>>, vector<1x16xf32>,
        %get3A_235 = vector.shape_cast %get3A_234 : vector<1x16xf32> to vector<16xf32>
        %mul3A_236 = arith.mulf %get3A_235, %get3A_235 : vector<16xf32>
        %mul3A_237 = arith.constant 16 : i32
        %mul3A_238 = arith.muli %scan3A_227, %mul3A_237 : i32
        %add3A_239 = arith.constant 1 : i32
        %add3A_240 = arith.addi %mul3A_238, %add3A_239 : i32
        %get3A_241 = arith.index_cast %add3A_240 : i32 to index
        %get3A_242 = arith.constant 0 : index
        %get3A_243 = tpu.vector_load %arg9[%get3A_241, %get3A_242] {strides = array<i32>} : memref<128x128xf32, #tpu.memory_space<vmem>>, vector<1x16xf32>,
        %get3A_244 = vector.shape_cast %get3A_243 : vector<1x16xf32> to vector<16xf32>
        %max3A = arith.maximumf %get3A_235, %get3A_244 : vector<16xf32>
        %add3A_245 = arith.addf %get3A_235, %get3A_244 : vector<16xf32>
        %mul3A_246 = arith.mulf %get3A_244, %get3A_244 : vector<16xf32>
        %add3A_247 = arith.addf %mul3A_236, %mul3A_246 : vector<16xf32>
        %mul3A_248 = arith.constant 16 : i32
        %mul3A_249 = arith.muli %scan3A_227, %mul3A_248 : i32
        %add3A_250 = arith.constant 2 : i32
        %add3A_251 = arith.addi %mul3A_249, %add3A_250 : i32
        %get3A_252 = arith.index_cast %add3A_251 : i32 to index
        %get3A_253 = arith.constant 0 : index
        %get3A_254 = tpu.vector_load %arg9[%get3A_252, %get3A_253] {strides = array<i32>} : memref<128x128xf32, #tpu.memory_space<vmem>>, vector<1x16xf32>,
        %get3A_255 = vector.shape_cast %get3A_254 : vector<1x16xf32> to vector<16xf32>
        %max3A_256 = arith.maximumf %max3A, %get3A_255 : vector<16xf32>
        %add3A_257 = arith.addf %add3A_245, %get3A_255 : vector<16xf32>
        %mul3A_258 = arith.mulf %get3A_255, %get3A_255 : vector<16xf32>
        %add3A_259 = arith.addf %add3A_247, %mul3A_258 : vector<16xf32>
        %mul3A_260 = arith.constant 16 : i32
        %mul3A_261 = arith.muli %scan3A_227, %mul3A_260 : i32
        %add3A_262 = arith.constant 3 : i32
        %add3A_263 = arith.addi %mul3A_261, %add3A_262 : i32
        %get3A_264 = arith.index_cast %add3A_263 : i32 to index
        %get3A_265 = arith.constant 0 : index
        %get3A_266 = tpu.vector_load %arg9[%get3A_264, %get3A_265] {strides = array<i32>} : memref<128x128xf32, #tpu.memory_space<vmem>>, vector<1x16xf32>,
        %get3A_267 = vector.shape_cast %get3A_266 : vector<1x16xf32> to vector<16xf32>
        %max3A_268 = arith.maximumf %max3A_256, %get3A_267 : vector<16xf32>
        %add3A_269 = arith.addf %add3A_257, %get3A_267 : vector<16xf32>
        %mul3A_270 = arith.mulf %get3A_267, %get3A_267 : vector<16xf32>
        %add3A_271 = arith.addf %add3A_259, %mul3A_270 : vector<16xf32>
        %mul3A_272 = arith.constant 16 : i32
        %mul3A_273 = arith.muli %scan3A_227, %mul3A_272 : i32
        %add3A_274 = arith.constant 4 : i32
        %add3A_275 = arith.addi %mul3A_273, %add3A_274 : i32
        %get3A_276 = arith.index_cast %add3A_275 : i32 to index
        %get3A_277 = arith.constant 0 : index
        %get3A_278 = tpu.vector_load %arg9[%get3A_276, %get3A_277] {strides = array<i32>} : memref<128x128xf32, #tpu.memory_space<vmem>>, vector<1x16xf32>,
        %get3A_279 = vector.shape_cast %get3A_278 : vector<1x16xf32> to vector<16xf32>
        %max3A_280 = arith.maximumf %max3A_268, %get3A_279 : vector<16xf32>
        %add3A_281 = arith.addf %add3A_269, %get3A_279 : vector<16xf32>
        %mul3A_282 = arith.mulf %get3A_279, %get3A_279 : vector<16xf32>
        %add3A_283 = arith.addf %add3A_271, %mul3A_282 : vector<16xf32>
        %mul3A_284 = arith.constant 16 : i32
        %mul3A_285 = arith.muli %scan3A_227, %mul3A_284 : i32
        %add3A_286 = arith.constant 5 : i32
        %add3A_287 = arith.addi %mul3A_285, %add3A_286 : i32
        %get3A_288 = arith.index_cast %add3A_287 : i32 to index
        %get3A_289 = arith.constant 0 : index
        %get3A_290 = tpu.vector_load %arg9[%get3A_288, %get3A_289] {strides = array<i32>} : memref<128x128xf32, #tpu.memory_space<vmem>>, vector<1x16xf32>,
        %get3A_291 = vector.shape_cast %get3A_290 : vector<1x16xf32> to vector<16xf32>
        %max3A_292 = arith.maximumf %max3A_280, %get3A_291 : vector<16xf32>
        %add3A_293 = arith.addf %add3A_281, %get3A_291 : vector<16xf32>
        %mul3A_294 = arith.mulf %get3A_291, %get3A_291 : vector<16xf32>
        %add3A_295 = arith.addf %add3A_283, %mul3A_294 : vector<16xf32>
        %mul3A_296 = arith.constant 16 : i32
        %mul3A_297 = arith.muli %scan3A_227, %mul3A_296 : i32
        %add3A_298 = arith.constant 6 : i32
        %add3A_299 = arith.addi %mul3A_297, %add3A_298 : i32
        %get3A_300 = arith.index_cast %add3A_299 : i32 to index
        %get3A_301 = arith.constant 0 : index
        %get3A_302 = tpu.vector_load %arg9[%get3A_300, %get3A_301] {strides = array<i32>} : memref<128x128xf32, #tpu.memory_space<vmem>>, vector<1x16xf32>,
        %get3A_303 = vector.shape_cast %get3A_302 : vector<1x16xf32> to vector<16xf32>
        %max3A_304 = arith.maximumf %max3A_292, %get3A_303 : vector<16xf32>
        %add3A_305 = arith.addf %add3A_293, %get3A_303 : vector<16xf32>
        %mul3A_306 = arith.mulf %get3A_303, %get3A_303 : vector<16xf32>
        %add3A_307 = arith.addf %add3A_295, %mul3A_306 : vector<16xf32>
        %mul3A_308 = arith.constant 16 : i32
        %mul3A_309 = arith.muli %scan3A_227, %mul3A_308 : i32
        %add3A_310 = arith.constant 7 : i32
        %add3A_311 = arith.addi %mul3A_309, %add3A_310 : i32
        %get3A_312 = arith.index_cast %add3A_311 : i32 to index
        %get3A_313 = arith.constant 0 : index
        %get3A_314 = tpu.vector_load %arg9[%get3A_312, %get3A_313] {strides = array<i32>} : memref<128x128xf32, #tpu.memory_space<vmem>>, vector<1x16xf32>,
        %get3A_315 = vector.shape_cast %get3A_314 : vector<1x16xf32> to vector<16xf32>
        %max3A_316 = arith.maximumf %max3A_304, %get3A_315 : vector<16xf32>
        %add3A_317 = arith.addf %add3A_305, %get3A_315 : vector<16xf32>
        %mul3A_318 = arith.mulf %get3A_315, %get3A_315 : vector<16xf32>
        %add3A_319 = arith.addf %add3A_307, %mul3A_318 : vector<16xf32>
        %mul3A_320 = arith.constant 16 : i32
        %mul3A_321 = arith.muli %scan3A_227, %mul3A_320 : i32
        %add3A_322 = arith.constant 8 : i32
        %add3A_323 = arith.addi %mul3A_321, %add3A_322 : i32
        %get3A_324 = arith.index_cast %add3A_323 : i32 to index
        %get3A_325 = arith.constant 0 : index
        %get3A_326 = tpu.vector_load %arg9[%get3A_324, %get3A_325] {strides = array<i32>} : memref<128x128xf32, #tpu.memory_space<vmem>>, vector<1x16xf32>,
        %get3A_327 = vector.shape_cast %get3A_326 : vector<1x16xf32> to vector<16xf32>
        %max3A_328 = arith.maximumf %max3A_316, %get3A_327 : vector<16xf32>
        %add3A_329 = arith.addf %add3A_317, %get3A_327 : vector<16xf32>
        %mul3A_330 = arith.mulf %get3A_327, %get3A_327 : vector<16xf32>
        %add3A_331 = arith.addf %add3A_319, %mul3A_330 : vector<16xf32>
        %mul3A_332 = arith.constant 16 : i32
        %mul3A_333 = arith.muli %scan3A_227, %mul3A_332 : i32
        %add3A_334 = arith.constant 9 : i32
        %add3A_335 = arith.addi %mul3A_333, %add3A_334 : i32
        %get3A_336 = arith.index_cast %add3A_335 : i32 to index
        %get3A_337 = arith.constant 0 : index
        %get3A_338 = tpu.vector_load %arg9[%get3A_336, %get3A_337] {strides = array<i32>} : memref<128x128xf32, #tpu.memory_space<vmem>>, vector<1x16xf32>,
        %get3A_339 = vector.shape_cast %get3A_338 : vector<1x16xf32> to vector<16xf32>
        %max3A_340 = arith.maximumf %max3A_328, %get3A_339 : vector<16xf32>
        %add3A_341 = arith.addf %add3A_329, %get3A_339 : vector<16xf32>
        %mul3A_342 = arith.mulf %get3A_339, %get3A_339 : vector<16xf32>
        %add3A_343 = arith.addf %add3A_331, %mul3A_342 : vector<16xf32>
        %mul3A_344 = arith.constant 16 : i32
        %mul3A_345 = arith.muli %scan3A_227, %mul3A_344 : i32
        %add3A_346 = arith.constant 10 : i32
        %add3A_347 = arith.addi %mul3A_345, %add3A_346 : i32
        %get3A_348 = arith.index_cast %add3A_347 : i32 to index
        %get3A_349 = arith.constant 0 : index
        %get3A_350 = tpu.vector_load %arg9[%get3A_348, %get3A_349] {strides = array<i32>} : memref<128x128xf32, #tpu.memory_space<vmem>>, vector<1x16xf32>,
        %get3A_351 = vector.shape_cast %get3A_350 : vector<1x16xf32> to vector<16xf32>
        %max3A_352 = arith.maximumf %max3A_340, %get3A_351 : vector<16xf32>
        %add3A_353 = arith.addf %add3A_341, %get3A_351 : vector<16xf32>
        %mul3A_354 = arith.mulf %get3A_351, %get3A_351 : vector<16xf32>
        %add3A_355 = arith.addf %add3A_343, %mul3A_354 : vector<16xf32>
        %mul3A_356 = arith.constant 16 : i32
        %mul3A_357 = arith.muli %scan3A_227, %mul3A_356 : i32
        %add3A_358 = arith.constant 11 : i32
        %add3A_359 = arith.addi %mul3A_357, %add3A_358 : i32
        %get3A_360 = arith.index_cast %add3A_359 : i32 to index
        %get3A_361 = arith.constant 0 : index
        %get3A_362 = tpu.vector_load %arg9[%get3A_360, %get3A_361] {strides = array<i32>} : memref<128x128xf32, #tpu.memory_space<vmem>>, vector<1x16xf32>,
        %get3A_363 = vector.shape_cast %get3A_362 : vector<1x16xf32> to vector<16xf32>
        %max3A_364 = arith.maximumf %max3A_352, %get3A_363 : vector<16xf32>
        %add3A_365 = arith.addf %add3A_353, %get3A_363 : vector<16xf32>
        %mul3A_366 = arith.mulf %get3A_363, %get3A_363 : vector<16xf32>
        %add3A_367 = arith.addf %add3A_355, %mul3A_366 : vector<16xf32>
        %mul3A_368 = arith.constant 16 : i32
        %mul3A_369 = arith.muli %scan3A_227, %mul3A_368 : i32
        %add3A_370 = arith.constant 12 : i32
        %add3A_371 = arith.addi %mul3A_369, %add3A_370 : i32
        %get3A_372 = arith.index_cast %add3A_371 : i32 to index
        %get3A_373 = arith.constant 0 : index
        %get3A_374 = tpu.vector_load %arg9[%get3A_372, %get3A_373] {strides = array<i32>} : memref<128x128xf32, #tpu.memory_space<vmem>>, vector<1x16xf32>,
        %get3A_375 = vector.shape_cast %get3A_374 : vector<1x16xf32> to vector<16xf32>
        %max3A_376 = arith.maximumf %max3A_364, %get3A_375 : vector<16xf32>
        %add3A_377 = arith.addf %add3A_365, %get3A_375 : vector<16xf32>
        %mul3A_378 = arith.mulf %get3A_375, %get3A_375 : vector<16xf32>
        %add3A_379 = arith.addf %add3A_367, %mul3A_378 : vector<16xf32>
        %mul3A_380 = arith.constant 16 : i32
        %mul3A_381 = arith.muli %scan3A_227, %mul3A_380 : i32
        %add3A_382 = arith.constant 13 : i32
        %add3A_383 = arith.addi %mul3A_381, %add3A_382 : i32
        %get3A_384 = arith.index_cast %add3A_383 : i32 to index
        %get3A_385 = arith.constant 0 : index
        %get3A_386 = tpu.vector_load %arg9[%get3A_384, %get3A_385] {strides = array<i32>} : memref<128x128xf32, #tpu.memory_space<vmem>>, vector<1x16xf32>,
        %get3A_387 = vector.shape_cast %get3A_386 : vector<1x16xf32> to vector<16xf32>
        %max3A_388 = arith.maximumf %max3A_376, %get3A_387 : vector<16xf32>
        %add3A_389 = arith.addf %add3A_377, %get3A_387 : vector<16xf32>
        %mul3A_390 = arith.mulf %get3A_387, %get3A_387 : vector<16xf32>
        %add3A_391 = arith.addf %add3A_379, %mul3A_390 : vector<16xf32>
        %mul3A_392 = arith.constant 16 : i32
        %mul3A_393 = arith.muli %scan3A_227, %mul3A_392 : i32
        %add3A_394 = arith.constant 14 : i32
        %add3A_395 = arith.addi %mul3A_393, %add3A_394 : i32
        %get3A_396 = arith.index_cast %add3A_395 : i32 to index
        %get3A_397 = arith.constant 0 : index
        %get3A_398 = tpu.vector_load %arg9[%get3A_396, %get3A_397] {strides = array<i32>} : memref<128x128xf32, #tpu.memory_space<vmem>>, vector<1x16xf32>,
        %get3A_399 = vector.shape_cast %get3A_398 : vector<1x16xf32> to vector<16xf32>
        %max3A_400 = arith.maximumf %max3A_388, %get3A_399 : vector<16xf32>
        %add3A_401 = arith.addf %add3A_389, %get3A_399 : vector<16xf32>
        %mul3A_402 = arith.mulf %get3A_399, %get3A_399 : vector<16xf32>
        %add3A_403 = arith.addf %add3A_391, %mul3A_402 : vector<16xf32>
        %mul3A_404 = arith.constant 16 : i32
        %mul3A_405 = arith.muli %scan3A_227, %mul3A_404 : i32
        %add3A_406 = arith.constant 15 : i32
        %add3A_407 = arith.addi %mul3A_405, %add3A_406 : i32
        %get3A_408 = arith.index_cast %add3A_407 : i32 to index
        %get3A_409 = arith.constant 0 : index
        %get3A_410 = tpu.vector_load %arg9[%get3A_408, %get3A_409] {strides = array<i32>} : memref<128x128xf32, #tpu.memory_space<vmem>>, vector<1x16xf32>,
        %get3A_411 = vector.shape_cast %get3A_410 : vector<1x16xf32> to vector<16xf32>
        %max3A_412 = arith.maximumf %max3A_400, %get3A_411 : vector<16xf32>
        %add3A_413 = arith.addf %add3A_401, %get3A_411 : vector<16xf32>
        %mul3A_414 = arith.mulf %get3A_411, %get3A_411 : vector<16xf32>
        %add3A_415 = arith.addf %add3A_403, %mul3A_414 : vector<16xf32>
        %swap3A_416 = arith.index_cast %rem3A_116 : i32 to index
        %swap3A_417 = arith.index_cast %add3A_230 : i32 to index
        %swap3A_418 = arith.constant 0 : index
        %swap3A_419 = tpu.vector_load %arg12[%swap3A_416, %swap3A_417, %swap3A_418] {strides = array<i32>} : memref<2x32x64xf32, #tpu.memory_space<vmem>>, vector<1x1x16xf32>,
        %swap3A_420 = vector.shape_cast %swap3A_419 : vector<1x1x16xf32> to vector<16xf32>
        %swap3A_421 = vector.shape_cast %max3A_412 : vector<16xf32> to vector<1x1x16xf32>
        tpu.vector_store %arg12[%swap3A_416, %swap3A_417, %swap3A_418], %swap3A_421 {strides = array<i32>} : memref<2x32x64xf32, #tpu.memory_space<vmem>>, vector<1x1x16xf32>,
        %swap3A_422 = arith.index_cast %rem3A_116 : i32 to index
        %swap3A_423 = arith.index_cast %add3A_230 : i32 to index
        %swap3A_424 = arith.constant 0 : index
        %swap3A_425 = tpu.vector_load %arg13[%swap3A_422, %swap3A_423, %swap3A_424] {strides = array<i32>} : memref<2x32x64xf32, #tpu.memory_space<vmem>>, vector<1x1x16xf32>,
        %swap3A_426 = vector.shape_cast %swap3A_425 : vector<1x1x16xf32> to vector<16xf32>
        %swap3A_427 = vector.shape_cast %add3A_413 : vector<16xf32> to vector<1x1x16xf32>
        tpu.vector_store %arg13[%swap3A_422, %swap3A_423, %swap3A_424], %swap3A_427 {strides = array<i32>} : memref<2x32x64xf32, #tpu.memory_space<vmem>>, vector<1x1x16xf32>,
        %get3A_428 = arith.constant 0 : i32
        %get3A_429 = arith.index_cast %get3A_428 : i32 to index
        %get3A_430 = arith.constant 0 : index
        %get3A_431 = tpu.vector_load %arg14[%get3A_429, %get3A_430] {strides = array<i32>} : memref<1x64xf32, #tpu.memory_space<vmem>>, vector<1x16xf32>,
        %get3A_432 = vector.shape_cast %get3A_431 : vector<1x16xf32> to vector<16xf32>
        %add3A_433 = arith.addf %get3A_432, %add3A_415 : vector<16xf32>
        %swap3A_434 = arith.constant 0 : i32
        %swap3A_435 = arith.index_cast %swap3A_434 : i32 to index
        %swap3A_436 = arith.constant 0 : index
        %swap3A_437 = tpu.vector_load %arg14[%swap3A_435, %swap3A_436] {strides = array<i32>} : memref<1x64xf32, #tpu.memory_space<vmem>>, vector<1x16xf32>,
        %swap3A_438 = vector.shape_cast %swap3A_437 : vector<1x16xf32> to vector<16xf32>
        %swap3A_439 = vector.shape_cast %add3A_433 : vector<16xf32> to vector<1x16xf32>
        tpu.vector_store %arg14[%swap3A_435, %swap3A_436], %swap3A_439 {strides = array<i32>} : memref<1x64xf32, #tpu.memory_space<vmem>>, vector<1x16xf32>,
        %mul3A_440 = arith.constant 16 : i32
        %mul3A_441 = arith.muli %scan3A_227, %mul3A_440 : i32
        %get3A_442 = arith.index_cast %mul3A_441 : i32 to index
        %get3A_443 = arith.constant 16 : index
        %get3A_444 = tpu.vector_load %arg9[%get3A_442, %get3A_443] {strides = array<i32>} : memref<128x128xf32, #tpu.memory_space<vmem>>, vector<1x16xf32>,
        %get3A_445 = vector.shape_cast %get3A_444 : vector<1x16xf32> to vector<16xf32>
        %mul3A_446 = arith.mulf %get3A_445, %get3A_445 : vector<16xf32>
        %mul3A_447 = arith.constant 16 : i32
        %mul3A_448 = arith.muli %scan3A_227, %mul3A_447 : i32
        %add3A_449 = arith.constant 1 : i32
        %add3A_450 = arith.addi %mul3A_448, %add3A_449 : i32
        %get3A_451 = arith.index_cast %add3A_450 : i32 to index
        %get3A_452 = arith.constant 16 : index
        %get3A_453 = tpu.vector_load %arg9[%get3A_451, %get3A_452] {strides = array<i32>} : memref<128x128xf32, #tpu.memory_space<vmem>>, vector<1x16xf32>,
        %get3A_454 = vector.shape_cast %get3A_453 : vector<1x16xf32> to vector<16xf32>
        %max3A_455 = arith.maximumf %get3A_445, %get3A_454 : vector<16xf32>
        %add3A_456 = arith.addf %get3A_445, %get3A_454 : vector<16xf32>
        %mul3A_457 = arith.mulf %get3A_454, %get3A_454 : vector<16xf32>
        %add3A_458 = arith.addf %mul3A_446, %mul3A_457 : vector<16xf32>
        %mul3A_459 = arith.constant 16 : i32
        %mul3A_460 = arith.muli %scan3A_227, %mul3A_459 : i32
        %add3A_461 = arith.constant 2 : i32
        %add3A_462 = arith.addi %mul3A_460, %add3A_461 : i32
        %get3A_463 = arith.index_cast %add3A_462 : i32 to index
        %get3A_464 = arith.constant 16 : index
        %get3A_465 = tpu.vector_load %arg9[%get3A_463, %get3A_464] {strides = array<i32>} : memref<128x128xf32, #tpu.memory_space<vmem>>, vector<1x16xf32>,
        %get3A_466 = vector.shape_cast %get3A_465 : vector<1x16xf32> to vector<16xf32>
        %max3A_467 = arith.maximumf %max3A_455, %get3A_466 : vector<16xf32>
        %add3A_468 = arith.addf %add3A_456, %get3A_466 : vector<16xf32>
        %mul3A_469 = arith.mulf %get3A_466, %get3A_466 : vector<16xf32>
        %add3A_470 = arith.addf %add3A_458, %mul3A_469 : vector<16xf32>
        %mul3A_471 = arith.constant 16 : i32
        %mul3A_472 = arith.muli %scan3A_227, %mul3A_471 : i32
        %add3A_473 = arith.constant 3 : i32
        %add3A_474 = arith.addi %mul3A_472, %add3A_473 : i32
        %get3A_475 = arith.index_cast %add3A_474 : i32 to index
        %get3A_476 = arith.constant 16 : index
        %get3A_477 = tpu.vector_load %arg9[%get3A_475, %get3A_476] {strides = array<i32>} : memref<128x128xf32, #tpu.memory_space<vmem>>, vector<1x16xf32>,
        %get3A_478 = vector.shape_cast %get3A_477 : vector<1x16xf32> to vector<16xf32>
        %max3A_479 = arith.maximumf %max3A_467, %get3A_478 : vector<16xf32>
        %add3A_480 = arith.addf %add3A_468, %get3A_478 : vector<16xf32>
        %mul3A_481 = arith.mulf %get3A_478, %get3A_478 : vector<16xf32>
        %add3A_482 = arith.addf %add3A_470, %mul3A_481 : vector<16xf32>
        %mul3A_483 = arith.constant 16 : i32
        %mul3A_484 = arith.muli %scan3A_227, %mul3A_483 : i32
        %add3A_485 = arith.constant 4 : i32
        %add3A_486 = arith.addi %mul3A_484, %add3A_485 : i32
        %get3A_487 = arith.index_cast %add3A_486 : i32 to index
        %get3A_488 = arith.constant 16 : index
        %get3A_489 = tpu.vector_load %arg9[%get3A_487, %get3A_488] {strides = array<i32>} : memref<128x128xf32, #tpu.memory_space<vmem>>, vector<1x16xf32>,
        %get3A_490 = vector.shape_cast %get3A_489 : vector<1x16xf32> to vector<16xf32>
        %max3A_491 = arith.maximumf %max3A_479, %get3A_490 : vector<16xf32>
        %add3A_492 = arith.addf %add3A_480, %get3A_490 : vector<16xf32>
        %mul3A_493 = arith.mulf %get3A_490, %get3A_490 : vector<16xf32>
        %add3A_494 = arith.addf %add3A_482, %mul3A_493 : vector<16xf32>
        %mul3A_495 = arith.constant 16 : i32
        %mul3A_496 = arith.muli %scan3A_227, %mul3A_495 : i32
        %add3A_497 = arith.constant 5 : i32
        %add3A_498 = arith.addi %mul3A_496, %add3A_497 : i32
        %get3A_499 = arith.index_cast %add3A_498 : i32 to index
        %get3A_500 = arith.constant 16 : index
        %get3A_501 = tpu.vector_load %arg9[%get3A_499, %get3A_500] {strides = array<i32>} : memref<128x128xf32, #tpu.memory_space<vmem>>, vector<1x16xf32>,
        %get3A_502 = vector.shape_cast %get3A_501 : vector<1x16xf32> to vector<16xf32>
        %max3A_503 = arith.maximumf %max3A_491, %get3A_502 : vector<16xf32>
        %add3A_504 = arith.addf %add3A_492, %get3A_502 : vector<16xf32>
        %mul3A_505 = arith.mulf %get3A_502, %get3A_502 : vector<16xf32>
        %add3A_506 = arith.addf %add3A_494, %mul3A_505 : vector<16xf32>
        %mul3A_507 = arith.constant 16 : i32
        %mul3A_508 = arith.muli %scan3A_227, %mul3A_507 : i32
        %add3A_509 = arith.constant 6 : i32
        %add3A_510 = arith.addi %mul3A_508, %add3A_509 : i32
        %get3A_511 = arith.index_cast %add3A_510 : i32 to index
        %get3A_512 = arith.constant 16 : index
        %get3A_513 = tpu.vector_load %arg9[%get3A_511, %get3A_512] {strides = array<i32>} : memref<128x128xf32, #tpu.memory_space<vmem>>, vector<1x16xf32>,
        %get3A_514 = vector.shape_cast %get3A_513 : vector<1x16xf32> to vector<16xf32>
        %max3A_515 = arith.maximumf %max3A_503, %get3A_514 : vector<16xf32>
        %add3A_516 = arith.addf %add3A_504, %get3A_514 : vector<16xf32>
        %mul3A_517 = arith.mulf %get3A_514, %get3A_514 : vector<16xf32>
        %add3A_518 = arith.addf %add3A_506, %mul3A_517 : vector<16xf32>
        %mul3A_519 = arith.constant 16 : i32
        %mul3A_520 = arith.muli %scan3A_227, %mul3A_519 : i32
        %add3A_521 = arith.constant 7 : i32
        %add3A_522 = arith.addi %mul3A_520, %add3A_521 : i32
        %get3A_523 = arith.index_cast %add3A_522 : i32 to index
        %get3A_524 = arith.constant 16 : index
        %get3A_525 = tpu.vector_load %arg9[%get3A_523, %get3A_524] {strides = array<i32>} : memref<128x128xf32, #tpu.memory_space<vmem>>, vector<1x16xf32>,
        %get3A_526 = vector.shape_cast %get3A_525 : vector<1x16xf32> to vector<16xf32>
        %max3A_527 = arith.maximumf %max3A_515, %get3A_526 : vector<16xf32>
        %add3A_528 = arith.addf %add3A_516, %get3A_526 : vector<16xf32>
        %mul3A_529 = arith.mulf %get3A_526, %get3A_526 : vector<16xf32>
        %add3A_530 = arith.addf %add3A_518, %mul3A_529 : vector<16xf32>
        %mul3A_531 = arith.constant 16 : i32
        %mul3A_532 = arith.muli %scan3A_227, %mul3A_531 : i32
        %add3A_533 = arith.constant 8 : i32
        %add3A_534 = arith.addi %mul3A_532, %add3A_533 : i32
        %get3A_535 = arith.index_cast %add3A_534 : i32 to index
        %get3A_536 = arith.constant 16 : index
        %get3A_537 = tpu.vector_load %arg9[%get3A_535, %get3A_536] {strides = array<i32>} : memref<128x128xf32, #tpu.memory_space<vmem>>, vector<1x16xf32>,
        %get3A_538 = vector.shape_cast %get3A_537 : vector<1x16xf32> to vector<16xf32>
        %max3A_539 = arith.maximumf %max3A_527, %get3A_538 : vector<16xf32>
        %add3A_540 = arith.addf %add3A_528, %get3A_538 : vector<16xf32>
        %mul3A_541 = arith.mulf %get3A_538, %get3A_538 : vector<16xf32>
        %add3A_542 = arith.addf %add3A_530, %mul3A_541 : vector<16xf32>
        %mul3A_543 = arith.constant 16 : i32
        %mul3A_544 = arith.muli %scan3A_227, %mul3A_543 : i32
        %add3A_545 = arith.constant 9 : i32
        %add3A_546 = arith.addi %mul3A_544, %add3A_545 : i32
        %get3A_547 = arith.index_cast %add3A_546 : i32 to index
        %get3A_548 = arith.constant 16 : index
        %get3A_549 = tpu.vector_load %arg9[%get3A_547, %get3A_548] {strides = array<i32>} : memref<128x128xf32, #tpu.memory_space<vmem>>, vector<1x16xf32>,
        %get3A_550 = vector.shape_cast %get3A_549 : vector<1x16xf32> to vector<16xf32>
        %max3A_551 = arith.maximumf %max3A_539, %get3A_550 : vector<16xf32>
        %add3A_552 = arith.addf %add3A_540, %get3A_550 : vector<16xf32>
        %mul3A_553 = arith.mulf %get3A_550, %get3A_550 : vector<16xf32>
        %add3A_554 = arith.addf %add3A_542, %mul3A_553 : vector<16xf32>
        %mul3A_555 = arith.constant 16 : i32
        %mul3A_556 = arith.muli %scan3A_227, %mul3A_555 : i32
        %add3A_557 = arith.constant 10 : i32
        %add3A_558 = arith.addi %mul3A_556, %add3A_557 : i32
        %get3A_559 = arith.index_cast %add3A_558 : i32 to index
        %get3A_560 = arith.constant 16 : index
        %get3A_561 = tpu.vector_load %arg9[%get3A_559, %get3A_560] {strides = array<i32>} : memref<128x128xf32, #tpu.memory_space<vmem>>, vector<1x16xf32>,
        %get3A_562 = vector.shape_cast %get3A_561 : vector<1x16xf32> to vector<16xf32>
        %max3A_563 = arith.maximumf %max3A_551, %get3A_562 : vector<16xf32>
        %add3A_564 = arith.addf %add3A_552, %get3A_562 : vector<16xf32>
        %mul3A_565 = arith.mulf %get3A_562, %get3A_562 : vector<16xf32>
        %add3A_566 = arith.addf %add3A_554, %mul3A_565 : vector<16xf32>
        %mul3A_567 = arith.constant 16 : i32
        %mul3A_568 = arith.muli %scan3A_227, %mul3A_567 : i32
        %add3A_569 = arith.constant 11 : i32
        %add3A_570 = arith.addi %mul3A_568, %add3A_569 : i32
        %get3A_571 = arith.index_cast %add3A_570 : i32 to index
        %get3A_572 = arith.constant 16 : index
        %get3A_573 = tpu.vector_load %arg9[%get3A_571, %get3A_572] {strides = array<i32>} : memref<128x128xf32, #tpu.memory_space<vmem>>, vector<1x16xf32>,
        %get3A_574 = vector.shape_cast %get3A_573 : vector<1x16xf32> to vector<16xf32>
        %max3A_575 = arith.maximumf %max3A_563, %get3A_574 : vector<16xf32>
        %add3A_576 = arith.addf %add3A_564, %get3A_574 : vector<16xf32>
        %mul3A_577 = arith.mulf %get3A_574, %get3A_574 : vector<16xf32>
        %add3A_578 = arith.addf %add3A_566, %mul3A_577 : vector<16xf32>
        %mul3A_579 = arith.constant 16 : i32
        %mul3A_580 = arith.muli %scan3A_227, %mul3A_579 : i32
        %add3A_581 = arith.constant 12 : i32
        %add3A_582 = arith.addi %mul3A_580, %add3A_581 : i32
        %get3A_583 = arith.index_cast %add3A_582 : i32 to index
        %get3A_584 = arith.constant 16 : index
        %get3A_585 = tpu.vector_load %arg9[%get3A_583, %get3A_584] {strides = array<i32>} : memref<128x128xf32, #tpu.memory_space<vmem>>, vector<1x16xf32>,
        %get3A_586 = vector.shape_cast %get3A_585 : vector<1x16xf32> to vector<16xf32>
        %max3A_587 = arith.maximumf %max3A_575, %get3A_586 : vector<16xf32>
        %add3A_588 = arith.addf %add3A_576, %get3A_586 : vector<16xf32>
        %mul3A_589 = arith.mulf %get3A_586, %get3A_586 : vector<16xf32>
        %add3A_590 = arith.addf %add3A_578, %mul3A_589 : vector<16xf32>
        %mul3A_591 = arith.constant 16 : i32
        %mul3A_592 = arith.muli %scan3A_227, %mul3A_591 : i32
        %add3A_593 = arith.constant 13 : i32
        %add3A_594 = arith.addi %mul3A_592, %add3A_593 : i32
        %get3A_595 = arith.index_cast %add3A_594 : i32 to index
        %get3A_596 = arith.constant 16 : index
        %get3A_597 = tpu.vector_load %arg9[%get3A_595, %get3A_596] {strides = array<i32>} : memref<128x128xf32, #tpu.memory_space<vmem>>, vector<1x16xf32>,
        %get3A_598 = vector.shape_cast %get3A_597 : vector<1x16xf32> to vector<16xf32>
        %max3A_599 = arith.maximumf %max3A_587, %get3A_598 : vector<16xf32>
        %add3A_600 = arith.addf %add3A_588, %get3A_598 : vector<16xf32>
        %mul3A_601 = arith.mulf %get3A_598, %get3A_598 : vector<16xf32>
        %add3A_602 = arith.addf %add3A_590, %mul3A_601 : vector<16xf32>
        %mul3A_603 = arith.constant 16 : i32
        %mul3A_604 = arith.muli %scan3A_227, %mul3A_603 : i32
        %add3A_605 = arith.constant 14 : i32
        %add3A_606 = arith.addi %mul3A_604, %add3A_605 : i32
        %get3A_607 = arith.index_cast %add3A_606 : i32 to index
        %get3A_608 = arith.constant 16 : index
        %get3A_609 = tpu.vector_load %arg9[%get3A_607, %get3A_608] {strides = array<i32>} : memref<128x128xf32, #tpu.memory_space<vmem>>, vector<1x16xf32>,
        %get3A_610 = vector.shape_cast %get3A_609 : vector<1x16xf32> to vector<16xf32>
        %max3A_611 = arith.maximumf %max3A_599, %get3A_610 : vector<16xf32>
        %add3A_612 = arith.addf %add3A_600, %get3A_610 : vector<16xf32>
        %mul3A_613 = arith.mulf %get3A_610, %get3A_610 : vector<16xf32>
        %add3A_614 = arith.addf %add3A_602, %mul3A_613 : vector<16xf32>
        %mul3A_615 = arith.constant 16 : i32
        %mul3A_616 = arith.muli %scan3A_227, %mul3A_615 : i32
        %add3A_617 = arith.constant 15 : i32
        %add3A_618 = arith.addi %mul3A_616, %add3A_617 : i32
        %get3A_619 = arith.index_cast %add3A_618 : i32 to index
        %get3A_620 = arith.constant 16 : index
        %get3A_621 = tpu.vector_load %arg9[%get3A_619, %get3A_620] {strides = array<i32>} : memref<128x128xf32, #tpu.memory_space<vmem>>, vector<1x16xf32>,
        %get3A_622 = vector.shape_cast %get3A_621 : vector<1x16xf32> to vector<16xf32>
        %max3A_623 = arith.maximumf %max3A_611, %get3A_622 : vector<16xf32>
        %add3A_624 = arith.addf %add3A_612, %get3A_622 : vector<16xf32>
        %mul3A_625 = arith.mulf %get3A_622, %get3A_622 : vector<16xf32>
        %add3A_626 = arith.addf %add3A_614, %mul3A_625 : vector<16xf32>
        %swap3A_627 = arith.index_cast %rem3A_116 : i32 to index
        %swap3A_628 = arith.index_cast %add3A_230 : i32 to index
        %swap3A_629 = arith.constant 16 : index
        %swap3A_630 = tpu.vector_load %arg12[%swap3A_627, %swap3A_628, %swap3A_629] {strides = array<i32>} : memref<2x32x64xf32, #tpu.memory_space<vmem>>, vector<1x1x16xf32>,
        %swap3A_631 = vector.shape_cast %swap3A_630 : vector<1x1x16xf32> to vector<16xf32>
        %swap3A_632 = vector.shape_cast %max3A_623 : vector<16xf32> to vector<1x1x16xf32>
        tpu.vector_store %arg12[%swap3A_627, %swap3A_628, %swap3A_629], %swap3A_632 {strides = array<i32>} : memref<2x32x64xf32, #tpu.memory_space<vmem>>, vector<1x1x16xf32>,
        %swap3A_633 = arith.index_cast %rem3A_116 : i32 to index
        %swap3A_634 = arith.index_cast %add3A_230 : i32 to index
        %swap3A_635 = arith.constant 16 : index
        %swap3A_636 = tpu.vector_load %arg13[%swap3A_633, %swap3A_634, %swap3A_635] {strides = array<i32>} : memref<2x32x64xf32, #tpu.memory_space<vmem>>, vector<1x1x16xf32>,
        %swap3A_637 = vector.shape_cast %swap3A_636 : vector<1x1x16xf32> to vector<16xf32>
        %swap3A_638 = vector.shape_cast %add3A_624 : vector<16xf32> to vector<1x1x16xf32>
        tpu.vector_store %arg13[%swap3A_633, %swap3A_634, %swap3A_635], %swap3A_638 {strides = array<i32>} : memref<2x32x64xf32, #tpu.memory_space<vmem>>, vector<1x1x16xf32>,
        %get3A_639 = arith.constant 0 : i32
        %get3A_640 = arith.index_cast %get3A_639 : i32 to index
        %get3A_641 = arith.constant 16 : index
        %get3A_642 = tpu.vector_load %arg14[%get3A_640, %get3A_641] {strides = array<i32>} : memref<1x64xf32, #tpu.memory_space<vmem>>, vector<1x16xf32>,
        %get3A_643 = vector.shape_cast %get3A_642 : vector<1x16xf32> to vector<16xf32>
        %add3A_644 = arith.addf %get3A_643, %add3A_626 : vector<16xf32>
        %swap3A_645 = arith.constant 0 : i32
        %swap3A_646 = arith.index_cast %swap3A_645 : i32 to index
        %swap3A_647 = arith.constant 16 : index
        %swap3A_648 = tpu.vector_load %arg14[%swap3A_646, %swap3A_647] {strides = array<i32>} : memref<1x64xf32, #tpu.memory_space<vmem>>, vector<1x16xf32>,
        %swap3A_649 = vector.shape_cast %swap3A_648 : vector<1x16xf32> to vector<16xf32>
        %swap3A_650 = vector.shape_cast %add3A_644 : vector<16xf32> to vector<1x16xf32>
        tpu.vector_store %arg14[%swap3A_646, %swap3A_647], %swap3A_650 {strides = array<i32>} : memref<1x64xf32, #tpu.memory_space<vmem>>, vector<1x16xf32>,
        %mul3A_651 = arith.constant 16 : i32
        %mul3A_652 = arith.muli %scan3A_227, %mul3A_651 : i32
        %get3A_653 = arith.index_cast %mul3A_652 : i32 to index
        %get3A_654 = arith.constant 32 : index
        %get3A_655 = tpu.vector_load %arg9[%get3A_653, %get3A_654] {strides = array<i32>} : memref<128x128xf32, #tpu.memory_space<vmem>>, vector<1x16xf32>,
        %get3A_656 = vector.shape_cast %get3A_655 : vector<1x16xf32> to vector<16xf32>
        %mul3A_657 = arith.mulf %get3A_656, %get3A_656 : vector<16xf32>
        %mul3A_658 = arith.constant 16 : i32
        %mul3A_659 = arith.muli %scan3A_227, %mul3A_658 : i32
        %add3A_660 = arith.constant 1 : i32
        %add3A_661 = arith.addi %mul3A_659, %add3A_660 : i32
        %get3A_662 = arith.index_cast %add3A_661 : i32 to index
        %get3A_663 = arith.constant 32 : index
        %get3A_664 = tpu.vector_load %arg9[%get3A_662, %get3A_663] {strides = array<i32>} : memref<128x128xf32, #tpu.memory_space<vmem>>, vector<1x16xf32>,
        %get3A_665 = vector.shape_cast %get3A_664 : vector<1x16xf32> to vector<16xf32>
        %max3A_666 = arith.maximumf %get3A_656, %get3A_665 : vector<16xf32>
        %add3A_667 = arith.addf %get3A_656, %get3A_665 : vector<16xf32>
        %mul3A_668 = arith.mulf %get3A_665, %get3A_665 : vector<16xf32>
        %add3A_669 = arith.addf %mul3A_657, %mul3A_668 : vector<16xf32>
        %mul3A_670 = arith.constant 16 : i32
        %mul3A_671 = arith.muli %scan3A_227, %mul3A_670 : i32
        %add3A_672 = arith.constant 2 : i32
        %add3A_673 = arith.addi %mul3A_671, %add3A_672 : i32
        %get3A_674 = arith.index_cast %add3A_673 : i32 to index
        %get3A_675 = arith.constant 32 : index
        %get3A_676 = tpu.vector_load %arg9[%get3A_674, %get3A_675] {strides = array<i32>} : memref<128x128xf32, #tpu.memory_space<vmem>>, vector<1x16xf32>,
        %get3A_677 = vector.shape_cast %get3A_676 : vector<1x16xf32> to vector<16xf32>
        %max3A_678 = arith.maximumf %max3A_666, %get3A_677 : vector<16xf32>
        %add3A_679 = arith.addf %add3A_667, %get3A_677 : vector<16xf32>
        %mul3A_680 = arith.mulf %get3A_677, %get3A_677 : vector<16xf32>
        %add3A_681 = arith.addf %add3A_669, %mul3A_680 : vector<16xf32>
        %mul3A_682 = arith.constant 16 : i32
        %mul3A_683 = arith.muli %scan3A_227, %mul3A_682 : i32
        %add3A_684 = arith.constant 3 : i32
        %add3A_685 = arith.addi %mul3A_683, %add3A_684 : i32
        %get3A_686 = arith.index_cast %add3A_685 : i32 to index
        %get3A_687 = arith.constant 32 : index
        %get3A_688 = tpu.vector_load %arg9[%get3A_686, %get3A_687] {strides = array<i32>} : memref<128x128xf32, #tpu.memory_space<vmem>>, vector<1x16xf32>,
        %get3A_689 = vector.shape_cast %get3A_688 : vector<1x16xf32> to vector<16xf32>
        %max3A_690 = arith.maximumf %max3A_678, %get3A_689 : vector<16xf32>
        %add3A_691 = arith.addf %add3A_679, %get3A_689 : vector<16xf32>
        %mul3A_692 = arith.mulf %get3A_689, %get3A_689 : vector<16xf32>
        %add3A_693 = arith.addf %add3A_681, %mul3A_692 : vector<16xf32>
        %mul3A_694 = arith.constant 16 : i32
        %mul3A_695 = arith.muli %scan3A_227, %mul3A_694 : i32
        %add3A_696 = arith.constant 4 : i32
        %add3A_697 = arith.addi %mul3A_695, %add3A_696 : i32
        %get3A_698 = arith.index_cast %add3A_697 : i32 to index
        %get3A_699 = arith.constant 32 : index
        %get3A_700 = tpu.vector_load %arg9[%get3A_698, %get3A_699] {strides = array<i32>} : memref<128x128xf32, #tpu.memory_space<vmem>>, vector<1x16xf32>,
        %get3A_701 = vector.shape_cast %get3A_700 : vector<1x16xf32> to vector<16xf32>
        %max3A_702 = arith.maximumf %max3A_690, %get3A_701 : vector<16xf32>
        %add3A_703 = arith.addf %add3A_691, %get3A_701 : vector<16xf32>
        %mul3A_704 = arith.mulf %get3A_701, %get3A_701 : vector<16xf32>
        %add3A_705 = arith.addf %add3A_693, %mul3A_704 : vector<16xf32>
        %mul3A_706 = arith.constant 16 : i32
        %mul3A_707 = arith.muli %scan3A_227, %mul3A_706 : i32
        %add3A_708 = arith.constant 5 : i32
        %add3A_709 = arith.addi %mul3A_707, %add3A_708 : i32
        %get3A_710 = arith.index_cast %add3A_709 : i32 to index
        %get3A_711 = arith.constant 32 : index
        %get3A_712 = tpu.vector_load %arg9[%get3A_710, %get3A_711] {strides = array<i32>} : memref<128x128xf32, #tpu.memory_space<vmem>>, vector<1x16xf32>,
        %get3A_713 = vector.shape_cast %get3A_712 : vector<1x16xf32> to vector<16xf32>
        %max3A_714 = arith.maximumf %max3A_702, %get3A_713 : vector<16xf32>
        %add3A_715 = arith.addf %add3A_703, %get3A_713 : vector<16xf32>
        %mul3A_716 = arith.mulf %get3A_713, %get3A_713 : vector<16xf32>
        %add3A_717 = arith.addf %add3A_705, %mul3A_716 : vector<16xf32>
        %mul3A_718 = arith.constant 16 : i32
        %mul3A_719 = arith.muli %scan3A_227, %mul3A_718 : i32
        %add3A_720 = arith.constant 6 : i32
        %add3A_721 = arith.addi %mul3A_719, %add3A_720 : i32
        %get3A_722 = arith.index_cast %add3A_721 : i32 to index
        %get3A_723 = arith.constant 32 : index
        %get3A_724 = tpu.vector_load %arg9[%get3A_722, %get3A_723] {strides = array<i32>} : memref<128x128xf32, #tpu.memory_space<vmem>>, vector<1x16xf32>,
        %get3A_725 = vector.shape_cast %get3A_724 : vector<1x16xf32> to vector<16xf32>
        %max3A_726 = arith.maximumf %max3A_714, %get3A_725 : vector<16xf32>
        %add3A_727 = arith.addf %add3A_715, %get3A_725 : vector<16xf32>
        %mul3A_728 = arith.mulf %get3A_725, %get3A_725 : vector<16xf32>
        %add3A_729 = arith.addf %add3A_717, %mul3A_728 : vector<16xf32>
        %mul3A_730 = arith.constant 16 : i32
        %mul3A_731 = arith.muli %scan3A_227, %mul3A_730 : i32
        %add3A_732 = arith.constant 7 : i32
        %add3A_733 = arith.addi %mul3A_731, %add3A_732 : i32
        %get3A_734 = arith.index_cast %add3A_733 : i32 to index
        %get3A_735 = arith.constant 32 : index
        %get3A_736 = tpu.vector_load %arg9[%get3A_734, %get3A_735] {strides = array<i32>} : memref<128x128xf32, #tpu.memory_space<vmem>>, vector<1x16xf32>,
        %get3A_737 = vector.shape_cast %get3A_736 : vector<1x16xf32> to vector<16xf32>
        %max3A_738 = arith.maximumf %max3A_726, %get3A_737 : vector<16xf32>
        %add3A_739 = arith.addf %add3A_727, %get3A_737 : vector<16xf32>
        %mul3A_740 = arith.mulf %get3A_737, %get3A_737 : vector<16xf32>
        %add3A_741 = arith.addf %add3A_729, %mul3A_740 : vector<16xf32>
        %mul3A_742 = arith.constant 16 : i32
        %mul3A_743 = arith.muli %scan3A_227, %mul3A_742 : i32
        %add3A_744 = arith.constant 8 : i32
        %add3A_745 = arith.addi %mul3A_743, %add3A_744 : i32
        %get3A_746 = arith.index_cast %add3A_745 : i32 to index
        %get3A_747 = arith.constant 32 : index
        %get3A_748 = tpu.vector_load %arg9[%get3A_746, %get3A_747] {strides = array<i32>} : memref<128x128xf32, #tpu.memory_space<vmem>>, vector<1x16xf32>,
        %get3A_749 = vector.shape_cast %get3A_748 : vector<1x16xf32> to vector<16xf32>
        %max3A_750 = arith.maximumf %max3A_738, %get3A_749 : vector<16xf32>
        %add3A_751 = arith.addf %add3A_739, %get3A_749 : vector<16xf32>
        %mul3A_752 = arith.mulf %get3A_749, %get3A_749 : vector<16xf32>
        %add3A_753 = arith.addf %add3A_741, %mul3A_752 : vector<16xf32>
        %mul3A_754 = arith.constant 16 : i32
        %mul3A_755 = arith.muli %scan3A_227, %mul3A_754 : i32
        %add3A_756 = arith.constant 9 : i32
        %add3A_757 = arith.addi %mul3A_755, %add3A_756 : i32
        %get3A_758 = arith.index_cast %add3A_757 : i32 to index
        %get3A_759 = arith.constant 32 : index
        %get3A_760 = tpu.vector_load %arg9[%get3A_758, %get3A_759] {strides = array<i32>} : memref<128x128xf32, #tpu.memory_space<vmem>>, vector<1x16xf32>,
        %get3A_761 = vector.shape_cast %get3A_760 : vector<1x16xf32> to vector<16xf32>
        %max3A_762 = arith.maximumf %max3A_750, %get3A_761 : vector<16xf32>
        %add3A_763 = arith.addf %add3A_751, %get3A_761 : vector<16xf32>
        %mul3A_764 = arith.mulf %get3A_761, %get3A_761 : vector<16xf32>
        %add3A_765 = arith.addf %add3A_753, %mul3A_764 : vector<16xf32>
        %mul3A_766 = arith.constant 16 : i32
        %mul3A_767 = arith.muli %scan3A_227, %mul3A_766 : i32
        %add3A_768 = arith.constant 10 : i32
        %add3A_769 = arith.addi %mul3A_767, %add3A_768 : i32
        %get3A_770 = arith.index_cast %add3A_769 : i32 to index
        %get3A_771 = arith.constant 32 : index
        %get3A_772 = tpu.vector_load %arg9[%get3A_770, %get3A_771] {strides = array<i32>} : memref<128x128xf32, #tpu.memory_space<vmem>>, vector<1x16xf32>,
        %get3A_773 = vector.shape_cast %get3A_772 : vector<1x16xf32> to vector<16xf32>
        %max3A_774 = arith.maximumf %max3A_762, %get3A_773 : vector<16xf32>
        %add3A_775 = arith.addf %add3A_763, %get3A_773 : vector<16xf32>
        %mul3A_776 = arith.mulf %get3A_773, %get3A_773 : vector<16xf32>
        %add3A_777 = arith.addf %add3A_765, %mul3A_776 : vector<16xf32>
        %mul3A_778 = arith.constant 16 : i32
        %mul3A_779 = arith.muli %scan3A_227, %mul3A_778 : i32
        %add3A_780 = arith.constant 11 : i32
        %add3A_781 = arith.addi %mul3A_779, %add3A_780 : i32
        %get3A_782 = arith.index_cast %add3A_781 : i32 to index
        %get3A_783 = arith.constant 32 : index
        %get3A_784 = tpu.vector_load %arg9[%get3A_782, %get3A_783] {strides = array<i32>} : memref<128x128xf32, #tpu.memory_space<vmem>>, vector<1x16xf32>,
        %get3A_785 = vector.shape_cast %get3A_784 : vector<1x16xf32> to vector<16xf32>
        %max3A_786 = arith.maximumf %max3A_774, %get3A_785 : vector<16xf32>
        %add3A_787 = arith.addf %add3A_775, %get3A_785 : vector<16xf32>
        %mul3A_788 = arith.mulf %get3A_785, %get3A_785 : vector<16xf32>
        %add3A_789 = arith.addf %add3A_777, %mul3A_788 : vector<16xf32>
        %mul3A_790 = arith.constant 16 : i32
        %mul3A_791 = arith.muli %scan3A_227, %mul3A_790 : i32
        %add3A_792 = arith.constant 12 : i32
        %add3A_793 = arith.addi %mul3A_791, %add3A_792 : i32
        %get3A_794 = arith.index_cast %add3A_793 : i32 to index
        %get3A_795 = arith.constant 32 : index
        %get3A_796 = tpu.vector_load %arg9[%get3A_794, %get3A_795] {strides = array<i32>} : memref<128x128xf32, #tpu.memory_space<vmem>>, vector<1x16xf32>,
        %get3A_797 = vector.shape_cast %get3A_796 : vector<1x16xf32> to vector<16xf32>
        %max3A_798 = arith.maximumf %max3A_786, %get3A_797 : vector<16xf32>
        %add3A_799 = arith.addf %add3A_787, %get3A_797 : vector<16xf32>
        %mul3A_800 = arith.mulf %get3A_797, %get3A_797 : vector<16xf32>
        %add3A_801 = arith.addf %add3A_789, %mul3A_800 : vector<16xf32>
        %mul3A_802 = arith.constant 16 : i32
        %mul3A_803 = arith.muli %scan3A_227, %mul3A_802 : i32
        %add3A_804 = arith.constant 13 : i32
        %add3A_805 = arith.addi %mul3A_803, %add3A_804 : i32
        %get3A_806 = arith.index_cast %add3A_805 : i32 to index
        %get3A_807 = arith.constant 32 : index
        %get3A_808 = tpu.vector_load %arg9[%get3A_806, %get3A_807] {strides = array<i32>} : memref<128x128xf32, #tpu.memory_space<vmem>>, vector<1x16xf32>,
        %get3A_809 = vector.shape_cast %get3A_808 : vector<1x16xf32> to vector<16xf32>
        %max3A_810 = arith.maximumf %max3A_798, %get3A_809 : vector<16xf32>
        %add3A_811 = arith.addf %add3A_799, %get3A_809 : vector<16xf32>
        %mul3A_812 = arith.mulf %get3A_809, %get3A_809 : vector<16xf32>
        %add3A_813 = arith.addf %add3A_801, %mul3A_812 : vector<16xf32>
        %mul3A_814 = arith.constant 16 : i32
        %mul3A_815 = arith.muli %scan3A_227, %mul3A_814 : i32
        %add3A_816 = arith.constant 14 : i32
        %add3A_817 = arith.addi %mul3A_815, %add3A_816 : i32
        %get3A_818 = arith.index_cast %add3A_817 : i32 to index
        %get3A_819 = arith.constant 32 : index
        %get3A_820 = tpu.vector_load %arg9[%get3A_818, %get3A_819] {strides = array<i32>} : memref<128x128xf32, #tpu.memory_space<vmem>>, vector<1x16xf32>,
        %get3A_821 = vector.shape_cast %get3A_820 : vector<1x16xf32> to vector<16xf32>
        %max3A_822 = arith.maximumf %max3A_810, %get3A_821 : vector<16xf32>
        %add3A_823 = arith.addf %add3A_811, %get3A_821 : vector<16xf32>
        %mul3A_824 = arith.mulf %get3A_821, %get3A_821 : vector<16xf32>
        %add3A_825 = arith.addf %add3A_813, %mul3A_824 : vector<16xf32>
        %mul3A_826 = arith.constant 16 : i32
        %mul3A_827 = arith.muli %scan3A_227, %mul3A_826 : i32
        %add3A_828 = arith.constant 15 : i32
        %add3A_829 = arith.addi %mul3A_827, %add3A_828 : i32
        %get3A_830 = arith.index_cast %add3A_829 : i32 to index
        %get3A_831 = arith.constant 32 : index
        %get3A_832 = tpu.vector_load %arg9[%get3A_830, %get3A_831] {strides = array<i32>} : memref<128x128xf32, #tpu.memory_space<vmem>>, vector<1x16xf32>,
        %get3A_833 = vector.shape_cast %get3A_832 : vector<1x16xf32> to vector<16xf32>
        %max3A_834 = arith.maximumf %max3A_822, %get3A_833 : vector<16xf32>
        %add3A_835 = arith.addf %add3A_823, %get3A_833 : vector<16xf32>
        %mul3A_836 = arith.mulf %get3A_833, %get3A_833 : vector<16xf32>
        %add3A_837 = arith.addf %add3A_825, %mul3A_836 : vector<16xf32>
        %swap3A_838 = arith.index_cast %rem3A_116 : i32 to index
        %swap3A_839 = arith.index_cast %add3A_230 : i32 to index
        %swap3A_840 = arith.constant 32 : index
        %swap3A_841 = tpu.vector_load %arg12[%swap3A_838, %swap3A_839, %swap3A_840] {strides = array<i32>} : memref<2x32x64xf32, #tpu.memory_space<vmem>>, vector<1x1x16xf32>,
        %swap3A_842 = vector.shape_cast %swap3A_841 : vector<1x1x16xf32> to vector<16xf32>
        %swap3A_843 = vector.shape_cast %max3A_834 : vector<16xf32> to vector<1x1x16xf32>
        tpu.vector_store %arg12[%swap3A_838, %swap3A_839, %swap3A_840], %swap3A_843 {strides = array<i32>} : memref<2x32x64xf32, #tpu.memory_space<vmem>>, vector<1x1x16xf32>,
        %swap3A_844 = arith.index_cast %rem3A_116 : i32 to index
        %swap3A_845 = arith.index_cast %add3A_230 : i32 to index
        %swap3A_846 = arith.constant 32 : index
        %swap3A_847 = tpu.vector_load %arg13[%swap3A_844, %swap3A_845, %swap3A_846] {strides = array<i32>} : memref<2x32x64xf32, #tpu.memory_space<vmem>>, vector<1x1x16xf32>,
        %swap3A_848 = vector.shape_cast %swap3A_847 : vector<1x1x16xf32> to vector<16xf32>
        %swap3A_849 = vector.shape_cast %add3A_835 : vector<16xf32> to vector<1x1x16xf32>
        tpu.vector_store %arg13[%swap3A_844, %swap3A_845, %swap3A_846], %swap3A_849 {strides = array<i32>} : memref<2x32x64xf32, #tpu.memory_space<vmem>>, vector<1x1x16xf32>,
        %get3A_850 = arith.constant 0 : i32
        %get3A_851 = arith.index_cast %get3A_850 : i32 to index
        %get3A_852 = arith.constant 32 : index
        %get3A_853 = tpu.vector_load %arg14[%get3A_851, %get3A_852] {strides = array<i32>} : memref<1x64xf32, #tpu.memory_space<vmem>>, vector<1x16xf32>,
        %get3A_854 = vector.shape_cast %get3A_853 : vector<1x16xf32> to vector<16xf32>
        %add3A_855 = arith.addf %get3A_854, %add3A_837 : vector<16xf32>
        %swap3A_856 = arith.constant 0 : i32
        %swap3A_857 = arith.index_cast %swap3A_856 : i32 to index
        %swap3A_858 = arith.constant 32 : index
        %swap3A_859 = tpu.vector_load %arg14[%swap3A_857, %swap3A_858] {strides = array<i32>} : memref<1x64xf32, #tpu.memory_space<vmem>>, vector<1x16xf32>,
        %swap3A_860 = vector.shape_cast %swap3A_859 : vector<1x16xf32> to vector<16xf32>
        %swap3A_861 = vector.shape_cast %add3A_855 : vector<16xf32> to vector<1x16xf32>
        tpu.vector_store %arg14[%swap3A_857, %swap3A_858], %swap3A_861 {strides = array<i32>} : memref<1x64xf32, #tpu.memory_space<vmem>>, vector<1x16xf32>,
        %mul3A_862 = arith.constant 16 : i32
        %mul3A_863 = arith.muli %scan3A_227, %mul3A_862 : i32
        %get3A_864 = arith.index_cast %mul3A_863 : i32 to index
        %get3A_865 = arith.constant 48 : index
        %get3A_866 = tpu.vector_load %arg9[%get3A_864, %get3A_865] {strides = array<i32>} : memref<128x128xf32, #tpu.memory_space<vmem>>, vector<1x16xf32>,
        %get3A_867 = vector.shape_cast %get3A_866 : vector<1x16xf32> to vector<16xf32>
        %mul3A_868 = arith.mulf %get3A_867, %get3A_867 : vector<16xf32>
        %mul3A_869 = arith.constant 16 : i32
        %mul3A_870 = arith.muli %scan3A_227, %mul3A_869 : i32
        %add3A_871 = arith.constant 1 : i32
        %add3A_872 = arith.addi %mul3A_870, %add3A_871 : i32
        %get3A_873 = arith.index_cast %add3A_872 : i32 to index
        %get3A_874 = arith.constant 48 : index
        %get3A_875 = tpu.vector_load %arg9[%get3A_873, %get3A_874] {strides = array<i32>} : memref<128x128xf32, #tpu.memory_space<vmem>>, vector<1x16xf32>,
        %get3A_876 = vector.shape_cast %get3A_875 : vector<1x16xf32> to vector<16xf32>
        %max3A_877 = arith.maximumf %get3A_867, %get3A_876 : vector<16xf32>
        %add3A_878 = arith.addf %get3A_867, %get3A_876 : vector<16xf32>
        %mul3A_879 = arith.mulf %get3A_876, %get3A_876 : vector<16xf32>
        %add3A_880 = arith.addf %mul3A_868, %mul3A_879 : vector<16xf32>
        %mul3A_881 = arith.constant 16 : i32
        %mul3A_882 = arith.muli %scan3A_227, %mul3A_881 : i32
        %add3A_883 = arith.constant 2 : i32
        %add3A_884 = arith.addi %mul3A_882, %add3A_883 : i32
        %get3A_885 = arith.index_cast %add3A_884 : i32 to index
        %get3A_886 = arith.constant 48 : index
        %get3A_887 = tpu.vector_load %arg9[%get3A_885, %get3A_886] {strides = array<i32>} : memref<128x128xf32, #tpu.memory_space<vmem>>, vector<1x16xf32>,
        %get3A_888 = vector.shape_cast %get3A_887 : vector<1x16xf32> to vector<16xf32>
        %max3A_889 = arith.maximumf %max3A_877, %get3A_888 : vector<16xf32>
        %add3A_890 = arith.addf %add3A_878, %get3A_888 : vector<16xf32>
        %mul3A_891 = arith.mulf %get3A_888, %get3A_888 : vector<16xf32>
        %add3A_892 = arith.addf %add3A_880, %mul3A_891 : vector<16xf32>
        %mul3A_893 = arith.constant 16 : i32
        %mul3A_894 = arith.muli %scan3A_227, %mul3A_893 : i32
        %add3A_895 = arith.constant 3 : i32
        %add3A_896 = arith.addi %mul3A_894, %add3A_895 : i32
        %get3A_897 = arith.index_cast %add3A_896 : i32 to index
        %get3A_898 = arith.constant 48 : index
        %get3A_899 = tpu.vector_load %arg9[%get3A_897, %get3A_898] {strides = array<i32>} : memref<128x128xf32, #tpu.memory_space<vmem>>, vector<1x16xf32>,
        %get3A_900 = vector.shape_cast %get3A_899 : vector<1x16xf32> to vector<16xf32>
        %max3A_901 = arith.maximumf %max3A_889, %get3A_900 : vector<16xf32>
        %add3A_902 = arith.addf %add3A_890, %get3A_900 : vector<16xf32>
        %mul3A_903 = arith.mulf %get3A_900, %get3A_900 : vector<16xf32>
        %add3A_904 = arith.addf %add3A_892, %mul3A_903 : vector<16xf32>
        %mul3A_905 = arith.constant 16 : i32
        %mul3A_906 = arith.muli %scan3A_227, %mul3A_905 : i32
        %add3A_907 = arith.constant 4 : i32
        %add3A_908 = arith.addi %mul3A_906, %add3A_907 : i32
        %get3A_909 = arith.index_cast %add3A_908 : i32 to index
        %get3A_910 = arith.constant 48 : index
        %get3A_911 = tpu.vector_load %arg9[%get3A_909, %get3A_910] {strides = array<i32>} : memref<128x128xf32, #tpu.memory_space<vmem>>, vector<1x16xf32>,
        %get3A_912 = vector.shape_cast %get3A_911 : vector<1x16xf32> to vector<16xf32>
        %max3A_913 = arith.maximumf %max3A_901, %get3A_912 : vector<16xf32>
        %add3A_914 = arith.addf %add3A_902, %get3A_912 : vector<16xf32>
        %mul3A_915 = arith.mulf %get3A_912, %get3A_912 : vector<16xf32>
        %add3A_916 = arith.addf %add3A_904, %mul3A_915 : vector<16xf32>
        %mul3A_917 = arith.constant 16 : i32
        %mul3A_918 = arith.muli %scan3A_227, %mul3A_917 : i32
        %add3A_919 = arith.constant 5 : i32
        %add3A_920 = arith.addi %mul3A_918, %add3A_919 : i32
        %get3A_921 = arith.index_cast %add3A_920 : i32 to index
        %get3A_922 = arith.constant 48 : index
        %get3A_923 = tpu.vector_load %arg9[%get3A_921, %get3A_922] {strides = array<i32>} : memref<128x128xf32, #tpu.memory_space<vmem>>, vector<1x16xf32>,
        %get3A_924 = vector.shape_cast %get3A_923 : vector<1x16xf32> to vector<16xf32>
        %max3A_925 = arith.maximumf %max3A_913, %get3A_924 : vector<16xf32>
        %add3A_926 = arith.addf %add3A_914, %get3A_924 : vector<16xf32>
        %mul3A_927 = arith.mulf %get3A_924, %get3A_924 : vector<16xf32>
        %add3A_928 = arith.addf %add3A_916, %mul3A_927 : vector<16xf32>
        %mul3A_929 = arith.constant 16 : i32
        %mul3A_930 = arith.muli %scan3A_227, %mul3A_929 : i32
        %add3A_931 = arith.constant 6 : i32
        %add3A_932 = arith.addi %mul3A_930, %add3A_931 : i32
        %get3A_933 = arith.index_cast %add3A_932 : i32 to index
        %get3A_934 = arith.constant 48 : index
        %get3A_935 = tpu.vector_load %arg9[%get3A_933, %get3A_934] {strides = array<i32>} : memref<128x128xf32, #tpu.memory_space<vmem>>, vector<1x16xf32>,
        %get3A_936 = vector.shape_cast %get3A_935 : vector<1x16xf32> to vector<16xf32>
        %max3A_937 = arith.maximumf %max3A_925, %get3A_936 : vector<16xf32>
        %add3A_938 = arith.addf %add3A_926, %get3A_936 : vector<16xf32>
        %mul3A_939 = arith.mulf %get3A_936, %get3A_936 : vector<16xf32>
        %add3A_940 = arith.addf %add3A_928, %mul3A_939 : vector<16xf32>
        %mul3A_941 = arith.constant 16 : i32
        %mul3A_942 = arith.muli %scan3A_227, %mul3A_941 : i32
        %add3A_943 = arith.constant 7 : i32
        %add3A_944 = arith.addi %mul3A_942, %add3A_943 : i32
        %get3A_945 = arith.index_cast %add3A_944 : i32 to index
        %get3A_946 = arith.constant 48 : index
        %get3A_947 = tpu.vector_load %arg9[%get3A_945, %get3A_946] {strides = array<i32>} : memref<128x128xf32, #tpu.memory_space<vmem>>, vector<1x16xf32>,
        %get3A_948 = vector.shape_cast %get3A_947 : vector<1x16xf32> to vector<16xf32>
        %max3A_949 = arith.maximumf %max3A_937, %get3A_948 : vector<16xf32>
        %add3A_950 = arith.addf %add3A_938, %get3A_948 : vector<16xf32>
        %mul3A_951 = arith.mulf %get3A_948, %get3A_948 : vector<16xf32>
        %add3A_952 = arith.addf %add3A_940, %mul3A_951 : vector<16xf32>
        %mul3A_953 = arith.constant 16 : i32
        %mul3A_954 = arith.muli %scan3A_227, %mul3A_953 : i32
        %add3A_955 = arith.constant 8 : i32
        %add3A_956 = arith.addi %mul3A_954, %add3A_955 : i32
        %get3A_957 = arith.index_cast %add3A_956 : i32 to index
        %get3A_958 = arith.constant 48 : index
        %get3A_959 = tpu.vector_load %arg9[%get3A_957, %get3A_958] {strides = array<i32>} : memref<128x128xf32, #tpu.memory_space<vmem>>, vector<1x16xf32>,
        %get3A_960 = vector.shape_cast %get3A_959 : vector<1x16xf32> to vector<16xf32>
        %max3A_961 = arith.maximumf %max3A_949, %get3A_960 : vector<16xf32>
        %add3A_962 = arith.addf %add3A_950, %get3A_960 : vector<16xf32>
        %mul3A_963 = arith.mulf %get3A_960, %get3A_960 : vector<16xf32>
        %add3A_964 = arith.addf %add3A_952, %mul3A_963 : vector<16xf32>
        %mul3A_965 = arith.constant 16 : i32
        %mul3A_966 = arith.muli %scan3A_227, %mul3A_965 : i32
        %add3A_967 = arith.constant 9 : i32
        %add3A_968 = arith.addi %mul3A_966, %add3A_967 : i32
        %get3A_969 = arith.index_cast %add3A_968 : i32 to index
        %get3A_970 = arith.constant 48 : index
        %get3A_971 = tpu.vector_load %arg9[%get3A_969, %get3A_970] {strides = array<i32>} : memref<128x128xf32, #tpu.memory_space<vmem>>, vector<1x16xf32>,
        %get3A_972 = vector.shape_cast %get3A_971 : vector<1x16xf32> to vector<16xf32>
        %max3A_973 = arith.maximumf %max3A_961, %get3A_972 : vector<16xf32>
        %add3A_974 = arith.addf %add3A_962, %get3A_972 : vector<16xf32>
        %mul3A_975 = arith.mulf %get3A_972, %get3A_972 : vector<16xf32>
        %add3A_976 = arith.addf %add3A_964, %mul3A_975 : vector<16xf32>
        %mul3A_977 = arith.constant 16 : i32
        %mul3A_978 = arith.muli %scan3A_227, %mul3A_977 : i32
        %add3A_979 = arith.constant 10 : i32
        %add3A_980 = arith.addi %mul3A_978, %add3A_979 : i32
        %get3A_981 = arith.index_cast %add3A_980 : i32 to index
        %get3A_982 = arith.constant 48 : index
        %get3A_983 = tpu.vector_load %arg9[%get3A_981, %get3A_982] {strides = array<i32>} : memref<128x128xf32, #tpu.memory_space<vmem>>, vector<1x16xf32>,
        %get3A_984 = vector.shape_cast %get3A_983 : vector<1x16xf32> to vector<16xf32>
        %max3A_985 = arith.maximumf %max3A_973, %get3A_984 : vector<16xf32>
        %add3A_986 = arith.addf %add3A_974, %get3A_984 : vector<16xf32>
        %mul3A_987 = arith.mulf %get3A_984, %get3A_984 : vector<16xf32>
        %add3A_988 = arith.addf %add3A_976, %mul3A_987 : vector<16xf32>
        %mul3A_989 = arith.constant 16 : i32
        %mul3A_990 = arith.muli %scan3A_227, %mul3A_989 : i32
        %add3A_991 = arith.constant 11 : i32
        %add3A_992 = arith.addi %mul3A_990, %add3A_991 : i32
        %get3A_993 = arith.index_cast %add3A_992 : i32 to index
        %get3A_994 = arith.constant 48 : index
        %get3A_995 = tpu.vector_load %arg9[%get3A_993, %get3A_994] {strides = array<i32>} : memref<128x128xf32, #tpu.memory_space<vmem>>, vector<1x16xf32>,
        %get3A_996 = vector.shape_cast %get3A_995 : vector<1x16xf32> to vector<16xf32>
        %max3A_997 = arith.maximumf %max3A_985, %get3A_996 : vector<16xf32>
        %add3A_998 = arith.addf %add3A_986, %get3A_996 : vector<16xf32>
        %mul3A_999 = arith.mulf %get3A_996, %get3A_996 : vector<16xf32>
        %add3A_1000 = arith.addf %add3A_988, %mul3A_999 : vector<16xf32>
        %mul3A_1001 = arith.constant 16 : i32
        %mul3A_1002 = arith.muli %scan3A_227, %mul3A_1001 : i32
        %add3A_1003 = arith.constant 12 : i32
        %add3A_1004 = arith.addi %mul3A_1002, %add3A_1003 : i32
        %get3A_1005 = arith.index_cast %add3A_1004 : i32 to index
        %get3A_1006 = arith.constant 48 : index
        %get3A_1007 = tpu.vector_load %arg9[%get3A_1005, %get3A_1006] {strides = array<i32>} : memref<128x128xf32, #tpu.memory_space<vmem>>, vector<1x16xf32>,
        %get3A_1008 = vector.shape_cast %get3A_1007 : vector<1x16xf32> to vector<16xf32>
        %max3A_1009 = arith.maximumf %max3A_997, %get3A_1008 : vector<16xf32>
        %add3A_1010 = arith.addf %add3A_998, %get3A_1008 : vector<16xf32>
        %mul3A_1011 = arith.mulf %get3A_1008, %get3A_1008 : vector<16xf32>
        %add3A_1012 = arith.addf %add3A_1000, %mul3A_1011 : vector<16xf32>
        %mul3A_1013 = arith.constant 16 : i32
        %mul3A_1014 = arith.muli %scan3A_227, %mul3A_1013 : i32
        %add3A_1015 = arith.constant 13 : i32
        %add3A_1016 = arith.addi %mul3A_1014, %add3A_1015 : i32
        %get3A_1017 = arith.index_cast %add3A_1016 : i32 to index
        %get3A_1018 = arith.constant 48 : index
        %get3A_1019 = tpu.vector_load %arg9[%get3A_1017, %get3A_1018] {strides = array<i32>} : memref<128x128xf32, #tpu.memory_space<vmem>>, vector<1x16xf32>,
        %get3A_1020 = vector.shape_cast %get3A_1019 : vector<1x16xf32> to vector<16xf32>
        %max3A_1021 = arith.maximumf %max3A_1009, %get3A_1020 : vector<16xf32>
        %add3A_1022 = arith.addf %add3A_1010, %get3A_1020 : vector<16xf32>
        %mul3A_1023 = arith.mulf %get3A_1020, %get3A_1020 : vector<16xf32>
        %add3A_1024 = arith.addf %add3A_1012, %mul3A_1023 : vector<16xf32>
        %mul3A_1025 = arith.constant 16 : i32
        %mul3A_1026 = arith.muli %scan3A_227, %mul3A_1025 : i32
        %add3A_1027 = arith.constant 14 : i32
        %add3A_1028 = arith.addi %mul3A_1026, %add3A_1027 : i32
        %get3A_1029 = arith.index_cast %add3A_1028 : i32 to index
        %get3A_1030 = arith.constant 48 : index
        %get3A_1031 = tpu.vector_load %arg9[%get3A_1029, %get3A_1030] {strides = array<i32>} : memref<128x128xf32, #tpu.memory_space<vmem>>, vector<1x16xf32>,
        %get3A_1032 = vector.shape_cast %get3A_1031 : vector<1x16xf32> to vector<16xf32>
        %max3A_1033 = arith.maximumf %max3A_1021, %get3A_1032 : vector<16xf32>
        %add3A_1034 = arith.addf %add3A_1022, %get3A_1032 : vector<16xf32>
        %mul3A_1035 = arith.mulf %get3A_1032, %get3A_1032 : vector<16xf32>
        %add3A_1036 = arith.addf %add3A_1024, %mul3A_1035 : vector<16xf32>
        %mul3A_1037 = arith.constant 16 : i32
        %mul3A_1038 = arith.muli %scan3A_227, %mul3A_1037 : i32
        %add3A_1039 = arith.constant 15 : i32
        %add3A_1040 = arith.addi %mul3A_1038, %add3A_1039 : i32
        %get3A_1041 = arith.index_cast %add3A_1040 : i32 to index
        %get3A_1042 = arith.constant 48 : index
        %get3A_1043 = tpu.vector_load %arg9[%get3A_1041, %get3A_1042] {strides = array<i32>} : memref<128x128xf32, #tpu.memory_space<vmem>>, vector<1x16xf32>,
        %get3A_1044 = vector.shape_cast %get3A_1043 : vector<1x16xf32> to vector<16xf32>
        %max3A_1045 = arith.maximumf %max3A_1033, %get3A_1044 : vector<16xf32>
        %add3A_1046 = arith.addf %add3A_1034, %get3A_1044 : vector<16xf32>
        %mul3A_1047 = arith.mulf %get3A_1044, %get3A_1044 : vector<16xf32>
        %add3A_1048 = arith.addf %add3A_1036, %mul3A_1047 : vector<16xf32>
        %swap3A_1049 = arith.index_cast %rem3A_116 : i32 to index
        %swap3A_1050 = arith.index_cast %add3A_230 : i32 to index
        %swap3A_1051 = arith.constant 48 : index
        %swap3A_1052 = tpu.vector_load %arg12[%swap3A_1049, %swap3A_1050, %swap3A_1051] {strides = array<i32>} : memref<2x32x64xf32, #tpu.memory_space<vmem>>, vector<1x1x16xf32>,
        %swap3A_1053 = vector.shape_cast %swap3A_1052 : vector<1x1x16xf32> to vector<16xf32>
        %swap3A_1054 = vector.shape_cast %max3A_1045 : vector<16xf32> to vector<1x1x16xf32>
        tpu.vector_store %arg12[%swap3A_1049, %swap3A_1050, %swap3A_1051], %swap3A_1054 {strides = array<i32>} : memref<2x32x64xf32, #tpu.memory_space<vmem>>, vector<1x1x16xf32>,
        %swap3A_1055 = arith.index_cast %rem3A_116 : i32 to index
        %swap3A_1056 = arith.index_cast %add3A_230 : i32 to index
        %swap3A_1057 = arith.constant 48 : index
        %swap3A_1058 = tpu.vector_load %arg13[%swap3A_1055, %swap3A_1056, %swap3A_1057] {strides = array<i32>} : memref<2x32x64xf32, #tpu.memory_space<vmem>>, vector<1x1x16xf32>,
        %swap3A_1059 = vector.shape_cast %swap3A_1058 : vector<1x1x16xf32> to vector<16xf32>
        %swap3A_1060 = vector.shape_cast %add3A_1046 : vector<16xf32> to vector<1x1x16xf32>
        tpu.vector_store %arg13[%swap3A_1055, %swap3A_1056, %swap3A_1057], %swap3A_1060 {strides = array<i32>} : memref<2x32x64xf32, #tpu.memory_space<vmem>>, vector<1x1x16xf32>,
        %get3A_1061 = arith.constant 0 : i32
        %get3A_1062 = arith.index_cast %get3A_1061 : i32 to index
        %get3A_1063 = arith.constant 48 : index
        %get3A_1064 = tpu.vector_load %arg14[%get3A_1062, %get3A_1063] {strides = array<i32>} : memref<1x64xf32, #tpu.memory_space<vmem>>, vector<1x16xf32>,
        %get3A_1065 = vector.shape_cast %get3A_1064 : vector<1x16xf32> to vector<16xf32>
        %add3A_1066 = arith.addf %get3A_1065, %add3A_1048 : vector<16xf32>
        %swap3A_1067 = arith.constant 0 : i32
        %swap3A_1068 = arith.index_cast %swap3A_1067 : i32 to index
        %swap3A_1069 = arith.constant 48 : index
        %swap3A_1070 = tpu.vector_load %arg14[%swap3A_1068, %swap3A_1069] {strides = array<i32>} : memref<1x64xf32, #tpu.memory_space<vmem>>, vector<1x16xf32>,
        %swap3A_1071 = vector.shape_cast %swap3A_1070 : vector<1x16xf32> to vector<16xf32>
        %swap3A_1072 = vector.shape_cast %add3A_1066 : vector<16xf32> to vector<1x16xf32>
        tpu.vector_store %arg14[%swap3A_1068, %swap3A_1069], %swap3A_1072 {strides = array<i32>} : memref<1x64xf32, #tpu.memory_space<vmem>>, vector<1x16xf32>,
        %scan3A_1073 = arith.constant 0 : i32
        scf.yield %scan3A_1073 : i32
      }
      %scan3A_165 = arith.constant 8 : i32
      %mul3A_166 = arith.constant 4 : i32
      %mul3A_167 = arith.muli %scan3A_114, %mul3A_166 : i32
      %add3A_168 = arith.constant 2 : i32
      %add3A_169 = arith.addi %mul3A_167, %add3A_168 : i32
      %add3A_170 = arith.constant 3 : i32
      %add3A_171 = arith.addi %add3A_169, %add3A_170 : i32
      %lt3A_172 = arith.constant 64 : i32
      %lt3A_173 = arith.cmpi slt, %add3A_171, %lt3A_172 : i32
      %convert_element_type3A_174 = arith.extui %lt3A_173 : i1 to i32
      %cond3A_175 = arith.constant 0 : i32
      %cond3A_176 = arith.cmpi ne, %convert_element_type3A_174, %cond3A_175 : i32
      scf.if %cond3A_176 {
        %add3A_227 = arith.constant 3 : i32
        %add3A_228 = arith.addi %add3A_169, %add3A_227 : i32
        %mul3A_229 = arith.constant 8 : i32
        %mul3A_230 = arith.muli %add3A_228, %mul3A_229 : i32
        %mul3A_231 = arith.constant 16 : i32
        %mul3A_232 = arith.muli %mul3A_230, %mul3A_231 : i32
        %dma_start3A_233 = tpu.memref_slice %arg7[%mul3A_232] : memref<8192xi32, #tpu.memory_space<vmem>> -> memref<128xi32, #tpu.memory_space<vmem>>
        %dma_start3A_234 = arith.constant 0 : i32
        %dma_start3A_235 = arith.constant 0 : i32
        %dma_start3A_236 = tpu.memref_slice %arg2[%dma_start3A_234, %dma_start3A_235] : memref<16384x128xf32, #tpu.memory_space<hbm>> -> memref<16384x128xf32, #tpu.memory_space<hbm>>
        tpu.enqueue_indirect_dma source(%dma_start3A_236 : memref<16384x128xf32, #tpu.memory_space<hbm>>) target(%arg9 : memref<128x128xf32, #tpu.memory_space<vmem>>) offsets(%dma_start3A_233 : memref<128xi32, #tpu.memory_space<vmem>>) semaphore(%arg16 : memref<!tpu.dma_semaphore, #tpu.memory_space<semaphore_mem>>)
      } else {
      }
      %dma_wait3A_177 = arith.constant 0 : i32
      %dma_wait3A_178 = arith.constant 0 : i32
      %dma_wait3A_179 = tpu.memref_slice %arg2[%dma_wait3A_177, %dma_wait3A_178] : memref<16384x128xf32, #tpu.memory_space<hbm>> -> memref<128x128xf32, #tpu.memory_space<hbm>>
      %dma_wait3A_180 = arith.constant 0 : i32
      %dma_wait3A_181 = arith.constant 0 : i32
      %dma_wait3A_182 = tpu.memref_slice %arg2[%dma_wait3A_180, %dma_wait3A_181] : memref<16384x128xf32, #tpu.memory_space<hbm>> -> memref<128x128xf32, #tpu.memory_space<hbm>>
      tpu.wait_dma2 semaphore(%arg17 : memref<!tpu.dma_semaphore, #tpu.memory_space<semaphore_mem>>) src(%dma_wait3A_182 : memref<128x128xf32, #tpu.memory_space<hbm>>) dst(%arg10 : memref<128x128xf32, #tpu.memory_space<vmem>>)
      %scan3A_183 = arith.constant 0 : i32
      %scan3A_184 = arith.constant 0 : i32
      %scan3A_185 = arith.constant 8 : i32
      %scan3A_186 = arith.addi %scan3A_184, %scan3A_185 : i32
      %scan3A_187 = arith.constant 1 : i32
      %scan3A_188 = scf.for %scan3A_227 = %scan3A_184 to %scan3A_186 step %scan3A_187 iter_args(%scan3A_228 = %scan3A_183) -> (i32)  : i32 {
        %add3A_229 = arith.constant 16 : i32
        %add3A_230 = arith.addi %add3A_229, %scan3A_227 : i32
        %mul3A_231 = arith.constant 16 : i32
        %mul3A_232 = arith.muli %scan3A_227, %mul3A_231 : i32
        %get3A = arith.index_cast %mul3A_232 : i32 to index
        %get3A_233 = arith.constant 0 : index
        %get3A_234 = tpu.vector_load %arg10[%get3A, %get3A_233] {strides = array<i32>} : memref<128x128xf32, #tpu.memory_space<vmem>>, vector<1x16xf32>,
        %get3A_235 = vector.shape_cast %get3A_234 : vector<1x16xf32> to vector<16xf32>
        %mul3A_236 = arith.mulf %get3A_235, %get3A_235 : vector<16xf32>
        %mul3A_237 = arith.constant 16 : i32
        %mul3A_238 = arith.muli %scan3A_227, %mul3A_237 : i32
        %add3A_239 = arith.constant 1 : i32
        %add3A_240 = arith.addi %mul3A_238, %add3A_239 : i32
        %get3A_241 = arith.index_cast %add3A_240 : i32 to index
        %get3A_242 = arith.constant 0 : index
        %get3A_243 = tpu.vector_load %arg10[%get3A_241, %get3A_242] {strides = array<i32>} : memref<128x128xf32, #tpu.memory_space<vmem>>, vector<1x16xf32>,
        %get3A_244 = vector.shape_cast %get3A_243 : vector<1x16xf32> to vector<16xf32>
        %max3A = arith.maximumf %get3A_235, %get3A_244 : vector<16xf32>
        %add3A_245 = arith.addf %get3A_235, %get3A_244 : vector<16xf32>
        %mul3A_246 = arith.mulf %get3A_244, %get3A_244 : vector<16xf32>
        %add3A_247 = arith.addf %mul3A_236, %mul3A_246 : vector<16xf32>
        %mul3A_248 = arith.constant 16 : i32
        %mul3A_249 = arith.muli %scan3A_227, %mul3A_248 : i32
        %add3A_250 = arith.constant 2 : i32
        %add3A_251 = arith.addi %mul3A_249, %add3A_250 : i32
        %get3A_252 = arith.index_cast %add3A_251 : i32 to index
        %get3A_253 = arith.constant 0 : index
        %get3A_254 = tpu.vector_load %arg10[%get3A_252, %get3A_253] {strides = array<i32>} : memref<128x128xf32, #tpu.memory_space<vmem>>, vector<1x16xf32>,
        %get3A_255 = vector.shape_cast %get3A_254 : vector<1x16xf32> to vector<16xf32>
        %max3A_256 = arith.maximumf %max3A, %get3A_255 : vector<16xf32>
        %add3A_257 = arith.addf %add3A_245, %get3A_255 : vector<16xf32>
        %mul3A_258 = arith.mulf %get3A_255, %get3A_255 : vector<16xf32>
        %add3A_259 = arith.addf %add3A_247, %mul3A_258 : vector<16xf32>
        %mul3A_260 = arith.constant 16 : i32
        %mul3A_261 = arith.muli %scan3A_227, %mul3A_260 : i32
        %add3A_262 = arith.constant 3 : i32
        %add3A_263 = arith.addi %mul3A_261, %add3A_262 : i32
        %get3A_264 = arith.index_cast %add3A_263 : i32 to index
        %get3A_265 = arith.constant 0 : index
        %get3A_266 = tpu.vector_load %arg10[%get3A_264, %get3A_265] {strides = array<i32>} : memref<128x128xf32, #tpu.memory_space<vmem>>, vector<1x16xf32>,
        %get3A_267 = vector.shape_cast %get3A_266 : vector<1x16xf32> to vector<16xf32>
        %max3A_268 = arith.maximumf %max3A_256, %get3A_267 : vector<16xf32>
        %add3A_269 = arith.addf %add3A_257, %get3A_267 : vector<16xf32>
        %mul3A_270 = arith.mulf %get3A_267, %get3A_267 : vector<16xf32>
        %add3A_271 = arith.addf %add3A_259, %mul3A_270 : vector<16xf32>
        %mul3A_272 = arith.constant 16 : i32
        %mul3A_273 = arith.muli %scan3A_227, %mul3A_272 : i32
        %add3A_274 = arith.constant 4 : i32
        %add3A_275 = arith.addi %mul3A_273, %add3A_274 : i32
        %get3A_276 = arith.index_cast %add3A_275 : i32 to index
        %get3A_277 = arith.constant 0 : index
        %get3A_278 = tpu.vector_load %arg10[%get3A_276, %get3A_277] {strides = array<i32>} : memref<128x128xf32, #tpu.memory_space<vmem>>, vector<1x16xf32>,
        %get3A_279 = vector.shape_cast %get3A_278 : vector<1x16xf32> to vector<16xf32>
        %max3A_280 = arith.maximumf %max3A_268, %get3A_279 : vector<16xf32>
        %add3A_281 = arith.addf %add3A_269, %get3A_279 : vector<16xf32>
        %mul3A_282 = arith.mulf %get3A_279, %get3A_279 : vector<16xf32>
        %add3A_283 = arith.addf %add3A_271, %mul3A_282 : vector<16xf32>
        %mul3A_284 = arith.constant 16 : i32
        %mul3A_285 = arith.muli %scan3A_227, %mul3A_284 : i32
        %add3A_286 = arith.constant 5 : i32
        %add3A_287 = arith.addi %mul3A_285, %add3A_286 : i32
        %get3A_288 = arith.index_cast %add3A_287 : i32 to index
        %get3A_289 = arith.constant 0 : index
        %get3A_290 = tpu.vector_load %arg10[%get3A_288, %get3A_289] {strides = array<i32>} : memref<128x128xf32, #tpu.memory_space<vmem>>, vector<1x16xf32>,
        %get3A_291 = vector.shape_cast %get3A_290 : vector<1x16xf32> to vector<16xf32>
        %max3A_292 = arith.maximumf %max3A_280, %get3A_291 : vector<16xf32>
        %add3A_293 = arith.addf %add3A_281, %get3A_291 : vector<16xf32>
        %mul3A_294 = arith.mulf %get3A_291, %get3A_291 : vector<16xf32>
        %add3A_295 = arith.addf %add3A_283, %mul3A_294 : vector<16xf32>
        %mul3A_296 = arith.constant 16 : i32
        %mul3A_297 = arith.muli %scan3A_227, %mul3A_296 : i32
        %add3A_298 = arith.constant 6 : i32
        %add3A_299 = arith.addi %mul3A_297, %add3A_298 : i32
        %get3A_300 = arith.index_cast %add3A_299 : i32 to index
        %get3A_301 = arith.constant 0 : index
        %get3A_302 = tpu.vector_load %arg10[%get3A_300, %get3A_301] {strides = array<i32>} : memref<128x128xf32, #tpu.memory_space<vmem>>, vector<1x16xf32>,
        %get3A_303 = vector.shape_cast %get3A_302 : vector<1x16xf32> to vector<16xf32>
        %max3A_304 = arith.maximumf %max3A_292, %get3A_303 : vector<16xf32>
        %add3A_305 = arith.addf %add3A_293, %get3A_303 : vector<16xf32>
        %mul3A_306 = arith.mulf %get3A_303, %get3A_303 : vector<16xf32>
        %add3A_307 = arith.addf %add3A_295, %mul3A_306 : vector<16xf32>
        %mul3A_308 = arith.constant 16 : i32
        %mul3A_309 = arith.muli %scan3A_227, %mul3A_308 : i32
        %add3A_310 = arith.constant 7 : i32
        %add3A_311 = arith.addi %mul3A_309, %add3A_310 : i32
        %get3A_312 = arith.index_cast %add3A_311 : i32 to index
        %get3A_313 = arith.constant 0 : index
        %get3A_314 = tpu.vector_load %arg10[%get3A_312, %get3A_313] {strides = array<i32>} : memref<128x128xf32, #tpu.memory_space<vmem>>, vector<1x16xf32>,
        %get3A_315 = vector.shape_cast %get3A_314 : vector<1x16xf32> to vector<16xf32>
        %max3A_316 = arith.maximumf %max3A_304, %get3A_315 : vector<16xf32>
        %add3A_317 = arith.addf %add3A_305, %get3A_315 : vector<16xf32>
        %mul3A_318 = arith.mulf %get3A_315, %get3A_315 : vector<16xf32>
        %add3A_319 = arith.addf %add3A_307, %mul3A_318 : vector<16xf32>
        %mul3A_320 = arith.constant 16 : i32
        %mul3A_321 = arith.muli %scan3A_227, %mul3A_320 : i32
        %add3A_322 = arith.constant 8 : i32
        %add3A_323 = arith.addi %mul3A_321, %add3A_322 : i32
        %get3A_324 = arith.index_cast %add3A_323 : i32 to index
        %get3A_325 = arith.constant 0 : index
        %get3A_326 = tpu.vector_load %arg10[%get3A_324, %get3A_325] {strides = array<i32>} : memref<128x128xf32, #tpu.memory_space<vmem>>, vector<1x16xf32>,
        %get3A_327 = vector.shape_cast %get3A_326 : vector<1x16xf32> to vector<16xf32>
        %max3A_328 = arith.maximumf %max3A_316, %get3A_327 : vector<16xf32>
        %add3A_329 = arith.addf %add3A_317, %get3A_327 : vector<16xf32>
        %mul3A_330 = arith.mulf %get3A_327, %get3A_327 : vector<16xf32>
        %add3A_331 = arith.addf %add3A_319, %mul3A_330 : vector<16xf32>
        %mul3A_332 = arith.constant 16 : i32
        %mul3A_333 = arith.muli %scan3A_227, %mul3A_332 : i32
        %add3A_334 = arith.constant 9 : i32
        %add3A_335 = arith.addi %mul3A_333, %add3A_334 : i32
        %get3A_336 = arith.index_cast %add3A_335 : i32 to index
        %get3A_337 = arith.constant 0 : index
        %get3A_338 = tpu.vector_load %arg10[%get3A_336, %get3A_337] {strides = array<i32>} : memref<128x128xf32, #tpu.memory_space<vmem>>, vector<1x16xf32>,
        %get3A_339 = vector.shape_cast %get3A_338 : vector<1x16xf32> to vector<16xf32>
        %max3A_340 = arith.maximumf %max3A_328, %get3A_339 : vector<16xf32>
        %add3A_341 = arith.addf %add3A_329, %get3A_339 : vector<16xf32>
        %mul3A_342 = arith.mulf %get3A_339, %get3A_339 : vector<16xf32>
        %add3A_343 = arith.addf %add3A_331, %mul3A_342 : vector<16xf32>
        %mul3A_344 = arith.constant 16 : i32
        %mul3A_345 = arith.muli %scan3A_227, %mul3A_344 : i32
        %add3A_346 = arith.constant 10 : i32
        %add3A_347 = arith.addi %mul3A_345, %add3A_346 : i32
        %get3A_348 = arith.index_cast %add3A_347 : i32 to index
        %get3A_349 = arith.constant 0 : index
        %get3A_350 = tpu.vector_load %arg10[%get3A_348, %get3A_349] {strides = array<i32>} : memref<128x128xf32, #tpu.memory_space<vmem>>, vector<1x16xf32>,
        %get3A_351 = vector.shape_cast %get3A_350 : vector<1x16xf32> to vector<16xf32>
        %max3A_352 = arith.maximumf %max3A_340, %get3A_351 : vector<16xf32>
        %add3A_353 = arith.addf %add3A_341, %get3A_351 : vector<16xf32>
        %mul3A_354 = arith.mulf %get3A_351, %get3A_351 : vector<16xf32>
        %add3A_355 = arith.addf %add3A_343, %mul3A_354 : vector<16xf32>
        %mul3A_356 = arith.constant 16 : i32
        %mul3A_357 = arith.muli %scan3A_227, %mul3A_356 : i32
        %add3A_358 = arith.constant 11 : i32
        %add3A_359 = arith.addi %mul3A_357, %add3A_358 : i32
        %get3A_360 = arith.index_cast %add3A_359 : i32 to index
        %get3A_361 = arith.constant 0 : index
        %get3A_362 = tpu.vector_load %arg10[%get3A_360, %get3A_361] {strides = array<i32>} : memref<128x128xf32, #tpu.memory_space<vmem>>, vector<1x16xf32>,
        %get3A_363 = vector.shape_cast %get3A_362 : vector<1x16xf32> to vector<16xf32>
        %max3A_364 = arith.maximumf %max3A_352, %get3A_363 : vector<16xf32>
        %add3A_365 = arith.addf %add3A_353, %get3A_363 : vector<16xf32>
        %mul3A_366 = arith.mulf %get3A_363, %get3A_363 : vector<16xf32>
        %add3A_367 = arith.addf %add3A_355, %mul3A_366 : vector<16xf32>
        %mul3A_368 = arith.constant 16 : i32
        %mul3A_369 = arith.muli %scan3A_227, %mul3A_368 : i32
        %add3A_370 = arith.constant 12 : i32
        %add3A_371 = arith.addi %mul3A_369, %add3A_370 : i32
        %get3A_372 = arith.index_cast %add3A_371 : i32 to index
        %get3A_373 = arith.constant 0 : index
        %get3A_374 = tpu.vector_load %arg10[%get3A_372, %get3A_373] {strides = array<i32>} : memref<128x128xf32, #tpu.memory_space<vmem>>, vector<1x16xf32>,
        %get3A_375 = vector.shape_cast %get3A_374 : vector<1x16xf32> to vector<16xf32>
        %max3A_376 = arith.maximumf %max3A_364, %get3A_375 : vector<16xf32>
        %add3A_377 = arith.addf %add3A_365, %get3A_375 : vector<16xf32>
        %mul3A_378 = arith.mulf %get3A_375, %get3A_375 : vector<16xf32>
        %add3A_379 = arith.addf %add3A_367, %mul3A_378 : vector<16xf32>
        %mul3A_380 = arith.constant 16 : i32
        %mul3A_381 = arith.muli %scan3A_227, %mul3A_380 : i32
        %add3A_382 = arith.constant 13 : i32
        %add3A_383 = arith.addi %mul3A_381, %add3A_382 : i32
        %get3A_384 = arith.index_cast %add3A_383 : i32 to index
        %get3A_385 = arith.constant 0 : index
        %get3A_386 = tpu.vector_load %arg10[%get3A_384, %get3A_385] {strides = array<i32>} : memref<128x128xf32, #tpu.memory_space<vmem>>, vector<1x16xf32>,
        %get3A_387 = vector.shape_cast %get3A_386 : vector<1x16xf32> to vector<16xf32>
        %max3A_388 = arith.maximumf %max3A_376, %get3A_387 : vector<16xf32>
        %add3A_389 = arith.addf %add3A_377, %get3A_387 : vector<16xf32>
        %mul3A_390 = arith.mulf %get3A_387, %get3A_387 : vector<16xf32>
        %add3A_391 = arith.addf %add3A_379, %mul3A_390 : vector<16xf32>
        %mul3A_392 = arith.constant 16 : i32
        %mul3A_393 = arith.muli %scan3A_227, %mul3A_392 : i32
        %add3A_394 = arith.constant 14 : i32
        %add3A_395 = arith.addi %mul3A_393, %add3A_394 : i32
        %get3A_396 = arith.index_cast %add3A_395 : i32 to index
        %get3A_397 = arith.constant 0 : index
        %get3A_398 = tpu.vector_load %arg10[%get3A_396, %get3A_397] {strides = array<i32>} : memref<128x128xf32, #tpu.memory_space<vmem>>, vector<1x16xf32>,
        %get3A_399 = vector.shape_cast %get3A_398 : vector<1x16xf32> to vector<16xf32>
        %max3A_400 = arith.maximumf %max3A_388, %get3A_399 : vector<16xf32>
        %add3A_401 = arith.addf %add3A_389, %get3A_399 : vector<16xf32>
        %mul3A_402 = arith.mulf %get3A_399, %get3A_399 : vector<16xf32>
        %add3A_403 = arith.addf %add3A_391, %mul3A_402 : vector<16xf32>
        %mul3A_404 = arith.constant 16 : i32
        %mul3A_405 = arith.muli %scan3A_227, %mul3A_404 : i32
        %add3A_406 = arith.constant 15 : i32
        %add3A_407 = arith.addi %mul3A_405, %add3A_406 : i32
        %get3A_408 = arith.index_cast %add3A_407 : i32 to index
        %get3A_409 = arith.constant 0 : index
        %get3A_410 = tpu.vector_load %arg10[%get3A_408, %get3A_409] {strides = array<i32>} : memref<128x128xf32, #tpu.memory_space<vmem>>, vector<1x16xf32>,
        %get3A_411 = vector.shape_cast %get3A_410 : vector<1x16xf32> to vector<16xf32>
        %max3A_412 = arith.maximumf %max3A_400, %get3A_411 : vector<16xf32>
        %add3A_413 = arith.addf %add3A_401, %get3A_411 : vector<16xf32>
        %mul3A_414 = arith.mulf %get3A_411, %get3A_411 : vector<16xf32>
        %add3A_415 = arith.addf %add3A_403, %mul3A_414 : vector<16xf32>
        %swap3A_416 = arith.index_cast %rem3A_116 : i32 to index
        %swap3A_417 = arith.index_cast %add3A_230 : i32 to index
        %swap3A_418 = arith.constant 0 : index
        %swap3A_419 = tpu.vector_load %arg12[%swap3A_416, %swap3A_417, %swap3A_418] {strides = array<i32>} : memref<2x32x64xf32, #tpu.memory_space<vmem>>, vector<1x1x16xf32>,
        %swap3A_420 = vector.shape_cast %swap3A_419 : vector<1x1x16xf32> to vector<16xf32>
        %swap3A_421 = vector.shape_cast %max3A_412 : vector<16xf32> to vector<1x1x16xf32>
        tpu.vector_store %arg12[%swap3A_416, %swap3A_417, %swap3A_418], %swap3A_421 {strides = array<i32>} : memref<2x32x64xf32, #tpu.memory_space<vmem>>, vector<1x1x16xf32>,
        %swap3A_422 = arith.index_cast %rem3A_116 : i32 to index
        %swap3A_423 = arith.index_cast %add3A_230 : i32 to index
        %swap3A_424 = arith.constant 0 : index
        %swap3A_425 = tpu.vector_load %arg13[%swap3A_422, %swap3A_423, %swap3A_424] {strides = array<i32>} : memref<2x32x64xf32, #tpu.memory_space<vmem>>, vector<1x1x16xf32>,
        %swap3A_426 = vector.shape_cast %swap3A_425 : vector<1x1x16xf32> to vector<16xf32>
        %swap3A_427 = vector.shape_cast %add3A_413 : vector<16xf32> to vector<1x1x16xf32>
        tpu.vector_store %arg13[%swap3A_422, %swap3A_423, %swap3A_424], %swap3A_427 {strides = array<i32>} : memref<2x32x64xf32, #tpu.memory_space<vmem>>, vector<1x1x16xf32>,
        %get3A_428 = arith.constant 0 : i32
        %get3A_429 = arith.index_cast %get3A_428 : i32 to index
        %get3A_430 = arith.constant 0 : index
        %get3A_431 = tpu.vector_load %arg14[%get3A_429, %get3A_430] {strides = array<i32>} : memref<1x64xf32, #tpu.memory_space<vmem>>, vector<1x16xf32>,
        %get3A_432 = vector.shape_cast %get3A_431 : vector<1x16xf32> to vector<16xf32>
        %add3A_433 = arith.addf %get3A_432, %add3A_415 : vector<16xf32>
        %swap3A_434 = arith.constant 0 : i32
        %swap3A_435 = arith.index_cast %swap3A_434 : i32 to index
        %swap3A_436 = arith.constant 0 : index
        %swap3A_437 = tpu.vector_load %arg14[%swap3A_435, %swap3A_436] {strides = array<i32>} : memref<1x64xf32, #tpu.memory_space<vmem>>, vector<1x16xf32>,
        %swap3A_438 = vector.shape_cast %swap3A_437 : vector<1x16xf32> to vector<16xf32>
        %swap3A_439 = vector.shape_cast %add3A_433 : vector<16xf32> to vector<1x16xf32>
        tpu.vector_store %arg14[%swap3A_435, %swap3A_436], %swap3A_439 {strides = array<i32>} : memref<1x64xf32, #tpu.memory_space<vmem>>, vector<1x16xf32>,
        %mul3A_440 = arith.constant 16 : i32
        %mul3A_441 = arith.muli %scan3A_227, %mul3A_440 : i32
        %get3A_442 = arith.index_cast %mul3A_441 : i32 to index
        %get3A_443 = arith.constant 16 : index
        %get3A_444 = tpu.vector_load %arg10[%get3A_442, %get3A_443] {strides = array<i32>} : memref<128x128xf32, #tpu.memory_space<vmem>>, vector<1x16xf32>,
        %get3A_445 = vector.shape_cast %get3A_444 : vector<1x16xf32> to vector<16xf32>
        %mul3A_446 = arith.mulf %get3A_445, %get3A_445 : vector<16xf32>
        %mul3A_447 = arith.constant 16 : i32
        %mul3A_448 = arith.muli %scan3A_227, %mul3A_447 : i32
        %add3A_449 = arith.constant 1 : i32
        %add3A_450 = arith.addi %mul3A_448, %add3A_449 : i32
        %get3A_451 = arith.index_cast %add3A_450 : i32 to index
        %get3A_452 = arith.constant 16 : index
        %get3A_453 = tpu.vector_load %arg10[%get3A_451, %get3A_452] {strides = array<i32>} : memref<128x128xf32, #tpu.memory_space<vmem>>, vector<1x16xf32>,
        %get3A_454 = vector.shape_cast %get3A_453 : vector<1x16xf32> to vector<16xf32>
        %max3A_455 = arith.maximumf %get3A_445, %get3A_454 : vector<16xf32>
        %add3A_456 = arith.addf %get3A_445, %get3A_454 : vector<16xf32>
        %mul3A_457 = arith.mulf %get3A_454, %get3A_454 : vector<16xf32>
        %add3A_458 = arith.addf %mul3A_446, %mul3A_457 : vector<16xf32>
        %mul3A_459 = arith.constant 16 : i32
        %mul3A_460 = arith.muli %scan3A_227, %mul3A_459 : i32
        %add3A_461 = arith.constant 2 : i32
        %add3A_462 = arith.addi %mul3A_460, %add3A_461 : i32
        %get3A_463 = arith.index_cast %add3A_462 : i32 to index
        %get3A_464 = arith.constant 16 : index
        %get3A_465 = tpu.vector_load %arg10[%get3A_463, %get3A_464] {strides = array<i32>} : memref<128x128xf32, #tpu.memory_space<vmem>>, vector<1x16xf32>,
        %get3A_466 = vector.shape_cast %get3A_465 : vector<1x16xf32> to vector<16xf32>
        %max3A_467 = arith.maximumf %max3A_455, %get3A_466 : vector<16xf32>
        %add3A_468 = arith.addf %add3A_456, %get3A_466 : vector<16xf32>
        %mul3A_469 = arith.mulf %get3A_466, %get3A_466 : vector<16xf32>
        %add3A_470 = arith.addf %add3A_458, %mul3A_469 : vector<16xf32>
        %mul3A_471 = arith.constant 16 : i32
        %mul3A_472 = arith.muli %scan3A_227, %mul3A_471 : i32
        %add3A_473 = arith.constant 3 : i32
        %add3A_474 = arith.addi %mul3A_472, %add3A_473 : i32
        %get3A_475 = arith.index_cast %add3A_474 : i32 to index
        %get3A_476 = arith.constant 16 : index
        %get3A_477 = tpu.vector_load %arg10[%get3A_475, %get3A_476] {strides = array<i32>} : memref<128x128xf32, #tpu.memory_space<vmem>>, vector<1x16xf32>,
        %get3A_478 = vector.shape_cast %get3A_477 : vector<1x16xf32> to vector<16xf32>
        %max3A_479 = arith.maximumf %max3A_467, %get3A_478 : vector<16xf32>
        %add3A_480 = arith.addf %add3A_468, %get3A_478 : vector<16xf32>
        %mul3A_481 = arith.mulf %get3A_478, %get3A_478 : vector<16xf32>
        %add3A_482 = arith.addf %add3A_470, %mul3A_481 : vector<16xf32>
        %mul3A_483 = arith.constant 16 : i32
        %mul3A_484 = arith.muli %scan3A_227, %mul3A_483 : i32
        %add3A_485 = arith.constant 4 : i32
        %add3A_486 = arith.addi %mul3A_484, %add3A_485 : i32
        %get3A_487 = arith.index_cast %add3A_486 : i32 to index
        %get3A_488 = arith.constant 16 : index
        %get3A_489 = tpu.vector_load %arg10[%get3A_487, %get3A_488] {strides = array<i32>} : memref<128x128xf32, #tpu.memory_space<vmem>>, vector<1x16xf32>,
        %get3A_490 = vector.shape_cast %get3A_489 : vector<1x16xf32> to vector<16xf32>
        %max3A_491 = arith.maximumf %max3A_479, %get3A_490 : vector<16xf32>
        %add3A_492 = arith.addf %add3A_480, %get3A_490 : vector<16xf32>
        %mul3A_493 = arith.mulf %get3A_490, %get3A_490 : vector<16xf32>
        %add3A_494 = arith.addf %add3A_482, %mul3A_493 : vector<16xf32>
        %mul3A_495 = arith.constant 16 : i32
        %mul3A_496 = arith.muli %scan3A_227, %mul3A_495 : i32
        %add3A_497 = arith.constant 5 : i32
        %add3A_498 = arith.addi %mul3A_496, %add3A_497 : i32
        %get3A_499 = arith.index_cast %add3A_498 : i32 to index
        %get3A_500 = arith.constant 16 : index
        %get3A_501 = tpu.vector_load %arg10[%get3A_499, %get3A_500] {strides = array<i32>} : memref<128x128xf32, #tpu.memory_space<vmem>>, vector<1x16xf32>,
        %get3A_502 = vector.shape_cast %get3A_501 : vector<1x16xf32> to vector<16xf32>
        %max3A_503 = arith.maximumf %max3A_491, %get3A_502 : vector<16xf32>
        %add3A_504 = arith.addf %add3A_492, %get3A_502 : vector<16xf32>
        %mul3A_505 = arith.mulf %get3A_502, %get3A_502 : vector<16xf32>
        %add3A_506 = arith.addf %add3A_494, %mul3A_505 : vector<16xf32>
        %mul3A_507 = arith.constant 16 : i32
        %mul3A_508 = arith.muli %scan3A_227, %mul3A_507 : i32
        %add3A_509 = arith.constant 6 : i32
        %add3A_510 = arith.addi %mul3A_508, %add3A_509 : i32
        %get3A_511 = arith.index_cast %add3A_510 : i32 to index
        %get3A_512 = arith.constant 16 : index
        %get3A_513 = tpu.vector_load %arg10[%get3A_511, %get3A_512] {strides = array<i32>} : memref<128x128xf32, #tpu.memory_space<vmem>>, vector<1x16xf32>,
        %get3A_514 = vector.shape_cast %get3A_513 : vector<1x16xf32> to vector<16xf32>
        %max3A_515 = arith.maximumf %max3A_503, %get3A_514 : vector<16xf32>
        %add3A_516 = arith.addf %add3A_504, %get3A_514 : vector<16xf32>
        %mul3A_517 = arith.mulf %get3A_514, %get3A_514 : vector<16xf32>
        %add3A_518 = arith.addf %add3A_506, %mul3A_517 : vector<16xf32>
        %mul3A_519 = arith.constant 16 : i32
        %mul3A_520 = arith.muli %scan3A_227, %mul3A_519 : i32
        %add3A_521 = arith.constant 7 : i32
        %add3A_522 = arith.addi %mul3A_520, %add3A_521 : i32
        %get3A_523 = arith.index_cast %add3A_522 : i32 to index
        %get3A_524 = arith.constant 16 : index
        %get3A_525 = tpu.vector_load %arg10[%get3A_523, %get3A_524] {strides = array<i32>} : memref<128x128xf32, #tpu.memory_space<vmem>>, vector<1x16xf32>,
        %get3A_526 = vector.shape_cast %get3A_525 : vector<1x16xf32> to vector<16xf32>
        %max3A_527 = arith.maximumf %max3A_515, %get3A_526 : vector<16xf32>
        %add3A_528 = arith.addf %add3A_516, %get3A_526 : vector<16xf32>
        %mul3A_529 = arith.mulf %get3A_526, %get3A_526 : vector<16xf32>
        %add3A_530 = arith.addf %add3A_518, %mul3A_529 : vector<16xf32>
        %mul3A_531 = arith.constant 16 : i32
        %mul3A_532 = arith.muli %scan3A_227, %mul3A_531 : i32
        %add3A_533 = arith.constant 8 : i32
        %add3A_534 = arith.addi %mul3A_532, %add3A_533 : i32
        %get3A_535 = arith.index_cast %add3A_534 : i32 to index
        %get3A_536 = arith.constant 16 : index
        %get3A_537 = tpu.vector_load %arg10[%get3A_535, %get3A_536] {strides = array<i32>} : memref<128x128xf32, #tpu.memory_space<vmem>>, vector<1x16xf32>,
        %get3A_538 = vector.shape_cast %get3A_537 : vector<1x16xf32> to vector<16xf32>
        %max3A_539 = arith.maximumf %max3A_527, %get3A_538 : vector<16xf32>
        %add3A_540 = arith.addf %add3A_528, %get3A_538 : vector<16xf32>
        %mul3A_541 = arith.mulf %get3A_538, %get3A_538 : vector<16xf32>
        %add3A_542 = arith.addf %add3A_530, %mul3A_541 : vector<16xf32>
        %mul3A_543 = arith.constant 16 : i32
        %mul3A_544 = arith.muli %scan3A_227, %mul3A_543 : i32
        %add3A_545 = arith.constant 9 : i32
        %add3A_546 = arith.addi %mul3A_544, %add3A_545 : i32
        %get3A_547 = arith.index_cast %add3A_546 : i32 to index
        %get3A_548 = arith.constant 16 : index
        %get3A_549 = tpu.vector_load %arg10[%get3A_547, %get3A_548] {strides = array<i32>} : memref<128x128xf32, #tpu.memory_space<vmem>>, vector<1x16xf32>,
        %get3A_550 = vector.shape_cast %get3A_549 : vector<1x16xf32> to vector<16xf32>
        %max3A_551 = arith.maximumf %max3A_539, %get3A_550 : vector<16xf32>
        %add3A_552 = arith.addf %add3A_540, %get3A_550 : vector<16xf32>
        %mul3A_553 = arith.mulf %get3A_550, %get3A_550 : vector<16xf32>
        %add3A_554 = arith.addf %add3A_542, %mul3A_553 : vector<16xf32>
        %mul3A_555 = arith.constant 16 : i32
        %mul3A_556 = arith.muli %scan3A_227, %mul3A_555 : i32
        %add3A_557 = arith.constant 10 : i32
        %add3A_558 = arith.addi %mul3A_556, %add3A_557 : i32
        %get3A_559 = arith.index_cast %add3A_558 : i32 to index
        %get3A_560 = arith.constant 16 : index
        %get3A_561 = tpu.vector_load %arg10[%get3A_559, %get3A_560] {strides = array<i32>} : memref<128x128xf32, #tpu.memory_space<vmem>>, vector<1x16xf32>,
        %get3A_562 = vector.shape_cast %get3A_561 : vector<1x16xf32> to vector<16xf32>
        %max3A_563 = arith.maximumf %max3A_551, %get3A_562 : vector<16xf32>
        %add3A_564 = arith.addf %add3A_552, %get3A_562 : vector<16xf32>
        %mul3A_565 = arith.mulf %get3A_562, %get3A_562 : vector<16xf32>
        %add3A_566 = arith.addf %add3A_554, %mul3A_565 : vector<16xf32>
        %mul3A_567 = arith.constant 16 : i32
        %mul3A_568 = arith.muli %scan3A_227, %mul3A_567 : i32
        %add3A_569 = arith.constant 11 : i32
        %add3A_570 = arith.addi %mul3A_568, %add3A_569 : i32
        %get3A_571 = arith.index_cast %add3A_570 : i32 to index
        %get3A_572 = arith.constant 16 : index
        %get3A_573 = tpu.vector_load %arg10[%get3A_571, %get3A_572] {strides = array<i32>} : memref<128x128xf32, #tpu.memory_space<vmem>>, vector<1x16xf32>,
        %get3A_574 = vector.shape_cast %get3A_573 : vector<1x16xf32> to vector<16xf32>
        %max3A_575 = arith.maximumf %max3A_563, %get3A_574 : vector<16xf32>
        %add3A_576 = arith.addf %add3A_564, %get3A_574 : vector<16xf32>
        %mul3A_577 = arith.mulf %get3A_574, %get3A_574 : vector<16xf32>
        %add3A_578 = arith.addf %add3A_566, %mul3A_577 : vector<16xf32>
        %mul3A_579 = arith.constant 16 : i32
        %mul3A_580 = arith.muli %scan3A_227, %mul3A_579 : i32
        %add3A_581 = arith.constant 12 : i32
        %add3A_582 = arith.addi %mul3A_580, %add3A_581 : i32
        %get3A_583 = arith.index_cast %add3A_582 : i32 to index
        %get3A_584 = arith.constant 16 : index
        %get3A_585 = tpu.vector_load %arg10[%get3A_583, %get3A_584] {strides = array<i32>} : memref<128x128xf32, #tpu.memory_space<vmem>>, vector<1x16xf32>,
        %get3A_586 = vector.shape_cast %get3A_585 : vector<1x16xf32> to vector<16xf32>
        %max3A_587 = arith.maximumf %max3A_575, %get3A_586 : vector<16xf32>
        %add3A_588 = arith.addf %add3A_576, %get3A_586 : vector<16xf32>
        %mul3A_589 = arith.mulf %get3A_586, %get3A_586 : vector<16xf32>
        %add3A_590 = arith.addf %add3A_578, %mul3A_589 : vector<16xf32>
        %mul3A_591 = arith.constant 16 : i32
        %mul3A_592 = arith.muli %scan3A_227, %mul3A_591 : i32
        %add3A_593 = arith.constant 13 : i32
        %add3A_594 = arith.addi %mul3A_592, %add3A_593 : i32
        %get3A_595 = arith.index_cast %add3A_594 : i32 to index
        %get3A_596 = arith.constant 16 : index
        %get3A_597 = tpu.vector_load %arg10[%get3A_595, %get3A_596] {strides = array<i32>} : memref<128x128xf32, #tpu.memory_space<vmem>>, vector<1x16xf32>,
        %get3A_598 = vector.shape_cast %get3A_597 : vector<1x16xf32> to vector<16xf32>
        %max3A_599 = arith.maximumf %max3A_587, %get3A_598 : vector<16xf32>
        %add3A_600 = arith.addf %add3A_588, %get3A_598 : vector<16xf32>
        %mul3A_601 = arith.mulf %get3A_598, %get3A_598 : vector<16xf32>
        %add3A_602 = arith.addf %add3A_590, %mul3A_601 : vector<16xf32>
        %mul3A_603 = arith.constant 16 : i32
        %mul3A_604 = arith.muli %scan3A_227, %mul3A_603 : i32
        %add3A_605 = arith.constant 14 : i32
        %add3A_606 = arith.addi %mul3A_604, %add3A_605 : i32
        %get3A_607 = arith.index_cast %add3A_606 : i32 to index
        %get3A_608 = arith.constant 16 : index
        %get3A_609 = tpu.vector_load %arg10[%get3A_607, %get3A_608] {strides = array<i32>} : memref<128x128xf32, #tpu.memory_space<vmem>>, vector<1x16xf32>,
        %get3A_610 = vector.shape_cast %get3A_609 : vector<1x16xf32> to vector<16xf32>
        %max3A_611 = arith.maximumf %max3A_599, %get3A_610 : vector<16xf32>
        %add3A_612 = arith.addf %add3A_600, %get3A_610 : vector<16xf32>
        %mul3A_613 = arith.mulf %get3A_610, %get3A_610 : vector<16xf32>
        %add3A_614 = arith.addf %add3A_602, %mul3A_613 : vector<16xf32>
        %mul3A_615 = arith.constant 16 : i32
        %mul3A_616 = arith.muli %scan3A_227, %mul3A_615 : i32
        %add3A_617 = arith.constant 15 : i32
        %add3A_618 = arith.addi %mul3A_616, %add3A_617 : i32
        %get3A_619 = arith.index_cast %add3A_618 : i32 to index
        %get3A_620 = arith.constant 16 : index
        %get3A_621 = tpu.vector_load %arg10[%get3A_619, %get3A_620] {strides = array<i32>} : memref<128x128xf32, #tpu.memory_space<vmem>>, vector<1x16xf32>,
        %get3A_622 = vector.shape_cast %get3A_621 : vector<1x16xf32> to vector<16xf32>
        %max3A_623 = arith.maximumf %max3A_611, %get3A_622 : vector<16xf32>
        %add3A_624 = arith.addf %add3A_612, %get3A_622 : vector<16xf32>
        %mul3A_625 = arith.mulf %get3A_622, %get3A_622 : vector<16xf32>
        %add3A_626 = arith.addf %add3A_614, %mul3A_625 : vector<16xf32>
        %swap3A_627 = arith.index_cast %rem3A_116 : i32 to index
        %swap3A_628 = arith.index_cast %add3A_230 : i32 to index
        %swap3A_629 = arith.constant 16 : index
        %swap3A_630 = tpu.vector_load %arg12[%swap3A_627, %swap3A_628, %swap3A_629] {strides = array<i32>} : memref<2x32x64xf32, #tpu.memory_space<vmem>>, vector<1x1x16xf32>,
        %swap3A_631 = vector.shape_cast %swap3A_630 : vector<1x1x16xf32> to vector<16xf32>
        %swap3A_632 = vector.shape_cast %max3A_623 : vector<16xf32> to vector<1x1x16xf32>
        tpu.vector_store %arg12[%swap3A_627, %swap3A_628, %swap3A_629], %swap3A_632 {strides = array<i32>} : memref<2x32x64xf32, #tpu.memory_space<vmem>>, vector<1x1x16xf32>,
        %swap3A_633 = arith.index_cast %rem3A_116 : i32 to index
        %swap3A_634 = arith.index_cast %add3A_230 : i32 to index
        %swap3A_635 = arith.constant 16 : index
        %swap3A_636 = tpu.vector_load %arg13[%swap3A_633, %swap3A_634, %swap3A_635] {strides = array<i32>} : memref<2x32x64xf32, #tpu.memory_space<vmem>>, vector<1x1x16xf32>,
        %swap3A_637 = vector.shape_cast %swap3A_636 : vector<1x1x16xf32> to vector<16xf32>
        %swap3A_638 = vector.shape_cast %add3A_624 : vector<16xf32> to vector<1x1x16xf32>
        tpu.vector_store %arg13[%swap3A_633, %swap3A_634, %swap3A_635], %swap3A_638 {strides = array<i32>} : memref<2x32x64xf32, #tpu.memory_space<vmem>>, vector<1x1x16xf32>,
        %get3A_639 = arith.constant 0 : i32
        %get3A_640 = arith.index_cast %get3A_639 : i32 to index
        %get3A_641 = arith.constant 16 : index
        %get3A_642 = tpu.vector_load %arg14[%get3A_640, %get3A_641] {strides = array<i32>} : memref<1x64xf32, #tpu.memory_space<vmem>>, vector<1x16xf32>,
        %get3A_643 = vector.shape_cast %get3A_642 : vector<1x16xf32> to vector<16xf32>
        %add3A_644 = arith.addf %get3A_643, %add3A_626 : vector<16xf32>
        %swap3A_645 = arith.constant 0 : i32
        %swap3A_646 = arith.index_cast %swap3A_645 : i32 to index
        %swap3A_647 = arith.constant 16 : index
        %swap3A_648 = tpu.vector_load %arg14[%swap3A_646, %swap3A_647] {strides = array<i32>} : memref<1x64xf32, #tpu.memory_space<vmem>>, vector<1x16xf32>,
        %swap3A_649 = vector.shape_cast %swap3A_648 : vector<1x16xf32> to vector<16xf32>
        %swap3A_650 = vector.shape_cast %add3A_644 : vector<16xf32> to vector<1x16xf32>
        tpu.vector_store %arg14[%swap3A_646, %swap3A_647], %swap3A_650 {strides = array<i32>} : memref<1x64xf32, #tpu.memory_space<vmem>>, vector<1x16xf32>,
        %mul3A_651 = arith.constant 16 : i32
        %mul3A_652 = arith.muli %scan3A_227, %mul3A_651 : i32
        %get3A_653 = arith.index_cast %mul3A_652 : i32 to index
        %get3A_654 = arith.constant 32 : index
        %get3A_655 = tpu.vector_load %arg10[%get3A_653, %get3A_654] {strides = array<i32>} : memref<128x128xf32, #tpu.memory_space<vmem>>, vector<1x16xf32>,
        %get3A_656 = vector.shape_cast %get3A_655 : vector<1x16xf32> to vector<16xf32>
        %mul3A_657 = arith.mulf %get3A_656, %get3A_656 : vector<16xf32>
        %mul3A_658 = arith.constant 16 : i32
        %mul3A_659 = arith.muli %scan3A_227, %mul3A_658 : i32
        %add3A_660 = arith.constant 1 : i32
        %add3A_661 = arith.addi %mul3A_659, %add3A_660 : i32
        %get3A_662 = arith.index_cast %add3A_661 : i32 to index
        %get3A_663 = arith.constant 32 : index
        %get3A_664 = tpu.vector_load %arg10[%get3A_662, %get3A_663] {strides = array<i32>} : memref<128x128xf32, #tpu.memory_space<vmem>>, vector<1x16xf32>,
        %get3A_665 = vector.shape_cast %get3A_664 : vector<1x16xf32> to vector<16xf32>
        %max3A_666 = arith.maximumf %get3A_656, %get3A_665 : vector<16xf32>
        %add3A_667 = arith.addf %get3A_656, %get3A_665 : vector<16xf32>
        %mul3A_668 = arith.mulf %get3A_665, %get3A_665 : vector<16xf32>
        %add3A_669 = arith.addf %mul3A_657, %mul3A_668 : vector<16xf32>
        %mul3A_670 = arith.constant 16 : i32
        %mul3A_671 = arith.muli %scan3A_227, %mul3A_670 : i32
        %add3A_672 = arith.constant 2 : i32
        %add3A_673 = arith.addi %mul3A_671, %add3A_672 : i32
        %get3A_674 = arith.index_cast %add3A_673 : i32 to index
        %get3A_675 = arith.constant 32 : index
        %get3A_676 = tpu.vector_load %arg10[%get3A_674, %get3A_675] {strides = array<i32>} : memref<128x128xf32, #tpu.memory_space<vmem>>, vector<1x16xf32>,
        %get3A_677 = vector.shape_cast %get3A_676 : vector<1x16xf32> to vector<16xf32>
        %max3A_678 = arith.maximumf %max3A_666, %get3A_677 : vector<16xf32>
        %add3A_679 = arith.addf %add3A_667, %get3A_677 : vector<16xf32>
        %mul3A_680 = arith.mulf %get3A_677, %get3A_677 : vector<16xf32>
        %add3A_681 = arith.addf %add3A_669, %mul3A_680 : vector<16xf32>
        %mul3A_682 = arith.constant 16 : i32
        %mul3A_683 = arith.muli %scan3A_227, %mul3A_682 : i32
        %add3A_684 = arith.constant 3 : i32
        %add3A_685 = arith.addi %mul3A_683, %add3A_684 : i32
        %get3A_686 = arith.index_cast %add3A_685 : i32 to index
        %get3A_687 = arith.constant 32 : index
        %get3A_688 = tpu.vector_load %arg10[%get3A_686, %get3A_687] {strides = array<i32>} : memref<128x128xf32, #tpu.memory_space<vmem>>, vector<1x16xf32>,
        %get3A_689 = vector.shape_cast %get3A_688 : vector<1x16xf32> to vector<16xf32>
        %max3A_690 = arith.maximumf %max3A_678, %get3A_689 : vector<16xf32>
        %add3A_691 = arith.addf %add3A_679, %get3A_689 : vector<16xf32>
        %mul3A_692 = arith.mulf %get3A_689, %get3A_689 : vector<16xf32>
        %add3A_693 = arith.addf %add3A_681, %mul3A_692 : vector<16xf32>
        %mul3A_694 = arith.constant 16 : i32
        %mul3A_695 = arith.muli %scan3A_227, %mul3A_694 : i32
        %add3A_696 = arith.constant 4 : i32
        %add3A_697 = arith.addi %mul3A_695, %add3A_696 : i32
        %get3A_698 = arith.index_cast %add3A_697 : i32 to index
        %get3A_699 = arith.constant 32 : index
        %get3A_700 = tpu.vector_load %arg10[%get3A_698, %get3A_699] {strides = array<i32>} : memref<128x128xf32, #tpu.memory_space<vmem>>, vector<1x16xf32>,
        %get3A_701 = vector.shape_cast %get3A_700 : vector<1x16xf32> to vector<16xf32>
        %max3A_702 = arith.maximumf %max3A_690, %get3A_701 : vector<16xf32>
        %add3A_703 = arith.addf %add3A_691, %get3A_701 : vector<16xf32>
        %mul3A_704 = arith.mulf %get3A_701, %get3A_701 : vector<16xf32>
        %add3A_705 = arith.addf %add3A_693, %mul3A_704 : vector<16xf32>
        %mul3A_706 = arith.constant 16 : i32
        %mul3A_707 = arith.muli %scan3A_227, %mul3A_706 : i32
        %add3A_708 = arith.constant 5 : i32
        %add3A_709 = arith.addi %mul3A_707, %add3A_708 : i32
        %get3A_710 = arith.index_cast %add3A_709 : i32 to index
        %get3A_711 = arith.constant 32 : index
        %get3A_712 = tpu.vector_load %arg10[%get3A_710, %get3A_711] {strides = array<i32>} : memref<128x128xf32, #tpu.memory_space<vmem>>, vector<1x16xf32>,
        %get3A_713 = vector.shape_cast %get3A_712 : vector<1x16xf32> to vector<16xf32>
        %max3A_714 = arith.maximumf %max3A_702, %get3A_713 : vector<16xf32>
        %add3A_715 = arith.addf %add3A_703, %get3A_713 : vector<16xf32>
        %mul3A_716 = arith.mulf %get3A_713, %get3A_713 : vector<16xf32>
        %add3A_717 = arith.addf %add3A_705, %mul3A_716 : vector<16xf32>
        %mul3A_718 = arith.constant 16 : i32
        %mul3A_719 = arith.muli %scan3A_227, %mul3A_718 : i32
        %add3A_720 = arith.constant 6 : i32
        %add3A_721 = arith.addi %mul3A_719, %add3A_720 : i32
        %get3A_722 = arith.index_cast %add3A_721 : i32 to index
        %get3A_723 = arith.constant 32 : index
        %get3A_724 = tpu.vector_load %arg10[%get3A_722, %get3A_723] {strides = array<i32>} : memref<128x128xf32, #tpu.memory_space<vmem>>, vector<1x16xf32>,
        %get3A_725 = vector.shape_cast %get3A_724 : vector<1x16xf32> to vector<16xf32>
        %max3A_726 = arith.maximumf %max3A_714, %get3A_725 : vector<16xf32>
        %add3A_727 = arith.addf %add3A_715, %get3A_725 : vector<16xf32>
        %mul3A_728 = arith.mulf %get3A_725, %get3A_725 : vector<16xf32>
        %add3A_729 = arith.addf %add3A_717, %mul3A_728 : vector<16xf32>
        %mul3A_730 = arith.constant 16 : i32
        %mul3A_731 = arith.muli %scan3A_227, %mul3A_730 : i32
        %add3A_732 = arith.constant 7 : i32
        %add3A_733 = arith.addi %mul3A_731, %add3A_732 : i32
        %get3A_734 = arith.index_cast %add3A_733 : i32 to index
        %get3A_735 = arith.constant 32 : index
        %get3A_736 = tpu.vector_load %arg10[%get3A_734, %get3A_735] {strides = array<i32>} : memref<128x128xf32, #tpu.memory_space<vmem>>, vector<1x16xf32>,
        %get3A_737 = vector.shape_cast %get3A_736 : vector<1x16xf32> to vector<16xf32>
        %max3A_738 = arith.maximumf %max3A_726, %get3A_737 : vector<16xf32>
        %add3A_739 = arith.addf %add3A_727, %get3A_737 : vector<16xf32>
        %mul3A_740 = arith.mulf %get3A_737, %get3A_737 : vector<16xf32>
        %add3A_741 = arith.addf %add3A_729, %mul3A_740 : vector<16xf32>
        %mul3A_742 = arith.constant 16 : i32
        %mul3A_743 = arith.muli %scan3A_227, %mul3A_742 : i32
        %add3A_744 = arith.constant 8 : i32
        %add3A_745 = arith.addi %mul3A_743, %add3A_744 : i32
        %get3A_746 = arith.index_cast %add3A_745 : i32 to index
        %get3A_747 = arith.constant 32 : index
        %get3A_748 = tpu.vector_load %arg10[%get3A_746, %get3A_747] {strides = array<i32>} : memref<128x128xf32, #tpu.memory_space<vmem>>, vector<1x16xf32>,
        %get3A_749 = vector.shape_cast %get3A_748 : vector<1x16xf32> to vector<16xf32>
        %max3A_750 = arith.maximumf %max3A_738, %get3A_749 : vector<16xf32>
        %add3A_751 = arith.addf %add3A_739, %get3A_749 : vector<16xf32>
        %mul3A_752 = arith.mulf %get3A_749, %get3A_749 : vector<16xf32>
        %add3A_753 = arith.addf %add3A_741, %mul3A_752 : vector<16xf32>
        %mul3A_754 = arith.constant 16 : i32
        %mul3A_755 = arith.muli %scan3A_227, %mul3A_754 : i32
        %add3A_756 = arith.constant 9 : i32
        %add3A_757 = arith.addi %mul3A_755, %add3A_756 : i32
        %get3A_758 = arith.index_cast %add3A_757 : i32 to index
        %get3A_759 = arith.constant 32 : index
        %get3A_760 = tpu.vector_load %arg10[%get3A_758, %get3A_759] {strides = array<i32>} : memref<128x128xf32, #tpu.memory_space<vmem>>, vector<1x16xf32>,
        %get3A_761 = vector.shape_cast %get3A_760 : vector<1x16xf32> to vector<16xf32>
        %max3A_762 = arith.maximumf %max3A_750, %get3A_761 : vector<16xf32>
        %add3A_763 = arith.addf %add3A_751, %get3A_761 : vector<16xf32>
        %mul3A_764 = arith.mulf %get3A_761, %get3A_761 : vector<16xf32>
        %add3A_765 = arith.addf %add3A_753, %mul3A_764 : vector<16xf32>
        %mul3A_766 = arith.constant 16 : i32
        %mul3A_767 = arith.muli %scan3A_227, %mul3A_766 : i32
        %add3A_768 = arith.constant 10 : i32
        %add3A_769 = arith.addi %mul3A_767, %add3A_768 : i32
        %get3A_770 = arith.index_cast %add3A_769 : i32 to index
        %get3A_771 = arith.constant 32 : index
        %get3A_772 = tpu.vector_load %arg10[%get3A_770, %get3A_771] {strides = array<i32>} : memref<128x128xf32, #tpu.memory_space<vmem>>, vector<1x16xf32>,
        %get3A_773 = vector.shape_cast %get3A_772 : vector<1x16xf32> to vector<16xf32>
        %max3A_774 = arith.maximumf %max3A_762, %get3A_773 : vector<16xf32>
        %add3A_775 = arith.addf %add3A_763, %get3A_773 : vector<16xf32>
        %mul3A_776 = arith.mulf %get3A_773, %get3A_773 : vector<16xf32>
        %add3A_777 = arith.addf %add3A_765, %mul3A_776 : vector<16xf32>
        %mul3A_778 = arith.constant 16 : i32
        %mul3A_779 = arith.muli %scan3A_227, %mul3A_778 : i32
        %add3A_780 = arith.constant 11 : i32
        %add3A_781 = arith.addi %mul3A_779, %add3A_780 : i32
        %get3A_782 = arith.index_cast %add3A_781 : i32 to index
        %get3A_783 = arith.constant 32 : index
        %get3A_784 = tpu.vector_load %arg10[%get3A_782, %get3A_783] {strides = array<i32>} : memref<128x128xf32, #tpu.memory_space<vmem>>, vector<1x16xf32>,
        %get3A_785 = vector.shape_cast %get3A_784 : vector<1x16xf32> to vector<16xf32>
        %max3A_786 = arith.maximumf %max3A_774, %get3A_785 : vector<16xf32>
        %add3A_787 = arith.addf %add3A_775, %get3A_785 : vector<16xf32>
        %mul3A_788 = arith.mulf %get3A_785, %get3A_785 : vector<16xf32>
        %add3A_789 = arith.addf %add3A_777, %mul3A_788 : vector<16xf32>
        %mul3A_790 = arith.constant 16 : i32
        %mul3A_791 = arith.muli %scan3A_227, %mul3A_790 : i32
        %add3A_792 = arith.constant 12 : i32
        %add3A_793 = arith.addi %mul3A_791, %add3A_792 : i32
        %get3A_794 = arith.index_cast %add3A_793 : i32 to index
        %get3A_795 = arith.constant 32 : index
        %get3A_796 = tpu.vector_load %arg10[%get3A_794, %get3A_795] {strides = array<i32>} : memref<128x128xf32, #tpu.memory_space<vmem>>, vector<1x16xf32>,
        %get3A_797 = vector.shape_cast %get3A_796 : vector<1x16xf32> to vector<16xf32>
        %max3A_798 = arith.maximumf %max3A_786, %get3A_797 : vector<16xf32>
        %add3A_799 = arith.addf %add3A_787, %get3A_797 : vector<16xf32>
        %mul3A_800 = arith.mulf %get3A_797, %get3A_797 : vector<16xf32>
        %add3A_801 = arith.addf %add3A_789, %mul3A_800 : vector<16xf32>
        %mul3A_802 = arith.constant 16 : i32
        %mul3A_803 = arith.muli %scan3A_227, %mul3A_802 : i32
        %add3A_804 = arith.constant 13 : i32
        %add3A_805 = arith.addi %mul3A_803, %add3A_804 : i32
        %get3A_806 = arith.index_cast %add3A_805 : i32 to index
        %get3A_807 = arith.constant 32 : index
        %get3A_808 = tpu.vector_load %arg10[%get3A_806, %get3A_807] {strides = array<i32>} : memref<128x128xf32, #tpu.memory_space<vmem>>, vector<1x16xf32>,
        %get3A_809 = vector.shape_cast %get3A_808 : vector<1x16xf32> to vector<16xf32>
        %max3A_810 = arith.maximumf %max3A_798, %get3A_809 : vector<16xf32>
        %add3A_811 = arith.addf %add3A_799, %get3A_809 : vector<16xf32>
        %mul3A_812 = arith.mulf %get3A_809, %get3A_809 : vector<16xf32>
        %add3A_813 = arith.addf %add3A_801, %mul3A_812 : vector<16xf32>
        %mul3A_814 = arith.constant 16 : i32
        %mul3A_815 = arith.muli %scan3A_227, %mul3A_814 : i32
        %add3A_816 = arith.constant 14 : i32
        %add3A_817 = arith.addi %mul3A_815, %add3A_816 : i32
        %get3A_818 = arith.index_cast %add3A_817 : i32 to index
        %get3A_819 = arith.constant 32 : index
        %get3A_820 = tpu.vector_load %arg10[%get3A_818, %get3A_819] {strides = array<i32>} : memref<128x128xf32, #tpu.memory_space<vmem>>, vector<1x16xf32>,
        %get3A_821 = vector.shape_cast %get3A_820 : vector<1x16xf32> to vector<16xf32>
        %max3A_822 = arith.maximumf %max3A_810, %get3A_821 : vector<16xf32>
        %add3A_823 = arith.addf %add3A_811, %get3A_821 : vector<16xf32>
        %mul3A_824 = arith.mulf %get3A_821, %get3A_821 : vector<16xf32>
        %add3A_825 = arith.addf %add3A_813, %mul3A_824 : vector<16xf32>
        %mul3A_826 = arith.constant 16 : i32
        %mul3A_827 = arith.muli %scan3A_227, %mul3A_826 : i32
        %add3A_828 = arith.constant 15 : i32
        %add3A_829 = arith.addi %mul3A_827, %add3A_828 : i32
        %get3A_830 = arith.index_cast %add3A_829 : i32 to index
        %get3A_831 = arith.constant 32 : index
        %get3A_832 = tpu.vector_load %arg10[%get3A_830, %get3A_831] {strides = array<i32>} : memref<128x128xf32, #tpu.memory_space<vmem>>, vector<1x16xf32>,
        %get3A_833 = vector.shape_cast %get3A_832 : vector<1x16xf32> to vector<16xf32>
        %max3A_834 = arith.maximumf %max3A_822, %get3A_833 : vector<16xf32>
        %add3A_835 = arith.addf %add3A_823, %get3A_833 : vector<16xf32>
        %mul3A_836 = arith.mulf %get3A_833, %get3A_833 : vector<16xf32>
        %add3A_837 = arith.addf %add3A_825, %mul3A_836 : vector<16xf32>
        %swap3A_838 = arith.index_cast %rem3A_116 : i32 to index
        %swap3A_839 = arith.index_cast %add3A_230 : i32 to index
        %swap3A_840 = arith.constant 32 : index
        %swap3A_841 = tpu.vector_load %arg12[%swap3A_838, %swap3A_839, %swap3A_840] {strides = array<i32>} : memref<2x32x64xf32, #tpu.memory_space<vmem>>, vector<1x1x16xf32>,
        %swap3A_842 = vector.shape_cast %swap3A_841 : vector<1x1x16xf32> to vector<16xf32>
        %swap3A_843 = vector.shape_cast %max3A_834 : vector<16xf32> to vector<1x1x16xf32>
        tpu.vector_store %arg12[%swap3A_838, %swap3A_839, %swap3A_840], %swap3A_843 {strides = array<i32>} : memref<2x32x64xf32, #tpu.memory_space<vmem>>, vector<1x1x16xf32>,
        %swap3A_844 = arith.index_cast %rem3A_116 : i32 to index
        %swap3A_845 = arith.index_cast %add3A_230 : i32 to index
        %swap3A_846 = arith.constant 32 : index
        %swap3A_847 = tpu.vector_load %arg13[%swap3A_844, %swap3A_845, %swap3A_846] {strides = array<i32>} : memref<2x32x64xf32, #tpu.memory_space<vmem>>, vector<1x1x16xf32>,
        %swap3A_848 = vector.shape_cast %swap3A_847 : vector<1x1x16xf32> to vector<16xf32>
        %swap3A_849 = vector.shape_cast %add3A_835 : vector<16xf32> to vector<1x1x16xf32>
        tpu.vector_store %arg13[%swap3A_844, %swap3A_845, %swap3A_846], %swap3A_849 {strides = array<i32>} : memref<2x32x64xf32, #tpu.memory_space<vmem>>, vector<1x1x16xf32>,
        %get3A_850 = arith.constant 0 : i32
        %get3A_851 = arith.index_cast %get3A_850 : i32 to index
        %get3A_852 = arith.constant 32 : index
        %get3A_853 = tpu.vector_load %arg14[%get3A_851, %get3A_852] {strides = array<i32>} : memref<1x64xf32, #tpu.memory_space<vmem>>, vector<1x16xf32>,
        %get3A_854 = vector.shape_cast %get3A_853 : vector<1x16xf32> to vector<16xf32>
        %add3A_855 = arith.addf %get3A_854, %add3A_837 : vector<16xf32>
        %swap3A_856 = arith.constant 0 : i32
        %swap3A_857 = arith.index_cast %swap3A_856 : i32 to index
        %swap3A_858 = arith.constant 32 : index
        %swap3A_859 = tpu.vector_load %arg14[%swap3A_857, %swap3A_858] {strides = array<i32>} : memref<1x64xf32, #tpu.memory_space<vmem>>, vector<1x16xf32>,
        %swap3A_860 = vector.shape_cast %swap3A_859 : vector<1x16xf32> to vector<16xf32>
        %swap3A_861 = vector.shape_cast %add3A_855 : vector<16xf32> to vector<1x16xf32>
        tpu.vector_store %arg14[%swap3A_857, %swap3A_858], %swap3A_861 {strides = array<i32>} : memref<1x64xf32, #tpu.memory_space<vmem>>, vector<1x16xf32>,
        %mul3A_862 = arith.constant 16 : i32
        %mul3A_863 = arith.muli %scan3A_227, %mul3A_862 : i32
        %get3A_864 = arith.index_cast %mul3A_863 : i32 to index
        %get3A_865 = arith.constant 48 : index
        %get3A_866 = tpu.vector_load %arg10[%get3A_864, %get3A_865] {strides = array<i32>} : memref<128x128xf32, #tpu.memory_space<vmem>>, vector<1x16xf32>,
        %get3A_867 = vector.shape_cast %get3A_866 : vector<1x16xf32> to vector<16xf32>
        %mul3A_868 = arith.mulf %get3A_867, %get3A_867 : vector<16xf32>
        %mul3A_869 = arith.constant 16 : i32
        %mul3A_870 = arith.muli %scan3A_227, %mul3A_869 : i32
        %add3A_871 = arith.constant 1 : i32
        %add3A_872 = arith.addi %mul3A_870, %add3A_871 : i32
        %get3A_873 = arith.index_cast %add3A_872 : i32 to index
        %get3A_874 = arith.constant 48 : index
        %get3A_875 = tpu.vector_load %arg10[%get3A_873, %get3A_874] {strides = array<i32>} : memref<128x128xf32, #tpu.memory_space<vmem>>, vector<1x16xf32>,
        %get3A_876 = vector.shape_cast %get3A_875 : vector<1x16xf32> to vector<16xf32>
        %max3A_877 = arith.maximumf %get3A_867, %get3A_876 : vector<16xf32>
        %add3A_878 = arith.addf %get3A_867, %get3A_876 : vector<16xf32>
        %mul3A_879 = arith.mulf %get3A_876, %get3A_876 : vector<16xf32>
        %add3A_880 = arith.addf %mul3A_868, %mul3A_879 : vector<16xf32>
        %mul3A_881 = arith.constant 16 : i32
        %mul3A_882 = arith.muli %scan3A_227, %mul3A_881 : i32
        %add3A_883 = arith.constant 2 : i32
        %add3A_884 = arith.addi %mul3A_882, %add3A_883 : i32
        %get3A_885 = arith.index_cast %add3A_884 : i32 to index
        %get3A_886 = arith.constant 48 : index
        %get3A_887 = tpu.vector_load %arg10[%get3A_885, %get3A_886] {strides = array<i32>} : memref<128x128xf32, #tpu.memory_space<vmem>>, vector<1x16xf32>,
        %get3A_888 = vector.shape_cast %get3A_887 : vector<1x16xf32> to vector<16xf32>
        %max3A_889 = arith.maximumf %max3A_877, %get3A_888 : vector<16xf32>
        %add3A_890 = arith.addf %add3A_878, %get3A_888 : vector<16xf32>
        %mul3A_891 = arith.mulf %get3A_888, %get3A_888 : vector<16xf32>
        %add3A_892 = arith.addf %add3A_880, %mul3A_891 : vector<16xf32>
        %mul3A_893 = arith.constant 16 : i32
        %mul3A_894 = arith.muli %scan3A_227, %mul3A_893 : i32
        %add3A_895 = arith.constant 3 : i32
        %add3A_896 = arith.addi %mul3A_894, %add3A_895 : i32
        %get3A_897 = arith.index_cast %add3A_896 : i32 to index
        %get3A_898 = arith.constant 48 : index
        %get3A_899 = tpu.vector_load %arg10[%get3A_897, %get3A_898] {strides = array<i32>} : memref<128x128xf32, #tpu.memory_space<vmem>>, vector<1x16xf32>,
        %get3A_900 = vector.shape_cast %get3A_899 : vector<1x16xf32> to vector<16xf32>
        %max3A_901 = arith.maximumf %max3A_889, %get3A_900 : vector<16xf32>
        %add3A_902 = arith.addf %add3A_890, %get3A_900 : vector<16xf32>
        %mul3A_903 = arith.mulf %get3A_900, %get3A_900 : vector<16xf32>
        %add3A_904 = arith.addf %add3A_892, %mul3A_903 : vector<16xf32>
        %mul3A_905 = arith.constant 16 : i32
        %mul3A_906 = arith.muli %scan3A_227, %mul3A_905 : i32
        %add3A_907 = arith.constant 4 : i32
        %add3A_908 = arith.addi %mul3A_906, %add3A_907 : i32
        %get3A_909 = arith.index_cast %add3A_908 : i32 to index
        %get3A_910 = arith.constant 48 : index
        %get3A_911 = tpu.vector_load %arg10[%get3A_909, %get3A_910] {strides = array<i32>} : memref<128x128xf32, #tpu.memory_space<vmem>>, vector<1x16xf32>,
        %get3A_912 = vector.shape_cast %get3A_911 : vector<1x16xf32> to vector<16xf32>
        %max3A_913 = arith.maximumf %max3A_901, %get3A_912 : vector<16xf32>
        %add3A_914 = arith.addf %add3A_902, %get3A_912 : vector<16xf32>
        %mul3A_915 = arith.mulf %get3A_912, %get3A_912 : vector<16xf32>
        %add3A_916 = arith.addf %add3A_904, %mul3A_915 : vector<16xf32>
        %mul3A_917 = arith.constant 16 : i32
        %mul3A_918 = arith.muli %scan3A_227, %mul3A_917 : i32
        %add3A_919 = arith.constant 5 : i32
        %add3A_920 = arith.addi %mul3A_918, %add3A_919 : i32
        %get3A_921 = arith.index_cast %add3A_920 : i32 to index
        %get3A_922 = arith.constant 48 : index
        %get3A_923 = tpu.vector_load %arg10[%get3A_921, %get3A_922] {strides = array<i32>} : memref<128x128xf32, #tpu.memory_space<vmem>>, vector<1x16xf32>,
        %get3A_924 = vector.shape_cast %get3A_923 : vector<1x16xf32> to vector<16xf32>
        %max3A_925 = arith.maximumf %max3A_913, %get3A_924 : vector<16xf32>
        %add3A_926 = arith.addf %add3A_914, %get3A_924 : vector<16xf32>
        %mul3A_927 = arith.mulf %get3A_924, %get3A_924 : vector<16xf32>
        %add3A_928 = arith.addf %add3A_916, %mul3A_927 : vector<16xf32>
        %mul3A_929 = arith.constant 16 : i32
        %mul3A_930 = arith.muli %scan3A_227, %mul3A_929 : i32
        %add3A_931 = arith.constant 6 : i32
        %add3A_932 = arith.addi %mul3A_930, %add3A_931 : i32
        %get3A_933 = arith.index_cast %add3A_932 : i32 to index
        %get3A_934 = arith.constant 48 : index
        %get3A_935 = tpu.vector_load %arg10[%get3A_933, %get3A_934] {strides = array<i32>} : memref<128x128xf32, #tpu.memory_space<vmem>>, vector<1x16xf32>,
        %get3A_936 = vector.shape_cast %get3A_935 : vector<1x16xf32> to vector<16xf32>
        %max3A_937 = arith.maximumf %max3A_925, %get3A_936 : vector<16xf32>
        %add3A_938 = arith.addf %add3A_926, %get3A_936 : vector<16xf32>
        %mul3A_939 = arith.mulf %get3A_936, %get3A_936 : vector<16xf32>
        %add3A_940 = arith.addf %add3A_928, %mul3A_939 : vector<16xf32>
        %mul3A_941 = arith.constant 16 : i32
        %mul3A_942 = arith.muli %scan3A_227, %mul3A_941 : i32
        %add3A_943 = arith.constant 7 : i32
        %add3A_944 = arith.addi %mul3A_942, %add3A_943 : i32
        %get3A_945 = arith.index_cast %add3A_944 : i32 to index
        %get3A_946 = arith.constant 48 : index
        %get3A_947 = tpu.vector_load %arg10[%get3A_945, %get3A_946] {strides = array<i32>} : memref<128x128xf32, #tpu.memory_space<vmem>>, vector<1x16xf32>,
        %get3A_948 = vector.shape_cast %get3A_947 : vector<1x16xf32> to vector<16xf32>
        %max3A_949 = arith.maximumf %max3A_937, %get3A_948 : vector<16xf32>
        %add3A_950 = arith.addf %add3A_938, %get3A_948 : vector<16xf32>
        %mul3A_951 = arith.mulf %get3A_948, %get3A_948 : vector<16xf32>
        %add3A_952 = arith.addf %add3A_940, %mul3A_951 : vector<16xf32>
        %mul3A_953 = arith.constant 16 : i32
        %mul3A_954 = arith.muli %scan3A_227, %mul3A_953 : i32
        %add3A_955 = arith.constant 8 : i32
        %add3A_956 = arith.addi %mul3A_954, %add3A_955 : i32
        %get3A_957 = arith.index_cast %add3A_956 : i32 to index
        %get3A_958 = arith.constant 48 : index
        %get3A_959 = tpu.vector_load %arg10[%get3A_957, %get3A_958] {strides = array<i32>} : memref<128x128xf32, #tpu.memory_space<vmem>>, vector<1x16xf32>,
        %get3A_960 = vector.shape_cast %get3A_959 : vector<1x16xf32> to vector<16xf32>
        %max3A_961 = arith.maximumf %max3A_949, %get3A_960 : vector<16xf32>
        %add3A_962 = arith.addf %add3A_950, %get3A_960 : vector<16xf32>
        %mul3A_963 = arith.mulf %get3A_960, %get3A_960 : vector<16xf32>
        %add3A_964 = arith.addf %add3A_952, %mul3A_963 : vector<16xf32>
        %mul3A_965 = arith.constant 16 : i32
        %mul3A_966 = arith.muli %scan3A_227, %mul3A_965 : i32
        %add3A_967 = arith.constant 9 : i32
        %add3A_968 = arith.addi %mul3A_966, %add3A_967 : i32
        %get3A_969 = arith.index_cast %add3A_968 : i32 to index
        %get3A_970 = arith.constant 48 : index
        %get3A_971 = tpu.vector_load %arg10[%get3A_969, %get3A_970] {strides = array<i32>} : memref<128x128xf32, #tpu.memory_space<vmem>>, vector<1x16xf32>,
        %get3A_972 = vector.shape_cast %get3A_971 : vector<1x16xf32> to vector<16xf32>
        %max3A_973 = arith.maximumf %max3A_961, %get3A_972 : vector<16xf32>
        %add3A_974 = arith.addf %add3A_962, %get3A_972 : vector<16xf32>
        %mul3A_975 = arith.mulf %get3A_972, %get3A_972 : vector<16xf32>
        %add3A_976 = arith.addf %add3A_964, %mul3A_975 : vector<16xf32>
        %mul3A_977 = arith.constant 16 : i32
        %mul3A_978 = arith.muli %scan3A_227, %mul3A_977 : i32
        %add3A_979 = arith.constant 10 : i32
        %add3A_980 = arith.addi %mul3A_978, %add3A_979 : i32
        %get3A_981 = arith.index_cast %add3A_980 : i32 to index
        %get3A_982 = arith.constant 48 : index
        %get3A_983 = tpu.vector_load %arg10[%get3A_981, %get3A_982] {strides = array<i32>} : memref<128x128xf32, #tpu.memory_space<vmem>>, vector<1x16xf32>,
        %get3A_984 = vector.shape_cast %get3A_983 : vector<1x16xf32> to vector<16xf32>
        %max3A_985 = arith.maximumf %max3A_973, %get3A_984 : vector<16xf32>
        %add3A_986 = arith.addf %add3A_974, %get3A_984 : vector<16xf32>
        %mul3A_987 = arith.mulf %get3A_984, %get3A_984 : vector<16xf32>
        %add3A_988 = arith.addf %add3A_976, %mul3A_987 : vector<16xf32>
        %mul3A_989 = arith.constant 16 : i32
        %mul3A_990 = arith.muli %scan3A_227, %mul3A_989 : i32
        %add3A_991 = arith.constant 11 : i32
        %add3A_992 = arith.addi %mul3A_990, %add3A_991 : i32
        %get3A_993 = arith.index_cast %add3A_992 : i32 to index
        %get3A_994 = arith.constant 48 : index
        %get3A_995 = tpu.vector_load %arg10[%get3A_993, %get3A_994] {strides = array<i32>} : memref<128x128xf32, #tpu.memory_space<vmem>>, vector<1x16xf32>,
        %get3A_996 = vector.shape_cast %get3A_995 : vector<1x16xf32> to vector<16xf32>
        %max3A_997 = arith.maximumf %max3A_985, %get3A_996 : vector<16xf32>
        %add3A_998 = arith.addf %add3A_986, %get3A_996 : vector<16xf32>
        %mul3A_999 = arith.mulf %get3A_996, %get3A_996 : vector<16xf32>
        %add3A_1000 = arith.addf %add3A_988, %mul3A_999 : vector<16xf32>
        %mul3A_1001 = arith.constant 16 : i32
        %mul3A_1002 = arith.muli %scan3A_227, %mul3A_1001 : i32
        %add3A_1003 = arith.constant 12 : i32
        %add3A_1004 = arith.addi %mul3A_1002, %add3A_1003 : i32
        %get3A_1005 = arith.index_cast %add3A_1004 : i32 to index
        %get3A_1006 = arith.constant 48 : index
        %get3A_1007 = tpu.vector_load %arg10[%get3A_1005, %get3A_1006] {strides = array<i32>} : memref<128x128xf32, #tpu.memory_space<vmem>>, vector<1x16xf32>,
        %get3A_1008 = vector.shape_cast %get3A_1007 : vector<1x16xf32> to vector<16xf32>
        %max3A_1009 = arith.maximumf %max3A_997, %get3A_1008 : vector<16xf32>
        %add3A_1010 = arith.addf %add3A_998, %get3A_1008 : vector<16xf32>
        %mul3A_1011 = arith.mulf %get3A_1008, %get3A_1008 : vector<16xf32>
        %add3A_1012 = arith.addf %add3A_1000, %mul3A_1011 : vector<16xf32>
        %mul3A_1013 = arith.constant 16 : i32
        %mul3A_1014 = arith.muli %scan3A_227, %mul3A_1013 : i32
        %add3A_1015 = arith.constant 13 : i32
        %add3A_1016 = arith.addi %mul3A_1014, %add3A_1015 : i32
        %get3A_1017 = arith.index_cast %add3A_1016 : i32 to index
        %get3A_1018 = arith.constant 48 : index
        %get3A_1019 = tpu.vector_load %arg10[%get3A_1017, %get3A_1018] {strides = array<i32>} : memref<128x128xf32, #tpu.memory_space<vmem>>, vector<1x16xf32>,
        %get3A_1020 = vector.shape_cast %get3A_1019 : vector<1x16xf32> to vector<16xf32>
        %max3A_1021 = arith.maximumf %max3A_1009, %get3A_1020 : vector<16xf32>
        %add3A_1022 = arith.addf %add3A_1010, %get3A_1020 : vector<16xf32>
        %mul3A_1023 = arith.mulf %get3A_1020, %get3A_1020 : vector<16xf32>
        %add3A_1024 = arith.addf %add3A_1012, %mul3A_1023 : vector<16xf32>
        %mul3A_1025 = arith.constant 16 : i32
        %mul3A_1026 = arith.muli %scan3A_227, %mul3A_1025 : i32
        %add3A_1027 = arith.constant 14 : i32
        %add3A_1028 = arith.addi %mul3A_1026, %add3A_1027 : i32
        %get3A_1029 = arith.index_cast %add3A_1028 : i32 to index
        %get3A_1030 = arith.constant 48 : index
        %get3A_1031 = tpu.vector_load %arg10[%get3A_1029, %get3A_1030] {strides = array<i32>} : memref<128x128xf32, #tpu.memory_space<vmem>>, vector<1x16xf32>,
        %get3A_1032 = vector.shape_cast %get3A_1031 : vector<1x16xf32> to vector<16xf32>
        %max3A_1033 = arith.maximumf %max3A_1021, %get3A_1032 : vector<16xf32>
        %add3A_1034 = arith.addf %add3A_1022, %get3A_1032 : vector<16xf32>
        %mul3A_1035 = arith.mulf %get3A_1032, %get3A_1032 : vector<16xf32>
        %add3A_1036 = arith.addf %add3A_1024, %mul3A_1035 : vector<16xf32>
        %mul3A_1037 = arith.constant 16 : i32
        %mul3A_1038 = arith.muli %scan3A_227, %mul3A_1037 : i32
        %add3A_1039 = arith.constant 15 : i32
        %add3A_1040 = arith.addi %mul3A_1038, %add3A_1039 : i32
        %get3A_1041 = arith.index_cast %add3A_1040 : i32 to index
        %get3A_1042 = arith.constant 48 : index
        %get3A_1043 = tpu.vector_load %arg10[%get3A_1041, %get3A_1042] {strides = array<i32>} : memref<128x128xf32, #tpu.memory_space<vmem>>, vector<1x16xf32>,
        %get3A_1044 = vector.shape_cast %get3A_1043 : vector<1x16xf32> to vector<16xf32>
        %max3A_1045 = arith.maximumf %max3A_1033, %get3A_1044 : vector<16xf32>
        %add3A_1046 = arith.addf %add3A_1034, %get3A_1044 : vector<16xf32>
        %mul3A_1047 = arith.mulf %get3A_1044, %get3A_1044 : vector<16xf32>
        %add3A_1048 = arith.addf %add3A_1036, %mul3A_1047 : vector<16xf32>
        %swap3A_1049 = arith.index_cast %rem3A_116 : i32 to index
        %swap3A_1050 = arith.index_cast %add3A_230 : i32 to index
        %swap3A_1051 = arith.constant 48 : index
        %swap3A_1052 = tpu.vector_load %arg12[%swap3A_1049, %swap3A_1050, %swap3A_1051] {strides = array<i32>} : memref<2x32x64xf32, #tpu.memory_space<vmem>>, vector<1x1x16xf32>,
        %swap3A_1053 = vector.shape_cast %swap3A_1052 : vector<1x1x16xf32> to vector<16xf32>
        %swap3A_1054 = vector.shape_cast %max3A_1045 : vector<16xf32> to vector<1x1x16xf32>
        tpu.vector_store %arg12[%swap3A_1049, %swap3A_1050, %swap3A_1051], %swap3A_1054 {strides = array<i32>} : memref<2x32x64xf32, #tpu.memory_space<vmem>>, vector<1x1x16xf32>,
        %swap3A_1055 = arith.index_cast %rem3A_116 : i32 to index
        %swap3A_1056 = arith.index_cast %add3A_230 : i32 to index
        %swap3A_1057 = arith.constant 48 : index
        %swap3A_1058 = tpu.vector_load %arg13[%swap3A_1055, %swap3A_1056, %swap3A_1057] {strides = array<i32>} : memref<2x32x64xf32, #tpu.memory_space<vmem>>, vector<1x1x16xf32>,
        %swap3A_1059 = vector.shape_cast %swap3A_1058 : vector<1x1x16xf32> to vector<16xf32>
        %swap3A_1060 = vector.shape_cast %add3A_1046 : vector<16xf32> to vector<1x1x16xf32>
        tpu.vector_store %arg13[%swap3A_1055, %swap3A_1056, %swap3A_1057], %swap3A_1060 {strides = array<i32>} : memref<2x32x64xf32, #tpu.memory_space<vmem>>, vector<1x1x16xf32>,
        %get3A_1061 = arith.constant 0 : i32
        %get3A_1062 = arith.index_cast %get3A_1061 : i32 to index
        %get3A_1063 = arith.constant 48 : index
        %get3A_1064 = tpu.vector_load %arg14[%get3A_1062, %get3A_1063] {strides = array<i32>} : memref<1x64xf32, #tpu.memory_space<vmem>>, vector<1x16xf32>,
        %get3A_1065 = vector.shape_cast %get3A_1064 : vector<1x16xf32> to vector<16xf32>
        %add3A_1066 = arith.addf %get3A_1065, %add3A_1048 : vector<16xf32>
        %swap3A_1067 = arith.constant 0 : i32
        %swap3A_1068 = arith.index_cast %swap3A_1067 : i32 to index
        %swap3A_1069 = arith.constant 48 : index
        %swap3A_1070 = tpu.vector_load %arg14[%swap3A_1068, %swap3A_1069] {strides = array<i32>} : memref<1x64xf32, #tpu.memory_space<vmem>>, vector<1x16xf32>,
        %swap3A_1071 = vector.shape_cast %swap3A_1070 : vector<1x16xf32> to vector<16xf32>
        %swap3A_1072 = vector.shape_cast %add3A_1066 : vector<16xf32> to vector<1x16xf32>
        tpu.vector_store %arg14[%swap3A_1068, %swap3A_1069], %swap3A_1072 {strides = array<i32>} : memref<1x64xf32, #tpu.memory_space<vmem>>, vector<1x16xf32>,
        %scan3A_1073 = arith.constant 0 : i32
        scf.yield %scan3A_1073 : i32
      }
      %scan3A_189 = arith.constant 8 : i32
      %mul3A_190 = arith.constant 4 : i32
      %mul3A_191 = arith.muli %scan3A_114, %mul3A_190 : i32
      %add3A_192 = arith.constant 3 : i32
      %add3A_193 = arith.addi %mul3A_191, %add3A_192 : i32
      %add3A_194 = arith.constant 3 : i32
      %add3A_195 = arith.addi %add3A_193, %add3A_194 : i32
      %lt3A_196 = arith.constant 64 : i32
      %lt3A_197 = arith.cmpi slt, %add3A_195, %lt3A_196 : i32
      %convert_element_type3A_198 = arith.extui %lt3A_197 : i1 to i32
      %cond3A_199 = arith.constant 0 : i32
      %cond3A_200 = arith.cmpi ne, %convert_element_type3A_198, %cond3A_199 : i32
      scf.if %cond3A_200 {
        %add3A_227 = arith.constant 3 : i32
        %add3A_228 = arith.addi %add3A_193, %add3A_227 : i32
        %mul3A_229 = arith.constant 8 : i32
        %mul3A_230 = arith.muli %add3A_228, %mul3A_229 : i32
        %mul3A_231 = arith.constant 16 : i32
        %mul3A_232 = arith.muli %mul3A_230, %mul3A_231 : i32
        %dma_start3A_233 = tpu.memref_slice %arg7[%mul3A_232] : memref<8192xi32, #tpu.memory_space<vmem>> -> memref<128xi32, #tpu.memory_space<vmem>>
        %dma_start3A_234 = arith.constant 0 : i32
        %dma_start3A_235 = arith.constant 0 : i32
        %dma_start3A_236 = tpu.memref_slice %arg2[%dma_start3A_234, %dma_start3A_235] : memref<16384x128xf32, #tpu.memory_space<hbm>> -> memref<16384x128xf32, #tpu.memory_space<hbm>>
        tpu.enqueue_indirect_dma source(%dma_start3A_236 : memref<16384x128xf32, #tpu.memory_space<hbm>>) target(%arg10 : memref<128x128xf32, #tpu.memory_space<vmem>>) offsets(%dma_start3A_233 : memref<128xi32, #tpu.memory_space<vmem>>) semaphore(%arg17 : memref<!tpu.dma_semaphore, #tpu.memory_space<semaphore_mem>>)
      } else {
      }
      %dma_wait3A_201 = arith.constant 0 : i32
      %dma_wait3A_202 = arith.constant 0 : i32
      %dma_wait3A_203 = tpu.memref_slice %arg2[%dma_wait3A_201, %dma_wait3A_202] : memref<16384x128xf32, #tpu.memory_space<hbm>> -> memref<128x128xf32, #tpu.memory_space<hbm>>
      %dma_wait3A_204 = arith.constant 0 : i32
      %dma_wait3A_205 = arith.constant 0 : i32
      %dma_wait3A_206 = tpu.memref_slice %arg2[%dma_wait3A_204, %dma_wait3A_205] : memref<16384x128xf32, #tpu.memory_space<hbm>> -> memref<128x128xf32, #tpu.memory_space<hbm>>
      tpu.wait_dma2 semaphore(%arg18 : memref<!tpu.dma_semaphore, #tpu.memory_space<semaphore_mem>>) src(%dma_wait3A_206 : memref<128x128xf32, #tpu.memory_space<hbm>>) dst(%arg11 : memref<128x128xf32, #tpu.memory_space<vmem>>)
      %scan3A_207 = arith.constant 0 : i32
      %scan3A_208 = arith.constant 0 : i32
      %scan3A_209 = arith.constant 8 : i32
      %scan3A_210 = arith.addi %scan3A_208, %scan3A_209 : i32
      %scan3A_211 = arith.constant 1 : i32
      %scan3A_212 = scf.for %scan3A_227 = %scan3A_208 to %scan3A_210 step %scan3A_211 iter_args(%scan3A_228 = %scan3A_207) -> (i32)  : i32 {
        %add3A_229 = arith.constant 24 : i32
        %add3A_230 = arith.addi %add3A_229, %scan3A_227 : i32
        %mul3A_231 = arith.constant 16 : i32
        %mul3A_232 = arith.muli %scan3A_227, %mul3A_231 : i32
        %get3A = arith.index_cast %mul3A_232 : i32 to index
        %get3A_233 = arith.constant 0 : index
        %get3A_234 = tpu.vector_load %arg11[%get3A, %get3A_233] {strides = array<i32>} : memref<128x128xf32, #tpu.memory_space<vmem>>, vector<1x16xf32>,
        %get3A_235 = vector.shape_cast %get3A_234 : vector<1x16xf32> to vector<16xf32>
        %mul3A_236 = arith.mulf %get3A_235, %get3A_235 : vector<16xf32>
        %mul3A_237 = arith.constant 16 : i32
        %mul3A_238 = arith.muli %scan3A_227, %mul3A_237 : i32
        %add3A_239 = arith.constant 1 : i32
        %add3A_240 = arith.addi %mul3A_238, %add3A_239 : i32
        %get3A_241 = arith.index_cast %add3A_240 : i32 to index
        %get3A_242 = arith.constant 0 : index
        %get3A_243 = tpu.vector_load %arg11[%get3A_241, %get3A_242] {strides = array<i32>} : memref<128x128xf32, #tpu.memory_space<vmem>>, vector<1x16xf32>,
        %get3A_244 = vector.shape_cast %get3A_243 : vector<1x16xf32> to vector<16xf32>
        %max3A = arith.maximumf %get3A_235, %get3A_244 : vector<16xf32>
        %add3A_245 = arith.addf %get3A_235, %get3A_244 : vector<16xf32>
        %mul3A_246 = arith.mulf %get3A_244, %get3A_244 : vector<16xf32>
        %add3A_247 = arith.addf %mul3A_236, %mul3A_246 : vector<16xf32>
        %mul3A_248 = arith.constant 16 : i32
        %mul3A_249 = arith.muli %scan3A_227, %mul3A_248 : i32
        %add3A_250 = arith.constant 2 : i32
        %add3A_251 = arith.addi %mul3A_249, %add3A_250 : i32
        %get3A_252 = arith.index_cast %add3A_251 : i32 to index
        %get3A_253 = arith.constant 0 : index
        %get3A_254 = tpu.vector_load %arg11[%get3A_252, %get3A_253] {strides = array<i32>} : memref<128x128xf32, #tpu.memory_space<vmem>>, vector<1x16xf32>,
        %get3A_255 = vector.shape_cast %get3A_254 : vector<1x16xf32> to vector<16xf32>
        %max3A_256 = arith.maximumf %max3A, %get3A_255 : vector<16xf32>
        %add3A_257 = arith.addf %add3A_245, %get3A_255 : vector<16xf32>
        %mul3A_258 = arith.mulf %get3A_255, %get3A_255 : vector<16xf32>
        %add3A_259 = arith.addf %add3A_247, %mul3A_258 : vector<16xf32>
        %mul3A_260 = arith.constant 16 : i32
        %mul3A_261 = arith.muli %scan3A_227, %mul3A_260 : i32
        %add3A_262 = arith.constant 3 : i32
        %add3A_263 = arith.addi %mul3A_261, %add3A_262 : i32
        %get3A_264 = arith.index_cast %add3A_263 : i32 to index
        %get3A_265 = arith.constant 0 : index
        %get3A_266 = tpu.vector_load %arg11[%get3A_264, %get3A_265] {strides = array<i32>} : memref<128x128xf32, #tpu.memory_space<vmem>>, vector<1x16xf32>,
        %get3A_267 = vector.shape_cast %get3A_266 : vector<1x16xf32> to vector<16xf32>
        %max3A_268 = arith.maximumf %max3A_256, %get3A_267 : vector<16xf32>
        %add3A_269 = arith.addf %add3A_257, %get3A_267 : vector<16xf32>
        %mul3A_270 = arith.mulf %get3A_267, %get3A_267 : vector<16xf32>
        %add3A_271 = arith.addf %add3A_259, %mul3A_270 : vector<16xf32>
        %mul3A_272 = arith.constant 16 : i32
        %mul3A_273 = arith.muli %scan3A_227, %mul3A_272 : i32
        %add3A_274 = arith.constant 4 : i32
        %add3A_275 = arith.addi %mul3A_273, %add3A_274 : i32
        %get3A_276 = arith.index_cast %add3A_275 : i32 to index
        %get3A_277 = arith.constant 0 : index
        %get3A_278 = tpu.vector_load %arg11[%get3A_276, %get3A_277] {strides = array<i32>} : memref<128x128xf32, #tpu.memory_space<vmem>>, vector<1x16xf32>,
        %get3A_279 = vector.shape_cast %get3A_278 : vector<1x16xf32> to vector<16xf32>
        %max3A_280 = arith.maximumf %max3A_268, %get3A_279 : vector<16xf32>
        %add3A_281 = arith.addf %add3A_269, %get3A_279 : vector<16xf32>
        %mul3A_282 = arith.mulf %get3A_279, %get3A_279 : vector<16xf32>
        %add3A_283 = arith.addf %add3A_271, %mul3A_282 : vector<16xf32>
        %mul3A_284 = arith.constant 16 : i32
        %mul3A_285 = arith.muli %scan3A_227, %mul3A_284 : i32
        %add3A_286 = arith.constant 5 : i32
        %add3A_287 = arith.addi %mul3A_285, %add3A_286 : i32
        %get3A_288 = arith.index_cast %add3A_287 : i32 to index
        %get3A_289 = arith.constant 0 : index
        %get3A_290 = tpu.vector_load %arg11[%get3A_288, %get3A_289] {strides = array<i32>} : memref<128x128xf32, #tpu.memory_space<vmem>>, vector<1x16xf32>,
        %get3A_291 = vector.shape_cast %get3A_290 : vector<1x16xf32> to vector<16xf32>
        %max3A_292 = arith.maximumf %max3A_280, %get3A_291 : vector<16xf32>
        %add3A_293 = arith.addf %add3A_281, %get3A_291 : vector<16xf32>
        %mul3A_294 = arith.mulf %get3A_291, %get3A_291 : vector<16xf32>
        %add3A_295 = arith.addf %add3A_283, %mul3A_294 : vector<16xf32>
        %mul3A_296 = arith.constant 16 : i32
        %mul3A_297 = arith.muli %scan3A_227, %mul3A_296 : i32
        %add3A_298 = arith.constant 6 : i32
        %add3A_299 = arith.addi %mul3A_297, %add3A_298 : i32
        %get3A_300 = arith.index_cast %add3A_299 : i32 to index
        %get3A_301 = arith.constant 0 : index
        %get3A_302 = tpu.vector_load %arg11[%get3A_300, %get3A_301] {strides = array<i32>} : memref<128x128xf32, #tpu.memory_space<vmem>>, vector<1x16xf32>,
        %get3A_303 = vector.shape_cast %get3A_302 : vector<1x16xf32> to vector<16xf32>
        %max3A_304 = arith.maximumf %max3A_292, %get3A_303 : vector<16xf32>
        %add3A_305 = arith.addf %add3A_293, %get3A_303 : vector<16xf32>
        %mul3A_306 = arith.mulf %get3A_303, %get3A_303 : vector<16xf32>
        %add3A_307 = arith.addf %add3A_295, %mul3A_306 : vector<16xf32>
        %mul3A_308 = arith.constant 16 : i32
        %mul3A_309 = arith.muli %scan3A_227, %mul3A_308 : i32
        %add3A_310 = arith.constant 7 : i32
        %add3A_311 = arith.addi %mul3A_309, %add3A_310 : i32
        %get3A_312 = arith.index_cast %add3A_311 : i32 to index
        %get3A_313 = arith.constant 0 : index
        %get3A_314 = tpu.vector_load %arg11[%get3A_312, %get3A_313] {strides = array<i32>} : memref<128x128xf32, #tpu.memory_space<vmem>>, vector<1x16xf32>,
        %get3A_315 = vector.shape_cast %get3A_314 : vector<1x16xf32> to vector<16xf32>
        %max3A_316 = arith.maximumf %max3A_304, %get3A_315 : vector<16xf32>
        %add3A_317 = arith.addf %add3A_305, %get3A_315 : vector<16xf32>
        %mul3A_318 = arith.mulf %get3A_315, %get3A_315 : vector<16xf32>
        %add3A_319 = arith.addf %add3A_307, %mul3A_318 : vector<16xf32>
        %mul3A_320 = arith.constant 16 : i32
        %mul3A_321 = arith.muli %scan3A_227, %mul3A_320 : i32
        %add3A_322 = arith.constant 8 : i32
        %add3A_323 = arith.addi %mul3A_321, %add3A_322 : i32
        %get3A_324 = arith.index_cast %add3A_323 : i32 to index
        %get3A_325 = arith.constant 0 : index
        %get3A_326 = tpu.vector_load %arg11[%get3A_324, %get3A_325] {strides = array<i32>} : memref<128x128xf32, #tpu.memory_space<vmem>>, vector<1x16xf32>,
        %get3A_327 = vector.shape_cast %get3A_326 : vector<1x16xf32> to vector<16xf32>
        %max3A_328 = arith.maximumf %max3A_316, %get3A_327 : vector<16xf32>
        %add3A_329 = arith.addf %add3A_317, %get3A_327 : vector<16xf32>
        %mul3A_330 = arith.mulf %get3A_327, %get3A_327 : vector<16xf32>
        %add3A_331 = arith.addf %add3A_319, %mul3A_330 : vector<16xf32>
        %mul3A_332 = arith.constant 16 : i32
        %mul3A_333 = arith.muli %scan3A_227, %mul3A_332 : i32
        %add3A_334 = arith.constant 9 : i32
        %add3A_335 = arith.addi %mul3A_333, %add3A_334 : i32
        %get3A_336 = arith.index_cast %add3A_335 : i32 to index
        %get3A_337 = arith.constant 0 : index
        %get3A_338 = tpu.vector_load %arg11[%get3A_336, %get3A_337] {strides = array<i32>} : memref<128x128xf32, #tpu.memory_space<vmem>>, vector<1x16xf32>,
        %get3A_339 = vector.shape_cast %get3A_338 : vector<1x16xf32> to vector<16xf32>
        %max3A_340 = arith.maximumf %max3A_328, %get3A_339 : vector<16xf32>
        %add3A_341 = arith.addf %add3A_329, %get3A_339 : vector<16xf32>
        %mul3A_342 = arith.mulf %get3A_339, %get3A_339 : vector<16xf32>
        %add3A_343 = arith.addf %add3A_331, %mul3A_342 : vector<16xf32>
        %mul3A_344 = arith.constant 16 : i32
        %mul3A_345 = arith.muli %scan3A_227, %mul3A_344 : i32
        %add3A_346 = arith.constant 10 : i32
        %add3A_347 = arith.addi %mul3A_345, %add3A_346 : i32
        %get3A_348 = arith.index_cast %add3A_347 : i32 to index
        %get3A_349 = arith.constant 0 : index
        %get3A_350 = tpu.vector_load %arg11[%get3A_348, %get3A_349] {strides = array<i32>} : memref<128x128xf32, #tpu.memory_space<vmem>>, vector<1x16xf32>,
        %get3A_351 = vector.shape_cast %get3A_350 : vector<1x16xf32> to vector<16xf32>
        %max3A_352 = arith.maximumf %max3A_340, %get3A_351 : vector<16xf32>
        %add3A_353 = arith.addf %add3A_341, %get3A_351 : vector<16xf32>
        %mul3A_354 = arith.mulf %get3A_351, %get3A_351 : vector<16xf32>
        %add3A_355 = arith.addf %add3A_343, %mul3A_354 : vector<16xf32>
        %mul3A_356 = arith.constant 16 : i32
        %mul3A_357 = arith.muli %scan3A_227, %mul3A_356 : i32
        %add3A_358 = arith.constant 11 : i32
        %add3A_359 = arith.addi %mul3A_357, %add3A_358 : i32
        %get3A_360 = arith.index_cast %add3A_359 : i32 to index
        %get3A_361 = arith.constant 0 : index
        %get3A_362 = tpu.vector_load %arg11[%get3A_360, %get3A_361] {strides = array<i32>} : memref<128x128xf32, #tpu.memory_space<vmem>>, vector<1x16xf32>,
        %get3A_363 = vector.shape_cast %get3A_362 : vector<1x16xf32> to vector<16xf32>
        %max3A_364 = arith.maximumf %max3A_352, %get3A_363 : vector<16xf32>
        %add3A_365 = arith.addf %add3A_353, %get3A_363 : vector<16xf32>
        %mul3A_366 = arith.mulf %get3A_363, %get3A_363 : vector<16xf32>
        %add3A_367 = arith.addf %add3A_355, %mul3A_366 : vector<16xf32>
        %mul3A_368 = arith.constant 16 : i32
        %mul3A_369 = arith.muli %scan3A_227, %mul3A_368 : i32
        %add3A_370 = arith.constant 12 : i32
        %add3A_371 = arith.addi %mul3A_369, %add3A_370 : i32
        %get3A_372 = arith.index_cast %add3A_371 : i32 to index
        %get3A_373 = arith.constant 0 : index
        %get3A_374 = tpu.vector_load %arg11[%get3A_372, %get3A_373] {strides = array<i32>} : memref<128x128xf32, #tpu.memory_space<vmem>>, vector<1x16xf32>,
        %get3A_375 = vector.shape_cast %get3A_374 : vector<1x16xf32> to vector<16xf32>
        %max3A_376 = arith.maximumf %max3A_364, %get3A_375 : vector<16xf32>
        %add3A_377 = arith.addf %add3A_365, %get3A_375 : vector<16xf32>
        %mul3A_378 = arith.mulf %get3A_375, %get3A_375 : vector<16xf32>
        %add3A_379 = arith.addf %add3A_367, %mul3A_378 : vector<16xf32>
        %mul3A_380 = arith.constant 16 : i32
        %mul3A_381 = arith.muli %scan3A_227, %mul3A_380 : i32
        %add3A_382 = arith.constant 13 : i32
        %add3A_383 = arith.addi %mul3A_381, %add3A_382 : i32
        %get3A_384 = arith.index_cast %add3A_383 : i32 to index
        %get3A_385 = arith.constant 0 : index
        %get3A_386 = tpu.vector_load %arg11[%get3A_384, %get3A_385] {strides = array<i32>} : memref<128x128xf32, #tpu.memory_space<vmem>>, vector<1x16xf32>,
        %get3A_387 = vector.shape_cast %get3A_386 : vector<1x16xf32> to vector<16xf32>
        %max3A_388 = arith.maximumf %max3A_376, %get3A_387 : vector<16xf32>
        %add3A_389 = arith.addf %add3A_377, %get3A_387 : vector<16xf32>
        %mul3A_390 = arith.mulf %get3A_387, %get3A_387 : vector<16xf32>
        %add3A_391 = arith.addf %add3A_379, %mul3A_390 : vector<16xf32>
        %mul3A_392 = arith.constant 16 : i32
        %mul3A_393 = arith.muli %scan3A_227, %mul3A_392 : i32
        %add3A_394 = arith.constant 14 : i32
        %add3A_395 = arith.addi %mul3A_393, %add3A_394 : i32
        %get3A_396 = arith.index_cast %add3A_395 : i32 to index
        %get3A_397 = arith.constant 0 : index
        %get3A_398 = tpu.vector_load %arg11[%get3A_396, %get3A_397] {strides = array<i32>} : memref<128x128xf32, #tpu.memory_space<vmem>>, vector<1x16xf32>,
        %get3A_399 = vector.shape_cast %get3A_398 : vector<1x16xf32> to vector<16xf32>
        %max3A_400 = arith.maximumf %max3A_388, %get3A_399 : vector<16xf32>
        %add3A_401 = arith.addf %add3A_389, %get3A_399 : vector<16xf32>
        %mul3A_402 = arith.mulf %get3A_399, %get3A_399 : vector<16xf32>
        %add3A_403 = arith.addf %add3A_391, %mul3A_402 : vector<16xf32>
        %mul3A_404 = arith.constant 16 : i32
        %mul3A_405 = arith.muli %scan3A_227, %mul3A_404 : i32
        %add3A_406 = arith.constant 15 : i32
        %add3A_407 = arith.addi %mul3A_405, %add3A_406 : i32
        %get3A_408 = arith.index_cast %add3A_407 : i32 to index
        %get3A_409 = arith.constant 0 : index
        %get3A_410 = tpu.vector_load %arg11[%get3A_408, %get3A_409] {strides = array<i32>} : memref<128x128xf32, #tpu.memory_space<vmem>>, vector<1x16xf32>,
        %get3A_411 = vector.shape_cast %get3A_410 : vector<1x16xf32> to vector<16xf32>
        %max3A_412 = arith.maximumf %max3A_400, %get3A_411 : vector<16xf32>
        %add3A_413 = arith.addf %add3A_401, %get3A_411 : vector<16xf32>
        %mul3A_414 = arith.mulf %get3A_411, %get3A_411 : vector<16xf32>
        %add3A_415 = arith.addf %add3A_403, %mul3A_414 : vector<16xf32>
        %swap3A_416 = arith.index_cast %rem3A_116 : i32 to index
        %swap3A_417 = arith.index_cast %add3A_230 : i32 to index
        %swap3A_418 = arith.constant 0 : index
        %swap3A_419 = tpu.vector_load %arg12[%swap3A_416, %swap3A_417, %swap3A_418] {strides = array<i32>} : memref<2x32x64xf32, #tpu.memory_space<vmem>>, vector<1x1x16xf32>,
        %swap3A_420 = vector.shape_cast %swap3A_419 : vector<1x1x16xf32> to vector<16xf32>
        %swap3A_421 = vector.shape_cast %max3A_412 : vector<16xf32> to vector<1x1x16xf32>
        tpu.vector_store %arg12[%swap3A_416, %swap3A_417, %swap3A_418], %swap3A_421 {strides = array<i32>} : memref<2x32x64xf32, #tpu.memory_space<vmem>>, vector<1x1x16xf32>,
        %swap3A_422 = arith.index_cast %rem3A_116 : i32 to index
        %swap3A_423 = arith.index_cast %add3A_230 : i32 to index
        %swap3A_424 = arith.constant 0 : index
        %swap3A_425 = tpu.vector_load %arg13[%swap3A_422, %swap3A_423, %swap3A_424] {strides = array<i32>} : memref<2x32x64xf32, #tpu.memory_space<vmem>>, vector<1x1x16xf32>,
        %swap3A_426 = vector.shape_cast %swap3A_425 : vector<1x1x16xf32> to vector<16xf32>
        %swap3A_427 = vector.shape_cast %add3A_413 : vector<16xf32> to vector<1x1x16xf32>
        tpu.vector_store %arg13[%swap3A_422, %swap3A_423, %swap3A_424], %swap3A_427 {strides = array<i32>} : memref<2x32x64xf32, #tpu.memory_space<vmem>>, vector<1x1x16xf32>,
        %get3A_428 = arith.constant 0 : i32
        %get3A_429 = arith.index_cast %get3A_428 : i32 to index
        %get3A_430 = arith.constant 0 : index
        %get3A_431 = tpu.vector_load %arg14[%get3A_429, %get3A_430] {strides = array<i32>} : memref<1x64xf32, #tpu.memory_space<vmem>>, vector<1x16xf32>,
        %get3A_432 = vector.shape_cast %get3A_431 : vector<1x16xf32> to vector<16xf32>
        %add3A_433 = arith.addf %get3A_432, %add3A_415 : vector<16xf32>
        %swap3A_434 = arith.constant 0 : i32
        %swap3A_435 = arith.index_cast %swap3A_434 : i32 to index
        %swap3A_436 = arith.constant 0 : index
        %swap3A_437 = tpu.vector_load %arg14[%swap3A_435, %swap3A_436] {strides = array<i32>} : memref<1x64xf32, #tpu.memory_space<vmem>>, vector<1x16xf32>,
        %swap3A_438 = vector.shape_cast %swap3A_437 : vector<1x16xf32> to vector<16xf32>
        %swap3A_439 = vector.shape_cast %add3A_433 : vector<16xf32> to vector<1x16xf32>
        tpu.vector_store %arg14[%swap3A_435, %swap3A_436], %swap3A_439 {strides = array<i32>} : memref<1x64xf32, #tpu.memory_space<vmem>>, vector<1x16xf32>,
        %mul3A_440 = arith.constant 16 : i32
        %mul3A_441 = arith.muli %scan3A_227, %mul3A_440 : i32
        %get3A_442 = arith.index_cast %mul3A_441 : i32 to index
        %get3A_443 = arith.constant 16 : index
        %get3A_444 = tpu.vector_load %arg11[%get3A_442, %get3A_443] {strides = array<i32>} : memref<128x128xf32, #tpu.memory_space<vmem>>, vector<1x16xf32>,
        %get3A_445 = vector.shape_cast %get3A_444 : vector<1x16xf32> to vector<16xf32>
        %mul3A_446 = arith.mulf %get3A_445, %get3A_445 : vector<16xf32>
        %mul3A_447 = arith.constant 16 : i32
        %mul3A_448 = arith.muli %scan3A_227, %mul3A_447 : i32
        %add3A_449 = arith.constant 1 : i32
        %add3A_450 = arith.addi %mul3A_448, %add3A_449 : i32
        %get3A_451 = arith.index_cast %add3A_450 : i32 to index
        %get3A_452 = arith.constant 16 : index
        %get3A_453 = tpu.vector_load %arg11[%get3A_451, %get3A_452] {strides = array<i32>} : memref<128x128xf32, #tpu.memory_space<vmem>>, vector<1x16xf32>,
        %get3A_454 = vector.shape_cast %get3A_453 : vector<1x16xf32> to vector<16xf32>
        %max3A_455 = arith.maximumf %get3A_445, %get3A_454 : vector<16xf32>
        %add3A_456 = arith.addf %get3A_445, %get3A_454 : vector<16xf32>
        %mul3A_457 = arith.mulf %get3A_454, %get3A_454 : vector<16xf32>
        %add3A_458 = arith.addf %mul3A_446, %mul3A_457 : vector<16xf32>
        %mul3A_459 = arith.constant 16 : i32
        %mul3A_460 = arith.muli %scan3A_227, %mul3A_459 : i32
        %add3A_461 = arith.constant 2 : i32
        %add3A_462 = arith.addi %mul3A_460, %add3A_461 : i32
        %get3A_463 = arith.index_cast %add3A_462 : i32 to index
        %get3A_464 = arith.constant 16 : index
        %get3A_465 = tpu.vector_load %arg11[%get3A_463, %get3A_464] {strides = array<i32>} : memref<128x128xf32, #tpu.memory_space<vmem>>, vector<1x16xf32>,
        %get3A_466 = vector.shape_cast %get3A_465 : vector<1x16xf32> to vector<16xf32>
        %max3A_467 = arith.maximumf %max3A_455, %get3A_466 : vector<16xf32>
        %add3A_468 = arith.addf %add3A_456, %get3A_466 : vector<16xf32>
        %mul3A_469 = arith.mulf %get3A_466, %get3A_466 : vector<16xf32>
        %add3A_470 = arith.addf %add3A_458, %mul3A_469 : vector<16xf32>
        %mul3A_471 = arith.constant 16 : i32
        %mul3A_472 = arith.muli %scan3A_227, %mul3A_471 : i32
        %add3A_473 = arith.constant 3 : i32
        %add3A_474 = arith.addi %mul3A_472, %add3A_473 : i32
        %get3A_475 = arith.index_cast %add3A_474 : i32 to index
        %get3A_476 = arith.constant 16 : index
        %get3A_477 = tpu.vector_load %arg11[%get3A_475, %get3A_476] {strides = array<i32>} : memref<128x128xf32, #tpu.memory_space<vmem>>, vector<1x16xf32>,
        %get3A_478 = vector.shape_cast %get3A_477 : vector<1x16xf32> to vector<16xf32>
        %max3A_479 = arith.maximumf %max3A_467, %get3A_478 : vector<16xf32>
        %add3A_480 = arith.addf %add3A_468, %get3A_478 : vector<16xf32>
        %mul3A_481 = arith.mulf %get3A_478, %get3A_478 : vector<16xf32>
        %add3A_482 = arith.addf %add3A_470, %mul3A_481 : vector<16xf32>
        %mul3A_483 = arith.constant 16 : i32
        %mul3A_484 = arith.muli %scan3A_227, %mul3A_483 : i32
        %add3A_485 = arith.constant 4 : i32
        %add3A_486 = arith.addi %mul3A_484, %add3A_485 : i32
        %get3A_487 = arith.index_cast %add3A_486 : i32 to index
        %get3A_488 = arith.constant 16 : index
        %get3A_489 = tpu.vector_load %arg11[%get3A_487, %get3A_488] {strides = array<i32>} : memref<128x128xf32, #tpu.memory_space<vmem>>, vector<1x16xf32>,
        %get3A_490 = vector.shape_cast %get3A_489 : vector<1x16xf32> to vector<16xf32>
        %max3A_491 = arith.maximumf %max3A_479, %get3A_490 : vector<16xf32>
        %add3A_492 = arith.addf %add3A_480, %get3A_490 : vector<16xf32>
        %mul3A_493 = arith.mulf %get3A_490, %get3A_490 : vector<16xf32>
        %add3A_494 = arith.addf %add3A_482, %mul3A_493 : vector<16xf32>
        %mul3A_495 = arith.constant 16 : i32
        %mul3A_496 = arith.muli %scan3A_227, %mul3A_495 : i32
        %add3A_497 = arith.constant 5 : i32
        %add3A_498 = arith.addi %mul3A_496, %add3A_497 : i32
        %get3A_499 = arith.index_cast %add3A_498 : i32 to index
        %get3A_500 = arith.constant 16 : index
        %get3A_501 = tpu.vector_load %arg11[%get3A_499, %get3A_500] {strides = array<i32>} : memref<128x128xf32, #tpu.memory_space<vmem>>, vector<1x16xf32>,
        %get3A_502 = vector.shape_cast %get3A_501 : vector<1x16xf32> to vector<16xf32>
        %max3A_503 = arith.maximumf %max3A_491, %get3A_502 : vector<16xf32>
        %add3A_504 = arith.addf %add3A_492, %get3A_502 : vector<16xf32>
        %mul3A_505 = arith.mulf %get3A_502, %get3A_502 : vector<16xf32>
        %add3A_506 = arith.addf %add3A_494, %mul3A_505 : vector<16xf32>
        %mul3A_507 = arith.constant 16 : i32
        %mul3A_508 = arith.muli %scan3A_227, %mul3A_507 : i32
        %add3A_509 = arith.constant 6 : i32
        %add3A_510 = arith.addi %mul3A_508, %add3A_509 : i32
        %get3A_511 = arith.index_cast %add3A_510 : i32 to index
        %get3A_512 = arith.constant 16 : index
        %get3A_513 = tpu.vector_load %arg11[%get3A_511, %get3A_512] {strides = array<i32>} : memref<128x128xf32, #tpu.memory_space<vmem>>, vector<1x16xf32>,
        %get3A_514 = vector.shape_cast %get3A_513 : vector<1x16xf32> to vector<16xf32>
        %max3A_515 = arith.maximumf %max3A_503, %get3A_514 : vector<16xf32>
        %add3A_516 = arith.addf %add3A_504, %get3A_514 : vector<16xf32>
        %mul3A_517 = arith.mulf %get3A_514, %get3A_514 : vector<16xf32>
        %add3A_518 = arith.addf %add3A_506, %mul3A_517 : vector<16xf32>
        %mul3A_519 = arith.constant 16 : i32
        %mul3A_520 = arith.muli %scan3A_227, %mul3A_519 : i32
        %add3A_521 = arith.constant 7 : i32
        %add3A_522 = arith.addi %mul3A_520, %add3A_521 : i32
        %get3A_523 = arith.index_cast %add3A_522 : i32 to index
        %get3A_524 = arith.constant 16 : index
        %get3A_525 = tpu.vector_load %arg11[%get3A_523, %get3A_524] {strides = array<i32>} : memref<128x128xf32, #tpu.memory_space<vmem>>, vector<1x16xf32>,
        %get3A_526 = vector.shape_cast %get3A_525 : vector<1x16xf32> to vector<16xf32>
        %max3A_527 = arith.maximumf %max3A_515, %get3A_526 : vector<16xf32>
        %add3A_528 = arith.addf %add3A_516, %get3A_526 : vector<16xf32>
        %mul3A_529 = arith.mulf %get3A_526, %get3A_526 : vector<16xf32>
        %add3A_530 = arith.addf %add3A_518, %mul3A_529 : vector<16xf32>
        %mul3A_531 = arith.constant 16 : i32
        %mul3A_532 = arith.muli %scan3A_227, %mul3A_531 : i32
        %add3A_533 = arith.constant 8 : i32
        %add3A_534 = arith.addi %mul3A_532, %add3A_533 : i32
        %get3A_535 = arith.index_cast %add3A_534 : i32 to index
        %get3A_536 = arith.constant 16 : index
        %get3A_537 = tpu.vector_load %arg11[%get3A_535, %get3A_536] {strides = array<i32>} : memref<128x128xf32, #tpu.memory_space<vmem>>, vector<1x16xf32>,
        %get3A_538 = vector.shape_cast %get3A_537 : vector<1x16xf32> to vector<16xf32>
        %max3A_539 = arith.maximumf %max3A_527, %get3A_538 : vector<16xf32>
        %add3A_540 = arith.addf %add3A_528, %get3A_538 : vector<16xf32>
        %mul3A_541 = arith.mulf %get3A_538, %get3A_538 : vector<16xf32>
        %add3A_542 = arith.addf %add3A_530, %mul3A_541 : vector<16xf32>
        %mul3A_543 = arith.constant 16 : i32
        %mul3A_544 = arith.muli %scan3A_227, %mul3A_543 : i32
        %add3A_545 = arith.constant 9 : i32
        %add3A_546 = arith.addi %mul3A_544, %add3A_545 : i32
        %get3A_547 = arith.index_cast %add3A_546 : i32 to index
        %get3A_548 = arith.constant 16 : index
        %get3A_549 = tpu.vector_load %arg11[%get3A_547, %get3A_548] {strides = array<i32>} : memref<128x128xf32, #tpu.memory_space<vmem>>, vector<1x16xf32>,
        %get3A_550 = vector.shape_cast %get3A_549 : vector<1x16xf32> to vector<16xf32>
        %max3A_551 = arith.maximumf %max3A_539, %get3A_550 : vector<16xf32>
        %add3A_552 = arith.addf %add3A_540, %get3A_550 : vector<16xf32>
        %mul3A_553 = arith.mulf %get3A_550, %get3A_550 : vector<16xf32>
        %add3A_554 = arith.addf %add3A_542, %mul3A_553 : vector<16xf32>
        %mul3A_555 = arith.constant 16 : i32
        %mul3A_556 = arith.muli %scan3A_227, %mul3A_555 : i32
        %add3A_557 = arith.constant 10 : i32
        %add3A_558 = arith.addi %mul3A_556, %add3A_557 : i32
        %get3A_559 = arith.index_cast %add3A_558 : i32 to index
        %get3A_560 = arith.constant 16 : index
        %get3A_561 = tpu.vector_load %arg11[%get3A_559, %get3A_560] {strides = array<i32>} : memref<128x128xf32, #tpu.memory_space<vmem>>, vector<1x16xf32>,
        %get3A_562 = vector.shape_cast %get3A_561 : vector<1x16xf32> to vector<16xf32>
        %max3A_563 = arith.maximumf %max3A_551, %get3A_562 : vector<16xf32>
        %add3A_564 = arith.addf %add3A_552, %get3A_562 : vector<16xf32>
        %mul3A_565 = arith.mulf %get3A_562, %get3A_562 : vector<16xf32>
        %add3A_566 = arith.addf %add3A_554, %mul3A_565 : vector<16xf32>
        %mul3A_567 = arith.constant 16 : i32
        %mul3A_568 = arith.muli %scan3A_227, %mul3A_567 : i32
        %add3A_569 = arith.constant 11 : i32
        %add3A_570 = arith.addi %mul3A_568, %add3A_569 : i32
        %get3A_571 = arith.index_cast %add3A_570 : i32 to index
        %get3A_572 = arith.constant 16 : index
        %get3A_573 = tpu.vector_load %arg11[%get3A_571, %get3A_572] {strides = array<i32>} : memref<128x128xf32, #tpu.memory_space<vmem>>, vector<1x16xf32>,
        %get3A_574 = vector.shape_cast %get3A_573 : vector<1x16xf32> to vector<16xf32>
        %max3A_575 = arith.maximumf %max3A_563, %get3A_574 : vector<16xf32>
        %add3A_576 = arith.addf %add3A_564, %get3A_574 : vector<16xf32>
        %mul3A_577 = arith.mulf %get3A_574, %get3A_574 : vector<16xf32>
        %add3A_578 = arith.addf %add3A_566, %mul3A_577 : vector<16xf32>
        %mul3A_579 = arith.constant 16 : i32
        %mul3A_580 = arith.muli %scan3A_227, %mul3A_579 : i32
        %add3A_581 = arith.constant 12 : i32
        %add3A_582 = arith.addi %mul3A_580, %add3A_581 : i32
        %get3A_583 = arith.index_cast %add3A_582 : i32 to index
        %get3A_584 = arith.constant 16 : index
        %get3A_585 = tpu.vector_load %arg11[%get3A_583, %get3A_584] {strides = array<i32>} : memref<128x128xf32, #tpu.memory_space<vmem>>, vector<1x16xf32>,
        %get3A_586 = vector.shape_cast %get3A_585 : vector<1x16xf32> to vector<16xf32>
        %max3A_587 = arith.maximumf %max3A_575, %get3A_586 : vector<16xf32>
        %add3A_588 = arith.addf %add3A_576, %get3A_586 : vector<16xf32>
        %mul3A_589 = arith.mulf %get3A_586, %get3A_586 : vector<16xf32>
        %add3A_590 = arith.addf %add3A_578, %mul3A_589 : vector<16xf32>
        %mul3A_591 = arith.constant 16 : i32
        %mul3A_592 = arith.muli %scan3A_227, %mul3A_591 : i32
        %add3A_593 = arith.constant 13 : i32
        %add3A_594 = arith.addi %mul3A_592, %add3A_593 : i32
        %get3A_595 = arith.index_cast %add3A_594 : i32 to index
        %get3A_596 = arith.constant 16 : index
        %get3A_597 = tpu.vector_load %arg11[%get3A_595, %get3A_596] {strides = array<i32>} : memref<128x128xf32, #tpu.memory_space<vmem>>, vector<1x16xf32>,
        %get3A_598 = vector.shape_cast %get3A_597 : vector<1x16xf32> to vector<16xf32>
        %max3A_599 = arith.maximumf %max3A_587, %get3A_598 : vector<16xf32>
        %add3A_600 = arith.addf %add3A_588, %get3A_598 : vector<16xf32>
        %mul3A_601 = arith.mulf %get3A_598, %get3A_598 : vector<16xf32>
        %add3A_602 = arith.addf %add3A_590, %mul3A_601 : vector<16xf32>
        %mul3A_603 = arith.constant 16 : i32
        %mul3A_604 = arith.muli %scan3A_227, %mul3A_603 : i32
        %add3A_605 = arith.constant 14 : i32
        %add3A_606 = arith.addi %mul3A_604, %add3A_605 : i32
        %get3A_607 = arith.index_cast %add3A_606 : i32 to index
        %get3A_608 = arith.constant 16 : index
        %get3A_609 = tpu.vector_load %arg11[%get3A_607, %get3A_608] {strides = array<i32>} : memref<128x128xf32, #tpu.memory_space<vmem>>, vector<1x16xf32>,
        %get3A_610 = vector.shape_cast %get3A_609 : vector<1x16xf32> to vector<16xf32>
        %max3A_611 = arith.maximumf %max3A_599, %get3A_610 : vector<16xf32>
        %add3A_612 = arith.addf %add3A_600, %get3A_610 : vector<16xf32>
        %mul3A_613 = arith.mulf %get3A_610, %get3A_610 : vector<16xf32>
        %add3A_614 = arith.addf %add3A_602, %mul3A_613 : vector<16xf32>
        %mul3A_615 = arith.constant 16 : i32
        %mul3A_616 = arith.muli %scan3A_227, %mul3A_615 : i32
        %add3A_617 = arith.constant 15 : i32
        %add3A_618 = arith.addi %mul3A_616, %add3A_617 : i32
        %get3A_619 = arith.index_cast %add3A_618 : i32 to index
        %get3A_620 = arith.constant 16 : index
        %get3A_621 = tpu.vector_load %arg11[%get3A_619, %get3A_620] {strides = array<i32>} : memref<128x128xf32, #tpu.memory_space<vmem>>, vector<1x16xf32>,
        %get3A_622 = vector.shape_cast %get3A_621 : vector<1x16xf32> to vector<16xf32>
        %max3A_623 = arith.maximumf %max3A_611, %get3A_622 : vector<16xf32>
        %add3A_624 = arith.addf %add3A_612, %get3A_622 : vector<16xf32>
        %mul3A_625 = arith.mulf %get3A_622, %get3A_622 : vector<16xf32>
        %add3A_626 = arith.addf %add3A_614, %mul3A_625 : vector<16xf32>
        %swap3A_627 = arith.index_cast %rem3A_116 : i32 to index
        %swap3A_628 = arith.index_cast %add3A_230 : i32 to index
        %swap3A_629 = arith.constant 16 : index
        %swap3A_630 = tpu.vector_load %arg12[%swap3A_627, %swap3A_628, %swap3A_629] {strides = array<i32>} : memref<2x32x64xf32, #tpu.memory_space<vmem>>, vector<1x1x16xf32>,
        %swap3A_631 = vector.shape_cast %swap3A_630 : vector<1x1x16xf32> to vector<16xf32>
        %swap3A_632 = vector.shape_cast %max3A_623 : vector<16xf32> to vector<1x1x16xf32>
        tpu.vector_store %arg12[%swap3A_627, %swap3A_628, %swap3A_629], %swap3A_632 {strides = array<i32>} : memref<2x32x64xf32, #tpu.memory_space<vmem>>, vector<1x1x16xf32>,
        %swap3A_633 = arith.index_cast %rem3A_116 : i32 to index
        %swap3A_634 = arith.index_cast %add3A_230 : i32 to index
        %swap3A_635 = arith.constant 16 : index
        %swap3A_636 = tpu.vector_load %arg13[%swap3A_633, %swap3A_634, %swap3A_635] {strides = array<i32>} : memref<2x32x64xf32, #tpu.memory_space<vmem>>, vector<1x1x16xf32>,
        %swap3A_637 = vector.shape_cast %swap3A_636 : vector<1x1x16xf32> to vector<16xf32>
        %swap3A_638 = vector.shape_cast %add3A_624 : vector<16xf32> to vector<1x1x16xf32>
        tpu.vector_store %arg13[%swap3A_633, %swap3A_634, %swap3A_635], %swap3A_638 {strides = array<i32>} : memref<2x32x64xf32, #tpu.memory_space<vmem>>, vector<1x1x16xf32>,
        %get3A_639 = arith.constant 0 : i32
        %get3A_640 = arith.index_cast %get3A_639 : i32 to index
        %get3A_641 = arith.constant 16 : index
        %get3A_642 = tpu.vector_load %arg14[%get3A_640, %get3A_641] {strides = array<i32>} : memref<1x64xf32, #tpu.memory_space<vmem>>, vector<1x16xf32>,
        %get3A_643 = vector.shape_cast %get3A_642 : vector<1x16xf32> to vector<16xf32>
        %add3A_644 = arith.addf %get3A_643, %add3A_626 : vector<16xf32>
        %swap3A_645 = arith.constant 0 : i32
        %swap3A_646 = arith.index_cast %swap3A_645 : i32 to index
        %swap3A_647 = arith.constant 16 : index
        %swap3A_648 = tpu.vector_load %arg14[%swap3A_646, %swap3A_647] {strides = array<i32>} : memref<1x64xf32, #tpu.memory_space<vmem>>, vector<1x16xf32>,
        %swap3A_649 = vector.shape_cast %swap3A_648 : vector<1x16xf32> to vector<16xf32>
        %swap3A_650 = vector.shape_cast %add3A_644 : vector<16xf32> to vector<1x16xf32>
        tpu.vector_store %arg14[%swap3A_646, %swap3A_647], %swap3A_650 {strides = array<i32>} : memref<1x64xf32, #tpu.memory_space<vmem>>, vector<1x16xf32>,
        %mul3A_651 = arith.constant 16 : i32
        %mul3A_652 = arith.muli %scan3A_227, %mul3A_651 : i32
        %get3A_653 = arith.index_cast %mul3A_652 : i32 to index
        %get3A_654 = arith.constant 32 : index
        %get3A_655 = tpu.vector_load %arg11[%get3A_653, %get3A_654] {strides = array<i32>} : memref<128x128xf32, #tpu.memory_space<vmem>>, vector<1x16xf32>,
        %get3A_656 = vector.shape_cast %get3A_655 : vector<1x16xf32> to vector<16xf32>
        %mul3A_657 = arith.mulf %get3A_656, %get3A_656 : vector<16xf32>
        %mul3A_658 = arith.constant 16 : i32
        %mul3A_659 = arith.muli %scan3A_227, %mul3A_658 : i32
        %add3A_660 = arith.constant 1 : i32
        %add3A_661 = arith.addi %mul3A_659, %add3A_660 : i32
        %get3A_662 = arith.index_cast %add3A_661 : i32 to index
        %get3A_663 = arith.constant 32 : index
        %get3A_664 = tpu.vector_load %arg11[%get3A_662, %get3A_663] {strides = array<i32>} : memref<128x128xf32, #tpu.memory_space<vmem>>, vector<1x16xf32>,
        %get3A_665 = vector.shape_cast %get3A_664 : vector<1x16xf32> to vector<16xf32>
        %max3A_666 = arith.maximumf %get3A_656, %get3A_665 : vector<16xf32>
        %add3A_667 = arith.addf %get3A_656, %get3A_665 : vector<16xf32>
        %mul3A_668 = arith.mulf %get3A_665, %get3A_665 : vector<16xf32>
        %add3A_669 = arith.addf %mul3A_657, %mul3A_668 : vector<16xf32>
        %mul3A_670 = arith.constant 16 : i32
        %mul3A_671 = arith.muli %scan3A_227, %mul3A_670 : i32
        %add3A_672 = arith.constant 2 : i32
        %add3A_673 = arith.addi %mul3A_671, %add3A_672 : i32
        %get3A_674 = arith.index_cast %add3A_673 : i32 to index
        %get3A_675 = arith.constant 32 : index
        %get3A_676 = tpu.vector_load %arg11[%get3A_674, %get3A_675] {strides = array<i32>} : memref<128x128xf32, #tpu.memory_space<vmem>>, vector<1x16xf32>,
        %get3A_677 = vector.shape_cast %get3A_676 : vector<1x16xf32> to vector<16xf32>
        %max3A_678 = arith.maximumf %max3A_666, %get3A_677 : vector<16xf32>
        %add3A_679 = arith.addf %add3A_667, %get3A_677 : vector<16xf32>
        %mul3A_680 = arith.mulf %get3A_677, %get3A_677 : vector<16xf32>
        %add3A_681 = arith.addf %add3A_669, %mul3A_680 : vector<16xf32>
        %mul3A_682 = arith.constant 16 : i32
        %mul3A_683 = arith.muli %scan3A_227, %mul3A_682 : i32
        %add3A_684 = arith.constant 3 : i32
        %add3A_685 = arith.addi %mul3A_683, %add3A_684 : i32
        %get3A_686 = arith.index_cast %add3A_685 : i32 to index
        %get3A_687 = arith.constant 32 : index
        %get3A_688 = tpu.vector_load %arg11[%get3A_686, %get3A_687] {strides = array<i32>} : memref<128x128xf32, #tpu.memory_space<vmem>>, vector<1x16xf32>,
        %get3A_689 = vector.shape_cast %get3A_688 : vector<1x16xf32> to vector<16xf32>
        %max3A_690 = arith.maximumf %max3A_678, %get3A_689 : vector<16xf32>
        %add3A_691 = arith.addf %add3A_679, %get3A_689 : vector<16xf32>
        %mul3A_692 = arith.mulf %get3A_689, %get3A_689 : vector<16xf32>
        %add3A_693 = arith.addf %add3A_681, %mul3A_692 : vector<16xf32>
        %mul3A_694 = arith.constant 16 : i32
        %mul3A_695 = arith.muli %scan3A_227, %mul3A_694 : i32
        %add3A_696 = arith.constant 4 : i32
        %add3A_697 = arith.addi %mul3A_695, %add3A_696 : i32
        %get3A_698 = arith.index_cast %add3A_697 : i32 to index
        %get3A_699 = arith.constant 32 : index
        %get3A_700 = tpu.vector_load %arg11[%get3A_698, %get3A_699] {strides = array<i32>} : memref<128x128xf32, #tpu.memory_space<vmem>>, vector<1x16xf32>,
        %get3A_701 = vector.shape_cast %get3A_700 : vector<1x16xf32> to vector<16xf32>
        %max3A_702 = arith.maximumf %max3A_690, %get3A_701 : vector<16xf32>
        %add3A_703 = arith.addf %add3A_691, %get3A_701 : vector<16xf32>
        %mul3A_704 = arith.mulf %get3A_701, %get3A_701 : vector<16xf32>
        %add3A_705 = arith.addf %add3A_693, %mul3A_704 : vector<16xf32>
        %mul3A_706 = arith.constant 16 : i32
        %mul3A_707 = arith.muli %scan3A_227, %mul3A_706 : i32
        %add3A_708 = arith.constant 5 : i32
        %add3A_709 = arith.addi %mul3A_707, %add3A_708 : i32
        %get3A_710 = arith.index_cast %add3A_709 : i32 to index
        %get3A_711 = arith.constant 32 : index
        %get3A_712 = tpu.vector_load %arg11[%get3A_710, %get3A_711] {strides = array<i32>} : memref<128x128xf32, #tpu.memory_space<vmem>>, vector<1x16xf32>,
        %get3A_713 = vector.shape_cast %get3A_712 : vector<1x16xf32> to vector<16xf32>
        %max3A_714 = arith.maximumf %max3A_702, %get3A_713 : vector<16xf32>
        %add3A_715 = arith.addf %add3A_703, %get3A_713 : vector<16xf32>
        %mul3A_716 = arith.mulf %get3A_713, %get3A_713 : vector<16xf32>
        %add3A_717 = arith.addf %add3A_705, %mul3A_716 : vector<16xf32>
        %mul3A_718 = arith.constant 16 : i32
        %mul3A_719 = arith.muli %scan3A_227, %mul3A_718 : i32
        %add3A_720 = arith.constant 6 : i32
        %add3A_721 = arith.addi %mul3A_719, %add3A_720 : i32
        %get3A_722 = arith.index_cast %add3A_721 : i32 to index
        %get3A_723 = arith.constant 32 : index
        %get3A_724 = tpu.vector_load %arg11[%get3A_722, %get3A_723] {strides = array<i32>} : memref<128x128xf32, #tpu.memory_space<vmem>>, vector<1x16xf32>,
        %get3A_725 = vector.shape_cast %get3A_724 : vector<1x16xf32> to vector<16xf32>
        %max3A_726 = arith.maximumf %max3A_714, %get3A_725 : vector<16xf32>
        %add3A_727 = arith.addf %add3A_715, %get3A_725 : vector<16xf32>
        %mul3A_728 = arith.mulf %get3A_725, %get3A_725 : vector<16xf32>
        %add3A_729 = arith.addf %add3A_717, %mul3A_728 : vector<16xf32>
        %mul3A_730 = arith.constant 16 : i32
        %mul3A_731 = arith.muli %scan3A_227, %mul3A_730 : i32
        %add3A_732 = arith.constant 7 : i32
        %add3A_733 = arith.addi %mul3A_731, %add3A_732 : i32
        %get3A_734 = arith.index_cast %add3A_733 : i32 to index
        %get3A_735 = arith.constant 32 : index
        %get3A_736 = tpu.vector_load %arg11[%get3A_734, %get3A_735] {strides = array<i32>} : memref<128x128xf32, #tpu.memory_space<vmem>>, vector<1x16xf32>,
        %get3A_737 = vector.shape_cast %get3A_736 : vector<1x16xf32> to vector<16xf32>
        %max3A_738 = arith.maximumf %max3A_726, %get3A_737 : vector<16xf32>
        %add3A_739 = arith.addf %add3A_727, %get3A_737 : vector<16xf32>
        %mul3A_740 = arith.mulf %get3A_737, %get3A_737 : vector<16xf32>
        %add3A_741 = arith.addf %add3A_729, %mul3A_740 : vector<16xf32>
        %mul3A_742 = arith.constant 16 : i32
        %mul3A_743 = arith.muli %scan3A_227, %mul3A_742 : i32
        %add3A_744 = arith.constant 8 : i32
        %add3A_745 = arith.addi %mul3A_743, %add3A_744 : i32
        %get3A_746 = arith.index_cast %add3A_745 : i32 to index
        %get3A_747 = arith.constant 32 : index
        %get3A_748 = tpu.vector_load %arg11[%get3A_746, %get3A_747] {strides = array<i32>} : memref<128x128xf32, #tpu.memory_space<vmem>>, vector<1x16xf32>,
        %get3A_749 = vector.shape_cast %get3A_748 : vector<1x16xf32> to vector<16xf32>
        %max3A_750 = arith.maximumf %max3A_738, %get3A_749 : vector<16xf32>
        %add3A_751 = arith.addf %add3A_739, %get3A_749 : vector<16xf32>
        %mul3A_752 = arith.mulf %get3A_749, %get3A_749 : vector<16xf32>
        %add3A_753 = arith.addf %add3A_741, %mul3A_752 : vector<16xf32>
        %mul3A_754 = arith.constant 16 : i32
        %mul3A_755 = arith.muli %scan3A_227, %mul3A_754 : i32
        %add3A_756 = arith.constant 9 : i32
        %add3A_757 = arith.addi %mul3A_755, %add3A_756 : i32
        %get3A_758 = arith.index_cast %add3A_757 : i32 to index
        %get3A_759 = arith.constant 32 : index
        %get3A_760 = tpu.vector_load %arg11[%get3A_758, %get3A_759] {strides = array<i32>} : memref<128x128xf32, #tpu.memory_space<vmem>>, vector<1x16xf32>,
        %get3A_761 = vector.shape_cast %get3A_760 : vector<1x16xf32> to vector<16xf32>
        %max3A_762 = arith.maximumf %max3A_750, %get3A_761 : vector<16xf32>
        %add3A_763 = arith.addf %add3A_751, %get3A_761 : vector<16xf32>
        %mul3A_764 = arith.mulf %get3A_761, %get3A_761 : vector<16xf32>
        %add3A_765 = arith.addf %add3A_753, %mul3A_764 : vector<16xf32>
        %mul3A_766 = arith.constant 16 : i32
        %mul3A_767 = arith.muli %scan3A_227, %mul3A_766 : i32
        %add3A_768 = arith.constant 10 : i32
        %add3A_769 = arith.addi %mul3A_767, %add3A_768 : i32
        %get3A_770 = arith.index_cast %add3A_769 : i32 to index
        %get3A_771 = arith.constant 32 : index
        %get3A_772 = tpu.vector_load %arg11[%get3A_770, %get3A_771] {strides = array<i32>} : memref<128x128xf32, #tpu.memory_space<vmem>>, vector<1x16xf32>,
        %get3A_773 = vector.shape_cast %get3A_772 : vector<1x16xf32> to vector<16xf32>
        %max3A_774 = arith.maximumf %max3A_762, %get3A_773 : vector<16xf32>
        %add3A_775 = arith.addf %add3A_763, %get3A_773 : vector<16xf32>
        %mul3A_776 = arith.mulf %get3A_773, %get3A_773 : vector<16xf32>
        %add3A_777 = arith.addf %add3A_765, %mul3A_776 : vector<16xf32>
        %mul3A_778 = arith.constant 16 : i32
        %mul3A_779 = arith.muli %scan3A_227, %mul3A_778 : i32
        %add3A_780 = arith.constant 11 : i32
        %add3A_781 = arith.addi %mul3A_779, %add3A_780 : i32
        %get3A_782 = arith.index_cast %add3A_781 : i32 to index
        %get3A_783 = arith.constant 32 : index
        %get3A_784 = tpu.vector_load %arg11[%get3A_782, %get3A_783] {strides = array<i32>} : memref<128x128xf32, #tpu.memory_space<vmem>>, vector<1x16xf32>,
        %get3A_785 = vector.shape_cast %get3A_784 : vector<1x16xf32> to vector<16xf32>
        %max3A_786 = arith.maximumf %max3A_774, %get3A_785 : vector<16xf32>
        %add3A_787 = arith.addf %add3A_775, %get3A_785 : vector<16xf32>
        %mul3A_788 = arith.mulf %get3A_785, %get3A_785 : vector<16xf32>
        %add3A_789 = arith.addf %add3A_777, %mul3A_788 : vector<16xf32>
        %mul3A_790 = arith.constant 16 : i32
        %mul3A_791 = arith.muli %scan3A_227, %mul3A_790 : i32
        %add3A_792 = arith.constant 12 : i32
        %add3A_793 = arith.addi %mul3A_791, %add3A_792 : i32
        %get3A_794 = arith.index_cast %add3A_793 : i32 to index
        %get3A_795 = arith.constant 32 : index
        %get3A_796 = tpu.vector_load %arg11[%get3A_794, %get3A_795] {strides = array<i32>} : memref<128x128xf32, #tpu.memory_space<vmem>>, vector<1x16xf32>,
        %get3A_797 = vector.shape_cast %get3A_796 : vector<1x16xf32> to vector<16xf32>
        %max3A_798 = arith.maximumf %max3A_786, %get3A_797 : vector<16xf32>
        %add3A_799 = arith.addf %add3A_787, %get3A_797 : vector<16xf32>
        %mul3A_800 = arith.mulf %get3A_797, %get3A_797 : vector<16xf32>
        %add3A_801 = arith.addf %add3A_789, %mul3A_800 : vector<16xf32>
        %mul3A_802 = arith.constant 16 : i32
        %mul3A_803 = arith.muli %scan3A_227, %mul3A_802 : i32
        %add3A_804 = arith.constant 13 : i32
        %add3A_805 = arith.addi %mul3A_803, %add3A_804 : i32
        %get3A_806 = arith.index_cast %add3A_805 : i32 to index
        %get3A_807 = arith.constant 32 : index
        %get3A_808 = tpu.vector_load %arg11[%get3A_806, %get3A_807] {strides = array<i32>} : memref<128x128xf32, #tpu.memory_space<vmem>>, vector<1x16xf32>,
        %get3A_809 = vector.shape_cast %get3A_808 : vector<1x16xf32> to vector<16xf32>
        %max3A_810 = arith.maximumf %max3A_798, %get3A_809 : vector<16xf32>
        %add3A_811 = arith.addf %add3A_799, %get3A_809 : vector<16xf32>
        %mul3A_812 = arith.mulf %get3A_809, %get3A_809 : vector<16xf32>
        %add3A_813 = arith.addf %add3A_801, %mul3A_812 : vector<16xf32>
        %mul3A_814 = arith.constant 16 : i32
        %mul3A_815 = arith.muli %scan3A_227, %mul3A_814 : i32
        %add3A_816 = arith.constant 14 : i32
        %add3A_817 = arith.addi %mul3A_815, %add3A_816 : i32
        %get3A_818 = arith.index_cast %add3A_817 : i32 to index
        %get3A_819 = arith.constant 32 : index
        %get3A_820 = tpu.vector_load %arg11[%get3A_818, %get3A_819] {strides = array<i32>} : memref<128x128xf32, #tpu.memory_space<vmem>>, vector<1x16xf32>,
        %get3A_821 = vector.shape_cast %get3A_820 : vector<1x16xf32> to vector<16xf32>
        %max3A_822 = arith.maximumf %max3A_810, %get3A_821 : vector<16xf32>
        %add3A_823 = arith.addf %add3A_811, %get3A_821 : vector<16xf32>
        %mul3A_824 = arith.mulf %get3A_821, %get3A_821 : vector<16xf32>
        %add3A_825 = arith.addf %add3A_813, %mul3A_824 : vector<16xf32>
        %mul3A_826 = arith.constant 16 : i32
        %mul3A_827 = arith.muli %scan3A_227, %mul3A_826 : i32
        %add3A_828 = arith.constant 15 : i32
        %add3A_829 = arith.addi %mul3A_827, %add3A_828 : i32
        %get3A_830 = arith.index_cast %add3A_829 : i32 to index
        %get3A_831 = arith.constant 32 : index
        %get3A_832 = tpu.vector_load %arg11[%get3A_830, %get3A_831] {strides = array<i32>} : memref<128x128xf32, #tpu.memory_space<vmem>>, vector<1x16xf32>,
        %get3A_833 = vector.shape_cast %get3A_832 : vector<1x16xf32> to vector<16xf32>
        %max3A_834 = arith.maximumf %max3A_822, %get3A_833 : vector<16xf32>
        %add3A_835 = arith.addf %add3A_823, %get3A_833 : vector<16xf32>
        %mul3A_836 = arith.mulf %get3A_833, %get3A_833 : vector<16xf32>
        %add3A_837 = arith.addf %add3A_825, %mul3A_836 : vector<16xf32>
        %swap3A_838 = arith.index_cast %rem3A_116 : i32 to index
        %swap3A_839 = arith.index_cast %add3A_230 : i32 to index
        %swap3A_840 = arith.constant 32 : index
        %swap3A_841 = tpu.vector_load %arg12[%swap3A_838, %swap3A_839, %swap3A_840] {strides = array<i32>} : memref<2x32x64xf32, #tpu.memory_space<vmem>>, vector<1x1x16xf32>,
        %swap3A_842 = vector.shape_cast %swap3A_841 : vector<1x1x16xf32> to vector<16xf32>
        %swap3A_843 = vector.shape_cast %max3A_834 : vector<16xf32> to vector<1x1x16xf32>
        tpu.vector_store %arg12[%swap3A_838, %swap3A_839, %swap3A_840], %swap3A_843 {strides = array<i32>} : memref<2x32x64xf32, #tpu.memory_space<vmem>>, vector<1x1x16xf32>,
        %swap3A_844 = arith.index_cast %rem3A_116 : i32 to index
        %swap3A_845 = arith.index_cast %add3A_230 : i32 to index
        %swap3A_846 = arith.constant 32 : index
        %swap3A_847 = tpu.vector_load %arg13[%swap3A_844, %swap3A_845, %swap3A_846] {strides = array<i32>} : memref<2x32x64xf32, #tpu.memory_space<vmem>>, vector<1x1x16xf32>,
        %swap3A_848 = vector.shape_cast %swap3A_847 : vector<1x1x16xf32> to vector<16xf32>
        %swap3A_849 = vector.shape_cast %add3A_835 : vector<16xf32> to vector<1x1x16xf32>
        tpu.vector_store %arg13[%swap3A_844, %swap3A_845, %swap3A_846], %swap3A_849 {strides = array<i32>} : memref<2x32x64xf32, #tpu.memory_space<vmem>>, vector<1x1x16xf32>,
        %get3A_850 = arith.constant 0 : i32
        %get3A_851 = arith.index_cast %get3A_850 : i32 to index
        %get3A_852 = arith.constant 32 : index
        %get3A_853 = tpu.vector_load %arg14[%get3A_851, %get3A_852] {strides = array<i32>} : memref<1x64xf32, #tpu.memory_space<vmem>>, vector<1x16xf32>,
        %get3A_854 = vector.shape_cast %get3A_853 : vector<1x16xf32> to vector<16xf32>
        %add3A_855 = arith.addf %get3A_854, %add3A_837 : vector<16xf32>
        %swap3A_856 = arith.constant 0 : i32
        %swap3A_857 = arith.index_cast %swap3A_856 : i32 to index
        %swap3A_858 = arith.constant 32 : index
        %swap3A_859 = tpu.vector_load %arg14[%swap3A_857, %swap3A_858] {strides = array<i32>} : memref<1x64xf32, #tpu.memory_space<vmem>>, vector<1x16xf32>,
        %swap3A_860 = vector.shape_cast %swap3A_859 : vector<1x16xf32> to vector<16xf32>
        %swap3A_861 = vector.shape_cast %add3A_855 : vector<16xf32> to vector<1x16xf32>
        tpu.vector_store %arg14[%swap3A_857, %swap3A_858], %swap3A_861 {strides = array<i32>} : memref<1x64xf32, #tpu.memory_space<vmem>>, vector<1x16xf32>,
        %mul3A_862 = arith.constant 16 : i32
        %mul3A_863 = arith.muli %scan3A_227, %mul3A_862 : i32
        %get3A_864 = arith.index_cast %mul3A_863 : i32 to index
        %get3A_865 = arith.constant 48 : index
        %get3A_866 = tpu.vector_load %arg11[%get3A_864, %get3A_865] {strides = array<i32>} : memref<128x128xf32, #tpu.memory_space<vmem>>, vector<1x16xf32>,
        %get3A_867 = vector.shape_cast %get3A_866 : vector<1x16xf32> to vector<16xf32>
        %mul3A_868 = arith.mulf %get3A_867, %get3A_867 : vector<16xf32>
        %mul3A_869 = arith.constant 16 : i32
        %mul3A_870 = arith.muli %scan3A_227, %mul3A_869 : i32
        %add3A_871 = arith.constant 1 : i32
        %add3A_872 = arith.addi %mul3A_870, %add3A_871 : i32
        %get3A_873 = arith.index_cast %add3A_872 : i32 to index
        %get3A_874 = arith.constant 48 : index
        %get3A_875 = tpu.vector_load %arg11[%get3A_873, %get3A_874] {strides = array<i32>} : memref<128x128xf32, #tpu.memory_space<vmem>>, vector<1x16xf32>,
        %get3A_876 = vector.shape_cast %get3A_875 : vector<1x16xf32> to vector<16xf32>
        %max3A_877 = arith.maximumf %get3A_867, %get3A_876 : vector<16xf32>
        %add3A_878 = arith.addf %get3A_867, %get3A_876 : vector<16xf32>
        %mul3A_879 = arith.mulf %get3A_876, %get3A_876 : vector<16xf32>
        %add3A_880 = arith.addf %mul3A_868, %mul3A_879 : vector<16xf32>
        %mul3A_881 = arith.constant 16 : i32
        %mul3A_882 = arith.muli %scan3A_227, %mul3A_881 : i32
        %add3A_883 = arith.constant 2 : i32
        %add3A_884 = arith.addi %mul3A_882, %add3A_883 : i32
        %get3A_885 = arith.index_cast %add3A_884 : i32 to index
        %get3A_886 = arith.constant 48 : index
        %get3A_887 = tpu.vector_load %arg11[%get3A_885, %get3A_886] {strides = array<i32>} : memref<128x128xf32, #tpu.memory_space<vmem>>, vector<1x16xf32>,
        %get3A_888 = vector.shape_cast %get3A_887 : vector<1x16xf32> to vector<16xf32>
        %max3A_889 = arith.maximumf %max3A_877, %get3A_888 : vector<16xf32>
        %add3A_890 = arith.addf %add3A_878, %get3A_888 : vector<16xf32>
        %mul3A_891 = arith.mulf %get3A_888, %get3A_888 : vector<16xf32>
        %add3A_892 = arith.addf %add3A_880, %mul3A_891 : vector<16xf32>
        %mul3A_893 = arith.constant 16 : i32
        %mul3A_894 = arith.muli %scan3A_227, %mul3A_893 : i32
        %add3A_895 = arith.constant 3 : i32
        %add3A_896 = arith.addi %mul3A_894, %add3A_895 : i32
        %get3A_897 = arith.index_cast %add3A_896 : i32 to index
        %get3A_898 = arith.constant 48 : index
        %get3A_899 = tpu.vector_load %arg11[%get3A_897, %get3A_898] {strides = array<i32>} : memref<128x128xf32, #tpu.memory_space<vmem>>, vector<1x16xf32>,
        %get3A_900 = vector.shape_cast %get3A_899 : vector<1x16xf32> to vector<16xf32>
        %max3A_901 = arith.maximumf %max3A_889, %get3A_900 : vector<16xf32>
        %add3A_902 = arith.addf %add3A_890, %get3A_900 : vector<16xf32>
        %mul3A_903 = arith.mulf %get3A_900, %get3A_900 : vector<16xf32>
        %add3A_904 = arith.addf %add3A_892, %mul3A_903 : vector<16xf32>
        %mul3A_905 = arith.constant 16 : i32
        %mul3A_906 = arith.muli %scan3A_227, %mul3A_905 : i32
        %add3A_907 = arith.constant 4 : i32
        %add3A_908 = arith.addi %mul3A_906, %add3A_907 : i32
        %get3A_909 = arith.index_cast %add3A_908 : i32 to index
        %get3A_910 = arith.constant 48 : index
        %get3A_911 = tpu.vector_load %arg11[%get3A_909, %get3A_910] {strides = array<i32>} : memref<128x128xf32, #tpu.memory_space<vmem>>, vector<1x16xf32>,
        %get3A_912 = vector.shape_cast %get3A_911 : vector<1x16xf32> to vector<16xf32>
        %max3A_913 = arith.maximumf %max3A_901, %get3A_912 : vector<16xf32>
        %add3A_914 = arith.addf %add3A_902, %get3A_912 : vector<16xf32>
        %mul3A_915 = arith.mulf %get3A_912, %get3A_912 : vector<16xf32>
        %add3A_916 = arith.addf %add3A_904, %mul3A_915 : vector<16xf32>
        %mul3A_917 = arith.constant 16 : i32
        %mul3A_918 = arith.muli %scan3A_227, %mul3A_917 : i32
        %add3A_919 = arith.constant 5 : i32
        %add3A_920 = arith.addi %mul3A_918, %add3A_919 : i32
        %get3A_921 = arith.index_cast %add3A_920 : i32 to index
        %get3A_922 = arith.constant 48 : index
        %get3A_923 = tpu.vector_load %arg11[%get3A_921, %get3A_922] {strides = array<i32>} : memref<128x128xf32, #tpu.memory_space<vmem>>, vector<1x16xf32>,
        %get3A_924 = vector.shape_cast %get3A_923 : vector<1x16xf32> to vector<16xf32>
        %max3A_925 = arith.maximumf %max3A_913, %get3A_924 : vector<16xf32>
        %add3A_926 = arith.addf %add3A_914, %get3A_924 : vector<16xf32>
        %mul3A_927 = arith.mulf %get3A_924, %get3A_924 : vector<16xf32>
        %add3A_928 = arith.addf %add3A_916, %mul3A_927 : vector<16xf32>
        %mul3A_929 = arith.constant 16 : i32
        %mul3A_930 = arith.muli %scan3A_227, %mul3A_929 : i32
        %add3A_931 = arith.constant 6 : i32
        %add3A_932 = arith.addi %mul3A_930, %add3A_931 : i32
        %get3A_933 = arith.index_cast %add3A_932 : i32 to index
        %get3A_934 = arith.constant 48 : index
        %get3A_935 = tpu.vector_load %arg11[%get3A_933, %get3A_934] {strides = array<i32>} : memref<128x128xf32, #tpu.memory_space<vmem>>, vector<1x16xf32>,
        %get3A_936 = vector.shape_cast %get3A_935 : vector<1x16xf32> to vector<16xf32>
        %max3A_937 = arith.maximumf %max3A_925, %get3A_936 : vector<16xf32>
        %add3A_938 = arith.addf %add3A_926, %get3A_936 : vector<16xf32>
        %mul3A_939 = arith.mulf %get3A_936, %get3A_936 : vector<16xf32>
        %add3A_940 = arith.addf %add3A_928, %mul3A_939 : vector<16xf32>
        %mul3A_941 = arith.constant 16 : i32
        %mul3A_942 = arith.muli %scan3A_227, %mul3A_941 : i32
        %add3A_943 = arith.constant 7 : i32
        %add3A_944 = arith.addi %mul3A_942, %add3A_943 : i32
        %get3A_945 = arith.index_cast %add3A_944 : i32 to index
        %get3A_946 = arith.constant 48 : index
        %get3A_947 = tpu.vector_load %arg11[%get3A_945, %get3A_946] {strides = array<i32>} : memref<128x128xf32, #tpu.memory_space<vmem>>, vector<1x16xf32>,
        %get3A_948 = vector.shape_cast %get3A_947 : vector<1x16xf32> to vector<16xf32>
        %max3A_949 = arith.maximumf %max3A_937, %get3A_948 : vector<16xf32>
        %add3A_950 = arith.addf %add3A_938, %get3A_948 : vector<16xf32>
        %mul3A_951 = arith.mulf %get3A_948, %get3A_948 : vector<16xf32>
        %add3A_952 = arith.addf %add3A_940, %mul3A_951 : vector<16xf32>
        %mul3A_953 = arith.constant 16 : i32
        %mul3A_954 = arith.muli %scan3A_227, %mul3A_953 : i32
        %add3A_955 = arith.constant 8 : i32
        %add3A_956 = arith.addi %mul3A_954, %add3A_955 : i32
        %get3A_957 = arith.index_cast %add3A_956 : i32 to index
        %get3A_958 = arith.constant 48 : index
        %get3A_959 = tpu.vector_load %arg11[%get3A_957, %get3A_958] {strides = array<i32>} : memref<128x128xf32, #tpu.memory_space<vmem>>, vector<1x16xf32>,
        %get3A_960 = vector.shape_cast %get3A_959 : vector<1x16xf32> to vector<16xf32>
        %max3A_961 = arith.maximumf %max3A_949, %get3A_960 : vector<16xf32>
        %add3A_962 = arith.addf %add3A_950, %get3A_960 : vector<16xf32>
        %mul3A_963 = arith.mulf %get3A_960, %get3A_960 : vector<16xf32>
        %add3A_964 = arith.addf %add3A_952, %mul3A_963 : vector<16xf32>
        %mul3A_965 = arith.constant 16 : i32
        %mul3A_966 = arith.muli %scan3A_227, %mul3A_965 : i32
        %add3A_967 = arith.constant 9 : i32
        %add3A_968 = arith.addi %mul3A_966, %add3A_967 : i32
        %get3A_969 = arith.index_cast %add3A_968 : i32 to index
        %get3A_970 = arith.constant 48 : index
        %get3A_971 = tpu.vector_load %arg11[%get3A_969, %get3A_970] {strides = array<i32>} : memref<128x128xf32, #tpu.memory_space<vmem>>, vector<1x16xf32>,
        %get3A_972 = vector.shape_cast %get3A_971 : vector<1x16xf32> to vector<16xf32>
        %max3A_973 = arith.maximumf %max3A_961, %get3A_972 : vector<16xf32>
        %add3A_974 = arith.addf %add3A_962, %get3A_972 : vector<16xf32>
        %mul3A_975 = arith.mulf %get3A_972, %get3A_972 : vector<16xf32>
        %add3A_976 = arith.addf %add3A_964, %mul3A_975 : vector<16xf32>
        %mul3A_977 = arith.constant 16 : i32
        %mul3A_978 = arith.muli %scan3A_227, %mul3A_977 : i32
        %add3A_979 = arith.constant 10 : i32
        %add3A_980 = arith.addi %mul3A_978, %add3A_979 : i32
        %get3A_981 = arith.index_cast %add3A_980 : i32 to index
        %get3A_982 = arith.constant 48 : index
        %get3A_983 = tpu.vector_load %arg11[%get3A_981, %get3A_982] {strides = array<i32>} : memref<128x128xf32, #tpu.memory_space<vmem>>, vector<1x16xf32>,
        %get3A_984 = vector.shape_cast %get3A_983 : vector<1x16xf32> to vector<16xf32>
        %max3A_985 = arith.maximumf %max3A_973, %get3A_984 : vector<16xf32>
        %add3A_986 = arith.addf %add3A_974, %get3A_984 : vector<16xf32>
        %mul3A_987 = arith.mulf %get3A_984, %get3A_984 : vector<16xf32>
        %add3A_988 = arith.addf %add3A_976, %mul3A_987 : vector<16xf32>
        %mul3A_989 = arith.constant 16 : i32
        %mul3A_990 = arith.muli %scan3A_227, %mul3A_989 : i32
        %add3A_991 = arith.constant 11 : i32
        %add3A_992 = arith.addi %mul3A_990, %add3A_991 : i32
        %get3A_993 = arith.index_cast %add3A_992 : i32 to index
        %get3A_994 = arith.constant 48 : index
        %get3A_995 = tpu.vector_load %arg11[%get3A_993, %get3A_994] {strides = array<i32>} : memref<128x128xf32, #tpu.memory_space<vmem>>, vector<1x16xf32>,
        %get3A_996 = vector.shape_cast %get3A_995 : vector<1x16xf32> to vector<16xf32>
        %max3A_997 = arith.maximumf %max3A_985, %get3A_996 : vector<16xf32>
        %add3A_998 = arith.addf %add3A_986, %get3A_996 : vector<16xf32>
        %mul3A_999 = arith.mulf %get3A_996, %get3A_996 : vector<16xf32>
        %add3A_1000 = arith.addf %add3A_988, %mul3A_999 : vector<16xf32>
        %mul3A_1001 = arith.constant 16 : i32
        %mul3A_1002 = arith.muli %scan3A_227, %mul3A_1001 : i32
        %add3A_1003 = arith.constant 12 : i32
        %add3A_1004 = arith.addi %mul3A_1002, %add3A_1003 : i32
        %get3A_1005 = arith.index_cast %add3A_1004 : i32 to index
        %get3A_1006 = arith.constant 48 : index
        %get3A_1007 = tpu.vector_load %arg11[%get3A_1005, %get3A_1006] {strides = array<i32>} : memref<128x128xf32, #tpu.memory_space<vmem>>, vector<1x16xf32>,
        %get3A_1008 = vector.shape_cast %get3A_1007 : vector<1x16xf32> to vector<16xf32>
        %max3A_1009 = arith.maximumf %max3A_997, %get3A_1008 : vector<16xf32>
        %add3A_1010 = arith.addf %add3A_998, %get3A_1008 : vector<16xf32>
        %mul3A_1011 = arith.mulf %get3A_1008, %get3A_1008 : vector<16xf32>
        %add3A_1012 = arith.addf %add3A_1000, %mul3A_1011 : vector<16xf32>
        %mul3A_1013 = arith.constant 16 : i32
        %mul3A_1014 = arith.muli %scan3A_227, %mul3A_1013 : i32
        %add3A_1015 = arith.constant 13 : i32
        %add3A_1016 = arith.addi %mul3A_1014, %add3A_1015 : i32
        %get3A_1017 = arith.index_cast %add3A_1016 : i32 to index
        %get3A_1018 = arith.constant 48 : index
        %get3A_1019 = tpu.vector_load %arg11[%get3A_1017, %get3A_1018] {strides = array<i32>} : memref<128x128xf32, #tpu.memory_space<vmem>>, vector<1x16xf32>,
        %get3A_1020 = vector.shape_cast %get3A_1019 : vector<1x16xf32> to vector<16xf32>
        %max3A_1021 = arith.maximumf %max3A_1009, %get3A_1020 : vector<16xf32>
        %add3A_1022 = arith.addf %add3A_1010, %get3A_1020 : vector<16xf32>
        %mul3A_1023 = arith.mulf %get3A_1020, %get3A_1020 : vector<16xf32>
        %add3A_1024 = arith.addf %add3A_1012, %mul3A_1023 : vector<16xf32>
        %mul3A_1025 = arith.constant 16 : i32
        %mul3A_1026 = arith.muli %scan3A_227, %mul3A_1025 : i32
        %add3A_1027 = arith.constant 14 : i32
        %add3A_1028 = arith.addi %mul3A_1026, %add3A_1027 : i32
        %get3A_1029 = arith.index_cast %add3A_1028 : i32 to index
        %get3A_1030 = arith.constant 48 : index
        %get3A_1031 = tpu.vector_load %arg11[%get3A_1029, %get3A_1030] {strides = array<i32>} : memref<128x128xf32, #tpu.memory_space<vmem>>, vector<1x16xf32>,
        %get3A_1032 = vector.shape_cast %get3A_1031 : vector<1x16xf32> to vector<16xf32>
        %max3A_1033 = arith.maximumf %max3A_1021, %get3A_1032 : vector<16xf32>
        %add3A_1034 = arith.addf %add3A_1022, %get3A_1032 : vector<16xf32>
        %mul3A_1035 = arith.mulf %get3A_1032, %get3A_1032 : vector<16xf32>
        %add3A_1036 = arith.addf %add3A_1024, %mul3A_1035 : vector<16xf32>
        %mul3A_1037 = arith.constant 16 : i32
        %mul3A_1038 = arith.muli %scan3A_227, %mul3A_1037 : i32
        %add3A_1039 = arith.constant 15 : i32
        %add3A_1040 = arith.addi %mul3A_1038, %add3A_1039 : i32
        %get3A_1041 = arith.index_cast %add3A_1040 : i32 to index
        %get3A_1042 = arith.constant 48 : index
        %get3A_1043 = tpu.vector_load %arg11[%get3A_1041, %get3A_1042] {strides = array<i32>} : memref<128x128xf32, #tpu.memory_space<vmem>>, vector<1x16xf32>,
        %get3A_1044 = vector.shape_cast %get3A_1043 : vector<1x16xf32> to vector<16xf32>
        %max3A_1045 = arith.maximumf %max3A_1033, %get3A_1044 : vector<16xf32>
        %add3A_1046 = arith.addf %add3A_1034, %get3A_1044 : vector<16xf32>
        %mul3A_1047 = arith.mulf %get3A_1044, %get3A_1044 : vector<16xf32>
        %add3A_1048 = arith.addf %add3A_1036, %mul3A_1047 : vector<16xf32>
        %swap3A_1049 = arith.index_cast %rem3A_116 : i32 to index
        %swap3A_1050 = arith.index_cast %add3A_230 : i32 to index
        %swap3A_1051 = arith.constant 48 : index
        %swap3A_1052 = tpu.vector_load %arg12[%swap3A_1049, %swap3A_1050, %swap3A_1051] {strides = array<i32>} : memref<2x32x64xf32, #tpu.memory_space<vmem>>, vector<1x1x16xf32>,
        %swap3A_1053 = vector.shape_cast %swap3A_1052 : vector<1x1x16xf32> to vector<16xf32>
        %swap3A_1054 = vector.shape_cast %max3A_1045 : vector<16xf32> to vector<1x1x16xf32>
        tpu.vector_store %arg12[%swap3A_1049, %swap3A_1050, %swap3A_1051], %swap3A_1054 {strides = array<i32>} : memref<2x32x64xf32, #tpu.memory_space<vmem>>, vector<1x1x16xf32>,
        %swap3A_1055 = arith.index_cast %rem3A_116 : i32 to index
        %swap3A_1056 = arith.index_cast %add3A_230 : i32 to index
        %swap3A_1057 = arith.constant 48 : index
        %swap3A_1058 = tpu.vector_load %arg13[%swap3A_1055, %swap3A_1056, %swap3A_1057] {strides = array<i32>} : memref<2x32x64xf32, #tpu.memory_space<vmem>>, vector<1x1x16xf32>,
        %swap3A_1059 = vector.shape_cast %swap3A_1058 : vector<1x1x16xf32> to vector<16xf32>
        %swap3A_1060 = vector.shape_cast %add3A_1046 : vector<16xf32> to vector<1x1x16xf32>
        tpu.vector_store %arg13[%swap3A_1055, %swap3A_1056, %swap3A_1057], %swap3A_1060 {strides = array<i32>} : memref<2x32x64xf32, #tpu.memory_space<vmem>>, vector<1x1x16xf32>,
        %get3A_1061 = arith.constant 0 : i32
        %get3A_1062 = arith.index_cast %get3A_1061 : i32 to index
        %get3A_1063 = arith.constant 48 : index
        %get3A_1064 = tpu.vector_load %arg14[%get3A_1062, %get3A_1063] {strides = array<i32>} : memref<1x64xf32, #tpu.memory_space<vmem>>, vector<1x16xf32>,
        %get3A_1065 = vector.shape_cast %get3A_1064 : vector<1x16xf32> to vector<16xf32>
        %add3A_1066 = arith.addf %get3A_1065, %add3A_1048 : vector<16xf32>
        %swap3A_1067 = arith.constant 0 : i32
        %swap3A_1068 = arith.index_cast %swap3A_1067 : i32 to index
        %swap3A_1069 = arith.constant 48 : index
        %swap3A_1070 = tpu.vector_load %arg14[%swap3A_1068, %swap3A_1069] {strides = array<i32>} : memref<1x64xf32, #tpu.memory_space<vmem>>, vector<1x16xf32>,
        %swap3A_1071 = vector.shape_cast %swap3A_1070 : vector<1x16xf32> to vector<16xf32>
        %swap3A_1072 = vector.shape_cast %add3A_1066 : vector<16xf32> to vector<1x16xf32>
        tpu.vector_store %arg14[%swap3A_1068, %swap3A_1069], %swap3A_1072 {strides = array<i32>} : memref<1x64xf32, #tpu.memory_space<vmem>>, vector<1x16xf32>,
        %scan3A_1073 = arith.constant 0 : i32
        scf.yield %scan3A_1073 : i32
      }
      %scan3A_213 = arith.constant 8 : i32
      %mul3A_214 = arith.constant 32 : i32
      %mul3A_215 = arith.muli %scan3A_114, %mul3A_214 : i32
      %add3A_216 = arith.addi %mul3A_2, %mul3A_215 : i32
      %eq3A = arith.constant 0 : i32
      %eq3A_217 = arith.cmpi eq, %rem3A_116, %eq3A : i32
      %convert_element_type3A_218 = arith.extui %eq3A_217 : i1 to i32
      %cond3A_219 = arith.constant 0 : i32
      %cond3A_220 = arith.cmpi ne, %convert_element_type3A_218, %cond3A_219 : i32
      scf.if %cond3A_220 {
        %dma_start3A_227 = arith.constant 0 : i32
        %dma_start3A_228 = arith.constant 0 : i32
        %dma_start3A_229 = arith.constant 0 : i32
        %dma_start3A_230 = tpu.memref_slice %arg12[%dma_start3A_227, %dma_start3A_228, %dma_start3A_229] : memref<2x32x64xf32, #tpu.memory_space<vmem>> -> memref<1x32x64xf32, #tpu.memory_space<vmem>>
        %dma_start3A_231 = tpu.memref_squeeze %dma_start3A_230 : memref<1x32x64xf32, #tpu.memory_space<vmem>> -> memref<32x64xf32, #tpu.memory_space<vmem>>
        %dma_start3A_232 = arith.constant 0 : i32
        %dma_start3A_233 = tpu.memref_slice %arg4[%add3A_216, %dma_start3A_232] : memref<16384x64xf32, #tpu.memory_space<hbm>> -> memref<32x64xf32, #tpu.memory_space<hbm>>
        %dma_start3A_234 = arith.constant 0 : i32
        %dma_start3A_235 = tpu.memref_slice %arg4[%add3A_216, %dma_start3A_234] : memref<16384x64xf32, #tpu.memory_space<hbm>> -> memref<32x64xf32, #tpu.memory_space<hbm>>
        %dma_start3A_236 = arith.constant 0 : i32
        %dma_start3A_237 = arith.constant 0 : i32
        %dma_start3A_238 = tpu.memref_slice %arg12[%dma_start3A_227, %dma_start3A_236, %dma_start3A_237] : memref<2x32x64xf32, #tpu.memory_space<vmem>> -> memref<1x32x64xf32, #tpu.memory_space<vmem>>
        %dma_start3A_239 = tpu.memref_squeeze %dma_start3A_238 : memref<1x32x64xf32, #tpu.memory_space<vmem>> -> memref<32x64xf32, #tpu.memory_space<vmem>>
        tpu.enqueue_dma source(%dma_start3A_239 : memref<32x64xf32, #tpu.memory_space<vmem>>) target(%dma_start3A_235 : memref<32x64xf32, #tpu.memory_space<hbm>>) target_semaphore(%arg19 : memref<!tpu.dma_semaphore, #tpu.memory_space<semaphore_mem>>)
        %dma_start3A_240 = arith.constant 0 : i32
        %dma_start3A_241 = arith.constant 0 : i32
        %dma_start3A_242 = arith.constant 0 : i32
        %dma_start3A_243 = tpu.memref_slice %arg13[%dma_start3A_240, %dma_start3A_241, %dma_start3A_242] : memref<2x32x64xf32, #tpu.memory_space<vmem>> -> memref<1x32x64xf32, #tpu.memory_space<vmem>>
        %dma_start3A_244 = tpu.memref_squeeze %dma_start3A_243 : memref<1x32x64xf32, #tpu.memory_space<vmem>> -> memref<32x64xf32, #tpu.memory_space<vmem>>
        %dma_start3A_245 = arith.constant 0 : i32
        %dma_start3A_246 = tpu.memref_slice %arg5[%add3A_216, %dma_start3A_245] : memref<16384x64xf32, #tpu.memory_space<hbm>> -> memref<32x64xf32, #tpu.memory_space<hbm>>
        %dma_start3A_247 = arith.constant 0 : i32
        %dma_start3A_248 = tpu.memref_slice %arg5[%add3A_216, %dma_start3A_247] : memref<16384x64xf32, #tpu.memory_space<hbm>> -> memref<32x64xf32, #tpu.memory_space<hbm>>
        %dma_start3A_249 = arith.constant 0 : i32
        %dma_start3A_250 = arith.constant 0 : i32
        %dma_start3A_251 = tpu.memref_slice %arg13[%dma_start3A_240, %dma_start3A_249, %dma_start3A_250] : memref<2x32x64xf32, #tpu.memory_space<vmem>> -> memref<1x32x64xf32, #tpu.memory_space<vmem>>
        %dma_start3A_252 = tpu.memref_squeeze %dma_start3A_251 : memref<1x32x64xf32, #tpu.memory_space<vmem>> -> memref<32x64xf32, #tpu.memory_space<vmem>>
        tpu.enqueue_dma source(%dma_start3A_252 : memref<32x64xf32, #tpu.memory_space<vmem>>) target(%dma_start3A_248 : memref<32x64xf32, #tpu.memory_space<hbm>>) target_semaphore(%arg19 : memref<!tpu.dma_semaphore, #tpu.memory_space<semaphore_mem>>)
      } else {
      }
      %eq3A_221 = arith.constant 1 : i32
      %eq3A_222 = arith.cmpi eq, %rem3A_116, %eq3A_221 : i32
      %convert_element_type3A_223 = arith.extui %eq3A_222 : i1 to i32
      %cond3A_224 = arith.constant 0 : i32
      %cond3A_225 = arith.cmpi ne, %convert_element_type3A_223, %cond3A_224 : i32
      scf.if %cond3A_225 {
        %dma_start3A_227 = arith.constant 1 : i32
        %dma_start3A_228 = arith.constant 0 : i32
        %dma_start3A_229 = arith.constant 0 : i32
        %dma_start3A_230 = tpu.memref_slice %arg12[%dma_start3A_227, %dma_start3A_228, %dma_start3A_229] : memref<2x32x64xf32, #tpu.memory_space<vmem>> -> memref<1x32x64xf32, #tpu.memory_space<vmem>>
        %dma_start3A_231 = tpu.memref_squeeze %dma_start3A_230 : memref<1x32x64xf32, #tpu.memory_space<vmem>> -> memref<32x64xf32, #tpu.memory_space<vmem>>
        %dma_start3A_232 = arith.constant 0 : i32
        %dma_start3A_233 = tpu.memref_slice %arg4[%add3A_216, %dma_start3A_232] : memref<16384x64xf32, #tpu.memory_space<hbm>> -> memref<32x64xf32, #tpu.memory_space<hbm>>
        %dma_start3A_234 = arith.constant 0 : i32
        %dma_start3A_235 = tpu.memref_slice %arg4[%add3A_216, %dma_start3A_234] : memref<16384x64xf32, #tpu.memory_space<hbm>> -> memref<32x64xf32, #tpu.memory_space<hbm>>
        %dma_start3A_236 = arith.constant 0 : i32
        %dma_start3A_237 = arith.constant 0 : i32
        %dma_start3A_238 = tpu.memref_slice %arg12[%dma_start3A_227, %dma_start3A_236, %dma_start3A_237] : memref<2x32x64xf32, #tpu.memory_space<vmem>> -> memref<1x32x64xf32, #tpu.memory_space<vmem>>
        %dma_start3A_239 = tpu.memref_squeeze %dma_start3A_238 : memref<1x32x64xf32, #tpu.memory_space<vmem>> -> memref<32x64xf32, #tpu.memory_space<vmem>>
        tpu.enqueue_dma source(%dma_start3A_239 : memref<32x64xf32, #tpu.memory_space<vmem>>) target(%dma_start3A_235 : memref<32x64xf32, #tpu.memory_space<hbm>>) target_semaphore(%arg20 : memref<!tpu.dma_semaphore, #tpu.memory_space<semaphore_mem>>)
        %dma_start3A_240 = arith.constant 1 : i32
        %dma_start3A_241 = arith.constant 0 : i32
        %dma_start3A_242 = arith.constant 0 : i32
        %dma_start3A_243 = tpu.memref_slice %arg13[%dma_start3A_240, %dma_start3A_241, %dma_start3A_242] : memref<2x32x64xf32, #tpu.memory_space<vmem>> -> memref<1x32x64xf32, #tpu.memory_space<vmem>>
        %dma_start3A_244 = tpu.memref_squeeze %dma_start3A_243 : memref<1x32x64xf32, #tpu.memory_space<vmem>> -> memref<32x64xf32, #tpu.memory_space<vmem>>
        %dma_start3A_245 = arith.constant 0 : i32
        %dma_start3A_246 = tpu.memref_slice %arg5[%add3A_216, %dma_start3A_245] : memref<16384x64xf32, #tpu.memory_space<hbm>> -> memref<32x64xf32, #tpu.memory_space<hbm>>
        %dma_start3A_247 = arith.constant 0 : i32
        %dma_start3A_248 = tpu.memref_slice %arg5[%add3A_216, %dma_start3A_247] : memref<16384x64xf32, #tpu.memory_space<hbm>> -> memref<32x64xf32, #tpu.memory_space<hbm>>
        %dma_start3A_249 = arith.constant 0 : i32
        %dma_start3A_250 = arith.constant 0 : i32
        %dma_start3A_251 = tpu.memref_slice %arg13[%dma_start3A_240, %dma_start3A_249, %dma_start3A_250] : memref<2x32x64xf32, #tpu.memory_space<vmem>> -> memref<1x32x64xf32, #tpu.memory_space<vmem>>
        %dma_start3A_252 = tpu.memref_squeeze %dma_start3A_251 : memref<1x32x64xf32, #tpu.memory_space<vmem>> -> memref<32x64xf32, #tpu.memory_space<vmem>>
        tpu.enqueue_dma source(%dma_start3A_252 : memref<32x64xf32, #tpu.memory_space<vmem>>) target(%dma_start3A_248 : memref<32x64xf32, #tpu.memory_space<hbm>>) target_semaphore(%arg20 : memref<!tpu.dma_semaphore, #tpu.memory_space<semaphore_mem>>)
      } else {
      }
      %scan3A_226 = arith.constant 0 : i32
      scf.yield %scan3A_226 : i32
    }
    %scan3A_54 = arith.constant 16 : i32
    "tpu.region"() ({
      %run_scoped3A = tpu.sem_alloc : memref<!tpu.dma_semaphore, #tpu.memory_space<semaphore_mem>>
      %dma_start3A_114 = arith.constant 0 : i32
      %dma_start3A_115 = tpu.memref_slice %arg6[%add3A, %dma_start3A_114] : memref<32x64xf32, #tpu.memory_space<hbm>> -> memref<1x64xf32, #tpu.memory_space<hbm>>
      %dma_start3A_116 = arith.constant 0 : i32
      %dma_start3A_117 = tpu.memref_slice %arg6[%add3A, %dma_start3A_116] : memref<32x64xf32, #tpu.memory_space<hbm>> -> memref<1x64xf32, #tpu.memory_space<hbm>>
      tpu.enqueue_dma source(%arg14 : memref<1x64xf32, #tpu.memory_space<vmem>>) target(%dma_start3A_117 : memref<1x64xf32, #tpu.memory_space<hbm>>) target_semaphore(%run_scoped3A : memref<!tpu.dma_semaphore, #tpu.memory_space<semaphore_mem>>)
      %dma_wait3A_118 = arith.constant 0 : i32
      %dma_wait3A_119 = tpu.memref_slice %arg6[%add3A, %dma_wait3A_118] : memref<32x64xf32, #tpu.memory_space<hbm>> -> memref<1x64xf32, #tpu.memory_space<hbm>>
      %dma_wait3A_120 = arith.constant 0 : i32
      %dma_wait3A_121 = tpu.memref_slice %arg6[%add3A, %dma_wait3A_120] : memref<32x64xf32, #tpu.memory_space<hbm>> -> memref<1x64xf32, #tpu.memory_space<hbm>>
      tpu.wait_dma2 semaphore(%run_scoped3A : memref<!tpu.dma_semaphore, #tpu.memory_space<semaphore_mem>>) src(%arg14 : memref<1x64xf32, #tpu.memory_space<vmem>>) dst(%dma_wait3A_121 : memref<1x64xf32, #tpu.memory_space<hbm>>)
      tpu.yield
    }) : () -> ()
    %dma_wait3A = arith.constant 0 : i32
    %dma_wait3A_55 = arith.constant 0 : i32
    %dma_wait3A_56 = arith.constant 0 : i32
    %dma_wait3A_57 = tpu.memref_slice %arg12[%dma_wait3A, %dma_wait3A_55, %dma_wait3A_56] : memref<2x32x64xf32, #tpu.memory_space<vmem>> -> memref<1x32x64xf32, #tpu.memory_space<vmem>>
    %dma_wait3A_58 = tpu.memref_squeeze %dma_wait3A_57 : memref<1x32x64xf32, #tpu.memory_space<vmem>> -> memref<32x64xf32, #tpu.memory_space<vmem>>
    %dma_wait3A_59 = arith.constant 0 : i32
    %dma_wait3A_60 = arith.constant 0 : i32
    %dma_wait3A_61 = tpu.memref_slice %arg4[%dma_wait3A_59, %dma_wait3A_60] : memref<16384x64xf32, #tpu.memory_space<hbm>> -> memref<32x64xf32, #tpu.memory_space<hbm>>
    %dma_wait3A_62 = arith.constant 0 : i32
    %dma_wait3A_63 = arith.constant 0 : i32
    %dma_wait3A_64 = tpu.memref_slice %arg12[%dma_wait3A, %dma_wait3A_62, %dma_wait3A_63] : memref<2x32x64xf32, #tpu.memory_space<vmem>> -> memref<1x32x64xf32, #tpu.memory_space<vmem>>
    %dma_wait3A_65 = tpu.memref_squeeze %dma_wait3A_64 : memref<1x32x64xf32, #tpu.memory_space<vmem>> -> memref<32x64xf32, #tpu.memory_space<vmem>>
    %dma_wait3A_66 = arith.constant 0 : i32
    %dma_wait3A_67 = arith.constant 0 : i32
    %dma_wait3A_68 = tpu.memref_slice %arg4[%dma_wait3A_66, %dma_wait3A_67] : memref<16384x64xf32, #tpu.memory_space<hbm>> -> memref<32x64xf32, #tpu.memory_space<hbm>>
    tpu.wait_dma2 semaphore(%arg19 : memref<!tpu.dma_semaphore, #tpu.memory_space<semaphore_mem>>) src(%dma_wait3A_68 : memref<32x64xf32, #tpu.memory_space<hbm>>) dst(%dma_wait3A_65 : memref<32x64xf32, #tpu.memory_space<vmem>>)
    %dma_wait3A_69 = arith.constant 0 : i32
    %dma_wait3A_70 = arith.constant 0 : i32
    %dma_wait3A_71 = arith.constant 0 : i32
    %dma_wait3A_72 = tpu.memref_slice %arg13[%dma_wait3A_69, %dma_wait3A_70, %dma_wait3A_71] : memref<2x32x64xf32, #tpu.memory_space<vmem>> -> memref<1x32x64xf32, #tpu.memory_space<vmem>>
    %dma_wait3A_73 = tpu.memref_squeeze %dma_wait3A_72 : memref<1x32x64xf32, #tpu.memory_space<vmem>> -> memref<32x64xf32, #tpu.memory_space<vmem>>
    %dma_wait3A_74 = arith.constant 0 : i32
    %dma_wait3A_75 = arith.constant 0 : i32
    %dma_wait3A_76 = tpu.memref_slice %arg5[%dma_wait3A_74, %dma_wait3A_75] : memref<16384x64xf32, #tpu.memory_space<hbm>> -> memref<32x64xf32, #tpu.memory_space<hbm>>
    %dma_wait3A_77 = arith.constant 0 : i32
    %dma_wait3A_78 = arith.constant 0 : i32
    %dma_wait3A_79 = tpu.memref_slice %arg13[%dma_wait3A_69, %dma_wait3A_77, %dma_wait3A_78] : memref<2x32x64xf32, #tpu.memory_space<vmem>> -> memref<1x32x64xf32, #tpu.memory_space<vmem>>
    %dma_wait3A_80 = tpu.memref_squeeze %dma_wait3A_79 : memref<1x32x64xf32, #tpu.memory_space<vmem>> -> memref<32x64xf32, #tpu.memory_space<vmem>>
    %dma_wait3A_81 = arith.constant 0 : i32
    %dma_wait3A_82 = arith.constant 0 : i32
    %dma_wait3A_83 = tpu.memref_slice %arg5[%dma_wait3A_81, %dma_wait3A_82] : memref<16384x64xf32, #tpu.memory_space<hbm>> -> memref<32x64xf32, #tpu.memory_space<hbm>>
    tpu.wait_dma2 semaphore(%arg19 : memref<!tpu.dma_semaphore, #tpu.memory_space<semaphore_mem>>) src(%dma_wait3A_83 : memref<32x64xf32, #tpu.memory_space<hbm>>) dst(%dma_wait3A_80 : memref<32x64xf32, #tpu.memory_space<vmem>>)
    %dma_wait3A_84 = arith.constant 1 : i32
    %dma_wait3A_85 = arith.constant 0 : i32
    %dma_wait3A_86 = arith.constant 0 : i32
    %dma_wait3A_87 = tpu.memref_slice %arg12[%dma_wait3A_84, %dma_wait3A_85, %dma_wait3A_86] : memref<2x32x64xf32, #tpu.memory_space<vmem>> -> memref<1x32x64xf32, #tpu.memory_space<vmem>>
    %dma_wait3A_88 = tpu.memref_squeeze %dma_wait3A_87 : memref<1x32x64xf32, #tpu.memory_space<vmem>> -> memref<32x64xf32, #tpu.memory_space<vmem>>
    %dma_wait3A_89 = arith.constant 0 : i32
    %dma_wait3A_90 = arith.constant 0 : i32
    %dma_wait3A_91 = tpu.memref_slice %arg4[%dma_wait3A_89, %dma_wait3A_90] : memref<16384x64xf32, #tpu.memory_space<hbm>> -> memref<32x64xf32, #tpu.memory_space<hbm>>
    %dma_wait3A_92 = arith.constant 0 : i32
    %dma_wait3A_93 = arith.constant 0 : i32
    %dma_wait3A_94 = tpu.memref_slice %arg12[%dma_wait3A_84, %dma_wait3A_92, %dma_wait3A_93] : memref<2x32x64xf32, #tpu.memory_space<vmem>> -> memref<1x32x64xf32, #tpu.memory_space<vmem>>
    %dma_wait3A_95 = tpu.memref_squeeze %dma_wait3A_94 : memref<1x32x64xf32, #tpu.memory_space<vmem>> -> memref<32x64xf32, #tpu.memory_space<vmem>>
    %dma_wait3A_96 = arith.constant 0 : i32
    %dma_wait3A_97 = arith.constant 0 : i32
    %dma_wait3A_98 = tpu.memref_slice %arg4[%dma_wait3A_96, %dma_wait3A_97] : memref<16384x64xf32, #tpu.memory_space<hbm>> -> memref<32x64xf32, #tpu.memory_space<hbm>>
    tpu.wait_dma2 semaphore(%arg20 : memref<!tpu.dma_semaphore, #tpu.memory_space<semaphore_mem>>) src(%dma_wait3A_98 : memref<32x64xf32, #tpu.memory_space<hbm>>) dst(%dma_wait3A_95 : memref<32x64xf32, #tpu.memory_space<vmem>>)
    %dma_wait3A_99 = arith.constant 1 : i32
    %dma_wait3A_100 = arith.constant 0 : i32
    %dma_wait3A_101 = arith.constant 0 : i32
    %dma_wait3A_102 = tpu.memref_slice %arg13[%dma_wait3A_99, %dma_wait3A_100, %dma_wait3A_101] : memref<2x32x64xf32, #tpu.memory_space<vmem>> -> memref<1x32x64xf32, #tpu.memory_space<vmem>>
    %dma_wait3A_103 = tpu.memref_squeeze %dma_wait3A_102 : memref<1x32x64xf32, #tpu.memory_space<vmem>> -> memref<32x64xf32, #tpu.memory_space<vmem>>
    %dma_wait3A_104 = arith.constant 0 : i32
    %dma_wait3A_105 = arith.constant 0 : i32
    %dma_wait3A_106 = tpu.memref_slice %arg5[%dma_wait3A_104, %dma_wait3A_105] : memref<16384x64xf32, #tpu.memory_space<hbm>> -> memref<32x64xf32, #tpu.memory_space<hbm>>
    %dma_wait3A_107 = arith.constant 0 : i32
    %dma_wait3A_108 = arith.constant 0 : i32
    %dma_wait3A_109 = tpu.memref_slice %arg13[%dma_wait3A_99, %dma_wait3A_107, %dma_wait3A_108] : memref<2x32x64xf32, #tpu.memory_space<vmem>> -> memref<1x32x64xf32, #tpu.memory_space<vmem>>
    %dma_wait3A_110 = tpu.memref_squeeze %dma_wait3A_109 : memref<1x32x64xf32, #tpu.memory_space<vmem>> -> memref<32x64xf32, #tpu.memory_space<vmem>>
    %dma_wait3A_111 = arith.constant 0 : i32
    %dma_wait3A_112 = arith.constant 0 : i32
    %dma_wait3A_113 = tpu.memref_slice %arg5[%dma_wait3A_111, %dma_wait3A_112] : memref<16384x64xf32, #tpu.memory_space<hbm>> -> memref<32x64xf32, #tpu.memory_space<hbm>>
    tpu.wait_dma2 semaphore(%arg20 : memref<!tpu.dma_semaphore, #tpu.memory_space<semaphore_mem>>) src(%dma_wait3A_113 : memref<32x64xf32, #tpu.memory_space<hbm>>) dst(%dma_wait3A_110 : memref<32x64xf32, #tpu.memory_space<vmem>>)
    return
  }
}

module attributes {stable_mosaic.version = 14 : i64} {
  func.func @_knn_body(%arg0: i32, %arg1: i32, %arg2: memref<1x64x2048xf32, #tpu.memory_space<vmem>>, %arg3: memref<64x128xf32, #tpu.memory_space<vmem>>, %arg4: memref<1x64xf32, #tpu.memory_space<vmem>>, %arg5: memref<2048x16xi32, #tpu.memory_space<vmem>>, %arg6: memref<2048x64xf32, #tpu.memory_space<vmem>>, %arg7: memref<2048x128xf32, #tpu.memory_space<vmem>>, %arg8: memref<2048x2048xf32, #tpu.memory_space<vmem>>) attributes {dimension_semantics = [#tpu.dimension_semantics<parallel>, #tpu.dimension_semantics<parallel>], iteration_bounds = array<i64: 8, 1>, scalar_prefetch = 0 : i64, scratch_operands = 1 : i64, tpu.core_type = #tpu.core_type<tc>, window_params = [{transform_indices = @transform_0, window_bounds = array<i64: 1, 64, 2048>}, {pipeline_mode = #tpu.pipeline_mode<synchronous>, transform_indices = @transform_1, window_bounds = array<i64: 64, 128>}, {pipeline_mode = #tpu.pipeline_mode<synchronous>, transform_indices = @transform_2, window_bounds = array<i64: 1, 64>}, {transform_indices = @transform_3, window_bounds = array<i64: 2048, 16>}, {transform_indices = @transform_4, window_bounds = array<i64: 2048, 64>}, {transform_indices = @transform_5, window_bounds = array<i64: 2048, 128>}]} {
    %get3A = arith.constant 0 : index
    %get3A_0 = arith.constant 0 : index
    %get3A_1 = arith.constant 0 : index
    %get3A_2 = vector.load %arg2[%get3A, %get3A_0, %get3A_1] : memref<1x64x2048xf32, #tpu.memory_space<vmem>>, vector<1x64x2048xf32>
    %get3A_3 = vector.shape_cast %get3A_2 : vector<1x64x2048xf32> to vector<64x2048xf32>
    %mul3A = arith.constant 2048 : i32
    %mul3A_4 = arith.muli %arg1, %mul3A : i32
    %get3A_5 = arith.constant 0 : index
    %get3A_6 = arith.constant 0 : index
    %get3A_7 = arith.index_cast %mul3A_4 : i32 to index
    %get3A_8 = vector.load %arg2[%get3A_5, %get3A_6, %get3A_7] : memref<1x64x2048xf32, #tpu.memory_space<vmem>>, vector<1x64x2048xf32>
    %get3A_9 = vector.shape_cast %get3A_8 : vector<1x64x2048xf32> to vector<64x2048xf32>
    %dot_general3A = arith.constant dense<0.000000e+00> : vector<2048x2048xf32>
    %dot_general3A_10 = tpu.matmul %get3A_9, %get3A_3, %dot_general3A {dimension_numbers = #tpu.dot_dimension_numbers<[0], [0], [1], [1], [0, 1, 1, 1], [], []>, transpose_lhs_hint = false} : vector<64x2048xf32>, vector<64x2048xf32>, vector<2048x2048xf32> -> vector<2048x2048xf32>
    %mul3A_11 = arith.mulf %get3A_3, %get3A_3 : vector<64x2048xf32>
    %reduce_sum3A = arith.constant dense<0.000000e+00> : vector<2048xf32>
    %reduce_sum3A_12 = vector.multi_reduction <add>, %mul3A_11, %reduce_sum3A [0] : vector<64x2048xf32> to vector<2048xf32>
    %broadcast_in_dim3A = vector.shape_cast %reduce_sum3A_12 : vector<2048xf32> to vector<1x2048xf32>
    %mul3A_13 = arith.constant 2.000000e+00 : f32
    %mul3A_14 = vector.broadcast %mul3A_13 : f32 to vector<2048x2048xf32>
    %mul3A_15 = arith.mulf %mul3A_14, %dot_general3A_10 : vector<2048x2048xf32>
    %sub3A = vector.broadcast %broadcast_in_dim3A : vector<1x2048xf32> to vector<2048x2048xf32>
    %sub3A_16 = arith.subf %sub3A, %mul3A_15 : vector<2048x2048xf32>
    %swap3A = arith.constant 0 : index
    %swap3A_17 = arith.constant 0 : index
    %swap3A_18 = vector.load %arg8[%swap3A, %swap3A_17] : memref<2048x2048xf32, #tpu.memory_space<vmem>>, vector<2048x2048xf32>
    tpu.vector_store %arg8[%swap3A, %swap3A_17], %sub3A_16 {strides = array<i32>} : memref<2048x2048xf32, #tpu.memory_space<vmem>>, vector<2048x2048xf32>,
    %iota3A = tpu.iota {dimensions = array<i32: 1>} : vector<2048x2048xi32>
    %iota3A_19 = tpu.iota {dimensions = array<i32: 1>} : vector<2048x16xi32>
    %broadcast_in_dim3A_20 = arith.constant 0 : i32
    %broadcast_in_dim3A_21 = vector.broadcast %broadcast_in_dim3A_20 : i32 to vector<2048x16xi32>
    %scan3A = arith.constant 0 : i32
    %scan3A_22 = arith.constant 16 : i32
    %scan3A_23 = arith.addi %scan3A, %scan3A_22 : i32
    %scan3A_24 = arith.constant 1 : i32
    %scan3A_25 = scf.for %scan3A_52 = %scan3A to %scan3A_23 step %scan3A_24 iter_args(%scan3A_53 = %broadcast_in_dim3A_21) -> (vector<2048x16xi32>)  : i32 {
      %get3A_54 = arith.constant 0 : index
      %get3A_55 = arith.constant 0 : index
      %get3A_56 = vector.load %arg8[%get3A_54, %get3A_55] : memref<2048x2048xf32, #tpu.memory_space<vmem>>, vector<2048x2048xf32>
      %argmin3A = tpu.reduce_index %get3A_56 {axis = 1 : i32, kind = #tpu.reduction_kind<arg_min>} : vector<2048x2048xf32> -> vector<2048xi32>
      %broadcast_in_dim3A_57 = vector.shape_cast %argmin3A : vector<2048xi32> to vector<2048x1xi32>
      %eq3A = vector.broadcast %scan3A_52 : i32 to vector<2048x16xi32>
      %eq3A_58 = arith.cmpi eq, %iota3A_19, %eq3A : vector<2048x16xi32>
      %mul3A_59 = arith.constant 2048 : i32
      %mul3A_60 = arith.muli %arg0, %mul3A_59 : i32
      %add3A_61 = vector.broadcast %mul3A_60 : i32 to vector<2048x1xi32>
      %add3A_62 = arith.addi %broadcast_in_dim3A_57, %add3A_61 : vector<2048x1xi32>
      %broadcast_in_dim3A_63 = vector.shape_cast %add3A_62 : vector<2048x1xi32> to vector<2048x1xi32>
      %broadcast_in_dim3A_64 = vector.broadcast %broadcast_in_dim3A_63 : vector<2048x1xi32> to vector<2048x16xi32>
      %select_n3A = arith.select %eq3A_58, %broadcast_in_dim3A_64, %scan3A_53 : vector<2048x16xi1>, vector<2048x16xi32>
      %eq3A_65 = vector.broadcast %broadcast_in_dim3A_57 : vector<2048x1xi32> to vector<2048x2048xi32>
      %eq3A_66 = arith.cmpi eq, %iota3A, %eq3A_65 : vector<2048x2048xi32>
      %jit3A = arith.constant 0x7F800000 : f32
      %broadcast_in_dim3A_67 = vector.broadcast %jit3A : f32 to vector<2048x2048xf32>
      %select_n3A_68 = arith.select %eq3A_66, %broadcast_in_dim3A_67, %get3A_56 : vector<2048x2048xi1>, vector<2048x2048xf32>
      %swap3A_69 = arith.constant 0 : index
      %swap3A_70 = arith.constant 0 : index
      %swap3A_71 = vector.load %arg8[%swap3A_69, %swap3A_70] : memref<2048x2048xf32, #tpu.memory_space<vmem>>, vector<2048x2048xf32>
      tpu.vector_store %arg8[%swap3A_69, %swap3A_70], %select_n3A_68 {strides = array<i32>} : memref<2048x2048xf32, #tpu.memory_space<vmem>>, vector<2048x2048xf32>,
      scf.yield %select_n3A : vector<2048x16xi32>
    }
    %scan3A_26 = arith.constant 16 : i32
    %swap3A_27 = arith.constant 0 : index
    %swap3A_28 = arith.constant 0 : index
    %swap3A_29 = vector.load %arg5[%swap3A_27, %swap3A_28] : memref<2048x16xi32, #tpu.memory_space<vmem>>, vector<2048x16xi32>
    tpu.vector_store %arg5[%swap3A_27, %swap3A_28], %scan3A_25 {strides = array<i32>} : memref<2048x16xi32, #tpu.memory_space<vmem>>, vector<2048x16xi32>,
    %get3A_30 = arith.constant 0 : index
    %get3A_31 = arith.constant 0 : index
    %get3A_32 = vector.load %arg3[%get3A_30, %get3A_31] : memref<64x128xf32, #tpu.memory_space<vmem>>, vector<64x128xf32>
    %slice3A = vector.extract_strided_slice %get3A_32 {offsets = [0, 0], sizes = [64, 64], strides = [1, 1]} : vector<64x128xf32> to vector<64x64xf32>
    %slice3A_33 = vector.extract_strided_slice %get3A_32 {offsets = [0, 64], sizes = [64, 64], strides = [1, 1]} : vector<64x128xf32> to vector<64x64xf32>
    %sub3A_34 = arith.subf %slice3A, %slice3A_33 : vector<64x64xf32>
    %slice3A_35 = vector.extract_strided_slice %get3A_32 {offsets = [0, 64], sizes = [64, 64], strides = [1, 1]} : vector<64x128xf32> to vector<64x64xf32>
    %dot_general3A_36 = arith.constant dense<0.000000e+00> : vector<2048x64xf32>
    %dot_general3A_37 = tpu.matmul %get3A_9, %sub3A_34, %dot_general3A_36 {dimension_numbers = #tpu.dot_dimension_numbers<[0], [1], [1], [0], [0, 1, 1, 0], [], []>, transpose_lhs_hint = false} : vector<64x2048xf32>, vector<64x64xf32>, vector<2048x64xf32> -> vector<2048x64xf32>
    %get3A_38 = arith.constant 0 : index
    %get3A_39 = arith.constant 0 : index
    %get3A_40 = vector.load %arg4[%get3A_38, %get3A_39] : memref<1x64xf32, #tpu.memory_space<vmem>>, vector<1x64xf32>
    %add3A = vector.broadcast %get3A_40 : vector<1x64xf32> to vector<2048x64xf32>
    %add3A_41 = arith.addf %dot_general3A_37, %add3A : vector<2048x64xf32>
    %swap3A_42 = arith.constant 0 : index
    %swap3A_43 = arith.constant 0 : index
    %swap3A_44 = vector.load %arg6[%swap3A_42, %swap3A_43] : memref<2048x64xf32, #tpu.memory_space<vmem>>, vector<2048x64xf32>
    tpu.vector_store %arg6[%swap3A_42, %swap3A_43], %add3A_41 {strides = array<i32>} : memref<2048x64xf32, #tpu.memory_space<vmem>>, vector<2048x64xf32>,
    %dot_general3A_45 = arith.constant dense<0.000000e+00> : vector<2048x64xf32>
    %dot_general3A_46 = tpu.matmul %get3A_9, %slice3A_35, %dot_general3A_45 {dimension_numbers = #tpu.dot_dimension_numbers<[0], [1], [1], [0], [0, 1, 1, 0], [], []>, transpose_lhs_hint = false} : vector<64x2048xf32>, vector<64x64xf32>, vector<2048x64xf32> -> vector<2048x64xf32>
    %broadcast_in_dim3A_47 = arith.constant 0.000000e+00 : f32
    %broadcast_in_dim3A_48 = vector.broadcast %broadcast_in_dim3A_47 : f32 to vector<2048x64xf32>
    %concatenate3A = tpu.concatenate %dot_general3A_46, %broadcast_in_dim3A_48 in 1 : vector<2048x64xf32>, vector<2048x64xf32> -> vector<2048x128xf32>
    %swap3A_49 = arith.constant 0 : index
    %swap3A_50 = arith.constant 0 : index
    %swap3A_51 = vector.load %arg7[%swap3A_49, %swap3A_50] : memref<2048x128xf32, #tpu.memory_space<vmem>>, vector<2048x128xf32>
    tpu.vector_store %arg7[%swap3A_49, %swap3A_50], %concatenate3A {strides = array<i32>} : memref<2048x128xf32, #tpu.memory_space<vmem>>, vector<2048x128xf32>,
    return
  }
  func.func @transform_0(%arg0: i32, %arg1: i32) -> (i32, i32, i32) {
    %c0_i32 = arith.constant 0 : i32
    %c0_i32_0 = arith.constant 0 : i32
    %c0_i32_1 = arith.constant 0 : i32
    return %arg0, %c0_i32, %c0_i32_0 : i32, i32, i32
  }
  func.func @transform_1(%arg0: i32, %arg1: i32) -> (i32, i32) {
    %c0_i32 = arith.constant 0 : i32
    %c0_i32_0 = arith.constant 0 : i32
    %c0_i32_1 = arith.constant 0 : i32
    return %c0_i32, %c0_i32_0 : i32, i32
  }
  func.func @transform_2(%arg0: i32, %arg1: i32) -> (i32, i32) {
    %c0_i32 = arith.constant 0 : i32
    %c0_i32_0 = arith.constant 0 : i32
    %c0_i32_1 = arith.constant 0 : i32
    return %c0_i32, %c0_i32_0 : i32, i32
  }
  func.func @transform_3(%arg0: i32, %arg1: i32) -> (i32, i32) {
    %mul3A = arith.constant 1 : i32
    %mul3A_0 = arith.muli %arg0, %mul3A : i32
    %add3A = arith.addi %mul3A_0, %arg1 : i32
    %c0_i32 = arith.constant 0 : i32
    %c0_i32_1 = arith.constant 0 : i32
    return %add3A, %c0_i32 : i32, i32
  }
  func.func @transform_4(%arg0: i32, %arg1: i32) -> (i32, i32) {
    %mul3A = arith.constant 1 : i32
    %mul3A_0 = arith.muli %arg0, %mul3A : i32
    %add3A = arith.addi %mul3A_0, %arg1 : i32
    %c0_i32 = arith.constant 0 : i32
    %c0_i32_1 = arith.constant 0 : i32
    return %add3A, %c0_i32 : i32, i32
  }
  func.func @transform_5(%arg0: i32, %arg1: i32) -> (i32, i32) {
    %mul3A = arith.constant 1 : i32
    %mul3A_0 = arith.muli %arg0, %mul3A : i32
    %add3A = arith.addi %mul3A_0, %arg1 : i32
    %c0_i32 = arith.constant 0 : i32
    %c0_i32_1 = arith.constant 0 : i32
    return %add3A, %c0_i32 : i32, i32
  }
}

module attributes {stable_mosaic.version = 14 : i64} {
  func.func @_stats_body(%arg0: i32, %arg1: memref<1024x64xf32, #tpu.memory_space<vmem>>, %arg2: memref<1024x64xf32, #tpu.memory_space<vmem>>, %arg3: memref<32x64xf32, #tpu.memory_space<vmem>>, %arg4: memref<2x64xf32, #tpu.memory_space<vmem>>) attributes {dimension_semantics = [#tpu.dimension_semantics<arbitrary>], iteration_bounds = array<i64: 16>, scalar_prefetch = 0 : i64, scratch_operands = 0 : i64, tpu.core_type = #tpu.core_type<tc>, window_params = [{transform_indices = @transform_0, window_bounds = array<i64: 1024, 64>}, {transform_indices = @transform_1, window_bounds = array<i64: 1024, 64>}, {pipeline_mode = #tpu.pipeline_mode<synchronous>, transform_indices = @transform_2, window_bounds = array<i64: 32, 64>}, {pipeline_mode = #tpu.pipeline_mode<synchronous>, transform_indices = @transform_3, window_bounds = array<i64: 2, 64>}]} {
    %get3A = arith.constant 0 : index
    %get3A_0 = arith.constant 0 : index
    %get3A_1 = vector.load %arg1[%get3A, %get3A_0] : memref<1024x64xf32, #tpu.memory_space<vmem>>, vector<1024x64xf32>
    %get3A_2 = arith.constant 0 : index
    %get3A_3 = arith.constant 0 : index
    %get3A_4 = vector.load %arg2[%get3A_2, %get3A_3] : memref<1024x64xf32, #tpu.memory_space<vmem>>, vector<1024x64xf32>
    %mul3A = arith.constant 1.600000e+01 : f32
    %mul3A_5 = vector.broadcast %mul3A : f32 to vector<1024x64xf32>
    %mul3A_6 = arith.mulf %mul3A_5, %get3A_1 : vector<1024x64xf32>
    %add3A = arith.addf %mul3A_6, %get3A_4 : vector<1024x64xf32>
    %reduce_sum3A = arith.constant dense<0.000000e+00> : vector<64xf32>
    %reduce_sum3A_7 = vector.multi_reduction <add>, %add3A, %reduce_sum3A [0] : vector<1024x64xf32> to vector<64xf32>
    %broadcast_in_dim3A = vector.shape_cast %reduce_sum3A_7 : vector<64xf32> to vector<1x64xf32>
    %mul3A_8 = arith.mulf %get3A_1, %get3A_1 : vector<1024x64xf32>
    %mul3A_9 = arith.constant 1.600000e+01 : f32
    %mul3A_10 = vector.broadcast %mul3A_9 : f32 to vector<1024x64xf32>
    %mul3A_11 = arith.mulf %mul3A_10, %mul3A_8 : vector<1024x64xf32>
    %mul3A_12 = arith.mulf %get3A_1, %get3A_4 : vector<1024x64xf32>
    %mul3A_13 = arith.constant 2.000000e+00 : f32
    %mul3A_14 = vector.broadcast %mul3A_13 : f32 to vector<1024x64xf32>
    %mul3A_15 = arith.mulf %mul3A_14, %mul3A_12 : vector<1024x64xf32>
    %add3A_16 = arith.addf %mul3A_11, %mul3A_15 : vector<1024x64xf32>
    %reduce_sum3A_17 = arith.constant dense<0.000000e+00> : vector<64xf32>
    %reduce_sum3A_18 = vector.multi_reduction <add>, %add3A_16, %reduce_sum3A_17 [0] : vector<1024x64xf32> to vector<64xf32>
    %broadcast_in_dim3A_19 = vector.shape_cast %reduce_sum3A_18 : vector<64xf32> to vector<1x64xf32>
    %concatenate3A = tpu.concatenate %broadcast_in_dim3A, %broadcast_in_dim3A_19 in 0 : vector<1x64xf32>, vector<1x64xf32> -> vector<2x64xf32>
    %eq3A = arith.constant 0 : i32
    %eq3A_20 = arith.cmpi eq, %arg0, %eq3A : i32
    %convert_element_type3A = arith.extui %eq3A_20 : i1 to i32
    %cond3A = arith.constant 0 : i32
    %cond3A_21 = arith.cmpi ne, %convert_element_type3A, %cond3A : i32
    scf.if %cond3A_21 {
      %get3A_26 = arith.constant 0 : index
      %get3A_27 = arith.constant 0 : index
      %get3A_28 = vector.load %arg3[%get3A_26, %get3A_27] : memref<32x64xf32, #tpu.memory_space<vmem>>, vector<32x64xf32>
      %reduce_sum3A_29 = arith.constant dense<0.000000e+00> : vector<64xf32>
      %reduce_sum3A_30 = vector.multi_reduction <add>, %get3A_28, %reduce_sum3A_29 [0] : vector<32x64xf32> to vector<64xf32>
      %broadcast_in_dim3A_31 = vector.shape_cast %reduce_sum3A_30 : vector<64xf32> to vector<1x64xf32>
      %broadcast_in_dim3A_32 = arith.constant 0.000000e+00 : f32
      %broadcast_in_dim3A_33 = vector.broadcast %broadcast_in_dim3A_32 : f32 to vector<1x64xf32>
      %concatenate3A_34 = tpu.concatenate %broadcast_in_dim3A_33, %broadcast_in_dim3A_31 in 0 : vector<1x64xf32>, vector<1x64xf32> -> vector<2x64xf32>
      %add3A_35 = arith.addf %concatenate3A, %concatenate3A_34 : vector<2x64xf32>
      %swap3A = arith.constant 0 : index
      %swap3A_36 = arith.constant 0 : index
      %swap3A_37 = vector.load %arg4[%swap3A, %swap3A_36] : memref<2x64xf32, #tpu.memory_space<vmem>>, vector<2x64xf32>
      tpu.vector_store %arg4[%swap3A, %swap3A_36], %add3A_35 {strides = array<i32>} : memref<2x64xf32, #tpu.memory_space<vmem>>, vector<2x64xf32>,
    } else {
    }
    %ne3A = arith.constant 0 : i32
    %ne3A_22 = arith.cmpi ne, %arg0, %ne3A : i32
    %convert_element_type3A_23 = arith.extui %ne3A_22 : i1 to i32
    %cond3A_24 = arith.constant 0 : i32
    %cond3A_25 = arith.cmpi ne, %convert_element_type3A_23, %cond3A_24 : i32
    scf.if %cond3A_25 {
      %get3A_26 = arith.constant 0 : index
      %get3A_27 = arith.constant 0 : index
      %get3A_28 = vector.load %arg4[%get3A_26, %get3A_27] : memref<2x64xf32, #tpu.memory_space<vmem>>, vector<2x64xf32>
      %add3A_29 = arith.addf %get3A_28, %concatenate3A : vector<2x64xf32>
      %swap3A = arith.constant 0 : index
      %swap3A_30 = arith.constant 0 : index
      %swap3A_31 = vector.load %arg4[%swap3A, %swap3A_30] : memref<2x64xf32, #tpu.memory_space<vmem>>, vector<2x64xf32>
      tpu.vector_store %arg4[%swap3A, %swap3A_30], %add3A_29 {strides = array<i32>} : memref<2x64xf32, #tpu.memory_space<vmem>>, vector<2x64xf32>,
    } else {
    }
    return
  }
  func.func @transform_0(%arg0: i32) -> (i32, i32) {
    %c0_i32 = arith.constant 0 : i32
    %c0_i32_0 = arith.constant 0 : i32
    return %arg0, %c0_i32 : i32, i32
  }
  func.func @transform_1(%arg0: i32) -> (i32, i32) {
    %c0_i32 = arith.constant 0 : i32
    %c0_i32_0 = arith.constant 0 : i32
    return %arg0, %c0_i32 : i32, i32
  }
  func.func @transform_2(%arg0: i32) -> (i32, i32) {
    %c0_i32 = arith.constant 0 : i32
    %c0_i32_0 = arith.constant 0 : i32
    %c0_i32_1 = arith.constant 0 : i32
    return %c0_i32, %c0_i32_0 : i32, i32
  }
  func.func @transform_3(%arg0: i32) -> (i32, i32) {
    %c0_i32 = arith.constant 0 : i32
    %c0_i32_0 = arith.constant 0 : i32
    %c0_i32_1 = arith.constant 0 : i32
    return %c0_i32, %c0_i32_0 : i32, i32
  }
}

module attributes {stable_mosaic.version = 14 : i64} {
  func.func @_final_body(%arg0: i32, %arg1: i32, %arg2: memref<512x64xf32, #tpu.memory_space<vmem>>, %arg3: memref<512x64xf32, #tpu.memory_space<vmem>>, %arg4: memref<2x64xf32, #tpu.memory_space<vmem>>, %arg5: memref<1x64xf32, #tpu.memory_space<vmem>>, %arg6: memref<1x64xf32, #tpu.memory_space<vmem>>, %arg7: memref<1x64x512xf32, #tpu.memory_space<vmem>>) attributes {dimension_semantics = [#tpu.dimension_semantics<arbitrary>, #tpu.dimension_semantics<arbitrary>], iteration_bounds = array<i64: 8, 4>, scalar_prefetch = 0 : i64, scratch_operands = 0 : i64, tpu.core_type = #tpu.core_type<tc>, window_params = [{transform_indices = @transform_0, window_bounds = array<i64: 512, 64>}, {transform_indices = @transform_1, window_bounds = array<i64: 512, 64>}, {pipeline_mode = #tpu.pipeline_mode<synchronous>, transform_indices = @transform_2, window_bounds = array<i64: 2, 64>}, {pipeline_mode = #tpu.pipeline_mode<synchronous>, transform_indices = @transform_3, window_bounds = array<i64: 1, 64>}, {pipeline_mode = #tpu.pipeline_mode<synchronous>, transform_indices = @transform_4, window_bounds = array<i64: 1, 64>}, {transform_indices = @transform_5, window_bounds = array<i64: 1, 64, 512>}]} {
    %get3A = arith.constant 0 : index
    %get3A_0 = arith.constant 0 : index
    %get3A_1 = vector.load %arg4[%get3A, %get3A_0] : memref<2x64xf32, #tpu.memory_space<vmem>>, vector<1x64xf32>
    %mul3A = arith.constant 3.81469727E-6 : f32
    %mul3A_2 = vector.broadcast %mul3A : f32 to vector<1x64xf32>
    %mul3A_3 = arith.mulf %get3A_1, %mul3A_2 : vector<1x64xf32>
    %get3A_4 = arith.constant 1 : index
    %get3A_5 = arith.constant 0 : index
    %get3A_6 = vector.load %arg4[%get3A_4, %get3A_5] : memref<2x64xf32, #tpu.memory_space<vmem>>, vector<1x64xf32>
    %mul3A_7 = arith.constant 3.81469727E-6 : f32
    %mul3A_8 = vector.broadcast %mul3A_7 : f32 to vector<1x64xf32>
    %mul3A_9 = arith.mulf %get3A_6, %mul3A_8 : vector<1x64xf32>
    %mul3A_10 = arith.mulf %mul3A_3, %mul3A_3 : vector<1x64xf32>
    %sub3A = arith.subf %mul3A_9, %mul3A_10 : vector<1x64xf32>
    %add3A = arith.constant 9.99999974E-6 : f32
    %add3A_11 = vector.broadcast %add3A : f32 to vector<1x64xf32>
    %add3A_12 = arith.addf %sub3A, %add3A_11 : vector<1x64xf32>
    %rsqrt3A = math.rsqrt %add3A_12 : vector<1x64xf32>
    %get3A_13 = arith.constant 0 : index
    %get3A_14 = arith.constant 0 : index
    %get3A_15 = vector.load %arg5[%get3A_13, %get3A_14] : memref<1x64xf32, #tpu.memory_space<vmem>>, vector<1x64xf32>
    %get3A_16 = arith.constant 0 : index
    %get3A_17 = arith.constant 0 : index
    %get3A_18 = vector.load %arg6[%get3A_16, %get3A_17] : memref<1x64xf32, #tpu.memory_space<vmem>>, vector<1x64xf32>
    %get3A_19 = arith.constant 0 : index
    %get3A_20 = arith.constant 0 : index
    %get3A_21 = vector.load %arg2[%get3A_19, %get3A_20] : memref<512x64xf32, #tpu.memory_space<vmem>>, vector<512x64xf32>
    %get3A_22 = arith.constant 0 : index
    %get3A_23 = arith.constant 0 : index
    %get3A_24 = vector.load %arg3[%get3A_22, %get3A_23] : memref<512x64xf32, #tpu.memory_space<vmem>>, vector<512x64xf32>
    %add3A_25 = arith.addf %get3A_21, %get3A_24 : vector<512x64xf32>
    %sub3A_26 = vector.broadcast %mul3A_3 : vector<1x64xf32> to vector<512x64xf32>
    %sub3A_27 = arith.subf %add3A_25, %sub3A_26 : vector<512x64xf32>
    %mul3A_28 = vector.broadcast %get3A_15 : vector<1x64xf32> to vector<512x64xf32>
    %mul3A_29 = arith.mulf %mul3A_28, %sub3A_27 : vector<512x64xf32>
    %mul3A_30 = vector.broadcast %rsqrt3A : vector<1x64xf32> to vector<512x64xf32>
    %mul3A_31 = arith.mulf %mul3A_29, %mul3A_30 : vector<512x64xf32>
    %add3A_32 = vector.broadcast %get3A_18 : vector<1x64xf32> to vector<512x64xf32>
    %add3A_33 = arith.addf %mul3A_31, %add3A_32 : vector<512x64xf32>
    %gt3A = arith.constant 0.000000e+00 : f32
    %gt3A_34 = vector.broadcast %gt3A : f32 to vector<512x64xf32>
    %gt3A_35 = arith.cmpf ogt, %add3A_33, %gt3A_34 : vector<512x64xf32>
    %mul3A_36 = arith.constant 2.000000e-01 : f32
    %mul3A_37 = vector.broadcast %mul3A_36 : f32 to vector<512x64xf32>
    %mul3A_38 = arith.mulf %mul3A_37, %add3A_33 : vector<512x64xf32>
    %select_n3A = arith.select %gt3A_35, %add3A_33, %mul3A_38 : vector<512x64xi1>, vector<512x64xf32>
    %transpose3A = tpu.transpose %select_n3A, [1, 0] : vector<512x64xf32> -> vector<64x512xf32>
    %swap3A = arith.constant 0 : index
    %swap3A_39 = arith.constant 0 : index
    %swap3A_40 = arith.constant 0 : index
    %swap3A_41 = vector.load %arg7[%swap3A, %swap3A_39, %swap3A_40] : memref<1x64x512xf32, #tpu.memory_space<vmem>>, vector<1x64x512xf32>
    %swap3A_42 = vector.shape_cast %swap3A_41 : vector<1x64x512xf32> to vector<64x512xf32>
    %swap3A_43 = vector.shape_cast %transpose3A : vector<64x512xf32> to vector<1x64x512xf32>
    tpu.vector_store %arg7[%swap3A, %swap3A_39, %swap3A_40], %swap3A_43 {strides = array<i32>} : memref<1x64x512xf32, #tpu.memory_space<vmem>>, vector<1x64x512xf32>,
    return
  }
  func.func @transform_0(%arg0: i32, %arg1: i32) -> (i32, i32) {
    %mul3A = arith.constant 4 : i32
    %mul3A_0 = arith.muli %arg0, %mul3A : i32
    %add3A = arith.addi %mul3A_0, %arg1 : i32
    %c0_i32 = arith.constant 0 : i32
    %c0_i32_1 = arith.constant 0 : i32
    return %add3A, %c0_i32 : i32, i32
  }
  func.func @transform_1(%arg0: i32, %arg1: i32) -> (i32, i32) {
    %mul3A = arith.constant 4 : i32
    %mul3A_0 = arith.muli %arg0, %mul3A : i32
    %add3A = arith.addi %mul3A_0, %arg1 : i32
    %c0_i32 = arith.constant 0 : i32
    %c0_i32_1 = arith.constant 0 : i32
    return %add3A, %c0_i32 : i32, i32
  }
  func.func @transform_2(%arg0: i32, %arg1: i32) -> (i32, i32) {
    %c0_i32 = arith.constant 0 : i32
    %c0_i32_0 = arith.constant 0 : i32
    %c0_i32_1 = arith.constant 0 : i32
    return %c0_i32, %c0_i32_0 : i32, i32
  }
  func.func @transform_3(%arg0: i32, %arg1: i32) -> (i32, i32) {
    %c0_i32 = arith.constant 0 : i32
    %c0_i32_0 = arith.constant 0 : i32
    %c0_i32_1 = arith.constant 0 : i32
    return %c0_i32, %c0_i32_0 : i32, i32
  }
  func.func @transform_4(%arg0: i32, %arg1: i32) -> (i32, i32) {
    %c0_i32 = arith.constant 0 : i32
    %c0_i32_0 = arith.constant 0 : i32
    %c0_i32_1 = arith.constant 0 : i32
    return %c0_i32, %c0_i32_0 : i32, i32
  }
  func.func @transform_5(%arg0: i32, %arg1: i32) -> (i32, i32, i32) {
    %c0_i32 = arith.constant 0 : i32
    %c0_i32_0 = arith.constant 0 : i32
    return %arg0, %c0_i32, %arg1 : i32, i32, i32
  }
}

</mosaic_0001>

<sc_bundles>
// kernel: kernel.6.cloned.1.call-start
scs
__scs_entry_jumppad:
0x0: {  	(pc) =	sbr.rel $0x88, $3  }
0x1: {  	(tag) =	ssettag $0x0;
	lr =	simm.s32 $0x1  }
0x2: {  	[smem:$0x3F9C] =	sst lr;
	_ =	strace $0xD0000000  }
0x3: {  	_ = 	snop  }
0x4: {  	_ = 	snop  }
0x5: {  	_ = 	snop  }
0x6: {  	_ = 	snop  }
0x7: {  	_ = 	snop  }
__scs_overlays_trampoline_lowered:
0x8: {  	[smem:$0x3FAB] =	sst s0  }
0x9: {  	[smem:$0x3FAC] =	sst s1  }
0xa: {  	[smem:$0x3FAD] =	sst s2  }
0xb: {  	[smem:$0x3FAE] =	sst s3  }
0xc: {  	[smem:$0x3FAF] =	sst s4  }
0xd: {  	[smem:$0x3FB0] =	sst s5  }
0xe: {  	[smem:$0x3FB1] =	sst s6  }
0xf: {  	[smem:$0x3FB2] =	sst s7  }
0x10: {  	[smem:$0x3FB3] =	sst s8  }
0x11: {  	[smem:$0x3FB4] =	sst s9;
	s0 =	simm.s32 @!p0 $0x0  }
0x12: {  	s1 =	sld [smem:$0x3F9A];
	s0 =	simm.s32 @p0 $0x1  }
0x13: {  	[smem:$0x3FB5] =	sst s0;
	s0 =	simm.s32 @!p1 $0x0  }
0x14: {  	s2 =	sld [smem:$0x3F99];
	s0 =	simm.s32 @p1 $0x1  }
0x15: {  	[smem:$0x3FB6] =	sst s0;
	s0 =	simm.s32 @!p2 $0x0  }
0x16: {  	s3 =	sld [smem:$0x3FDB];
	s0 =	simm.s32 @p2 $0x1  }
0x17: {  	s4 =	simm.s32 $0x1BF5;
	[smem:$0x3FB8] =	sst s0  }
0x18: {  	s0 =	sld [smem:$0x3F9B];
	_ =	swait.ge [sflag:s4], $0x0  }
0x19: {  	s7 =	sld [smem:$0x3F9C]  }
0x1a: {  	s8 =	sadd.s32 $0xFFFFE003, lr  }
0x1b: {  	s9 =	sadd.s32 $0xFFFFFEF7, lr;
	s5 =	simm.s32 $0xFFFFFFFF;
	p2 =	slt.u32 s8, $0xFFFFF086  }
0x1c: {  	p1 =	slt.u32 s9, $0xF7A;
	s5 =	simm.s32 @!p2 $0x0  }
0x1d: {  	s5 =	simm.s32 @p1 $0x1;
	p0 =	seq.s32 s7, s2  }
0x1e: {  	s7 =	smul.u32 @!p0 $0xF7A, s2;
	p2 =	seq.s32 @!p0 s5, $0x0  }
0x1f: {  	s9 =	smul.u32 $0xF7A, s1;
	s8 =	simm.s32 @!p0 $0x1BF5;
	p2 =	por !p2, p0  }
0x20: {  	[sflag:s8] =	ssyncset.s32 @!p0 $0xFFFFF086;
	s6 =	sadd.s32 @!p0 s3, s7;
	s7 =	simm.s32 @!p0 $0x108  }
0x21: {  	s3 =	sadd.s32 s3, s9;
	s6 =	sadd.s32 @!p0 $0x88, s6;
	s7 =	simm.s32 @p2 $0x1082  }
0x22: {  	[simem:s7], [sflag:s8] =	dma.local @!p0 [hbm:s6], $0xF7A  }
0x23: {  	s9 =	sor.u32 $0xD0000000, s2;
	s6 =	simm.s32 $0x108;
	_ =	swait.ge @!p0 [sflag:s8], $0x0  }
0x24: {  	s3 =	sadd.s32 $0x88, s3;
	s6 =	simm.s32 @!p1 $0x1082;
	[sflag:s4] =	ssyncset.s32 $0xFFFFF086  }
0x25: {  	[simem:s6], [sflag:s4] =	dma.local [hbm:s3], $0xF7A  }
0x26: {  	[smem:$0x3F9C] =	sst s1;
	(tag) =	ssettag s2;
	_ =	strace s9  }
0x27: {  	s1 =	sld [smem:$0x3FAC]  }
0x28: {  	s2 =	sld [smem:$0x3FAD]  }
0x29: {  	s4 =	sld [smem:$0x3FAF]  }
0x2a: {  	p0 =	seq.s32 s5, $0x0;
	s5 =	sld [smem:$0x3FB0]  }
0x2b: {  	s6 =	sld [smem:$0x3FB1]  }
0x2c: {  	s7 =	sld [smem:$0x3FB2]  }
0x2d: {  	s3 =	simm.s32 $0x108;
	s8 =	sld [smem:$0x3FB3]  }
0x2e: {  	s3 =	simm.s32 @!p0 $0x1082;
	s9 =	sld [smem:$0x3FB4]  }
0x2f: {  	lr =	sadd.s32 s0, s3;
	s0 =	sld [smem:$0x3FAB]  }
0x30: {  	s3 =	sld [smem:$0x3FAE]  }
0x31: {  	[smem:$0x3FB7] =	sst s10  }
0x32: {  	s10 =	sld [smem:$0x3FB5];
	_ =	sdelay $0x3  }
0x33: {  	p0 =	seq.s32 s10, $0x1;
	s10 =	sld [smem:$0x3FB7];
	_ =	sdelay $0x3  }
0x34: {  	[smem:$0x3FB7] =	sst s10  }
0x35: {  	s10 =	sld [smem:$0x3FB6];
	_ =	sdelay $0x3  }
0x36: {  	p1 =	seq.s32 s10, $0x1;
	s10 =	sld [smem:$0x3FB7];
	_ =	sdelay $0x3  }
0x37: {  	[smem:$0x3FB7] =	sst s10  }
0x38: {  	s10 =	sld [smem:$0x3FB8]  }
0x39: {  	_ = 	snop;
	(pc) =	sbr.ind lr, $3  }
0x3a: {  	_ = 	snop  }
0x3b: {  	_ = 	snop  }
0x3c: {  	p2 =	seq.s32 s10, $0x1;
	s10 =	sld [smem:$0x3FB7]  }
0x3d: {  	_ =	shalt  }
0x3e: {  	_ =	shalt  }
0x3f: {  	_ =	shalt  }
0x40: {  	_ =	shalt  }
0x41: {  	_ =	shalt  }
0x42: {  	_ =	shalt  }
0x43: {  	_ =	shalt  }
0x44: {  	_ =	shalt  }
0x45: {  	_ =	shalt  }
0x46: {  	_ =	shalt  }
0x47: {  	_ =	shalt  }
0x48: {  	_ =	shalt  }
0x49: {  	_ =	shalt  }
0x4a: {  	_ =	shalt  }
0x4b: {  	_ =	shalt  }
0x4c: {  	_ =	shalt  }
0x4d: {  	_ =	shalt  }
0x4e: {  	_ =	shalt  }
0x4f: {  	_ =	shalt  }
0x50: {  	_ =	shalt  }
0x51: {  	_ =	shalt  }
0x52: {  	_ =	shalt  }
0x53: {  	_ =	shalt  }
0x54: {  	_ =	shalt  }
0x55: {  	_ =	shalt  }
0x56: {  	_ =	shalt  }
0x57: {  	_ =	shalt  }
0x58: {  	_ =	shalt  }
0x59: {  	_ =	shalt  }
0x5a: {  	_ =	shalt  }
0x5b: {  	_ =	shalt  }
0x5c: {  	_ =	shalt  }
0x5d: {  	_ =	shalt  }
0x5e: {  	_ =	shalt  }
0x5f: {  	_ =	shalt  }
0x60: {  	_ =	shalt  }
0x61: {  	_ =	shalt  }
0x62: {  	_ =	shalt  }
0x63: {  	_ =	shalt  }
0x64: {  	_ =	shalt  }
0x65: {  	_ =	shalt  }
0x66: {  	_ =	shalt  }
0x67: {  	_ =	shalt  }
0x68: {  	_ =	shalt  }
0x69: {  	_ =	shalt  }
0x6a: {  	_ =	shalt  }
0x6b: {  	_ =	shalt  }
0x6c: {  	_ =	shalt  }
0x6d: {  	_ =	shalt  }
0x6e: {  	_ =	shalt  }
0x6f: {  	_ =	shalt  }
0x70: {  	_ =	shalt  }
0x71: {  	_ =	shalt  }
0x72: {  	_ =	shalt  }
0x73: {  	_ =	shalt  }
0x74: {  	_ =	shalt  }
0x75: {  	_ =	shalt  }
0x76: {  	_ =	shalt  }
0x77: {  	_ =	shalt  }
0x78: {  	_ =	shalt  }
0x79: {  	_ =	shalt  }
0x7a: {  	_ =	shalt  }
0x7b: {  	_ =	shalt  }
0x7c: {  	_ =	shalt  }
0x7d: {  	_ =	shalt  }
0x7e: {  	_ =	shalt  }
0x7f: {  	_ =	shalt  }
0x80: {  	_ =	shalt  }
0x81: {  	_ =	shalt  }
0x82: {  	_ =	shalt  }
0x83: {  	_ =	shalt  }
0x84: {  	_ =	shalt  }
0x85: {  	_ =	shalt  }
0x86: {  	_ =	shalt  }
0x87: {  	_ =	shalt  }
.Lfunc_end0:
.L_simem_size_0:
called_computation_lowered:
.L_overlay_start_0:
0x88: {  	s2 =	sld [smem:$0x3FD9]  }
0x89: {  	s3 =	sld [smem:$0x3FFE];
	_ =	sdelay $0x1  }
0x8a: {  	s1 =	srdreg.scid  }
0x8b: {  	s0 =	sand.u32 $0x1, s1  }
0x8c: {  	s17 =	sshll.u32 s0, $0xA;
	s2 =	sadd.s32 s3, s2  }
0x8d: {  	s2 =	sadd.s32 s2, s17  }
0x8e: {  	[smem:$0x3FC3] =	sst s2  }
0x8f: {  	_ = 	snop  }
0x90: {  	s2 =	sld [smem:$0x3FD0];
	(tm) =	ssettm $0x1  }
0x91: {  	s18 =	sld [smem:$0x3FFB];
	_ =	sdelay $0x3  }
0x92: {  	_ =	strace s18  }
0x93: {  	s3 =	sld [smem:$0x3FFC];
	_ =	sdelay $0x3  }
0x94: {  	_ =	strace s3  }
0x95: {  	s3 =	sld [smem:$0x3FFD];
	_ =	sdelay $0x3  }
0x96: {  	_ =	strace s3  }
0x97: {  	_ =	strace $0x8FFFFFFF  }
0x98: {  	s19 =	sld [smem:$0x3FDB];
	_ =	sdelay $0x1  }
0x99: {  	s4 =	simm.s32 $_scs_section_size  }
0x9a: {  	s5 =	simm.s32 $_size__tile_overlayer_lowered;
	s6 =	simm.s32 $_tile_overlayer_lowered  }
0x9b: {  	s22 =	simm.s32 $0x1BFF;
	s21 =	sshll.u32 s6, $0x1;
	s3 =	sadd.s32 s4, s19  }
0x9c: {  	s7 =	simm.s32 $0x0;
	s20 =	sshll.u32 s5, $0x1;
	s5 =	sadd.s32 s21, s3  }
0x9d: {  	[timem:s7], [sflag:s22] =	dma.local [hbm:s5], s20  }
0x9e: {  	_ =	swait.ge [sflag:s22], s20  }
0x9f: {  	s4 =	ssub.s32 $0x0, s20;
	[sflag:s22] =	ssyncset.done $0x0  }
0xa0: {  	[sflag:s22] =	ssyncadd.s32 s4;
	_ =	sdelay $0x1  }
0xa1: {  	s23 =	simm.s32 $0x1B8B  }
0xa2: {  	_ =	swait.ge [sflag:s23], $0x1  }
0xa3: {  	[sflag:s23] =	ssyncset.done $0x0  }
0xa4: {  	s25 =	simm.s32 $0x1B8E;
	s24 =	sld [smem:$0x3FFE];
	[sflag:s23] =	ssyncadd.s32 $0xFFFFFFFF  }
0xa5: {  	s26 =	simm.s32 $execute0_lowered;
	[smem:$0x3FD2] =	sst s25  }
0xa6: {  	s5 =	sshll.u32 s26, $0x1;
	_ =	strace $0x80000046;
	[dreg:$0x1] =	wrdreg $0xFFFFFFFF  }
0xa7: {  	s28 =	simm.s32 $_size_execute0_lowered;
	s3 =	sadd.s32 s3, s5;
	[dreg:$0x0] =	wrdreg $0x0  }
0xa8: {  	s5 =	sshll.u32 s28, $0x1;
	[dreg:$0x2] =	wrdreg s3  }
0xa9: {  	[dreg:$0x3] =	wrdreg s5  }
0xaa: {  	[dreg:$0x4] =	wrdreg $0xC0  }
0xab: {  	_ =	task [dreg:s7], $0x5FFFF  }
0xac: {  	[dreg:$0x1] =	wrdreg $0xFFFFFFFF  }
0xad: {  	[dreg:$0x0] =	wrdreg $0x60  }
0xae: {  	[dreg:$0x2] =	wrdreg s24  }
0xaf: {  	[dreg:$0x3] =	wrdreg s2  }
0xb0: {  	[dreg:$0x4] =	wrdreg $0x9  }
0xb1: {  	_ =	task.clear_ibuf [dreg:s7], $0x5FFFF;
	_ =	strace $0x90000046  }
0xb2: {  	s29 =	simm.s32 $0x9;
	_ =	strace $0x80000048  }
0xb3: {  	_ =	swait.ge [sflag:s29], $0x1  }
0xb4: {  	[sflag:s29] =	ssyncadd.s32 $0xFFFFFFFF  }
0xb5: {  	_ =	strace $0x90000048  }
0xb6: {  	_ =	sfence  }
0xb7: {  	s30 =	sld [smem:$0x0];
	_ =	sdelay $0x2  }
0xb8: {  	s31 =	sshll.u32 s1, $0xD;
	s1 =	sshrl.u32 s1, $0x2  }
0xb9: {  	s3 =	sand.u32 $0x4000, s31;
	s1 =	sadd.s32 s1, s30  }
0xba: {  	s0 =	sor.u32 s3, s0;
	s1 =	sshll.u32 s1, $0x11  }
0xbb: {  	s0 =	sor.u32 s1, s0  }
0xbc: {  	s0 =	sadd.s32 $0x8F2B, s0  }
0xbd: {  	[sflag:s0] =	ssyncadd.remote.s32 $0x1  }
0xbe: {  	_ =	sfence.sel $0xFFFF  }
0xbf: {  	[dreg:$0x0] =	wrdreg $0xFFFFFFFF;
	(pc) =	sbr.abs _section_cstart, $3  }
0xc0: {  	[dreg:$0x1] =	wrdreg $0xFFFFFFFF  }
0xc1: {  	_ =	task.clear_ibuf [dreg:s7], $0x2FFFF;
	_ =	strace $0x9FFFFFFF  }
0xc2: {  	(tm) =	ssettm $0x7FFFFFFF  }
0xc3: {  	_ =	shalt  }
tec
execute0_lowered:
.L_overlay_start_1:
0x0: {  	(tag) =	ssettag $0x1  }
0x1: {  	s0 =	rddreg [dreg:$0x0]  }
0x2: {  	s1 =	rddreg [dreg:$0x1];
	s2 =	simm.s32 $0x0;
	s3 =	srdreg.scid  }
0x3: {  	s4 =	stileid.u32;
	s10 =	simm.s32 $0x7;
	s11 =	simm.s32 $0x80  }
0x4: {  	s16 =	simm.s32 $0x1;
	s17 =	simm.s32 $0xE000;
	s18 =	simm.s32 $0x2  }
0x5: {  	s19 =	simm.s32 $0x3;
	s20 =	simm.s32 $0x4;
	s21 =	simm.s32 $0x16000  }
0x6: {  	s22 =	simm.s32 $0x5;
	s23 =	simm.s32 $0x6;
	s24 =	simm.s32 $0x0  }
0x7: {  	[smem:$0x7FF] =	sst s2;
	s5 =	sand.u32 $0x1, s3;
	s4 =	sshll.u32 s4, $0x1  }
0x8: {  	s3 =	sadd.s32 $0x41C00, s0;
	_ =	strace $0x80000047;
	s7 =	sor.u32 s5, s4  }
0x9: {  	s4 =	sadd.s32 $0xC1E00, s0;
	s8 =	ssub.s32 $0x2, s5;
	s6 =	sshll.u32 s7, $0x4  }
0xa: {  	s5 =	sadd.s32 $0x1C00, s0;
	s31 =	sshrl.u32 s8, $0x1;
	s0 =	sadd.s32 s6, s0  }
0xb: {  	s9 =	ssub.s32 s8, s31;
	s6 =	sshll.u32 s7, $0xD;
	s7 =	sshll.u32 s7, $0xA  }
0xc: {  	v0 =	vimm.f32 $0.0e+00;
	s7 =	sadd.s32 s1, s7;
	s8 =	sadd.s32 $0xC1C00, s0;
	s9 =	smax.u32 s9, $0x1  }
.LBB2_1:
0xd: {  	[tilespmem:$0x16000] =	vst v0  }
0xe: {  	[tilespmem:$0x16010] =	vst v0  }
0xf: {  	[tilespmem:$0x16020] =	vst v0  }
0x10: {  	[tilespmem:$0x16030] =	vst v0  }
0x11: {  	[tilespmem:s2], [sflag:$0x7] =	stream.linear.gather [hbm4b:s7+s2], $0x2000, $0x38;
	[tilespmem:$0x16080] =	vst v63  }
0x12: {  	_ =	swait.ge [sflag:s10], $0x2000  }
0x13: {  	[sflag:s10] =	ssyncset.done $0x0  }
0x14: {  	s0 =	simm.s32 $0x2000;
	[sflag:s10] =	ssyncadd.s32 $0xFFFFE000  }
0x15: {  	[tilespmem:s0], [sflag:$0x1] =	stream.indirect.gather [hbm4b:s3+s11], $0x80, s2, s11, $0xb8;
	[tilespmem:$0x16080] =	vst v63  }
0x16: {  	s30 =	simm.s32 $0x6000;
	s31 =	simm.s32 $0x100  }
0x17: {  	[tilespmem:s30], [sflag:$0x2] =	stream.indirect.gather [hbm4b:s3+s11], $0x80, s11, s11, $0xb8;
	[tilespmem:$0x16080] =	vst v63  }
0x18: {  	s1 =	simm.s32 $0xA000;
	p0 =	por $0x0, $0x0;
	s25 =	simm.s32 $0x0  }
0x19: {  	[tilespmem:s1], [sflag:$0x3] =	stream.indirect.gather [hbm4b:s3+s11], $0x80, s31, s11, $0xb8;
	[tilespmem:$0x16080] =	vst v63  }
.LBB2_2:
0x1a: {  	p1 =	slt.u32 s25, $0x2  }
0x1b: {  	s0 =	sand.u32 @!p1 $0x1, s25  }
0x1c: {  	p2 =	seq.s32 @!p1 s0, $0x1  }
0x1d: {  	s0 =	simm.s32 @!p1 $0x6;
	p2 =	por !p2, p1  }
0x1e: {  	s0 =	simm.s32 @p2 $0x5  }
0x1f: {  	_ =	swait.ge @!p1 [sflag:s0], $0x1000  }
0x20: {  	[sflag:s0] =	ssyncset.done @!p1 $0x0  }
0x21: {  	[sflag:s0] =	ssyncadd.s32 @!p1 $0xFFFFF000  }
0x22: {  	s26 =	sshll.u32 s25, $0x9;
	_ =	swait.ge @!p1 [sflag:s0], $0x1000  }
0x23: {  	s28 =	sand.u32 $0x3FFFFE00, s26;
	[sflag:s0] =	ssyncset.done @!p1 $0x0  }
0x24: {  	s14 =	sor.u32 $0x180, s28;
	[sflag:s0] =	ssyncadd.s32 @!p1 $0xFFFFF000  }
0x25: {  	[tilespmem:s17], [sflag:$0x4] =	stream.indirect.gather [hbm4b:s3+s11], $0x80, s14, s11, $0xb8;
	[tilespmem:$0x16080] =	vst v63  }
0x26: {  	_ =	swait.ge [sflag:s16], $0x4000  }
0x27: {  	[sflag:s16] =	ssyncset.done $0x0  }
0x28: {  	s1 =	simm.s32 $0x2400;
	[sflag:s16] =	ssyncadd.s32 $0xFFFFC000  }
0x29: {  	v1 =	vld [tilespmem:s1+$0xFFFFFC80]  }
0x2a: {  	v2 =	vld [tilespmem:s1+$0xFFFFFC00];
	_ =	sdelay $0x1  }
0x2b: {  	v3 =	vld [tilespmem:s1+$0xFFFFFD00];
	_ =	sdelay $0x1  }
0x2c: {  	v4 =	vld [tilespmem:s1+$0xFFFFFD80]  }
0x2d: {  	v5 =	vadd.f32 v1, v2  }
0x2e: {  	v6 =	vld [tilespmem:s1+$0xFFFFFE00]  }
0x2f: {  	v5 =	vadd.f32 v3, v5  }
0x30: {  	v9 =	vld [tilespmem:s1+$0xFFFFFE80];
	v7 =	vmul.f32 v2, v2;
	v8 =	vmul.f32 v1, v1  }
0x31: {  	v5 =	vadd.f32 v4, v5  }
0x32: {  	v10 =	vld [tilespmem:s1+$0xFFFFFF00];
	v53 =	vmul.f32 v3, v3;
	v7 =	vadd.f32 v8, v7  }
0x33: {  	v5 =	vadd.f32 v6, v5  }
0x34: {  	v11 =	vld [tilespmem:s1+$0xFFFFFF80];
	v54 =	vmul.f32 v4, v4;
	v7 =	vadd.f32 v53, v7  }
0x35: {  	v5 =	vadd.f32 v9, v5  }
0x36: {  	v12 =	vld [tilespmem:s1+$0x0];
	v55 =	vmul.f32 v6, v6;
	v7 =	vadd.f32 v54, v7  }
0x37: {  	v5 =	vadd.f32 v10, v5  }
0x38: {  	v13 =	vld [tilespmem:s1+$0x80];
	v56 =	vmul.f32 v9, v9;
	v7 =	vadd.f32 v55, v7  }
0x39: {  	v5 =	vadd.f32 v11, v5  }
0x3a: {  	v14 =	vld [tilespmem:s1+$0x100];
	v57 =	vmul.f32 v10, v10;
	v7 =	vadd.f32 v56, v7  }
0x3b: {  	v1 =	vmax.f32 v2, v1;
	v2 =	vadd.f32 v12, v5  }
0x3c: {  	v1 =	vmax.f32 v1, v3;
	v3 =	vld [tilespmem:s1+$0x180];
	v5 =	vadd.f32 v57, v7;
	v7 =	vmul.f32 v11, v11  }
0x3d: {  	v1 =	vmax.f32 v1, v4;
	v2 =	vadd.f32 v13, v2  }
0x3e: {  	v1 =	vmax.f32 v1, v6;
	v4 =	vld [tilespmem:s1+$0x200];
	v6 =	vmul.f32 v12, v12;
	v5 =	vadd.f32 v7, v5  }
0x3f: {  	s0 =	simm.s32 $0x1;
	v1 =	vmax.f32 v1, v9;
	v2 =	vadd.f32 v14, v2  }
0x40: {  	s0 =	simm.s32 @!p0 $0x0;
	v1 =	vmax.f32 v1, v10;
	v7 =	vld [tilespmem:s1+$0x280];
	v5 =	vadd.f32 v6, v5;
	v6 =	vmul.f32 v13, v13  }
0x41: {  	s13 =	sshll.u32 s0, $0xC;
	v1 =	vmax.f32 v1, v11;
	v2 =	vadd.f32 v3, v2  }
0x42: {  	s0 =	sor.u32 $0x12020, s13;
	v59 =	vld [tilespmem:s1+$0x300];
	v58 =	vmax.f32 v1, v12;
	v5 =	vadd.f32 v6, v5;
	v6 =	vmul.f32 v14, v14  }
0x43: {  	v1 =	vmov s0;
	v8 =	vmax.f32 v58, v13;
	v60 =	vadd.f32 v4, v2  }
0x44: {  	s15 =	sor.u32 $0x14020, s13;
	v61 =	vld [tilespmem:s1+$0x380];
	v8 =	vmax.f32 v8, v14;
	v5 =	vadd.f32 v6, v5;
	v6 =	vmul.f32 v3, v3  }
0x45: {  	v2 =	vmov s15;
	v3 =	vmax.f32 v8, v3;
	v62 =	vadd.f32 v7, v60  }
0x46: {  	v3 =	vmax.f32 v3, v4;
	v4 =	vmul.f32 v4, v4;
	v5 =	vadd.f32 v6, v5  }
0x47: {  	v3 =	vmax.f32 v3, v7;
	v6 =	vadd.f32 v59, v62  }
0x48: {  	v3 =	vmax.f32 v3, v59;
	v4 =	vadd.f32 v4, v5  }
0x49: {  	s12 =	simm.s32 $0x0;
	v5 =	vmul.f32 v7, v7;
	v3 =	vmax.f32 v3, v61;
	v6 =	vadd.f32 v61, v6  }
0x4a: {  	[tilespmem:v1+s12+$0xFFFFFFE0 ss:$0x1] =	vst.idx.msk $0xffff, v3  }
0x4b: {  	v3 =	vadd.f32 v5, v4;
	v4 =	vmul.f32 v59, v59;
	[tilespmem:v2+s12+$0xFFFFFFE0 ss:$0x1] =	vst.idx.msk $0xffff, v6  }
0x4c: {  	v5 =	vld [tilespmem:$0x16000]  }
0x4d: {  	v3 =	vadd.f32 v4, v3;
	v4 =	vmul.f32 v61, v61;
	_ =	sdelay $0x1  }
0x4e: {  	v3 =	vadd.f32 v4, v3;
	_ =	sdelay $0x1  }
0x4f: {  	v3 =	vadd.f32 v5, v3;
	_ =	sdelay $0x1  }
0x50: {  	[tilespmem:$0x16000] =	vst v3  }
0x51: {  	v3 =	vld [tilespmem:s1+$0xFFFFFC10]  }
0x52: {  	v4 =	vld [tilespmem:s1+$0xFFFFFC90];
	_ =	sdelay $0x1  }
0x53: {  	v5 =	vld [tilespmem:s1+$0xFFFFFD10];
	_ =	sdelay $0x1  }
0x54: {  	v6 =	vld [tilespmem:s1+$0xFFFFFD90]  }
0x55: {  	v7 =	vadd.f32 v4, v3  }
0x56: {  	v63 =	vld [tilespmem:s1+$0xFFFFFE10]  }
0x57: {  	v7 =	vadd.f32 v5, v7  }
0x58: {  	v17 =	vld [tilespmem:s1+$0xFFFFFE90];
	v15 =	vmul.f32 v3, v3;
	v16 =	vmul.f32 v4, v4  }
0x59: {  	v7 =	vadd.f32 v6, v7  }
0x5a: {  	v19 =	vld [tilespmem:s1+$0xFFFFFF10];
	v18 =	vmul.f32 v5, v5;
	v9 =	vadd.f32 v16, v15  }
0x5b: {  	v7 =	vadd.f32 v63, v7  }
0x5c: {  	v21 =	vld [tilespmem:s1+$0xFFFFFF90];
	v20 =	vmul.f32 v6, v6;
	v9 =	vadd.f32 v18, v9  }
0x5d: {  	v3 =	vmax.f32 v3, v4;
	v4 =	vadd.f32 v17, v7  }
0x5e: {  	v22 =	vld [tilespmem:s1+$0x10];
	v3 =	vmax.f32 v3, v5;
	v5 =	vadd.f32 v20, v9;
	v7 =	vmul.f32 v63, v63  }
0x5f: {  	v4 =	vadd.f32 v19, v4  }
0x60: {  	v5 =	vadd.f32 v7, v5;
	v7 =	vld [tilespmem:s1+$0x90]  }
0x61: {  	v3 =	vmax.f32 v3, v6;
	v6 =	vmul.f32 v17, v17;
	v4 =	vadd.f32 v21, v4  }
0x62: {  	v23 =	vld [tilespmem:s1+$0x110];
	v24 =	vmul.f32 v19, v19;
	v3 =	vmax.f32 v3, v63  }
0x63: {  	v3 =	vmax.f32 v3, v17;
	v5 =	vadd.f32 v6, v5;
	v4 =	vadd.f32 v22, v4  }
0x64: {  	v25 =	vmul.f32 v21, v21;
	v3 =	vmax.f32 v3, v19;
	v6 =	vld [tilespmem:s1+$0x190]  }
0x65: {  	v26 =	vld [tilespmem:s1+$0x210];
	v3 =	vmax.f32 v3, v21;
	v5 =	vadd.f32 v24, v5;
	v4 =	vadd.f32 v7, v4  }
0x66: {  	v9 =	vmul.f32 v22, v22;
	v3 =	vmax.f32 v3, v22  }
0x67: {  	v27 =	vld [tilespmem:s1+$0x290];
	v3 =	vmax.f32 v3, v7;
	v5 =	vadd.f32 v25, v5;
	v4 =	vadd.f32 v23, v4  }
0x68: {  	v3 =	vmax.f32 v3, v23;
	v7 =	vmul.f32 v7, v7  }
0x69: {  	v28 =	vld [tilespmem:s1+$0x310];
	v3 =	vmax.f32 v3, v6;
	v5 =	vadd.f32 v9, v5;
	v4 =	vadd.f32 v6, v4  }
0x6a: {  	v3 =	vmax.f32 v3, v26  }
0x6b: {  	v29 =	vld [tilespmem:s1+$0x390];
	v5 =	vadd.f32 v7, v5;
	v7 =	vmul.f32 v23, v23;
	v4 =	vadd.f32 v26, v4  }
0x6c: {  	v3 =	vmax.f32 v3, v27  }
0x6d: {  	v6 =	vmul.f32 v6, v6;
	v5 =	vadd.f32 v7, v5;
	v4 =	vadd.f32 v27, v4  }
0x6e: {  	v3 =	vmax.f32 v3, v28  }
0x6f: {  	v5 =	vadd.f32 v6, v5;
	v6 =	vmul.f32 v26, v26;
	v4 =	vadd.f32 v28, v4  }
0x70: {  	v3 =	vmax.f32 v3, v29  }
0x71: {  	v5 =	vadd.f32 v6, v5;
	v6 =	vmul.f32 v27, v27;
	v4 =	vadd.f32 v29, v4  }
0x72: {  	[tilespmem:v1+s12+$0xFFFFFFF0 ss:$0x1] =	vst.idx.msk $0xffff, v3  }
0x73: {  	v3 =	vadd.f32 v6, v5;
	v5 =	vmul.f32 v28, v28;
	[tilespmem:v2+s12+$0xFFFFFFF0 ss:$0x1] =	vst.idx.msk $0xffff, v4  }
0x74: {  	v4 =	vld [tilespmem:$0x16010]  }
0x75: {  	v3 =	vadd.f32 v5, v3;
	v5 =	vmul.f32 v29, v29;
	_ =	sdelay $0x1  }
0x76: {  	v3 =	vadd.f32 v5, v3;
	_ =	sdelay $0x1  }
0x77: {  	v3 =	vadd.f32 v4, v3;
	_ =	sdelay $0x1  }
0x78: {  	[tilespmem:$0x16010] =	vst v3  }
0x79: {  	v3 =	vld [tilespmem:s1+$0xFFFFFC20]  }
0x7a: {  	v4 =	vld [tilespmem:s1+$0xFFFFFCA0];
	_ =	sdelay $0x1  }
0x7b: {  	v5 =	vld [tilespmem:s1+$0xFFFFFD20];
	_ =	sdelay $0x1  }
0x7c: {  	v6 =	vld [tilespmem:s1+$0xFFFFFDA0]  }
0x7d: {  	v7 =	vadd.f32 v4, v3  }
0x7e: {  	v30 =	vld [tilespmem:s1+$0xFFFFFE20]  }
0x7f: {  	v7 =	vadd.f32 v5, v7  }
0x80: {  	v31 =	vld [tilespmem:s1+$0xFFFFFEA0];
	v32 =	vmul.f32 v3, v3;
	v33 =	vmul.f32 v4, v4  }
0x81: {  	v7 =	vadd.f32 v6, v7  }
0x82: {  	v34 =	vld [tilespmem:s1+$0xFFFFFF20];
	v35 =	vmul.f32 v5, v5;
	v10 =	vadd.f32 v33, v32  }
0x83: {  	v7 =	vadd.f32 v30, v7  }
0x84: {  	v36 =	vld [tilespmem:s1+$0xFFFFFFA0];
	v37 =	vmul.f32 v6, v6;
	v10 =	vadd.f32 v35, v10  }
0x85: {  	v7 =	vadd.f32 v31, v7  }
0x86: {  	v39 =	vld [tilespmem:s1+$0x20];
	v38 =	vmul.f32 v30, v30;
	v3 =	vmax.f32 v3, v4;
	v10 =	vadd.f32 v37, v10  }
0x87: {  	v3 =	vmax.f32 v3, v5;
	v4 =	vadd.f32 v34, v7  }
0x88: {  	v40 =	vld [tilespmem:s1+$0xA0];
	v3 =	vmax.f32 v3, v6;
	v5 =	vadd.f32 v38, v10;
	v7 =	vmul.f32 v31, v31  }
0x89: {  	v3 =	vmax.f32 v3, v30;
	v4 =	vadd.f32 v36, v4  }
0x8a: {  	v3 =	vmax.f32 v3, v31;
	v5 =	vadd.f32 v7, v5;
	v7 =	vld [tilespmem:s1+$0x120]  }
0x8b: {  	v6 =	vmul.f32 v34, v34;
	v3 =	vmax.f32 v3, v34;
	v4 =	vadd.f32 v39, v4  }
0x8c: {  	v41 =	vld [tilespmem:s1+$0x1A0];
	v3 =	vmax.f32 v3, v36  }
0x8d: {  	v5 =	vadd.f32 v6, v5;
	v6 =	vmul.f32 v36, v36;
	v4 =	vadd.f32 v40, v4  }
0x8e: {  	v42 =	vld [tilespmem:s1+$0x220];
	v3 =	vmax.f32 v3, v39  }
0x8f: {  	v43 =	vld [tilespmem:s1+$0x2A0];
	v5 =	vadd.f32 v6, v5;
	v6 =	vmul.f32 v39, v39;
	v4 =	vadd.f32 v7, v4  }
0x90: {  	v3 =	vmax.f32 v3, v40;
	v10 =	vmul.f32 v40, v40  }
0x91: {  	v3 =	vmax.f32 v3, v7;
	v5 =	vadd.f32 v6, v5;
	v6 =	vld [tilespmem:s1+$0x320];
	v4 =	vadd.f32 v41, v4  }
0x92: {  	v3 =	vmax.f32 v3, v41;
	v7 =	vmul.f32 v7, v7  }
0x93: {  	v44 =	vld [tilespmem:s1+$0x3A0];
	v3 =	vmax.f32 v3, v42;
	v5 =	vadd.f32 v10, v5;
	v4 =	vadd.f32 v42, v4  }
0x94: {  	v3 =	vmax.f32 v3, v43  }
0x95: {  	v5 =	vadd.f32 v7, v5;
	v7 =	vmul.f32 v41, v41;
	v4 =	vadd.f32 v43, v4  }
0x96: {  	v3 =	vmax.f32 v3, v6  }
0x97: {  	v5 =	vadd.f32 v7, v5;
	v7 =	vmul.f32 v42, v42;
	v4 =	vadd.f32 v6, v4  }
0x98: {  	v3 =	vmax.f32 v3, v44  }
0x99: {  	v5 =	vadd.f32 v7, v5;
	v7 =	vmul.f32 v43, v43;
	v4 =	vadd.f32 v44, v4  }
0x9a: {  	[tilespmem:v1+s12+$0x0 ss:$0x1] =	vst.idx.msk $0xffff, v3  }
0x9b: {  	v3 =	vadd.f32 v7, v5;
	v5 =	vmul.f32 v6, v6;
	[tilespmem:v2+s12+$0x0 ss:$0x1] =	vst.idx.msk $0xffff, v4  }
0x9c: {  	v4 =	vld [tilespmem:$0x16020]  }
0x9d: {  	v3 =	vadd.f32 v5, v3;
	v5 =	vmul.f32 v44, v44;
	_ =	sdelay $0x1  }
0x9e: {  	v3 =	vadd.f32 v5, v3;
	_ =	sdelay $0x1  }
0x9f: {  	v3 =	vadd.f32 v4, v3;
	_ =	sdelay $0x1  }
0xa0: {  	[tilespmem:$0x16020] =	vst v3  }
0xa1: {  	v3 =	vld [tilespmem:s1+$0xFFFFFC30]  }
0xa2: {  	v4 =	vld [tilespmem:s1+$0xFFFFFCB0];
	_ =	sdelay $0x1  }
0xa3: {  	v5 =	vld [tilespmem:s1+$0xFFFFFD30];
	_ =	sdelay $0x1  }
0xa4: {  	v6 =	vld [tilespmem:s1+$0xFFFFFDB0]  }
0xa5: {  	v7 =	vadd.f32 v4, v3  }
0xa6: {  	v45 =	vld [tilespmem:s1+$0xFFFFFE30];
	v46 =	vmul.f32 v3, v3;
	v47 =	vmul.f32 v4, v4  }
0xa7: {  	v7 =	vadd.f32 v5, v7  }
0xa8: {  	v48 =	vld [tilespmem:s1+$0xFFFFFEB0];
	v49 =	vmul.f32 v5, v5;
	v9 =	vadd.f32 v47, v46  }
0xa9: {  	v7 =	vadd.f32 v6, v7  }
0xaa: {  	v50 =	vld [tilespmem:s1+$0xFFFFFF30];
	v51 =	vmul.f32 v6, v6;
	v9 =	vadd.f32 v49, v9  }
0xab: {  	v7 =	vadd.f32 v45, v7  }
0xac: {  	v52 =	vld [tilespmem:s1+$0xFFFFFFB0];
	v53 =	vmul.f32 v45, v45;
	v9 =	vadd.f32 v51, v9  }
0xad: {  	v7 =	vadd.f32 v48, v7  }
0xae: {  	v54 =	vld [tilespmem:s1+$0x30];
	v55 =	vmul.f32 v48, v48;
	v9 =	vadd.f32 v53, v9  }
0xaf: {  	v7 =	vadd.f32 v50, v7  }
0xb0: {  	v15 =	vld [tilespmem:s1+$0xB0];
	v16 =	vmul.f32 v50, v50;
	v9 =	vadd.f32 v55, v9  }
0xb1: {  	v7 =	vadd.f32 v52, v7  }
0xb2: {  	v56 =	vld [tilespmem:s1+$0x130];
	v17 =	vmul.f32 v52, v52;
	v9 =	vadd.f32 v16, v9  }
0xb3: {  	v3 =	vmax.f32 v3, v4;
	v4 =	vadd.f32 v54, v7  }
0xb4: {  	v3 =	vmax.f32 v3, v5;
	v5 =	vld [tilespmem:s1+$0x1B0];
	v7 =	vmul.f32 v54, v54;
	v9 =	vadd.f32 v17, v9  }
0xb5: {  	v3 =	vmax.f32 v3, v6;
	v4 =	vadd.f32 v15, v4  }
0xb6: {  	v57 =	vmul.f32 v15, v15;
	v3 =	vmax.f32 v3, v45;
	v6 =	vld [tilespmem:s1+$0x230];
	v7 =	vadd.f32 v7, v9  }
0xb7: {  	v3 =	vmax.f32 v3, v48;
	v4 =	vadd.f32 v56, v4  }
0xb8: {  	v58 =	vld [tilespmem:s1+$0x2B0];
	v59 =	vmul.f32 v56, v56;
	v3 =	vmax.f32 v3, v50;
	v7 =	vadd.f32 v57, v7  }
0xb9: {  	v3 =	vmax.f32 v3, v52;
	v4 =	vadd.f32 v5, v4  }
0xba: {  	v60 =	vld [tilespmem:s1+$0x330];
	v3 =	vmax.f32 v3, v54;
	v61 =	vmul.f32 v5, v5;
	v7 =	vadd.f32 v59, v7  }
0xbb: {  	v3 =	vmax.f32 v3, v15;
	v4 =	vadd.f32 v6, v4  }
0xbc: {  	v62 =	vld [tilespmem:s1+$0x3B0];
	v3 =	vmax.f32 v3, v56;
	v63 =	vmul.f32 v6, v6;
	v7 =	vadd.f32 v61, v7  }
0xbd: {  	v3 =	vmax.f32 v3, v5;
	v4 =	vadd.f32 v58, v4  }
0xbe: {  	v3 =	vmax.f32 v3, v6;
	v6 =	vmul.f32 v58, v58;
	v5 =	vadd.f32 v63, v7  }
0xbf: {  	v3 =	vmax.f32 v3, v58;
	v4 =	vadd.f32 v60, v4  }
0xc0: {  	v3 =	vmax.f32 v3, v60;
	v5 =	vadd.f32 v6, v5;
	v6 =	vmul.f32 v60, v60  }
0xc1: {  	v3 =	vmax.f32 v3, v62;
	v4 =	vadd.f32 v62, v4  }
0xc2: {  	s14 =	simm.s32 $0x200;
	[tilespmem:v1+s12+$0x10 ss:$0x1] =	vst.idx.msk $0xffff, v3;
	v3 =	vadd.f32 v6, v5;
	v5 =	vmul.f32 v62, v62  }
0xc3: {  	s29 =	sor.u32 $0x14C30, s13;
	s30 =	sor.u32 $0x12C30, s13;
	s31 =	sor.u32 $0x14830, s13;
	[tilespmem:v2+s12+$0x10 ss:$0x1] =	vst.idx.msk $0xffff, v4  }
0xc4: {  	s0 =	sor.u32 $0x12830, s13;
	s12 =	sor.u32 $0x14430, s13;
	s13 =	sor.u32 $0x12430, s13;
	v3 =	vadd.f32 v5, v3;
	v4 =	vld [tilespmem:$0x16030]  }
.LBB2_3:
0xc5: {  	_ = 	snop  }
0xc6: {  	p1 =	sne.s32 s14, $0xE00  }
0xc7: {  	s1 =	sadd.s32 $0x800, s1;
	s15 =	smov.u32 s14;
	s14 =	sadd.s32 $0x200, s14  }
0xc8: {  	_ = 	snop  }
0xc9: {  	v3 =	vadd.f32 v4, v3;
	_ =	sdelay $0x1  }
0xca: {  	[tilespmem:$0x16030] =	vst v3  }
0xcb: {  	v3 =	vld [tilespmem:s1+$0xFFFFFC80]  }
0xcc: {  	v4 =	vld [tilespmem:s1+$0xFFFFFC00];
	_ =	sdelay $0x1  }
0xcd: {  	v5 =	vld [tilespmem:s1+$0xFFFFFD00];
	_ =	sdelay $0x1  }
0xce: {  	v6 =	vld [tilespmem:s1+$0xFFFFFD80]  }
0xcf: {  	v9 =	vmul.f32 v3, v3;
	v7 =	vmul.f32 v4, v4;
	v8 =	vadd.f32 v3, v4  }
0xd0: {  	v3 =	vmax.f32 v4, v3;
	v4 =	vld [tilespmem:s1+$0xFFFFFE00]  }
0xd1: {  	v7 =	vadd.f32 v9, v7;
	v8 =	vadd.f32 v5, v8;
	v9 =	vmul.f32 v5, v5  }
0xd2: {  	v3 =	vmax.f32 v3, v5;
	v5 =	vld [tilespmem:s1+$0xFFFFFE80]  }
0xd3: {  	v7 =	vadd.f32 v9, v7;
	v8 =	vadd.f32 v6, v8;
	v9 =	vmul.f32 v6, v6;
	v10 =	vld [tilespmem:s1+$0xFFFFFF00]  }
0xd4: {  	v3 =	vmax.f32 v3, v6  }
0xd5: {  	v6 =	vadd.f32 v9, v7;
	v7 =	vadd.f32 v4, v8;
	v8 =	vmul.f32 v4, v4  }
0xd6: {  	v3 =	vmax.f32 v3, v4;
	v4 =	vld [tilespmem:s1+$0xFFFFFF80]  }
0xd7: {  	v6 =	vadd.f32 v8, v6;
	v7 =	vadd.f32 v5, v7;
	v8 =	vmul.f32 v5, v5;
	v9 =	vld [tilespmem:s1+$0x0]  }
0xd8: {  	v3 =	vmax.f32 v3, v5;
	v5 =	vld [tilespmem:s1+$0x80]  }
0xd9: {  	v6 =	vadd.f32 v8, v6;
	v7 =	vadd.f32 v10, v7;
	v8 =	vmul.f32 v10, v10;
	v11 =	vld [tilespmem:s1+$0x100]  }
0xda: {  	v3 =	vmax.f32 v3, v10;
	v10 =	vld [tilespmem:s1+$0x180]  }
0xdb: {  	v6 =	vadd.f32 v8, v6;
	v3 =	vmax.f32 v3, v4;
	v7 =	vadd.f32 v4, v7;
	v8 =	vld [tilespmem:s1+$0x200]  }
0xdc: {  	v4 =	vmul.f32 v4, v4;
	v3 =	vmax.f32 v3, v9;
	v12 =	vld [tilespmem:s1+$0x280]  }
0xdd: {  	v7 =	vadd.f32 v9, v7;
	v3 =	vmax.f32 v3, v5;
	v13 =	vld [tilespmem:s1+$0x300]  }
0xde: {  	v4 =	vadd.f32 v4, v6;
	v6 =	vmul.f32 v9, v9;
	v3 =	vmax.f32 v3, v11  }
0xdf: {  	v7 =	vadd.f32 v5, v7;
	v3 =	vmax.f32 v3, v10  }
0xe0: {  	v4 =	vadd.f32 v6, v4;
	v5 =	vmul.f32 v5, v5;
	v3 =	vmax.f32 v3, v8  }
0xe1: {  	v6 =	vadd.f32 v11, v7;
	v3 =	vmax.f32 v3, v12  }
0xe2: {  	v4 =	vadd.f32 v5, v4;
	v5 =	vmul.f32 v11, v11;
	v3 =	vmax.f32 v3, v13  }
0xe3: {  	v6 =	vadd.f32 v10, v6  }
0xe4: {  	v4 =	vadd.f32 v5, v4;
	v5 =	vmul.f32 v10, v10  }
0xe5: {  	v6 =	vadd.f32 v8, v6  }
0xe6: {  	v4 =	vadd.f32 v5, v4;
	v5 =	vmul.f32 v8, v8;
	v7 =	vld [tilespmem:s1+$0x380]  }
0xe7: {  	v6 =	vadd.f32 v12, v6  }
0xe8: {  	v4 =	vadd.f32 v5, v4;
	v5 =	vmul.f32 v12, v12  }
0xe9: {  	v6 =	vadd.f32 v13, v6  }
0xea: {  	v4 =	vadd.f32 v5, v4;
	v5 =	vmul.f32 v13, v13  }
0xeb: {  	s15 =	sshra.s32 s15, $0x2;
	v3 =	vmax.f32 v3, v7;
	v6 =	vadd.f32 v7, v6  }
0xec: {  	v4 =	vadd.f32 v5, v4;
	[tilespmem:v1+s15+$0xFFFFFFE0 ss:$0x1] =	vst.idx.msk $0xffff, v3  }
0xed: {  	[tilespmem:v2+s15+$0xFFFFFFE0 ss:$0x1] =	vst.idx.msk $0xffff, v6  }
0xee: {  	v3 =	vld [tilespmem:$0x16000]  }
0xef: {  	v5 =	vmul.f32 v7, v7;
	_ =	sdelay $0x1  }
0xf0: {  	v4 =	vadd.f32 v5, v4;
	_ =	sdelay $0x1  }
0xf1: {  	v3 =	vadd.f32 v3, v4;
	_ =	sdelay $0x1  }
0xf2: {  	[tilespmem:$0x16000] =	vst v3  }
0xf3: {  	v3 =	vld [tilespmem:s1+$0xFFFFFC10]  }
0xf4: {  	v4 =	vld [tilespmem:s1+$0xFFFFFC90];
	_ =	sdelay $0x1  }
0xf5: {  	v5 =	vld [tilespmem:s1+$0xFFFFFD10];
	_ =	sdelay $0x1  }
0xf6: {  	v6 =	vld [tilespmem:s1+$0xFFFFFD90]  }
0xf7: {  	v7 =	vmul.f32 v3, v3;
	v8 =	vadd.f32 v4, v3;
	v9 =	vmul.f32 v4, v4  }
0xf8: {  	v3 =	vmax.f32 v3, v4;
	v4 =	vld [tilespmem:s1+$0xFFFFFE10]  }
0xf9: {  	v7 =	vadd.f32 v9, v7;
	v8 =	vadd.f32 v5, v8;
	v9 =	vmul.f32 v5, v5  }
0xfa: {  	v3 =	vmax.f32 v3, v5;
	v5 =	vld [tilespmem:s1+$0xFFFFFE90]  }
0xfb: {  	v7 =	vadd.f32 v9, v7;
	v8 =	vadd.f32 v6, v8;
	v9 =	vmul.f32 v6, v6  }
0xfc: {  	v3 =	vmax.f32 v3, v6;
	v6 =	vld [tilespmem:s1+$0xFFFFFF10]  }
0xfd: {  	v7 =	vadd.f32 v9, v7;
	v8 =	vadd.f32 v4, v8;
	v9 =	vmul.f32 v4, v4;
	v10 =	vld [tilespmem:s1+$0xFFFFFF90]  }
0xfe: {  	v3 =	vmax.f32 v3, v4;
	v4 =	vld [tilespmem:s1+$0x10]  }
0xff: {  	v7 =	vadd.f32 v9, v7;
	v8 =	vadd.f32 v5, v8;
	v9 =	vmul.f32 v5, v5;
	v11 =	vld [tilespmem:s1+$0x90]  }
0x100: {  	v3 =	vmax.f32 v3, v5;
	v5 =	vld [tilespmem:s1+$0x110]  }
0x101: {  	v7 =	vadd.f32 v9, v7;
	v3 =	vmax.f32 v3, v6;
	v8 =	vadd.f32 v6, v8;
	v9 =	vld [tilespmem:s1+$0x190]  }
0x102: {  	v3 =	vmax.f32 v3, v10;
	v12 =	vld [tilespmem:s1+$0x210]  }
0x103: {  	v6 =	vmul.f32 v6, v6;
	v8 =	vadd.f32 v10, v8;
	v3 =	vmax.f32 v3, v4;
	v13 =	vld [tilespmem:s1+$0x290]  }
0x104: {  	v10 =	vmul.f32 v10, v10;
	v3 =	vmax.f32 v3, v11;
	v14 =	vld [tilespmem:s1+$0x310]  }
0x105: {  	v6 =	vadd.f32 v6, v7;
	v7 =	vadd.f32 v4, v8;
	v3 =	vmax.f32 v3, v5;
	v8 =	vld [tilespmem:s1+$0x390]  }
0x106: {  	v4 =	vmul.f32 v4, v4;
	v3 =	vmax.f32 v3, v9  }
0x107: {  	v6 =	vadd.f32 v10, v6;
	v7 =	vadd.f32 v11, v7;
	v3 =	vmax.f32 v3, v12  }
0x108: {  	v10 =	vmul.f32 v11, v11;
	v3 =	vmax.f32 v3, v13  }
0x109: {  	v4 =	vadd.f32 v4, v6;
	v6 =	vadd.f32 v5, v7;
	v3 =	vmax.f32 v3, v14  }
0x10a: {  	v3 =	vmax.f32 v3, v8  }
0x10b: {  	v4 =	vadd.f32 v10, v4;
	v5 =	vmul.f32 v5, v5;
	v6 =	vadd.f32 v9, v6;
	_ =	sdelay $0x1  }
0x10c: {  	v4 =	vadd.f32 v5, v4;
	v5 =	vmul.f32 v9, v9;
	v6 =	vadd.f32 v12, v6;
	_ =	sdelay $0x1  }
0x10d: {  	v4 =	vadd.f32 v5, v4;
	v5 =	vmul.f32 v12, v12;
	v6 =	vadd.f32 v13, v6;
	_ =	sdelay $0x1  }
0x10e: {  	v4 =	vadd.f32 v5, v4;
	v5 =	vmul.f32 v13, v13;
	v6 =	vadd.f32 v14, v6;
	_ =	sdelay $0x1  }
0x10f: {  	v4 =	vadd.f32 v5, v4;
	v5 =	vmul.f32 v14, v14;
	v6 =	vadd.f32 v8, v6  }
0x110: {  	[tilespmem:v1+s15+$0xFFFFFFF0 ss:$0x1] =	vst.idx.msk $0xffff, v3  }
0x111: {  	v3 =	vadd.f32 v5, v4;
	[tilespmem:v2+s15+$0xFFFFFFF0 ss:$0x1] =	vst.idx.msk $0xffff, v6  }
0x112: {  	v4 =	vld [tilespmem:$0x16010]  }
0x113: {  	v5 =	vmul.f32 v8, v8;
	_ =	sdelay $0x1  }
0x114: {  	v3 =	vadd.f32 v5, v3;
	_ =	sdelay $0x1  }
0x115: {  	v3 =	vadd.f32 v4, v3;
	_ =	sdelay $0x1  }
0x116: {  	[tilespmem:$0x16010] =	vst v3  }
0x117: {  	v3 =	vld [tilespmem:s1+$0xFFFFFC20]  }
0x118: {  	v4 =	vld [tilespmem:s1+$0xFFFFFCA0]  }
0x119: {  	v5 =	vld [tilespmem:s1+$0xFFFFFD20]  }
0x11a: {  	v6 =	vld [tilespmem:s1+$0xFFFFFDA0]  }
0x11b: {  	v7 =	vld [tilespmem:s1+$0xFFFFFE20]  }
0x11c: {  	v8 =	vld [tilespmem:s1+$0xFFFFFEA0]  }
0x11d: {  	v9 =	vmul.f32 v3, v3;
	v10 =	vadd.f32 v4, v3;
	v11 =	vmul.f32 v4, v4;
	v12 =	vld [tilespmem:s1+$0xFFFFFF20]  }
0x11e: {  	v3 =	vmax.f32 v3, v4;
	v4 =	vld [tilespmem:s1+$0xFFFFFFA0]  }
0x11f: {  	v9 =	vadd.f32 v11, v9;
	v10 =	vadd.f32 v5, v10;
	v11 =	vmul.f32 v5, v5  }
0x120: {  	v3 =	vmax.f32 v3, v5  }
0x121: {  	v5 =	vadd.f32 v11, v9;
	v9 =	vadd.f32 v6, v10;
	v10 =	vmul.f32 v6, v6  }
0x122: {  	v3 =	vmax.f32 v3, v6  }
0x123: {  	v5 =	vadd.f32 v10, v5;
	v6 =	vadd.f32 v7, v9;
	v9 =	vmul.f32 v7, v7  }
0x124: {  	v3 =	vmax.f32 v3, v7  }
0x125: {  	v7 =	vmul.f32 v8, v8;
	v5 =	vadd.f32 v9, v5;
	v6 =	vadd.f32 v8, v6  }
0x126: {  	v3 =	vmax.f32 v3, v8;
	v8 =	vld [tilespmem:s1+$0x20]  }
0x127: {  	v5 =	vadd.f32 v7, v5;
	v6 =	vadd.f32 v12, v6;
	v7 =	vmul.f32 v12, v12;
	v9 =	vld [tilespmem:s1+$0xA0]  }
0x128: {  	v3 =	vmax.f32 v3, v12;
	v10 =	vld [tilespmem:s1+$0x120]  }
0x129: {  	v5 =	vadd.f32 v7, v5;
	v6 =	vadd.f32 v4, v6;
	v7 =	vmul.f32 v4, v4;
	v11 =	vld [tilespmem:s1+$0x1A0]  }
0x12a: {  	v3 =	vmax.f32 v3, v4;
	v4 =	vld [tilespmem:s1+$0x220]  }
0x12b: {  	v5 =	vadd.f32 v7, v5;
	v3 =	vmax.f32 v3, v8;
	v6 =	vadd.f32 v8, v6;
	v7 =	vld [tilespmem:s1+$0x2A0]  }
0x12c: {  	v8 =	vmul.f32 v8, v8;
	v3 =	vmax.f32 v3, v9;
	v12 =	vld [tilespmem:s1+$0x320]  }
0x12d: {  	v6 =	vadd.f32 v9, v6;
	v3 =	vmax.f32 v3, v10;
	v13 =	vld [tilespmem:s1+$0x3A0]  }
0x12e: {  	v5 =	vadd.f32 v8, v5;
	v8 =	vmul.f32 v9, v9;
	v3 =	vmax.f32 v3, v11  }
0x12f: {  	v6 =	vadd.f32 v10, v6;
	v3 =	vmax.f32 v3, v4  }
0x130: {  	v5 =	vadd.f32 v8, v5;
	v8 =	vmul.f32 v10, v10;
	v3 =	vmax.f32 v3, v7  }
0x131: {  	v6 =	vadd.f32 v11, v6;
	v3 =	vmax.f32 v3, v12  }
0x132: {  	v5 =	vadd.f32 v8, v5;
	v8 =	vmul.f32 v11, v11;
	v3 =	vmax.f32 v3, v13  }
0x133: {  	v6 =	vadd.f32 v4, v6;
	[tilespmem:v1+s15+$0x0 ss:$0x1] =	vst.idx.msk $0xffff, v3  }
0x134: {  	v3 =	vadd.f32 v8, v5;
	v4 =	vmul.f32 v4, v4  }
0x135: {  	v5 =	vadd.f32 v7, v6  }
0x136: {  	v3 =	vadd.f32 v4, v3;
	v4 =	vmul.f32 v7, v7  }
0x137: {  	v5 =	vadd.f32 v12, v5  }
0x138: {  	v3 =	vadd.f32 v4, v3;
	v4 =	vmul.f32 v12, v12  }
0x139: {  	v5 =	vadd.f32 v13, v5  }
0x13a: {  	v3 =	vadd.f32 v4, v3  }
0x13b: {  	[tilespmem:v2+s15+$0x0 ss:$0x1] =	vst.idx.msk $0xffff, v5  }
0x13c: {  	v4 =	vld [tilespmem:$0x16020]  }
0x13d: {  	v5 =	vmul.f32 v13, v13;
	_ =	sdelay $0x1  }
0x13e: {  	v3 =	vadd.f32 v5, v3;
	_ =	sdelay $0x1  }
0x13f: {  	v3 =	vadd.f32 v4, v3;
	_ =	sdelay $0x1  }
0x140: {  	[tilespmem:$0x16020] =	vst v3  }
0x141: {  	v3 =	vld [tilespmem:s1+$0xFFFFFC30]  }
0x142: {  	v4 =	vld [tilespmem:s1+$0xFFFFFCB0]  }
0x143: {  	v5 =	vld [tilespmem:s1+$0xFFFFFD30]  }
0x144: {  	v6 =	vld [tilespmem:s1+$0xFFFFFDB0]  }
0x145: {  	v7 =	vld [tilespmem:s1+$0xFFFFFE30]  }
0x146: {  	v8 =	vld [tilespmem:s1+$0xFFFFFEB0]  }
0x147: {  	v9 =	vmul.f32 v3, v3;
	v10 =	vadd.f32 v4, v3;
	v11 =	vmul.f32 v4, v4;
	v12 =	vld [tilespmem:s1+$0xFFFFFF30]  }
0x148: {  	v3 =	vmax.f32 v3, v4;
	v4 =	vld [tilespmem:s1+$0xFFFFFFB0]  }
0x149: {  	v9 =	vadd.f32 v11, v9;
	v10 =	vadd.f32 v5, v10;
	v11 =	vmul.f32 v5, v5;
	v13 =	vld [tilespmem:s1+$0x30]  }
0x14a: {  	v3 =	vmax.f32 v3, v5;
	v5 =	vld [tilespmem:s1+$0xB0]  }
0x14b: {  	v9 =	vadd.f32 v11, v9;
	v10 =	vadd.f32 v6, v10;
	v11 =	vmul.f32 v6, v6;
	v14 =	vld [tilespmem:s1+$0x130]  }
0x14c: {  	v3 =	vmax.f32 v3, v6;
	v6 =	vld [tilespmem:s1+$0x230]  }
0x14d: {  	v9 =	vadd.f32 v11, v9;
	v10 =	vadd.f32 v7, v10;
	v11 =	vmul.f32 v7, v7;
	v15 =	vld [tilespmem:s1+$0x2B0]  }
0x14e: {  	v3 =	vmax.f32 v3, v7;
	v7 =	vld [tilespmem:s1+$0x330]  }
0x14f: {  	v9 =	vadd.f32 v11, v9;
	v10 =	vadd.f32 v8, v10;
	v11 =	vmul.f32 v8, v8;
	v16 =	vld [tilespmem:s1+$0x1B0]  }
0x150: {  	v3 =	vmax.f32 v3, v8;
	v8 =	vmul.f32 v12, v12;
	v17 =	vld [tilespmem:s1+$0x3B0]  }
0x151: {  	v3 =	vmax.f32 v3, v12;
	v9 =	vadd.f32 v11, v9;
	v10 =	vadd.f32 v12, v10  }
0x152: {  	v3 =	vmax.f32 v3, v4;
	v11 =	vmul.f32 v4, v4  }
0x153: {  	v3 =	vmax.f32 v3, v13;
	v8 =	vadd.f32 v8, v9;
	v4 =	vadd.f32 v4, v10  }
0x154: {  	v3 =	vmax.f32 v3, v5;
	v9 =	vmul.f32 v13, v13  }
0x155: {  	v3 =	vmax.f32 v3, v14;
	v8 =	vadd.f32 v11, v8;
	v4 =	vadd.f32 v13, v4  }
0x156: {  	v10 =	vmul.f32 v5, v5;
	v3 =	vmax.f32 v3, v16  }
0x157: {  	v3 =	vmax.f32 v3, v6;
	v8 =	vadd.f32 v9, v8;
	v4 =	vadd.f32 v5, v4  }
0x158: {  	v3 =	vmax.f32 v3, v15;
	v5 =	vmul.f32 v14, v14  }
0x159: {  	v3 =	vmax.f32 v3, v7;
	v8 =	vadd.f32 v10, v8;
	v4 =	vadd.f32 v14, v4  }
0x15a: {  	v9 =	vmul.f32 v16, v16;
	v3 =	vmax.f32 v3, v17  }
0x15b: {  	v5 =	vadd.f32 v5, v8;
	v4 =	vadd.f32 v16, v4;
	[tilespmem:v1+s15+$0x10 ss:$0x1] =	vst.idx.msk $0xffff, v3;
	_ =	sdelay $0x1  }
0x15c: {  	v3 =	vadd.f32 v9, v5;
	v4 =	vadd.f32 v6, v4;
	v5 =	vmul.f32 v6, v6;
	_ =	sdelay $0x1  }
0x15d: {  	v3 =	vadd.f32 v5, v3;
	v4 =	vadd.f32 v15, v4;
	v5 =	vmul.f32 v15, v15;
	_ =	sdelay $0x1  }
0x15e: {  	v3 =	vadd.f32 v5, v3;
	v4 =	vadd.f32 v7, v4;
	v5 =	vmul.f32 v7, v7  }
.Ltmp0:
0x15f: {  	(pc) =	sbr.rel @p1 .LBB2_3-.Ltmp0, $3  }
0x160: {  	v3 =	vadd.f32 v5, v3;
	v4 =	vadd.f32 v17, v4;
	v5 =	vmul.f32 v17, v17;
	_ =	sdelay $0x1  }
0x161: {  	v3 =	vadd.f32 v5, v3;
	[tilespmem:v2+s15+$0x10 ss:$0x1] =	vst.idx.msk $0xffff, v4  }
0x162: {  	v4 =	vld [tilespmem:$0x16030]  }
0x163: {  	_ =	sdelay $0x3  }
0x164: {  	v1 =	vadd.f32 v4, v3  }
0x165: {  	p1 =	seq.s32 s25, $0xF  }
0x166: {  	s1 =	sadd.s32 @!p1 $0x200, s28;
	s14 =	simm.s32 @!p1 $0x80;
	s15 =	simm.s32 @!p1 $0x2000;
	[tilespmem:$0x16030] =	vst v1  }
0x167: {  	[tilespmem:s15], [sflag:$0x1] =	stream.indirect.gather @!p1 [hbm4b:s3+s14], $0x80, s1, s14, $0xb8;
	[tilespmem:$0x16080] =	vst v63  }
0x168: {  	_ =	swait.ge [sflag:s18], $0x4000  }
0x169: {  	[sflag:s18] =	ssyncset.done $0x0  }
0x16a: {  	s1 =	simm.s32 $0x6400;
	[sflag:s18] =	ssyncadd.s32 $0xFFFFC000  }
0x16b: {  	v1 =	vld [tilespmem:s1+$0xFFFFFC80]  }
0x16c: {  	v2 =	vld [tilespmem:s1+$0xFFFFFC00];
	_ =	sdelay $0x1  }
0x16d: {  	v3 =	vld [tilespmem:s1+$0xFFFFFD00];
	_ =	sdelay $0x1  }
0x16e: {  	v4 =	vld [tilespmem:s1+$0xFFFFFD80]  }
0x16f: {  	v5 =	vadd.f32 v1, v2  }
0x170: {  	v6 =	vld [tilespmem:s1+$0xFFFFFE00]  }
0x171: {  	v5 =	vadd.f32 v3, v5  }
0x172: {  	v9 =	vld [tilespmem:s1+$0xFFFFFE80];
	v7 =	vmul.f32 v2, v2;
	v8 =	vmul.f32 v1, v1  }
0x173: {  	v5 =	vadd.f32 v4, v5  }
0x174: {  	v10 =	vld [tilespmem:s1+$0xFFFFFF00];
	v53 =	vmul.f32 v3, v3;
	v7 =	vadd.f32 v8, v7  }
0x175: {  	v5 =	vadd.f32 v6, v5  }
0x176: {  	v11 =	vld [tilespmem:s1+$0xFFFFFF80];
	v54 =	vmul.f32 v4, v4;
	v7 =	vadd.f32 v53, v7  }
0x177: {  	v5 =	vadd.f32 v9, v5  }
0x178: {  	v12 =	vld [tilespmem:s1+$0x0];
	v55 =	vmul.f32 v6, v6;
	v7 =	vadd.f32 v54, v7  }
0x179: {  	v5 =	vadd.f32 v10, v5  }
0x17a: {  	v13 =	vld [tilespmem:s1+$0x80];
	v56 =	vmul.f32 v9, v9;
	v7 =	vadd.f32 v55, v7  }
0x17b: {  	v5 =	vadd.f32 v11, v5  }
0x17c: {  	v14 =	vld [tilespmem:s1+$0x100];
	v57 =	vmul.f32 v10, v10;
	v7 =	vadd.f32 v56, v7  }
0x17d: {  	v1 =	vmax.f32 v2, v1;
	v2 =	vadd.f32 v12, v5  }
0x17e: {  	v1 =	vmax.f32 v1, v3;
	v3 =	vld [tilespmem:s1+$0x180];
	v5 =	vadd.f32 v57, v7;
	v7 =	vmul.f32 v11, v11  }
0x17f: {  	v1 =	vmax.f32 v1, v4;
	v2 =	vadd.f32 v13, v2  }
0x180: {  	v1 =	vmax.f32 v1, v6;
	v4 =	vld [tilespmem:s1+$0x200];
	v6 =	vmul.f32 v12, v12;
	v5 =	vadd.f32 v7, v5  }
0x181: {  	v1 =	vmax.f32 v1, v9;
	v2 =	vadd.f32 v14, v2  }
0x182: {  	v1 =	vmax.f32 v1, v10;
	v7 =	vld [tilespmem:s1+$0x280];
	v5 =	vadd.f32 v6, v5;
	v6 =	vmul.f32 v13, v13  }
0x183: {  	v1 =	vmax.f32 v1, v11;
	v2 =	vadd.f32 v3, v2  }
0x184: {  	v59 =	vld [tilespmem:s1+$0x300];
	v58 =	vmax.f32 v1, v12;
	v5 =	vadd.f32 v6, v5;
	v6 =	vmul.f32 v14, v14  }
0x185: {  	v1 =	vmov s13;
	v8 =	vmax.f32 v58, v13;
	v60 =	vadd.f32 v4, v2  }
0x186: {  	v61 =	vld [tilespmem:s1+$0x380];
	v8 =	vmax.f32 v8, v14;
	v5 =	vadd.f32 v6, v5;
	v6 =	vmul.f32 v3, v3  }
0x187: {  	v2 =	vmov s12;
	v3 =	vmax.f32 v8, v3;
	v62 =	vadd.f32 v7, v60  }
0x188: {  	v3 =	vmax.f32 v3, v4;
	v4 =	vmul.f32 v4, v4;
	v5 =	vadd.f32 v6, v5  }
0x189: {  	v3 =	vmax.f32 v3, v7;
	v6 =	vadd.f32 v59, v62  }
0x18a: {  	v3 =	vmax.f32 v3, v59;
	v4 =	vadd.f32 v4, v5  }
0x18b: {  	s15 =	simm.s32 $0x0;
	v5 =	vmul.f32 v7, v7;
	v3 =	vmax.f32 v3, v61;
	v6 =	vadd.f32 v61, v6  }
0x18c: {  	[tilespmem:v1+s15+$0xFFFFFFD0 ss:$0x1] =	vst.idx.msk $0xffff, v3  }
0x18d: {  	v3 =	vadd.f32 v5, v4;
	v4 =	vmul.f32 v59, v59;
	[tilespmem:v2+s15+$0xFFFFFFD0 ss:$0x1] =	vst.idx.msk $0xffff, v6  }
0x18e: {  	v5 =	vld [tilespmem:$0x16000]  }
0x18f: {  	v3 =	vadd.f32 v4, v3;
	v4 =	vmul.f32 v61, v61;
	_ =	sdelay $0x1  }
0x190: {  	v3 =	vadd.f32 v4, v3;
	_ =	sdelay $0x1  }
0x191: {  	v3 =	vadd.f32 v5, v3;
	_ =	sdelay $0x1  }
0x192: {  	[tilespmem:$0x16000] =	vst v3  }
0x193: {  	v3 =	vld [tilespmem:s1+$0xFFFFFC10]  }
0x194: {  	v4 =	vld [tilespmem:s1+$0xFFFFFC90];
	_ =	sdelay $0x1  }
0x195: {  	v5 =	vld [tilespmem:s1+$0xFFFFFD10];
	_ =	sdelay $0x1  }
0x196: {  	v6 =	vld [tilespmem:s1+$0xFFFFFD90]  }
0x197: {  	v7 =	vadd.f32 v4, v3  }
0x198: {  	v63 =	vld [tilespmem:s1+$0xFFFFFE10]  }
0x199: {  	v7 =	vadd.f32 v5, v7  }
0x19a: {  	v17 =	vld [tilespmem:s1+$0xFFFFFE90];
	v15 =	vmul.f32 v3, v3;
	v16 =	vmul.f32 v4, v4  }
0x19b: {  	v7 =	vadd.f32 v6, v7  }
0x19c: {  	v19 =	vld [tilespmem:s1+$0xFFFFFF10];
	v18 =	vmul.f32 v5, v5;
	v9 =	vadd.f32 v16, v15  }
0x19d: {  	v7 =	vadd.f32 v63, v7  }
0x19e: {  	v21 =	vld [tilespmem:s1+$0xFFFFFF90];
	v20 =	vmul.f32 v6, v6;
	v9 =	vadd.f32 v18, v9  }
0x19f: {  	v3 =	vmax.f32 v3, v4;
	v4 =	vadd.f32 v17, v7  }
0x1a0: {  	v22 =	vld [tilespmem:s1+$0x10];
	v3 =	vmax.f32 v3, v5;
	v5 =	vadd.f32 v20, v9;
	v7 =	vmul.f32 v63, v63  }
0x1a1: {  	v4 =	vadd.f32 v19, v4  }
0x1a2: {  	v5 =	vadd.f32 v7, v5;
	v7 =	vld [tilespmem:s1+$0x90]  }
0x1a3: {  	v3 =	vmax.f32 v3, v6;
	v6 =	vmul.f32 v17, v17;
	v4 =	vadd.f32 v21, v4  }
0x1a4: {  	v23 =	vld [tilespmem:s1+$0x110];
	v24 =	vmul.f32 v19, v19;
	v3 =	vmax.f32 v3, v63  }
0x1a5: {  	v3 =	vmax.f32 v3, v17;
	v5 =	vadd.f32 v6, v5;
	v4 =	vadd.f32 v22, v4  }
0x1a6: {  	v25 =	vmul.f32 v21, v21;
	v3 =	vmax.f32 v3, v19;
	v6 =	vld [tilespmem:s1+$0x190]  }
0x1a7: {  	v26 =	vld [tilespmem:s1+$0x210];
	v3 =	vmax.f32 v3, v21;
	v5 =	vadd.f32 v24, v5;
	v4 =	vadd.f32 v7, v4  }
0x1a8: {  	v9 =	vmul.f32 v22, v22;
	v3 =	vmax.f32 v3, v22  }
0x1a9: {  	v27 =	vld [tilespmem:s1+$0x290];
	v3 =	vmax.f32 v3, v7;
	v5 =	vadd.f32 v25, v5;
	v4 =	vadd.f32 v23, v4  }
0x1aa: {  	v3 =	vmax.f32 v3, v23;
	v7 =	vmul.f32 v7, v7  }
0x1ab: {  	v28 =	vld [tilespmem:s1+$0x310];
	v3 =	vmax.f32 v3, v6;
	v5 =	vadd.f32 v9, v5;
	v4 =	vadd.f32 v6, v4  }
0x1ac: {  	v3 =	vmax.f32 v3, v26  }
0x1ad: {  	v29 =	vld [tilespmem:s1+$0x390];
	v5 =	vadd.f32 v7, v5;
	v7 =	vmul.f32 v23, v23;
	v4 =	vadd.f32 v26, v4  }
0x1ae: {  	v3 =	vmax.f32 v3, v27  }
0x1af: {  	v6 =	vmul.f32 v6, v6;
	v5 =	vadd.f32 v7, v5;
	v4 =	vadd.f32 v27, v4  }
0x1b0: {  	v3 =	vmax.f32 v3, v28  }
0x1b1: {  	v5 =	vadd.f32 v6, v5;
	v6 =	vmul.f32 v26, v26;
	v4 =	vadd.f32 v28, v4  }
0x1b2: {  	v3 =	vmax.f32 v3, v29  }
0x1b3: {  	v5 =	vadd.f32 v6, v5;
	v6 =	vmul.f32 v27, v27;
	v4 =	vadd.f32 v29, v4  }
0x1b4: {  	[tilespmem:v1+s15+$0xFFFFFFE0 ss:$0x1] =	vst.idx.msk $0xffff, v3  }
0x1b5: {  	v3 =	vadd.f32 v6, v5;
	v5 =	vmul.f32 v28, v28;
	[tilespmem:v2+s15+$0xFFFFFFE0 ss:$0x1] =	vst.idx.msk $0xffff, v4  }
0x1b6: {  	v4 =	vld [tilespmem:$0x16010]  }
0x1b7: {  	v3 =	vadd.f32 v5, v3;
	v5 =	vmul.f32 v29, v29;
	_ =	sdelay $0x1  }
0x1b8: {  	v3 =	vadd.f32 v5, v3;
	_ =	sdelay $0x1  }
0x1b9: {  	v3 =	vadd.f32 v4, v3;
	_ =	sdelay $0x1  }
0x1ba: {  	[tilespmem:$0x16010] =	vst v3  }
0x1bb: {  	v3 =	vld [tilespmem:s1+$0xFFFFFC20]  }
0x1bc: {  	v4 =	vld [tilespmem:s1+$0xFFFFFCA0];
	_ =	sdelay $0x1  }
0x1bd: {  	v5 =	vld [tilespmem:s1+$0xFFFFFD20];
	_ =	sdelay $0x1  }
0x1be: {  	v6 =	vld [tilespmem:s1+$0xFFFFFDA0]  }
0x1bf: {  	v7 =	vadd.f32 v4, v3  }
0x1c0: {  	v30 =	vld [tilespmem:s1+$0xFFFFFE20]  }
0x1c1: {  	v7 =	vadd.f32 v5, v7  }
0x1c2: {  	v31 =	vld [tilespmem:s1+$0xFFFFFEA0];
	v32 =	vmul.f32 v3, v3;
	v33 =	vmul.f32 v4, v4  }
0x1c3: {  	v7 =	vadd.f32 v6, v7  }
0x1c4: {  	v34 =	vld [tilespmem:s1+$0xFFFFFF20];
	v35 =	vmul.f32 v5, v5;
	v10 =	vadd.f32 v33, v32  }
0x1c5: {  	v7 =	vadd.f32 v30, v7  }
0x1c6: {  	v36 =	vld [tilespmem:s1+$0xFFFFFFA0];
	v37 =	vmul.f32 v6, v6;
	v10 =	vadd.f32 v35, v10  }
0x1c7: {  	v7 =	vadd.f32 v31, v7  }
0x1c8: {  	v39 =	vld [tilespmem:s1+$0x20];
	v38 =	vmul.f32 v30, v30;
	v3 =	vmax.f32 v3, v4;
	v10 =	vadd.f32 v37, v10  }
0x1c9: {  	v3 =	vmax.f32 v3, v5;
	v4 =	vadd.f32 v34, v7  }
0x1ca: {  	v40 =	vld [tilespmem:s1+$0xA0];
	v3 =	vmax.f32 v3, v6;
	v5 =	vadd.f32 v38, v10;
	v7 =	vmul.f32 v31, v31  }
0x1cb: {  	v3 =	vmax.f32 v3, v30;
	v4 =	vadd.f32 v36, v4  }
0x1cc: {  	v3 =	vmax.f32 v3, v31;
	v5 =	vadd.f32 v7, v5;
	v7 =	vld [tilespmem:s1+$0x120]  }
0x1cd: {  	v6 =	vmul.f32 v34, v34;
	v3 =	vmax.f32 v3, v34;
	v4 =	vadd.f32 v39, v4  }
0x1ce: {  	v41 =	vld [tilespmem:s1+$0x1A0];
	v3 =	vmax.f32 v3, v36  }
0x1cf: {  	v5 =	vadd.f32 v6, v5;
	v6 =	vmul.f32 v36, v36;
	v4 =	vadd.f32 v40, v4  }
0x1d0: {  	v42 =	vld [tilespmem:s1+$0x220];
	v3 =	vmax.f32 v3, v39  }
0x1d1: {  	v43 =	vld [tilespmem:s1+$0x2A0];
	v5 =	vadd.f32 v6, v5;
	v6 =	vmul.f32 v39, v39;
	v4 =	vadd.f32 v7, v4  }
0x1d2: {  	v3 =	vmax.f32 v3, v40;
	v10 =	vmul.f32 v40, v40  }
0x1d3: {  	v3 =	vmax.f32 v3, v7;
	v5 =	vadd.f32 v6, v5;
	v6 =	vld [tilespmem:s1+$0x320];
	v4 =	vadd.f32 v41, v4  }
0x1d4: {  	v3 =	vmax.f32 v3, v41;
	v7 =	vmul.f32 v7, v7  }
0x1d5: {  	v44 =	vld [tilespmem:s1+$0x3A0];
	v3 =	vmax.f32 v3, v42;
	v5 =	vadd.f32 v10, v5;
	v4 =	vadd.f32 v42, v4  }
0x1d6: {  	v3 =	vmax.f32 v3, v43  }
0x1d7: {  	v5 =	vadd.f32 v7, v5;
	v7 =	vmul.f32 v41, v41;
	v4 =	vadd.f32 v43, v4  }
0x1d8: {  	v3 =	vmax.f32 v3, v6  }
0x1d9: {  	v5 =	vadd.f32 v7, v5;
	v7 =	vmul.f32 v42, v42;
	v4 =	vadd.f32 v6, v4  }
0x1da: {  	v3 =	vmax.f32 v3, v44  }
0x1db: {  	v5 =	vadd.f32 v7, v5;
	v7 =	vmul.f32 v43, v43;
	v4 =	vadd.f32 v44, v4  }
0x1dc: {  	[tilespmem:v1+s15+$0xFFFFFFF0 ss:$0x1] =	vst.idx.msk $0xffff, v3  }
0x1dd: {  	v3 =	vadd.f32 v7, v5;
	v5 =	vmul.f32 v6, v6;
	[tilespmem:v2+s15+$0xFFFFFFF0 ss:$0x1] =	vst.idx.msk $0xffff, v4  }
0x1de: {  	v4 =	vld [tilespmem:$0x16020]  }
0x1df: {  	v3 =	vadd.f32 v5, v3;
	v5 =	vmul.f32 v44, v44;
	_ =	sdelay $0x1  }
0x1e0: {  	v3 =	vadd.f32 v5, v3;
	_ =	sdelay $0x1  }
0x1e1: {  	v3 =	vadd.f32 v4, v3;
	_ =	sdelay $0x1  }
0x1e2: {  	[tilespmem:$0x16020] =	vst v3  }
0x1e3: {  	v3 =	vld [tilespmem:s1+$0xFFFFFC30]  }
0x1e4: {  	v4 =	vld [tilespmem:s1+$0xFFFFFCB0];
	_ =	sdelay $0x1  }
0x1e5: {  	v5 =	vld [tilespmem:s1+$0xFFFFFD30];
	_ =	sdelay $0x1  }
0x1e6: {  	v6 =	vld [tilespmem:s1+$0xFFFFFDB0]  }
0x1e7: {  	v7 =	vadd.f32 v4, v3  }
0x1e8: {  	v45 =	vld [tilespmem:s1+$0xFFFFFE30];
	v46 =	vmul.f32 v3, v3;
	v47 =	vmul.f32 v4, v4  }
0x1e9: {  	v7 =	vadd.f32 v5, v7  }
0x1ea: {  	v48 =	vld [tilespmem:s1+$0xFFFFFEB0];
	v49 =	vmul.f32 v5, v5;
	v9 =	vadd.f32 v47, v46  }
0x1eb: {  	v7 =	vadd.f32 v6, v7  }
0x1ec: {  	v50 =	vld [tilespmem:s1+$0xFFFFFF30];
	v51 =	vmul.f32 v6, v6;
	v9 =	vadd.f32 v49, v9  }
0x1ed: {  	v7 =	vadd.f32 v45, v7  }
0x1ee: {  	v52 =	vld [tilespmem:s1+$0xFFFFFFB0];
	v53 =	vmul.f32 v45, v45;
	v9 =	vadd.f32 v51, v9  }
0x1ef: {  	v7 =	vadd.f32 v48, v7  }
0x1f0: {  	v54 =	vld [tilespmem:s1+$0x30];
	v55 =	vmul.f32 v48, v48;
	v9 =	vadd.f32 v53, v9  }
0x1f1: {  	v7 =	vadd.f32 v50, v7  }
0x1f2: {  	v15 =	vld [tilespmem:s1+$0xB0];
	v16 =	vmul.f32 v50, v50;
	v9 =	vadd.f32 v55, v9  }
0x1f3: {  	v7 =	vadd.f32 v52, v7  }
0x1f4: {  	v56 =	vld [tilespmem:s1+$0x130];
	v17 =	vmul.f32 v52, v52;
	v9 =	vadd.f32 v16, v9  }
0x1f5: {  	v3 =	vmax.f32 v3, v4;
	v4 =	vadd.f32 v54, v7  }
0x1f6: {  	v3 =	vmax.f32 v3, v5;
	v5 =	vld [tilespmem:s1+$0x1B0];
	v7 =	vmul.f32 v54, v54;
	v9 =	vadd.f32 v17, v9  }
0x1f7: {  	v3 =	vmax.f32 v3, v6;
	v4 =	vadd.f32 v15, v4  }
0x1f8: {  	v57 =	vmul.f32 v15, v15;
	v3 =	vmax.f32 v3, v45;
	v6 =	vld [tilespmem:s1+$0x230];
	v7 =	vadd.f32 v7, v9  }
0x1f9: {  	v3 =	vmax.f32 v3, v48;
	v4 =	vadd.f32 v56, v4  }
0x1fa: {  	v58 =	vld [tilespmem:s1+$0x2B0];
	v59 =	vmul.f32 v56, v56;
	v3 =	vmax.f32 v3, v50;
	v7 =	vadd.f32 v57, v7  }
0x1fb: {  	v3 =	vmax.f32 v3, v52;
	v4 =	vadd.f32 v5, v4  }
0x1fc: {  	v60 =	vld [tilespmem:s1+$0x330];
	v3 =	vmax.f32 v3, v54;
	v61 =	vmul.f32 v5, v5;
	v7 =	vadd.f32 v59, v7  }
0x1fd: {  	v3 =	vmax.f32 v3, v15;
	v4 =	vadd.f32 v6, v4  }
0x1fe: {  	v62 =	vld [tilespmem:s1+$0x3B0];
	v3 =	vmax.f32 v3, v56;
	v63 =	vmul.f32 v6, v6;
	v7 =	vadd.f32 v61, v7  }
0x1ff: {  	v3 =	vmax.f32 v3, v5;
	v4 =	vadd.f32 v58, v4  }
0x200: {  	v3 =	vmax.f32 v3, v6;
	v6 =	vmul.f32 v58, v58;
	v5 =	vadd.f32 v63, v7  }
0x201: {  	v3 =	vmax.f32 v3, v58;
	v4 =	vadd.f32 v60, v4  }
0x202: {  	v3 =	vmax.f32 v3, v60;
	v5 =	vadd.f32 v6, v5;
	v6 =	vmul.f32 v60, v60  }
0x203: {  	v3 =	vmax.f32 v3, v62;
	v4 =	vadd.f32 v62, v4  }
0x204: {  	[tilespmem:v1+s15+$0x0 ss:$0x1] =	vst.idx.msk $0xffff, v3;
	v3 =	vadd.f32 v6, v5;
	v5 =	vmul.f32 v62, v62  }
0x205: {  	[tilespmem:v2+s15+$0x0 ss:$0x1] =	vst.idx.msk $0xffff, v4  }
0x206: {  	s12 =	simm.s32 $0x200;
	v3 =	vadd.f32 v5, v3;
	v4 =	vld [tilespmem:$0x16030]  }
.LBB2_5:
0x207: {  	_ = 	snop  }
0x208: {  	p2 =	sne.s32 s12, $0xE00  }
0x209: {  	s1 =	sadd.s32 $0x800, s1;
	s13 =	smov.u32 s12;
	s12 =	sadd.s32 $0x200, s12  }
0x20a: {  	_ = 	snop  }
0x20b: {  	v3 =	vadd.f32 v4, v3;
	_ =	sdelay $0x1  }
0x20c: {  	[tilespmem:$0x16030] =	vst v3  }
0x20d: {  	v3 =	vld [tilespmem:s1+$0xFFFFFC80]  }
0x20e: {  	v4 =	vld [tilespmem:s1+$0xFFFFFC00];
	_ =	sdelay $0x1  }
0x20f: {  	v5 =	vld [tilespmem:s1+$0xFFFFFD00];
	_ =	sdelay $0x1  }
0x210: {  	v6 =	vld [tilespmem:s1+$0xFFFFFD80]  }
0x211: {  	v9 =	vmul.f32 v3, v3;
	v7 =	vmul.f32 v4, v4;
	v8 =	vadd.f32 v3, v4  }
0x212: {  	v3 =	vmax.f32 v4, v3;
	v4 =	vld [tilespmem:s1+$0xFFFFFE00]  }
0x213: {  	v7 =	vadd.f32 v9, v7;
	v8 =	vadd.f32 v5, v8;
	v9 =	vmul.f32 v5, v5  }
0x214: {  	v3 =	vmax.f32 v3, v5;
	v5 =	vld [tilespmem:s1+$0xFFFFFE80]  }
0x215: {  	v7 =	vadd.f32 v9, v7;
	v8 =	vadd.f32 v6, v8;
	v9 =	vmul.f32 v6, v6;
	v10 =	vld [tilespmem:s1+$0xFFFFFF00]  }
0x216: {  	v3 =	vmax.f32 v3, v6  }
0x217: {  	v6 =	vadd.f32 v9, v7;
	v7 =	vadd.f32 v4, v8;
	v8 =	vmul.f32 v4, v4  }
0x218: {  	v3 =	vmax.f32 v3, v4;
	v4 =	vld [tilespmem:s1+$0xFFFFFF80]  }
0x219: {  	v6 =	vadd.f32 v8, v6;
	v7 =	vadd.f32 v5, v7;
	v8 =	vmul.f32 v5, v5;
	v9 =	vld [tilespmem:s1+$0x0]  }
0x21a: {  	v3 =	vmax.f32 v3, v5;
	v5 =	vld [tilespmem:s1+$0x80]  }
0x21b: {  	v6 =	vadd.f32 v8, v6;
	v7 =	vadd.f32 v10, v7;
	v8 =	vmul.f32 v10, v10;
	v11 =	vld [tilespmem:s1+$0x100]  }
0x21c: {  	v3 =	vmax.f32 v3, v10;
	v10 =	vld [tilespmem:s1+$0x180]  }
0x21d: {  	v6 =	vadd.f32 v8, v6;
	v3 =	vmax.f32 v3, v4;
	v7 =	vadd.f32 v4, v7;
	v8 =	vld [tilespmem:s1+$0x200]  }
0x21e: {  	v4 =	vmul.f32 v4, v4;
	v3 =	vmax.f32 v3, v9;
	v12 =	vld [tilespmem:s1+$0x280]  }
0x21f: {  	v7 =	vadd.f32 v9, v7;
	v3 =	vmax.f32 v3, v5;
	v13 =	vld [tilespmem:s1+$0x300]  }
0x220: {  	v4 =	vadd.f32 v4, v6;
	v6 =	vmul.f32 v9, v9;
	v3 =	vmax.f32 v3, v11  }
0x221: {  	v7 =	vadd.f32 v5, v7;
	v3 =	vmax.f32 v3, v10  }
0x222: {  	v4 =	vadd.f32 v6, v4;
	v5 =	vmul.f32 v5, v5;
	v3 =	vmax.f32 v3, v8  }
0x223: {  	v6 =	vadd.f32 v11, v7;
	v3 =	vmax.f32 v3, v12  }
0x224: {  	v4 =	vadd.f32 v5, v4;
	v5 =	vmul.f32 v11, v11;
	v3 =	vmax.f32 v3, v13  }
0x225: {  	v6 =	vadd.f32 v10, v6  }
0x226: {  	v4 =	vadd.f32 v5, v4;
	v5 =	vmul.f32 v10, v10  }
0x227: {  	v6 =	vadd.f32 v8, v6  }
0x228: {  	v4 =	vadd.f32 v5, v4;
	v5 =	vmul.f32 v8, v8;
	v7 =	vld [tilespmem:s1+$0x380]  }
0x229: {  	v6 =	vadd.f32 v12, v6  }
0x22a: {  	v4 =	vadd.f32 v5, v4;
	v5 =	vmul.f32 v12, v12  }
0x22b: {  	v6 =	vadd.f32 v13, v6  }
0x22c: {  	v4 =	vadd.f32 v5, v4;
	v5 =	vmul.f32 v13, v13  }
0x22d: {  	s13 =	sshra.s32 s13, $0x2;
	v3 =	vmax.f32 v3, v7;
	v6 =	vadd.f32 v7, v6  }
0x22e: {  	v4 =	vadd.f32 v5, v4;
	[tilespmem:v1+s13+$0xFFFFFFD0 ss:$0x1] =	vst.idx.msk $0xffff, v3  }
0x22f: {  	[tilespmem:v2+s13+$0xFFFFFFD0 ss:$0x1] =	vst.idx.msk $0xffff, v6  }
0x230: {  	v3 =	vld [tilespmem:$0x16000]  }
0x231: {  	v5 =	vmul.f32 v7, v7;
	_ =	sdelay $0x1  }
0x232: {  	v4 =	vadd.f32 v5, v4;
	_ =	sdelay $0x1  }
0x233: {  	v3 =	vadd.f32 v3, v4;
	_ =	sdelay $0x1  }
0x234: {  	[tilespmem:$0x16000] =	vst v3  }
0x235: {  	v3 =	vld [tilespmem:s1+$0xFFFFFC10]  }
0x236: {  	v4 =	vld [tilespmem:s1+$0xFFFFFC90];
	_ =	sdelay $0x1  }
0x237: {  	v5 =	vld [tilespmem:s1+$0xFFFFFD10];
	_ =	sdelay $0x1  }
0x238: {  	v6 =	vld [tilespmem:s1+$0xFFFFFD90]  }
0x239: {  	v7 =	vmul.f32 v3, v3;
	v8 =	vadd.f32 v4, v3;
	v9 =	vmul.f32 v4, v4  }
0x23a: {  	v3 =	vmax.f32 v3, v4;
	v4 =	vld [tilespmem:s1+$0xFFFFFE10]  }
0x23b: {  	v7 =	vadd.f32 v9, v7;
	v8 =	vadd.f32 v5, v8;
	v9 =	vmul.f32 v5, v5  }
0x23c: {  	v3 =	vmax.f32 v3, v5;
	v5 =	vld [tilespmem:s1+$0xFFFFFE90]  }
0x23d: {  	v7 =	vadd.f32 v9, v7;
	v8 =	vadd.f32 v6, v8;
	v9 =	vmul.f32 v6, v6  }
0x23e: {  	v3 =	vmax.f32 v3, v6;
	v6 =	vld [tilespmem:s1+$0xFFFFFF10]  }
0x23f: {  	v7 =	vadd.f32 v9, v7;
	v8 =	vadd.f32 v4, v8;
	v9 =	vmul.f32 v4, v4;
	v10 =	vld [tilespmem:s1+$0xFFFFFF90]  }
0x240: {  	v3 =	vmax.f32 v3, v4;
	v4 =	vld [tilespmem:s1+$0x10]  }
0x241: {  	v7 =	vadd.f32 v9, v7;
	v8 =	vadd.f32 v5, v8;
	v9 =	vmul.f32 v5, v5;
	v11 =	vld [tilespmem:s1+$0x90]  }
0x242: {  	v3 =	vmax.f32 v3, v5;
	v5 =	vld [tilespmem:s1+$0x110]  }
0x243: {  	v7 =	vadd.f32 v9, v7;
	v3 =	vmax.f32 v3, v6;
	v8 =	vadd.f32 v6, v8;
	v9 =	vld [tilespmem:s1+$0x190]  }
0x244: {  	v3 =	vmax.f32 v3, v10;
	v12 =	vld [tilespmem:s1+$0x210]  }
0x245: {  	v6 =	vmul.f32 v6, v6;
	v8 =	vadd.f32 v10, v8;
	v3 =	vmax.f32 v3, v4;
	v13 =	vld [tilespmem:s1+$0x290]  }
0x246: {  	v10 =	vmul.f32 v10, v10;
	v3 =	vmax.f32 v3, v11;
	v14 =	vld [tilespmem:s1+$0x310]  }
0x247: {  	v6 =	vadd.f32 v6, v7;
	v7 =	vadd.f32 v4, v8;
	v3 =	vmax.f32 v3, v5;
	v8 =	vld [tilespmem:s1+$0x390]  }
0x248: {  	v4 =	vmul.f32 v4, v4;
	v3 =	vmax.f32 v3, v9  }
0x249: {  	v6 =	vadd.f32 v10, v6;
	v7 =	vadd.f32 v11, v7;
	v3 =	vmax.f32 v3, v12  }
0x24a: {  	v10 =	vmul.f32 v11, v11;
	v3 =	vmax.f32 v3, v13  }
0x24b: {  	v4 =	vadd.f32 v4, v6;
	v6 =	vadd.f32 v5, v7;
	v3 =	vmax.f32 v3, v14  }
0x24c: {  	v3 =	vmax.f32 v3, v8  }
0x24d: {  	v4 =	vadd.f32 v10, v4;
	v5 =	vmul.f32 v5, v5;
	v6 =	vadd.f32 v9, v6;
	_ =	sdelay $0x1  }
0x24e: {  	v4 =	vadd.f32 v5, v4;
	v5 =	vmul.f32 v9, v9;
	v6 =	vadd.f32 v12, v6;
	_ =	sdelay $0x1  }
0x24f: {  	v4 =	vadd.f32 v5, v4;
	v5 =	vmul.f32 v12, v12;
	v6 =	vadd.f32 v13, v6;
	_ =	sdelay $0x1  }
0x250: {  	v4 =	vadd.f32 v5, v4;
	v5 =	vmul.f32 v13, v13;
	v6 =	vadd.f32 v14, v6;
	_ =	sdelay $0x1  }
0x251: {  	v4 =	vadd.f32 v5, v4;
	v5 =	vmul.f32 v14, v14;
	v6 =	vadd.f32 v8, v6  }
0x252: {  	[tilespmem:v1+s13+$0xFFFFFFE0 ss:$0x1] =	vst.idx.msk $0xffff, v3  }
0x253: {  	v3 =	vadd.f32 v5, v4;
	[tilespmem:v2+s13+$0xFFFFFFE0 ss:$0x1] =	vst.idx.msk $0xffff, v6  }
0x254: {  	v4 =	vld [tilespmem:$0x16010]  }
0x255: {  	v5 =	vmul.f32 v8, v8;
	_ =	sdelay $0x1  }
0x256: {  	v3 =	vadd.f32 v5, v3;
	_ =	sdelay $0x1  }
0x257: {  	v3 =	vadd.f32 v4, v3;
	_ =	sdelay $0x1  }
0x258: {  	[tilespmem:$0x16010] =	vst v3  }
0x259: {  	v3 =	vld [tilespmem:s1+$0xFFFFFC20]  }
0x25a: {  	v4 =	vld [tilespmem:s1+$0xFFFFFCA0]  }
0x25b: {  	v5 =	vld [tilespmem:s1+$0xFFFFFD20]  }
0x25c: {  	v6 =	vld [tilespmem:s1+$0xFFFFFDA0]  }
0x25d: {  	v7 =	vld [tilespmem:s1+$0xFFFFFE20]  }
0x25e: {  	v8 =	vld [tilespmem:s1+$0xFFFFFEA0]  }
0x25f: {  	v9 =	vmul.f32 v3, v3;
	v10 =	vadd.f32 v4, v3;
	v11 =	vmul.f32 v4, v4;
	v12 =	vld [tilespmem:s1+$0xFFFFFF20]  }
0x260: {  	v3 =	vmax.f32 v3, v4;
	v4 =	vld [tilespmem:s1+$0xFFFFFFA0]  }
0x261: {  	v9 =	vadd.f32 v11, v9;
	v10 =	vadd.f32 v5, v10;
	v11 =	vmul.f32 v5, v5  }
0x262: {  	v3 =	vmax.f32 v3, v5  }
0x263: {  	v5 =	vadd.f32 v11, v9;
	v9 =	vadd.f32 v6, v10;
	v10 =	vmul.f32 v6, v6  }
0x264: {  	v3 =	vmax.f32 v3, v6  }
0x265: {  	v5 =	vadd.f32 v10, v5;
	v6 =	vadd.f32 v7, v9;
	v9 =	vmul.f32 v7, v7  }
0x266: {  	v3 =	vmax.f32 v3, v7  }
0x267: {  	v7 =	vmul.f32 v8, v8;
	v5 =	vadd.f32 v9, v5;
	v6 =	vadd.f32 v8, v6  }
0x268: {  	v3 =	vmax.f32 v3, v8;
	v8 =	vld [tilespmem:s1+$0x20]  }
0x269: {  	v5 =	vadd.f32 v7, v5;
	v6 =	vadd.f32 v12, v6;
	v7 =	vmul.f32 v12, v12;
	v9 =	vld [tilespmem:s1+$0xA0]  }
0x26a: {  	v3 =	vmax.f32 v3, v12;
	v10 =	vld [tilespmem:s1+$0x120]  }
0x26b: {  	v5 =	vadd.f32 v7, v5;
	v6 =	vadd.f32 v4, v6;
	v7 =	vmul.f32 v4, v4;
	v11 =	vld [tilespmem:s1+$0x1A0]  }
0x26c: {  	v3 =	vmax.f32 v3, v4;
	v4 =	vld [tilespmem:s1+$0x220]  }
0x26d: {  	v5 =	vadd.f32 v7, v5;
	v3 =	vmax.f32 v3, v8;
	v6 =	vadd.f32 v8, v6;
	v7 =	vld [tilespmem:s1+$0x2A0]  }
0x26e: {  	v8 =	vmul.f32 v8, v8;
	v3 =	vmax.f32 v3, v9;
	v12 =	vld [tilespmem:s1+$0x320]  }
0x26f: {  	v6 =	vadd.f32 v9, v6;
	v3 =	vmax.f32 v3, v10;
	v13 =	vld [tilespmem:s1+$0x3A0]  }
0x270: {  	v5 =	vadd.f32 v8, v5;
	v8 =	vmul.f32 v9, v9;
	v3 =	vmax.f32 v3, v11  }
0x271: {  	v6 =	vadd.f32 v10, v6;
	v3 =	vmax.f32 v3, v4  }
0x272: {  	v5 =	vadd.f32 v8, v5;
	v8 =	vmul.f32 v10, v10;
	v3 =	vmax.f32 v3, v7  }
0x273: {  	v6 =	vadd.f32 v11, v6;
	v3 =	vmax.f32 v3, v12  }
0x274: {  	v5 =	vadd.f32 v8, v5;
	v8 =	vmul.f32 v11, v11;
	v3 =	vmax.f32 v3, v13  }
0x275: {  	v6 =	vadd.f32 v4, v6;
	[tilespmem:v1+s13+$0xFFFFFFF0 ss:$0x1] =	vst.idx.msk $0xffff, v3  }
0x276: {  	v3 =	vadd.f32 v8, v5;
	v4 =	vmul.f32 v4, v4  }
0x277: {  	v5 =	vadd.f32 v7, v6  }
0x278: {  	v3 =	vadd.f32 v4, v3;
	v4 =	vmul.f32 v7, v7  }
0x279: {  	v5 =	vadd.f32 v12, v5  }
0x27a: {  	v3 =	vadd.f32 v4, v3;
	v4 =	vmul.f32 v12, v12  }
0x27b: {  	v5 =	vadd.f32 v13, v5  }
0x27c: {  	v3 =	vadd.f32 v4, v3  }
0x27d: {  	[tilespmem:v2+s13+$0xFFFFFFF0 ss:$0x1] =	vst.idx.msk $0xffff, v5  }
0x27e: {  	v4 =	vld [tilespmem:$0x16020]  }
0x27f: {  	v5 =	vmul.f32 v13, v13;
	_ =	sdelay $0x1  }
0x280: {  	v3 =	vadd.f32 v5, v3;
	_ =	sdelay $0x1  }
0x281: {  	v3 =	vadd.f32 v4, v3;
	_ =	sdelay $0x1  }
0x282: {  	[tilespmem:$0x16020] =	vst v3  }
0x283: {  	v3 =	vld [tilespmem:s1+$0xFFFFFC30]  }
0x284: {  	v4 =	vld [tilespmem:s1+$0xFFFFFCB0]  }
0x285: {  	v5 =	vld [tilespmem:s1+$0xFFFFFD30]  }
0x286: {  	v6 =	vld [tilespmem:s1+$0xFFFFFDB0]  }
0x287: {  	v7 =	vld [tilespmem:s1+$0xFFFFFE30]  }
0x288: {  	v8 =	vld [tilespmem:s1+$0xFFFFFEB0]  }
0x289: {  	v9 =	vmul.f32 v3, v3;
	v10 =	vadd.f32 v4, v3;
	v11 =	vmul.f32 v4, v4;
	v12 =	vld [tilespmem:s1+$0xFFFFFF30]  }
0x28a: {  	v3 =	vmax.f32 v3, v4;
	v4 =	vld [tilespmem:s1+$0xFFFFFFB0]  }
0x28b: {  	v9 =	vadd.f32 v11, v9;
	v10 =	vadd.f32 v5, v10;
	v11 =	vmul.f32 v5, v5;
	v13 =	vld [tilespmem:s1+$0x30]  }
0x28c: {  	v3 =	vmax.f32 v3, v5;
	v5 =	vld [tilespmem:s1+$0xB0]  }
0x28d: {  	v9 =	vadd.f32 v11, v9;
	v10 =	vadd.f32 v6, v10;
	v11 =	vmul.f32 v6, v6;
	v14 =	vld [tilespmem:s1+$0x130]  }
0x28e: {  	v3 =	vmax.f32 v3, v6;
	v6 =	vld [tilespmem:s1+$0x230]  }
0x28f: {  	v9 =	vadd.f32 v11, v9;
	v10 =	vadd.f32 v7, v10;
	v11 =	vmul.f32 v7, v7;
	v15 =	vld [tilespmem:s1+$0x2B0]  }
0x290: {  	v3 =	vmax.f32 v3, v7;
	v7 =	vld [tilespmem:s1+$0x330]  }
0x291: {  	v9 =	vadd.f32 v11, v9;
	v10 =	vadd.f32 v8, v10;
	v11 =	vmul.f32 v8, v8;
	v16 =	vld [tilespmem:s1+$0x1B0]  }
0x292: {  	v3 =	vmax.f32 v3, v8;
	v8 =	vmul.f32 v12, v12;
	v17 =	vld [tilespmem:s1+$0x3B0]  }
0x293: {  	v3 =	vmax.f32 v3, v12;
	v9 =	vadd.f32 v11, v9;
	v10 =	vadd.f32 v12, v10  }
0x294: {  	v3 =	vmax.f32 v3, v4;
	v11 =	vmul.f32 v4, v4  }
0x295: {  	v3 =	vmax.f32 v3, v13;
	v8 =	vadd.f32 v8, v9;
	v4 =	vadd.f32 v4, v10  }
0x296: {  	v3 =	vmax.f32 v3, v5;
	v9 =	vmul.f32 v13, v13  }
0x297: {  	v3 =	vmax.f32 v3, v14;
	v8 =	vadd.f32 v11, v8;
	v4 =	vadd.f32 v13, v4  }
0x298: {  	v10 =	vmul.f32 v5, v5;
	v3 =	vmax.f32 v3, v16  }
0x299: {  	v3 =	vmax.f32 v3, v6;
	v8 =	vadd.f32 v9, v8;
	v4 =	vadd.f32 v5, v4  }
0x29a: {  	v3 =	vmax.f32 v3, v15;
	v5 =	vmul.f32 v14, v14  }
0x29b: {  	v3 =	vmax.f32 v3, v7;
	v8 =	vadd.f32 v10, v8;
	v4 =	vadd.f32 v14, v4  }
0x29c: {  	v9 =	vmul.f32 v16, v16;
	v3 =	vmax.f32 v3, v17  }
0x29d: {  	v5 =	vadd.f32 v5, v8;
	v4 =	vadd.f32 v16, v4;
	[tilespmem:v1+s13+$0x0 ss:$0x1] =	vst.idx.msk $0xffff, v3;
	_ =	sdelay $0x1  }
0x29e: {  	v3 =	vadd.f32 v9, v5;
	v4 =	vadd.f32 v6, v4;
	v5 =	vmul.f32 v6, v6;
	_ =	sdelay $0x1  }
0x29f: {  	v3 =	vadd.f32 v5, v3;
	v4 =	vadd.f32 v15, v4;
	v5 =	vmul.f32 v15, v15;
	_ =	sdelay $0x1  }
0x2a0: {  	v3 =	vadd.f32 v5, v3;
	v4 =	vadd.f32 v7, v4;
	v5 =	vmul.f32 v7, v7  }
.Ltmp1:
0x2a1: {  	(pc) =	sbr.rel @p2 .LBB2_5-.Ltmp1, $3  }
0x2a2: {  	v3 =	vadd.f32 v5, v3;
	v4 =	vadd.f32 v17, v4;
	v5 =	vmul.f32 v17, v17;
	_ =	sdelay $0x1  }
0x2a3: {  	v3 =	vadd.f32 v5, v3;
	[tilespmem:v2+s13+$0x0 ss:$0x1] =	vst.idx.msk $0xffff, v4  }
0x2a4: {  	v4 =	vld [tilespmem:$0x16030]  }
0x2a5: {  	_ =	sdelay $0x3  }
0x2a6: {  	v1 =	vadd.f32 v4, v3;
	_ =	sdelay $0x1  }
0x2a7: {  	s1 =	sadd.s32 @!p1 $0x280, s28;
	s12 =	simm.s32 @!p1 $0x80;
	s13 =	simm.s32 @!p1 $0x6000;
	[tilespmem:$0x16030] =	vst v1  }
0x2a8: {  	[tilespmem:s13], [sflag:$0x2] =	stream.indirect.gather @!p1 [hbm4b:s3+s12], $0x80, s1, s12, $0xb8;
	[tilespmem:$0x16080] =	vst v63  }
0x2a9: {  	_ =	swait.ge [sflag:s19], $0x4000  }
0x2aa: {  	[sflag:s19] =	ssyncset.done $0x0  }
0x2ab: {  	s1 =	simm.s32 $0xA400;
	[sflag:s19] =	ssyncadd.s32 $0xFFFFC000  }
0x2ac: {  	v1 =	vld [tilespmem:s1+$0xFFFFFC80]  }
0x2ad: {  	v2 =	vld [tilespmem:s1+$0xFFFFFC00];
	_ =	sdelay $0x1  }
0x2ae: {  	v3 =	vld [tilespmem:s1+$0xFFFFFD00];
	_ =	sdelay $0x1  }
0x2af: {  	v4 =	vld [tilespmem:s1+$0xFFFFFD80]  }
0x2b0: {  	v5 =	vadd.f32 v1, v2  }
0x2b1: {  	v6 =	vld [tilespmem:s1+$0xFFFFFE00]  }
0x2b2: {  	v5 =	vadd.f32 v3, v5  }
0x2b3: {  	v9 =	vld [tilespmem:s1+$0xFFFFFE80];
	v7 =	vmul.f32 v2, v2;
	v8 =	vmul.f32 v1, v1  }
0x2b4: {  	v5 =	vadd.f32 v4, v5  }
0x2b5: {  	v10 =	vld [tilespmem:s1+$0xFFFFFF00];
	v53 =	vmul.f32 v3, v3;
	v7 =	vadd.f32 v8, v7  }
0x2b6: {  	v5 =	vadd.f32 v6, v5  }
0x2b7: {  	v11 =	vld [tilespmem:s1+$0xFFFFFF80];
	v54 =	vmul.f32 v4, v4;
	v7 =	vadd.f32 v53, v7  }
0x2b8: {  	v5 =	vadd.f32 v9, v5  }
0x2b9: {  	v12 =	vld [tilespmem:s1+$0x0];
	v55 =	vmul.f32 v6, v6;
	v7 =	vadd.f32 v54, v7  }
0x2ba: {  	v5 =	vadd.f32 v10, v5  }
0x2bb: {  	v13 =	vld [tilespmem:s1+$0x80];
	v56 =	vmul.f32 v9, v9;
	v7 =	vadd.f32 v55, v7  }
0x2bc: {  	v5 =	vadd.f32 v11, v5  }
0x2bd: {  	v14 =	vld [tilespmem:s1+$0x100];
	v57 =	vmul.f32 v10, v10;
	v7 =	vadd.f32 v56, v7  }
0x2be: {  	v1 =	vmax.f32 v2, v1;
	v2 =	vadd.f32 v12, v5  }
0x2bf: {  	v1 =	vmax.f32 v1, v3;
	v3 =	vld [tilespmem:s1+$0x180];
	v5 =	vadd.f32 v57, v7;
	v7 =	vmul.f32 v11, v11  }
0x2c0: {  	v1 =	vmax.f32 v1, v4;
	v2 =	vadd.f32 v13, v2  }
0x2c1: {  	v1 =	vmax.f32 v1, v6;
	v4 =	vld [tilespmem:s1+$0x200];
	v6 =	vmul.f32 v12, v12;
	v5 =	vadd.f32 v7, v5  }
0x2c2: {  	v1 =	vmax.f32 v1, v9;
	v2 =	vadd.f32 v14, v2  }
0x2c3: {  	v1 =	vmax.f32 v1, v10;
	v7 =	vld [tilespmem:s1+$0x280];
	v5 =	vadd.f32 v6, v5;
	v6 =	vmul.f32 v13, v13  }
0x2c4: {  	v1 =	vmax.f32 v1, v11;
	v2 =	vadd.f32 v3, v2  }
0x2c5: {  	v59 =	vld [tilespmem:s1+$0x300];
	v58 =	vmax.f32 v1, v12;
	v5 =	vadd.f32 v6, v5;
	v6 =	vmul.f32 v14, v14  }
0x2c6: {  	v1 =	vmov s0;
	v8 =	vmax.f32 v58, v13;
	v60 =	vadd.f32 v4, v2  }
0x2c7: {  	v61 =	vld [tilespmem:s1+$0x380];
	v8 =	vmax.f32 v8, v14;
	v5 =	vadd.f32 v6, v5;
	v6 =	vmul.f32 v3, v3  }
0x2c8: {  	v2 =	vmov s31;
	v3 =	vmax.f32 v8, v3;
	v62 =	vadd.f32 v7, v60  }
0x2c9: {  	v3 =	vmax.f32 v3, v4;
	v4 =	vmul.f32 v4, v4;
	v5 =	vadd.f32 v6, v5  }
0x2ca: {  	v3 =	vmax.f32 v3, v7;
	v6 =	vadd.f32 v59, v62  }
0x2cb: {  	v3 =	vmax.f32 v3, v59;
	v4 =	vadd.f32 v4, v5  }
0x2cc: {  	s31 =	simm.s32 $0x0;
	v5 =	vmul.f32 v7, v7;
	v3 =	vmax.f32 v3, v61;
	v6 =	vadd.f32 v61, v6  }
0x2cd: {  	[tilespmem:v1+s31+$0xFFFFFFD0 ss:$0x1] =	vst.idx.msk $0xffff, v3  }
0x2ce: {  	v3 =	vadd.f32 v5, v4;
	v4 =	vmul.f32 v59, v59;
	[tilespmem:v2+s31+$0xFFFFFFD0 ss:$0x1] =	vst.idx.msk $0xffff, v6  }
0x2cf: {  	v5 =	vld [tilespmem:$0x16000]  }
0x2d0: {  	v3 =	vadd.f32 v4, v3;
	v4 =	vmul.f32 v61, v61;
	_ =	sdelay $0x1  }
0x2d1: {  	v3 =	vadd.f32 v4, v3;
	_ =	sdelay $0x1  }
0x2d2: {  	v3 =	vadd.f32 v5, v3;
	_ =	sdelay $0x1  }
0x2d3: {  	[tilespmem:$0x16000] =	vst v3  }
0x2d4: {  	v3 =	vld [tilespmem:s1+$0xFFFFFC10]  }
0x2d5: {  	v4 =	vld [tilespmem:s1+$0xFFFFFC90];
	_ =	sdelay $0x1  }
0x2d6: {  	v5 =	vld [tilespmem:s1+$0xFFFFFD10];
	_ =	sdelay $0x1  }
0x2d7: {  	v6 =	vld [tilespmem:s1+$0xFFFFFD90]  }
0x2d8: {  	v7 =	vadd.f32 v4, v3  }
0x2d9: {  	v63 =	vld [tilespmem:s1+$0xFFFFFE10]  }
0x2da: {  	v7 =	vadd.f32 v5, v7  }
0x2db: {  	v17 =	vld [tilespmem:s1+$0xFFFFFE90];
	v15 =	vmul.f32 v3, v3;
	v16 =	vmul.f32 v4, v4  }
0x2dc: {  	v7 =	vadd.f32 v6, v7  }
0x2dd: {  	v19 =	vld [tilespmem:s1+$0xFFFFFF10];
	v18 =	vmul.f32 v5, v5;
	v9 =	vadd.f32 v16, v15  }
0x2de: {  	v7 =	vadd.f32 v63, v7  }
0x2df: {  	v21 =	vld [tilespmem:s1+$0xFFFFFF90];
	v20 =	vmul.f32 v6, v6;
	v9 =	vadd.f32 v18, v9  }
0x2e0: {  	v3 =	vmax.f32 v3, v4;
	v4 =	vadd.f32 v17, v7  }
0x2e1: {  	v22 =	vld [tilespmem:s1+$0x10];
	v3 =	vmax.f32 v3, v5;
	v5 =	vadd.f32 v20, v9;
	v7 =	vmul.f32 v63, v63  }
0x2e2: {  	v4 =	vadd.f32 v19, v4  }
0x2e3: {  	v5 =	vadd.f32 v7, v5;
	v7 =	vld [tilespmem:s1+$0x90]  }
0x2e4: {  	v3 =	vmax.f32 v3, v6;
	v6 =	vmul.f32 v17, v17;
	v4 =	vadd.f32 v21, v4  }
0x2e5: {  	v23 =	vld [tilespmem:s1+$0x110];
	v24 =	vmul.f32 v19, v19;
	v3 =	vmax.f32 v3, v63  }
0x2e6: {  	v3 =	vmax.f32 v3, v17;
	v5 =	vadd.f32 v6, v5;
	v4 =	vadd.f32 v22, v4  }
0x2e7: {  	v25 =	vmul.f32 v21, v21;
	v3 =	vmax.f32 v3, v19;
	v6 =	vld [tilespmem:s1+$0x190]  }
0x2e8: {  	v26 =	vld [tilespmem:s1+$0x210];
	v3 =	vmax.f32 v3, v21;
	v5 =	vadd.f32 v24, v5;
	v4 =	vadd.f32 v7, v4  }
0x2e9: {  	v9 =	vmul.f32 v22, v22;
	v3 =	vmax.f32 v3, v22  }
0x2ea: {  	v27 =	vld [tilespmem:s1+$0x290];
	v3 =	vmax.f32 v3, v7;
	v5 =	vadd.f32 v25, v5;
	v4 =	vadd.f32 v23, v4  }
0x2eb: {  	v3 =	vmax.f32 v3, v23;
	v7 =	vmul.f32 v7, v7  }
0x2ec: {  	v28 =	vld [tilespmem:s1+$0x310];
	v3 =	vmax.f32 v3, v6;
	v5 =	vadd.f32 v9, v5;
	v4 =	vadd.f32 v6, v4  }
0x2ed: {  	v3 =	vmax.f32 v3, v26  }
0x2ee: {  	v29 =	vld [tilespmem:s1+$0x390];
	v5 =	vadd.f32 v7, v5;
	v7 =	vmul.f32 v23, v23;
	v4 =	vadd.f32 v26, v4  }
0x2ef: {  	v3 =	vmax.f32 v3, v27  }
0x2f0: {  	v6 =	vmul.f32 v6, v6;
	v5 =	vadd.f32 v7, v5;
	v4 =	vadd.f32 v27, v4  }
0x2f1: {  	v3 =	vmax.f32 v3, v28  }
0x2f2: {  	v5 =	vadd.f32 v6, v5;
	v6 =	vmul.f32 v26, v26;
	v4 =	vadd.f32 v28, v4  }
0x2f3: {  	v3 =	vmax.f32 v3, v29  }
0x2f4: {  	v5 =	vadd.f32 v6, v5;
	v6 =	vmul.f32 v27, v27;
	v4 =	vadd.f32 v29, v4  }
0x2f5: {  	[tilespmem:v1+s31+$0xFFFFFFE0 ss:$0x1] =	vst.idx.msk $0xffff, v3  }
0x2f6: {  	v3 =	vadd.f32 v6, v5;
	v5 =	vmul.f32 v28, v28;
	[tilespmem:v2+s31+$0xFFFFFFE0 ss:$0x1] =	vst.idx.msk $0xffff, v4  }
0x2f7: {  	v4 =	vld [tilespmem:$0x16010]  }
0x2f8: {  	v3 =	vadd.f32 v5, v3;
	v5 =	vmul.f32 v29, v29;
	_ =	sdelay $0x1  }
0x2f9: {  	v3 =	vadd.f32 v5, v3;
	_ =	sdelay $0x1  }
0x2fa: {  	v3 =	vadd.f32 v4, v3;
	_ =	sdelay $0x1  }
0x2fb: {  	[tilespmem:$0x16010] =	vst v3  }
0x2fc: {  	v3 =	vld [tilespmem:s1+$0xFFFFFC20]  }
0x2fd: {  	v4 =	vld [tilespmem:s1+$0xFFFFFCA0];
	_ =	sdelay $0x1  }
0x2fe: {  	v5 =	vld [tilespmem:s1+$0xFFFFFD20];
	_ =	sdelay $0x1  }
0x2ff: {  	v6 =	vld [tilespmem:s1+$0xFFFFFDA0]  }
0x300: {  	v7 =	vadd.f32 v4, v3  }
0x301: {  	v30 =	vld [tilespmem:s1+$0xFFFFFE20]  }
0x302: {  	v7 =	vadd.f32 v5, v7  }
0x303: {  	v31 =	vld [tilespmem:s1+$0xFFFFFEA0];
	v32 =	vmul.f32 v3, v3;
	v33 =	vmul.f32 v4, v4  }
0x304: {  	v7 =	vadd.f32 v6, v7  }
0x305: {  	v34 =	vld [tilespmem:s1+$0xFFFFFF20];
	v35 =	vmul.f32 v5, v5;
	v10 =	vadd.f32 v33, v32  }
0x306: {  	v7 =	vadd.f32 v30, v7  }
0x307: {  	v36 =	vld [tilespmem:s1+$0xFFFFFFA0];
	v37 =	vmul.f32 v6, v6;
	v10 =	vadd.f32 v35, v10  }
0x308: {  	v7 =	vadd.f32 v31, v7  }
0x309: {  	v39 =	vld [tilespmem:s1+$0x20];
	v38 =	vmul.f32 v30, v30;
	v3 =	vmax.f32 v3, v4;
	v10 =	vadd.f32 v37, v10  }
0x30a: {  	v3 =	vmax.f32 v3, v5;
	v4 =	vadd.f32 v34, v7  }
0x30b: {  	v40 =	vld [tilespmem:s1+$0xA0];
	v3 =	vmax.f32 v3, v6;
	v5 =	vadd.f32 v38, v10;
	v7 =	vmul.f32 v31, v31  }
0x30c: {  	v3 =	vmax.f32 v3, v30;
	v4 =	vadd.f32 v36, v4  }
0x30d: {  	v3 =	vmax.f32 v3, v31;
	v5 =	vadd.f32 v7, v5;
	v7 =	vld [tilespmem:s1+$0x120]  }
0x30e: {  	v6 =	vmul.f32 v34, v34;
	v3 =	vmax.f32 v3, v34;
	v4 =	vadd.f32 v39, v4  }
0x30f: {  	v41 =	vld [tilespmem:s1+$0x1A0];
	v3 =	vmax.f32 v3, v36  }
0x310: {  	v5 =	vadd.f32 v6, v5;
	v6 =	vmul.f32 v36, v36;
	v4 =	vadd.f32 v40, v4  }
0x311: {  	v42 =	vld [tilespmem:s1+$0x220];
	v3 =	vmax.f32 v3, v39  }
0x312: {  	v43 =	vld [tilespmem:s1+$0x2A0];
	v5 =	vadd.f32 v6, v5;
	v6 =	vmul.f32 v39, v39;
	v4 =	vadd.f32 v7, v4  }
0x313: {  	v3 =	vmax.f32 v3, v40;
	v10 =	vmul.f32 v40, v40  }
0x314: {  	v3 =	vmax.f32 v3, v7;
	v5 =	vadd.f32 v6, v5;
	v6 =	vld [tilespmem:s1+$0x320];
	v4 =	vadd.f32 v41, v4  }
0x315: {  	v3 =	vmax.f32 v3, v41;
	v7 =	vmul.f32 v7, v7  }
0x316: {  	v44 =	vld [tilespmem:s1+$0x3A0];
	v3 =	vmax.f32 v3, v42;
	v5 =	vadd.f32 v10, v5;
	v4 =	vadd.f32 v42, v4  }
0x317: {  	v3 =	vmax.f32 v3, v43  }
0x318: {  	v5 =	vadd.f32 v7, v5;
	v7 =	vmul.f32 v41, v41;
	v4 =	vadd.f32 v43, v4  }
0x319: {  	v3 =	vmax.f32 v3, v6  }
0x31a: {  	v5 =	vadd.f32 v7, v5;
	v7 =	vmul.f32 v42, v42;
	v4 =	vadd.f32 v6, v4  }
0x31b: {  	v3 =	vmax.f32 v3, v44  }
0x31c: {  	v5 =	vadd.f32 v7, v5;
	v7 =	vmul.f32 v43, v43;
	v4 =	vadd.f32 v44, v4  }
0x31d: {  	[tilespmem:v1+s31+$0xFFFFFFF0 ss:$0x1] =	vst.idx.msk $0xffff, v3  }
0x31e: {  	v3 =	vadd.f32 v7, v5;
	v5 =	vmul.f32 v6, v6;
	[tilespmem:v2+s31+$0xFFFFFFF0 ss:$0x1] =	vst.idx.msk $0xffff, v4  }
0x31f: {  	v4 =	vld [tilespmem:$0x16020]  }
0x320: {  	v3 =	vadd.f32 v5, v3;
	v5 =	vmul.f32 v44, v44;
	_ =	sdelay $0x1  }
0x321: {  	v3 =	vadd.f32 v5, v3;
	_ =	sdelay $0x1  }
0x322: {  	v3 =	vadd.f32 v4, v3;
	_ =	sdelay $0x1  }
0x323: {  	[tilespmem:$0x16020] =	vst v3  }
0x324: {  	v3 =	vld [tilespmem:s1+$0xFFFFFC30]  }
0x325: {  	v4 =	vld [tilespmem:s1+$0xFFFFFCB0];
	_ =	sdelay $0x1  }
0x326: {  	v5 =	vld [tilespmem:s1+$0xFFFFFD30];
	_ =	sdelay $0x1  }
0x327: {  	v6 =	vld [tilespmem:s1+$0xFFFFFDB0]  }
0x328: {  	v7 =	vadd.f32 v4, v3  }
0x329: {  	v45 =	vld [tilespmem:s1+$0xFFFFFE30];
	v46 =	vmul.f32 v3, v3;
	v47 =	vmul.f32 v4, v4  }
0x32a: {  	v7 =	vadd.f32 v5, v7  }
0x32b: {  	v48 =	vld [tilespmem:s1+$0xFFFFFEB0];
	v49 =	vmul.f32 v5, v5;
	v9 =	vadd.f32 v47, v46  }
0x32c: {  	v7 =	vadd.f32 v6, v7  }
0x32d: {  	v50 =	vld [tilespmem:s1+$0xFFFFFF30];
	v51 =	vmul.f32 v6, v6;
	v9 =	vadd.f32 v49, v9  }
0x32e: {  	v7 =	vadd.f32 v45, v7  }
0x32f: {  	v52 =	vld [tilespmem:s1+$0xFFFFFFB0];
	v53 =	vmul.f32 v45, v45;
	v9 =	vadd.f32 v51, v9  }
0x330: {  	v7 =	vadd.f32 v48, v7  }
0x331: {  	v54 =	vld [tilespmem:s1+$0x30];
	v55 =	vmul.f32 v48, v48;
	v9 =	vadd.f32 v53, v9  }
0x332: {  	v7 =	vadd.f32 v50, v7  }
0x333: {  	v15 =	vld [tilespmem:s1+$0xB0];
	v16 =	vmul.f32 v50, v50;
	v9 =	vadd.f32 v55, v9  }
0x334: {  	v7 =	vadd.f32 v52, v7  }
0x335: {  	v56 =	vld [tilespmem:s1+$0x130];
	v17 =	vmul.f32 v52, v52;
	v9 =	vadd.f32 v16, v9  }
0x336: {  	v3 =	vmax.f32 v3, v4;
	v4 =	vadd.f32 v54, v7  }
0x337: {  	v3 =	vmax.f32 v3, v5;
	v5 =	vld [tilespmem:s1+$0x1B0];
	v7 =	vmul.f32 v54, v54;
	v9 =	vadd.f32 v17, v9  }
0x338: {  	v3 =	vmax.f32 v3, v6;
	v4 =	vadd.f32 v15, v4  }
0x339: {  	v57 =	vmul.f32 v15, v15;
	v3 =	vmax.f32 v3, v45;
	v6 =	vld [tilespmem:s1+$0x230];
	v7 =	vadd.f32 v7, v9  }
0x33a: {  	v3 =	vmax.f32 v3, v48;
	v4 =	vadd.f32 v56, v4  }
0x33b: {  	v58 =	vld [tilespmem:s1+$0x2B0];
	v59 =	vmul.f32 v56, v56;
	v3 =	vmax.f32 v3, v50;
	v7 =	vadd.f32 v57, v7  }
0x33c: {  	v3 =	vmax.f32 v3, v52;
	v4 =	vadd.f32 v5, v4  }
0x33d: {  	v60 =	vld [tilespmem:s1+$0x330];
	v3 =	vmax.f32 v3, v54;
	v61 =	vmul.f32 v5, v5;
	v7 =	vadd.f32 v59, v7  }
0x33e: {  	v3 =	vmax.f32 v3, v15;
	v4 =	vadd.f32 v6, v4  }
0x33f: {  	v62 =	vld [tilespmem:s1+$0x3B0];
	v3 =	vmax.f32 v3, v56;
	v63 =	vmul.f32 v6, v6;
	v7 =	vadd.f32 v61, v7  }
0x340: {  	v3 =	vmax.f32 v3, v5;
	v4 =	vadd.f32 v58, v4  }
0x341: {  	v3 =	vmax.f32 v3, v6;
	v6 =	vmul.f32 v58, v58;
	v5 =	vadd.f32 v63, v7  }
0x342: {  	v3 =	vmax.f32 v3, v58;
	v4 =	vadd.f32 v60, v4  }
0x343: {  	v3 =	vmax.f32 v3, v60;
	v5 =	vadd.f32 v6, v5;
	v6 =	vmul.f32 v60, v60  }
0x344: {  	v3 =	vmax.f32 v3, v62;
	v4 =	vadd.f32 v62, v4  }
0x345: {  	[tilespmem:v1+s31+$0x0 ss:$0x1] =	vst.idx.msk $0xffff, v3;
	v3 =	vadd.f32 v6, v5;
	v5 =	vmul.f32 v62, v62  }
0x346: {  	[tilespmem:v2+s31+$0x0 ss:$0x1] =	vst.idx.msk $0xffff, v4  }
0x347: {  	s0 =	simm.s32 $0x200;
	v3 =	vadd.f32 v5, v3;
	v4 =	vld [tilespmem:$0x16030]  }
.LBB2_7:
0x348: {  	_ = 	snop  }
0x349: {  	p2 =	sne.s32 s0, $0xE00  }
0x34a: {  	s1 =	sadd.s32 $0x800, s1;
	s12 =	smov.u32 s0;
	s0 =	sadd.s32 $0x200, s0  }
0x34b: {  	_ = 	snop  }
0x34c: {  	v3 =	vadd.f32 v4, v3;
	_ =	sdelay $0x1  }
0x34d: {  	[tilespmem:$0x16030] =	vst v3  }
0x34e: {  	v3 =	vld [tilespmem:s1+$0xFFFFFC80]  }
0x34f: {  	v4 =	vld [tilespmem:s1+$0xFFFFFC00];
	_ =	sdelay $0x1  }
0x350: {  	v5 =	vld [tilespmem:s1+$0xFFFFFD00];
	_ =	sdelay $0x1  }
0x351: {  	v6 =	vld [tilespmem:s1+$0xFFFFFD80]  }
0x352: {  	v9 =	vmul.f32 v3, v3;
	v7 =	vmul.f32 v4, v4;
	v8 =	vadd.f32 v3, v4  }
0x353: {  	v3 =	vmax.f32 v4, v3;
	v4 =	vld [tilespmem:s1+$0xFFFFFE00]  }
0x354: {  	v7 =	vadd.f32 v9, v7;
	v8 =	vadd.f32 v5, v8;
	v9 =	vmul.f32 v5, v5  }
0x355: {  	v3 =	vmax.f32 v3, v5;
	v5 =	vld [tilespmem:s1+$0xFFFFFE80]  }
0x356: {  	v7 =	vadd.f32 v9, v7;
	v8 =	vadd.f32 v6, v8;
	v9 =	vmul.f32 v6, v6;
	v10 =	vld [tilespmem:s1+$0xFFFFFF00]  }
0x357: {  	v3 =	vmax.f32 v3, v6  }
0x358: {  	v6 =	vadd.f32 v9, v7;
	v7 =	vadd.f32 v4, v8;
	v8 =	vmul.f32 v4, v4  }
0x359: {  	v3 =	vmax.f32 v3, v4;
	v4 =	vld [tilespmem:s1+$0xFFFFFF80]  }
0x35a: {  	v6 =	vadd.f32 v8, v6;
	v7 =	vadd.f32 v5, v7;
	v8 =	vmul.f32 v5, v5;
	v9 =	vld [tilespmem:s1+$0x0]  }
0x35b: {  	v3 =	vmax.f32 v3, v5;
	v5 =	vld [tilespmem:s1+$0x80]  }
0x35c: {  	v6 =	vadd.f32 v8, v6;
	v7 =	vadd.f32 v10, v7;
	v8 =	vmul.f32 v10, v10;
	v11 =	vld [tilespmem:s1+$0x100]  }
0x35d: {  	v3 =	vmax.f32 v3, v10;
	v10 =	vld [tilespmem:s1+$0x180]  }
0x35e: {  	v6 =	vadd.f32 v8, v6;
	v3 =	vmax.f32 v3, v4;
	v7 =	vadd.f32 v4, v7;
	v8 =	vld [tilespmem:s1+$0x200]  }
0x35f: {  	v4 =	vmul.f32 v4, v4;
	v3 =	vmax.f32 v3, v9;
	v12 =	vld [tilespmem:s1+$0x280]  }
0x360: {  	v7 =	vadd.f32 v9, v7;
	v3 =	vmax.f32 v3, v5;
	v13 =	vld [tilespmem:s1+$0x300]  }
0x361: {  	v4 =	vadd.f32 v4, v6;
	v6 =	vmul.f32 v9, v9;
	v3 =	vmax.f32 v3, v11  }
0x362: {  	v7 =	vadd.f32 v5, v7;
	v3 =	vmax.f32 v3, v10  }
0x363: {  	v4 =	vadd.f32 v6, v4;
	v5 =	vmul.f32 v5, v5;
	v3 =	vmax.f32 v3, v8  }
0x364: {  	v6 =	vadd.f32 v11, v7;
	v3 =	vmax.f32 v3, v12  }
0x365: {  	v4 =	vadd.f32 v5, v4;
	v5 =	vmul.f32 v11, v11;
	v3 =	vmax.f32 v3, v13  }
0x366: {  	v6 =	vadd.f32 v10, v6  }
0x367: {  	v4 =	vadd.f32 v5, v4;
	v5 =	vmul.f32 v10, v10  }
0x368: {  	v6 =	vadd.f32 v8, v6  }
0x369: {  	v4 =	vadd.f32 v5, v4;
	v5 =	vmul.f32 v8, v8;
	v7 =	vld [tilespmem:s1+$0x380]  }
0x36a: {  	v6 =	vadd.f32 v12, v6  }
0x36b: {  	v4 =	vadd.f32 v5, v4;
	v5 =	vmul.f32 v12, v12  }
0x36c: {  	v6 =	vadd.f32 v13, v6  }
0x36d: {  	v4 =	vadd.f32 v5, v4;
	v5 =	vmul.f32 v13, v13  }
0x36e: {  	s12 =	sshra.s32 s12, $0x2;
	v3 =	vmax.f32 v3, v7;
	v6 =	vadd.f32 v7, v6  }
0x36f: {  	v4 =	vadd.f32 v5, v4;
	[tilespmem:v1+s12+$0xFFFFFFD0 ss:$0x1] =	vst.idx.msk $0xffff, v3  }
0x370: {  	[tilespmem:v2+s12+$0xFFFFFFD0 ss:$0x1] =	vst.idx.msk $0xffff, v6  }
0x371: {  	v3 =	vld [tilespmem:$0x16000]  }
0x372: {  	v5 =	vmul.f32 v7, v7;
	_ =	sdelay $0x1  }
0x373: {  	v4 =	vadd.f32 v5, v4;
	_ =	sdelay $0x1  }
0x374: {  	v3 =	vadd.f32 v3, v4;
	_ =	sdelay $0x1  }
0x375: {  	[tilespmem:$0x16000] =	vst v3  }
0x376: {  	v3 =	vld [tilespmem:s1+$0xFFFFFC10]  }
0x377: {  	v4 =	vld [tilespmem:s1+$0xFFFFFC90];
	_ =	sdelay $0x1  }
0x378: {  	v5 =	vld [tilespmem:s1+$0xFFFFFD10];
	_ =	sdelay $0x1  }
0x379: {  	v6 =	vld [tilespmem:s1+$0xFFFFFD90]  }
0x37a: {  	v7 =	vmul.f32 v3, v3;
	v8 =	vadd.f32 v4, v3;
	v9 =	vmul.f32 v4, v4  }
0x37b: {  	v3 =	vmax.f32 v3, v4;
	v4 =	vld [tilespmem:s1+$0xFFFFFE10]  }
0x37c: {  	v7 =	vadd.f32 v9, v7;
	v8 =	vadd.f32 v5, v8;
	v9 =	vmul.f32 v5, v5  }
0x37d: {  	v3 =	vmax.f32 v3, v5;
	v5 =	vld [tilespmem:s1+$0xFFFFFE90]  }
0x37e: {  	v7 =	vadd.f32 v9, v7;
	v8 =	vadd.f32 v6, v8;
	v9 =	vmul.f32 v6, v6  }
0x37f: {  	v3 =	vmax.f32 v3, v6;
	v6 =	vld [tilespmem:s1+$0xFFFFFF10]  }
0x380: {  	v7 =	vadd.f32 v9, v7;
	v8 =	vadd.f32 v4, v8;
	v9 =	vmul.f32 v4, v4;
	v10 =	vld [tilespmem:s1+$0xFFFFFF90]  }
0x381: {  	v3 =	vmax.f32 v3, v4;
	v4 =	vld [tilespmem:s1+$0x10]  }
0x382: {  	v7 =	vadd.f32 v9, v7;
	v8 =	vadd.f32 v5, v8;
	v9 =	vmul.f32 v5, v5;
	v11 =	vld [tilespmem:s1+$0x90]  }
0x383: {  	v3 =	vmax.f32 v3, v5;
	v5 =	vld [tilespmem:s1+$0x110]  }
0x384: {  	v7 =	vadd.f32 v9, v7;
	v3 =	vmax.f32 v3, v6;
	v8 =	vadd.f32 v6, v8;
	v9 =	vld [tilespmem:s1+$0x190]  }
0x385: {  	v3 =	vmax.f32 v3, v10;
	v12 =	vld [tilespmem:s1+$0x210]  }
0x386: {  	v6 =	vmul.f32 v6, v6;
	v8 =	vadd.f32 v10, v8;
	v3 =	vmax.f32 v3, v4;
	v13 =	vld [tilespmem:s1+$0x290]  }
0x387: {  	v10 =	vmul.f32 v10, v10;
	v3 =	vmax.f32 v3, v11;
	v14 =	vld [tilespmem:s1+$0x310]  }
0x388: {  	v6 =	vadd.f32 v6, v7;
	v7 =	vadd.f32 v4, v8;
	v3 =	vmax.f32 v3, v5;
	v8 =	vld [tilespmem:s1+$0x390]  }
0x389: {  	v4 =	vmul.f32 v4, v4;
	v3 =	vmax.f32 v3, v9  }
0x38a: {  	v6 =	vadd.f32 v10, v6;
	v7 =	vadd.f32 v11, v7;
	v3 =	vmax.f32 v3, v12  }
0x38b: {  	v10 =	vmul.f32 v11, v11;
	v3 =	vmax.f32 v3, v13  }
0x38c: {  	v4 =	vadd.f32 v4, v6;
	v6 =	vadd.f32 v5, v7;
	v3 =	vmax.f32 v3, v14  }
0x38d: {  	v3 =	vmax.f32 v3, v8  }
0x38e: {  	v4 =	vadd.f32 v10, v4;
	v5 =	vmul.f32 v5, v5;
	v6 =	vadd.f32 v9, v6;
	_ =	sdelay $0x1  }
0x38f: {  	v4 =	vadd.f32 v5, v4;
	v5 =	vmul.f32 v9, v9;
	v6 =	vadd.f32 v12, v6;
	_ =	sdelay $0x1  }
0x390: {  	v4 =	vadd.f32 v5, v4;
	v5 =	vmul.f32 v12, v12;
	v6 =	vadd.f32 v13, v6;
	_ =	sdelay $0x1  }
0x391: {  	v4 =	vadd.f32 v5, v4;
	v5 =	vmul.f32 v13, v13;
	v6 =	vadd.f32 v14, v6;
	_ =	sdelay $0x1  }
0x392: {  	v4 =	vadd.f32 v5, v4;
	v5 =	vmul.f32 v14, v14;
	v6 =	vadd.f32 v8, v6  }
0x393: {  	[tilespmem:v1+s12+$0xFFFFFFE0 ss:$0x1] =	vst.idx.msk $0xffff, v3  }
0x394: {  	v3 =	vadd.f32 v5, v4;
	[tilespmem:v2+s12+$0xFFFFFFE0 ss:$0x1] =	vst.idx.msk $0xffff, v6  }
0x395: {  	v4 =	vld [tilespmem:$0x16010]  }
0x396: {  	v5 =	vmul.f32 v8, v8;
	_ =	sdelay $0x1  }
0x397: {  	v3 =	vadd.f32 v5, v3;
	_ =	sdelay $0x1  }
0x398: {  	v3 =	vadd.f32 v4, v3;
	_ =	sdelay $0x1  }
0x399: {  	[tilespmem:$0x16010] =	vst v3  }
0x39a: {  	v3 =	vld [tilespmem:s1+$0xFFFFFC20]  }
0x39b: {  	v4 =	vld [tilespmem:s1+$0xFFFFFCA0]  }
0x39c: {  	v5 =	vld [tilespmem:s1+$0xFFFFFD20]  }
0x39d: {  	v6 =	vld [tilespmem:s1+$0xFFFFFDA0]  }
0x39e: {  	v7 =	vld [tilespmem:s1+$0xFFFFFE20]  }
0x39f: {  	v8 =	vld [tilespmem:s1+$0xFFFFFEA0]  }
0x3a0: {  	v9 =	vmul.f32 v3, v3;
	v10 =	vadd.f32 v4, v3;
	v11 =	vmul.f32 v4, v4;
	v12 =	vld [tilespmem:s1+$0xFFFFFF20]  }
0x3a1: {  	v3 =	vmax.f32 v3, v4;
	v4 =	vld [tilespmem:s1+$0xFFFFFFA0]  }
0x3a2: {  	v9 =	vadd.f32 v11, v9;
	v10 =	vadd.f32 v5, v10;
	v11 =	vmul.f32 v5, v5  }
0x3a3: {  	v3 =	vmax.f32 v3, v5  }
0x3a4: {  	v5 =	vadd.f32 v11, v9;
	v9 =	vadd.f32 v6, v10;
	v10 =	vmul.f32 v6, v6  }
0x3a5: {  	v3 =	vmax.f32 v3, v6  }
0x3a6: {  	v5 =	vadd.f32 v10, v5;
	v6 =	vadd.f32 v7, v9;
	v9 =	vmul.f32 v7, v7  }
0x3a7: {  	v3 =	vmax.f32 v3, v7  }
0x3a8: {  	v7 =	vmul.f32 v8, v8;
	v5 =	vadd.f32 v9, v5;
	v6 =	vadd.f32 v8, v6  }
0x3a9: {  	v3 =	vmax.f32 v3, v8;
	v8 =	vld [tilespmem:s1+$0x20]  }
0x3aa: {  	v5 =	vadd.f32 v7, v5;
	v6 =	vadd.f32 v12, v6;
	v7 =	vmul.f32 v12, v12;
	v9 =	vld [tilespmem:s1+$0xA0]  }
0x3ab: {  	v3 =	vmax.f32 v3, v12;
	v10 =	vld [tilespmem:s1+$0x120]  }
0x3ac: {  	v5 =	vadd.f32 v7, v5;
	v6 =	vadd.f32 v4, v6;
	v7 =	vmul.f32 v4, v4;
	v11 =	vld [tilespmem:s1+$0x1A0]  }
0x3ad: {  	v3 =	vmax.f32 v3, v4;
	v4 =	vld [tilespmem:s1+$0x220]  }
0x3ae: {  	v5 =	vadd.f32 v7, v5;
	v3 =	vmax.f32 v3, v8;
	v6 =	vadd.f32 v8, v6;
	v7 =	vld [tilespmem:s1+$0x2A0]  }
0x3af: {  	v8 =	vmul.f32 v8, v8;
	v3 =	vmax.f32 v3, v9;
	v12 =	vld [tilespmem:s1+$0x320]  }
0x3b0: {  	v6 =	vadd.f32 v9, v6;
	v3 =	vmax.f32 v3, v10;
	v13 =	vld [tilespmem:s1+$0x3A0]  }
0x3b1: {  	v5 =	vadd.f32 v8, v5;
	v8 =	vmul.f32 v9, v9;
	v3 =	vmax.f32 v3, v11  }
0x3b2: {  	v6 =	vadd.f32 v10, v6;
	v3 =	vmax.f32 v3, v4  }
0x3b3: {  	v5 =	vadd.f32 v8, v5;
	v8 =	vmul.f32 v10, v10;
	v3 =	vmax.f32 v3, v7  }
0x3b4: {  	v6 =	vadd.f32 v11, v6;
	v3 =	vmax.f32 v3, v12  }
0x3b5: {  	v5 =	vadd.f32 v8, v5;
	v8 =	vmul.f32 v11, v11;
	v3 =	vmax.f32 v3, v13  }
0x3b6: {  	v6 =	vadd.f32 v4, v6;
	[tilespmem:v1+s12+$0xFFFFFFF0 ss:$0x1] =	vst.idx.msk $0xffff, v3  }
0x3b7: {  	v3 =	vadd.f32 v8, v5;
	v4 =	vmul.f32 v4, v4  }
0x3b8: {  	v5 =	vadd.f32 v7, v6  }
0x3b9: {  	v3 =	vadd.f32 v4, v3;
	v4 =	vmul.f32 v7, v7  }
0x3ba: {  	v5 =	vadd.f32 v12, v5  }
0x3bb: {  	v3 =	vadd.f32 v4, v3;
	v4 =	vmul.f32 v12, v12  }
0x3bc: {  	v5 =	vadd.f32 v13, v5  }
0x3bd: {  	v3 =	vadd.f32 v4, v3  }
0x3be: {  	[tilespmem:v2+s12+$0xFFFFFFF0 ss:$0x1] =	vst.idx.msk $0xffff, v5  }
0x3bf: {  	v4 =	vld [tilespmem:$0x16020]  }
0x3c0: {  	v5 =	vmul.f32 v13, v13;
	_ =	sdelay $0x1  }
0x3c1: {  	v3 =	vadd.f32 v5, v3;
	_ =	sdelay $0x1  }
0x3c2: {  	v3 =	vadd.f32 v4, v3;
	_ =	sdelay $0x1  }
0x3c3: {  	[tilespmem:$0x16020] =	vst v3  }
0x3c4: {  	v3 =	vld [tilespmem:s1+$0xFFFFFC30]  }
0x3c5: {  	v4 =	vld [tilespmem:s1+$0xFFFFFCB0]  }
0x3c6: {  	v5 =	vld [tilespmem:s1+$0xFFFFFD30]  }
0x3c7: {  	v6 =	vld [tilespmem:s1+$0xFFFFFDB0]  }
0x3c8: {  	v7 =	vld [tilespmem:s1+$0xFFFFFE30]  }
0x3c9: {  	v8 =	vld [tilespmem:s1+$0xFFFFFEB0]  }
0x3ca: {  	v9 =	vmul.f32 v3, v3;
	v10 =	vadd.f32 v4, v3;
	v11 =	vmul.f32 v4, v4;
	v12 =	vld [tilespmem:s1+$0xFFFFFF30]  }
0x3cb: {  	v3 =	vmax.f32 v3, v4;
	v4 =	vld [tilespmem:s1+$0xFFFFFFB0]  }
0x3cc: {  	v9 =	vadd.f32 v11, v9;
	v10 =	vadd.f32 v5, v10;
	v11 =	vmul.f32 v5, v5;
	v13 =	vld [tilespmem:s1+$0x30]  }
0x3cd: {  	v3 =	vmax.f32 v3, v5;
	v5 =	vld [tilespmem:s1+$0xB0]  }
0x3ce: {  	v9 =	vadd.f32 v11, v9;
	v10 =	vadd.f32 v6, v10;
	v11 =	vmul.f32 v6, v6;
	v14 =	vld [tilespmem:s1+$0x130]  }
0x3cf: {  	v3 =	vmax.f32 v3, v6;
	v6 =	vld [tilespmem:s1+$0x230]  }
0x3d0: {  	v9 =	vadd.f32 v11, v9;
	v10 =	vadd.f32 v7, v10;
	v11 =	vmul.f32 v7, v7;
	v15 =	vld [tilespmem:s1+$0x2B0]  }
0x3d1: {  	v3 =	vmax.f32 v3, v7;
	v7 =	vld [tilespmem:s1+$0x330]  }
0x3d2: {  	v9 =	vadd.f32 v11, v9;
	v10 =	vadd.f32 v8, v10;
	v11 =	vmul.f32 v8, v8;
	v16 =	vld [tilespmem:s1+$0x1B0]  }
0x3d3: {  	v3 =	vmax.f32 v3, v8;
	v8 =	vmul.f32 v12, v12;
	v17 =	vld [tilespmem:s1+$0x3B0]  }
0x3d4: {  	v3 =	vmax.f32 v3, v12;
	v9 =	vadd.f32 v11, v9;
	v10 =	vadd.f32 v12, v10  }
0x3d5: {  	v3 =	vmax.f32 v3, v4;
	v11 =	vmul.f32 v4, v4  }
0x3d6: {  	v3 =	vmax.f32 v3, v13;
	v8 =	vadd.f32 v8, v9;
	v4 =	vadd.f32 v4, v10  }
0x3d7: {  	v3 =	vmax.f32 v3, v5;
	v9 =	vmul.f32 v13, v13  }
0x3d8: {  	v3 =	vmax.f32 v3, v14;
	v8 =	vadd.f32 v11, v8;
	v4 =	vadd.f32 v13, v4  }
0x3d9: {  	v10 =	vmul.f32 v5, v5;
	v3 =	vmax.f32 v3, v16  }
0x3da: {  	v3 =	vmax.f32 v3, v6;
	v8 =	vadd.f32 v9, v8;
	v4 =	vadd.f32 v5, v4  }
0x3db: {  	v3 =	vmax.f32 v3, v15;
	v5 =	vmul.f32 v14, v14  }
0x3dc: {  	v3 =	vmax.f32 v3, v7;
	v8 =	vadd.f32 v10, v8;
	v4 =	vadd.f32 v14, v4  }
0x3dd: {  	v9 =	vmul.f32 v16, v16;
	v3 =	vmax.f32 v3, v17  }
0x3de: {  	v5 =	vadd.f32 v5, v8;
	v4 =	vadd.f32 v16, v4;
	[tilespmem:v1+s12+$0x0 ss:$0x1] =	vst.idx.msk $0xffff, v3;
	_ =	sdelay $0x1  }
0x3df: {  	v3 =	vadd.f32 v9, v5;
	v4 =	vadd.f32 v6, v4;
	v5 =	vmul.f32 v6, v6;
	_ =	sdelay $0x1  }
0x3e0: {  	v3 =	vadd.f32 v5, v3;
	v4 =	vadd.f32 v15, v4;
	v5 =	vmul.f32 v15, v15;
	_ =	sdelay $0x1  }
0x3e1: {  	v3 =	vadd.f32 v5, v3;
	v4 =	vadd.f32 v7, v4;
	v5 =	vmul.f32 v7, v7  }
.Ltmp2:
0x3e2: {  	(pc) =	sbr.rel @p2 .LBB2_7-.Ltmp2, $3  }
0x3e3: {  	v3 =	vadd.f32 v5, v3;
	v4 =	vadd.f32 v17, v4;
	v5 =	vmul.f32 v17, v17;
	_ =	sdelay $0x1  }
0x3e4: {  	v3 =	vadd.f32 v5, v3;
	[tilespmem:v2+s12+$0x0 ss:$0x1] =	vst.idx.msk $0xffff, v4  }
0x3e5: {  	v4 =	vld [tilespmem:$0x16030]  }
0x3e6: {  	_ =	sdelay $0x3  }
0x3e7: {  	v1 =	vadd.f32 v4, v3;
	_ =	sdelay $0x1  }
0x3e8: {  	s0 =	sadd.s32 @!p1 $0x300, s28;
	s1 =	simm.s32 @!p1 $0x80;
	s12 =	simm.s32 @!p1 $0xA000;
	[tilespmem:$0x16030] =	vst v1  }
0x3e9: {  	[tilespmem:s12], [sflag:$0x3] =	stream.indirect.gather @!p1 [hbm4b:s3+s1], $0x80, s0, s1, $0xb8;
	[tilespmem:$0x16080] =	vst v63  }
0x3ea: {  	_ =	swait.ge [sflag:s20], $0x4000  }
0x3eb: {  	[sflag:s20] =	ssyncset.done $0x0  }
0x3ec: {  	s0 =	simm.s32 $0xE400;
	[sflag:s20] =	ssyncadd.s32 $0xFFFFC000  }
0x3ed: {  	v1 =	vld [tilespmem:s0+$0xFFFFFC80]  }
0x3ee: {  	v2 =	vld [tilespmem:s0+$0xFFFFFC00];
	_ =	sdelay $0x1  }
0x3ef: {  	v3 =	vld [tilespmem:s0+$0xFFFFFD00];
	_ =	sdelay $0x1  }
0x3f0: {  	v4 =	vld [tilespmem:s0+$0xFFFFFD80]  }
0x3f1: {  	v5 =	vadd.f32 v1, v2  }
0x3f2: {  	v6 =	vld [tilespmem:s0+$0xFFFFFE00]  }
0x3f3: {  	v5 =	vadd.f32 v3, v5  }
0x3f4: {  	v9 =	vld [tilespmem:s0+$0xFFFFFE80];
	v7 =	vmul.f32 v2, v2;
	v8 =	vmul.f32 v1, v1  }
0x3f5: {  	v5 =	vadd.f32 v4, v5  }
0x3f6: {  	v10 =	vld [tilespmem:s0+$0xFFFFFF00];
	v53 =	vmul.f32 v3, v3;
	v7 =	vadd.f32 v8, v7  }
0x3f7: {  	v5 =	vadd.f32 v6, v5  }
0x3f8: {  	v11 =	vld [tilespmem:s0+$0xFFFFFF80];
	v54 =	vmul.f32 v4, v4;
	v7 =	vadd.f32 v53, v7  }
0x3f9: {  	v5 =	vadd.f32 v9, v5  }
0x3fa: {  	v12 =	vld [tilespmem:s0+$0x0];
	v55 =	vmul.f32 v6, v6;
	v7 =	vadd.f32 v54, v7  }
0x3fb: {  	v5 =	vadd.f32 v10, v5  }
0x3fc: {  	v13 =	vld [tilespmem:s0+$0x80];
	v56 =	vmul.f32 v9, v9;
	v7 =	vadd.f32 v55, v7  }
0x3fd: {  	v5 =	vadd.f32 v11, v5  }
0x3fe: {  	v14 =	vld [tilespmem:s0+$0x100];
	v57 =	vmul.f32 v10, v10;
	v7 =	vadd.f32 v56, v7  }
0x3ff: {  	v1 =	vmax.f32 v2, v1;
	v2 =	vadd.f32 v12, v5  }
0x400: {  	v1 =	vmax.f32 v1, v3;
	v3 =	vld [tilespmem:s0+$0x180];
	v5 =	vadd.f32 v57, v7;
	v7 =	vmul.f32 v11, v11  }
0x401: {  	v1 =	vmax.f32 v1, v4;
	v2 =	vadd.f32 v13, v2  }
0x402: {  	v1 =	vmax.f32 v1, v6;
	v4 =	vld [tilespmem:s0+$0x200];
	v6 =	vmul.f32 v12, v12;
	v5 =	vadd.f32 v7, v5  }
0x403: {  	v1 =	vmax.f32 v1, v9;
	v2 =	vadd.f32 v14, v2  }
0x404: {  	v1 =	vmax.f32 v1, v10;
	v7 =	vld [tilespmem:s0+$0x280];
	v5 =	vadd.f32 v6, v5;
	v6 =	vmul.f32 v13, v13  }
0x405: {  	v1 =	vmax.f32 v1, v11;
	v2 =	vadd.f32 v3, v2  }
0x406: {  	v59 =	vld [tilespmem:s0+$0x300];
	v58 =	vmax.f32 v1, v12;
	v5 =	vadd.f32 v6, v5;
	v6 =	vmul.f32 v14, v14  }
0x407: {  	v1 =	vmov s30;
	v8 =	vmax.f32 v58, v13;
	v60 =	vadd.f32 v4, v2  }
0x408: {  	v61 =	vld [tilespmem:s0+$0x380];
	v8 =	vmax.f32 v8, v14;
	v5 =	vadd.f32 v6, v5;
	v6 =	vmul.f32 v3, v3  }
0x409: {  	v2 =	vmov s29;
	v3 =	vmax.f32 v8, v3;
	v62 =	vadd.f32 v7, v60  }
0x40a: {  	v3 =	vmax.f32 v3, v4;
	v4 =	vmul.f32 v4, v4;
	v5 =	vadd.f32 v6, v5  }
0x40b: {  	v3 =	vmax.f32 v3, v7;
	v6 =	vadd.f32 v59, v62  }
0x40c: {  	v3 =	vmax.f32 v3, v59;
	v4 =	vadd.f32 v4, v5  }
0x40d: {  	s31 =	simm.s32 $0x0;
	v5 =	vmul.f32 v7, v7;
	v3 =	vmax.f32 v3, v61;
	v6 =	vadd.f32 v61, v6  }
0x40e: {  	[tilespmem:v1+s31+$0xFFFFFFD0 ss:$0x1] =	vst.idx.msk $0xffff, v3  }
0x40f: {  	v3 =	vadd.f32 v5, v4;
	v4 =	vmul.f32 v59, v59;
	[tilespmem:v2+s31+$0xFFFFFFD0 ss:$0x1] =	vst.idx.msk $0xffff, v6  }
0x410: {  	v5 =	vld [tilespmem:$0x16000]  }
0x411: {  	v3 =	vadd.f32 v4, v3;
	v4 =	vmul.f32 v61, v61;
	_ =	sdelay $0x1  }
0x412: {  	v3 =	vadd.f32 v4, v3;
	_ =	sdelay $0x1  }
0x413: {  	v3 =	vadd.f32 v5, v3;
	_ =	sdelay $0x1  }
0x414: {  	[tilespmem:$0x16000] =	vst v3  }
0x415: {  	v3 =	vld [tilespmem:s0+$0xFFFFFC10]  }
0x416: {  	v4 =	vld [tilespmem:s0+$0xFFFFFC90];
	_ =	sdelay $0x1  }
0x417: {  	v5 =	vld [tilespmem:s0+$0xFFFFFD10];
	_ =	sdelay $0x1  }
0x418: {  	v6 =	vld [tilespmem:s0+$0xFFFFFD90]  }
0x419: {  	v7 =	vadd.f32 v4, v3  }
0x41a: {  	v63 =	vld [tilespmem:s0+$0xFFFFFE10]  }
0x41b: {  	v7 =	vadd.f32 v5, v7  }
0x41c: {  	v17 =	vld [tilespmem:s0+$0xFFFFFE90];
	v15 =	vmul.f32 v3, v3;
	v16 =	vmul.f32 v4, v4  }
0x41d: {  	v7 =	vadd.f32 v6, v7  }
0x41e: {  	v19 =	vld [tilespmem:s0+$0xFFFFFF10];
	v18 =	vmul.f32 v5, v5;
	v9 =	vadd.f32 v16, v15  }
0x41f: {  	v7 =	vadd.f32 v63, v7  }
0x420: {  	v21 =	vld [tilespmem:s0+$0xFFFFFF90];
	v20 =	vmul.f32 v6, v6;
	v9 =	vadd.f32 v18, v9  }
0x421: {  	v3 =	vmax.f32 v3, v4;
	v4 =	vadd.f32 v17, v7  }
0x422: {  	v22 =	vld [tilespmem:s0+$0x10];
	v3 =	vmax.f32 v3, v5;
	v5 =	vadd.f32 v20, v9;
	v7 =	vmul.f32 v63, v63  }
0x423: {  	v4 =	vadd.f32 v19, v4  }
0x424: {  	v5 =	vadd.f32 v7, v5;
	v7 =	vld [tilespmem:s0+$0x90]  }
0x425: {  	v3 =	vmax.f32 v3, v6;
	v6 =	vmul.f32 v17, v17;
	v4 =	vadd.f32 v21, v4  }
0x426: {  	v23 =	vld [tilespmem:s0+$0x110];
	v24 =	vmul.f32 v19, v19;
	v3 =	vmax.f32 v3, v63  }
0x427: {  	v3 =	vmax.f32 v3, v17;
	v5 =	vadd.f32 v6, v5;
	v4 =	vadd.f32 v22, v4  }
0x428: {  	v25 =	vmul.f32 v21, v21;
	v3 =	vmax.f32 v3, v19;
	v6 =	vld [tilespmem:s0+$0x190]  }
0x429: {  	v26 =	vld [tilespmem:s0+$0x210];
	v3 =	vmax.f32 v3, v21;
	v5 =	vadd.f32 v24, v5;
	v4 =	vadd.f32 v7, v4  }
0x42a: {  	v9 =	vmul.f32 v22, v22;
	v3 =	vmax.f32 v3, v22  }
0x42b: {  	v27 =	vld [tilespmem:s0+$0x290];
	v3 =	vmax.f32 v3, v7;
	v5 =	vadd.f32 v25, v5;
	v4 =	vadd.f32 v23, v4  }
0x42c: {  	v3 =	vmax.f32 v3, v23;
	v7 =	vmul.f32 v7, v7  }
0x42d: {  	v28 =	vld [tilespmem:s0+$0x310];
	v3 =	vmax.f32 v3, v6;
	v5 =	vadd.f32 v9, v5;
	v4 =	vadd.f32 v6, v4  }
0x42e: {  	v3 =	vmax.f32 v3, v26  }
0x42f: {  	v29 =	vld [tilespmem:s0+$0x390];
	v5 =	vadd.f32 v7, v5;
	v7 =	vmul.f32 v23, v23;
	v4 =	vadd.f32 v26, v4  }
0x430: {  	v3 =	vmax.f32 v3, v27  }
0x431: {  	v6 =	vmul.f32 v6, v6;
	v5 =	vadd.f32 v7, v5;
	v4 =	vadd.f32 v27, v4  }
0x432: {  	v3 =	vmax.f32 v3, v28  }
0x433: {  	v5 =	vadd.f32 v6, v5;
	v6 =	vmul.f32 v26, v26;
	v4 =	vadd.f32 v28, v4  }
0x434: {  	v3 =	vmax.f32 v3, v29  }
0x435: {  	v5 =	vadd.f32 v6, v5;
	v6 =	vmul.f32 v27, v27;
	v4 =	vadd.f32 v29, v4  }
0x436: {  	[tilespmem:v1+s31+$0xFFFFFFE0 ss:$0x1] =	vst.idx.msk $0xffff, v3  }
0x437: {  	v3 =	vadd.f32 v6, v5;
	v5 =	vmul.f32 v28, v28;
	[tilespmem:v2+s31+$0xFFFFFFE0 ss:$0x1] =	vst.idx.msk $0xffff, v4  }
0x438: {  	v4 =	vld [tilespmem:$0x16010]  }
0x439: {  	v3 =	vadd.f32 v5, v3;
	v5 =	vmul.f32 v29, v29;
	_ =	sdelay $0x1  }
0x43a: {  	v3 =	vadd.f32 v5, v3;
	_ =	sdelay $0x1  }
0x43b: {  	v3 =	vadd.f32 v4, v3;
	_ =	sdelay $0x1  }
0x43c: {  	[tilespmem:$0x16010] =	vst v3  }
0x43d: {  	v3 =	vld [tilespmem:s0+$0xFFFFFC20]  }
0x43e: {  	v4 =	vld [tilespmem:s0+$0xFFFFFCA0];
	_ =	sdelay $0x1  }
0x43f: {  	v5 =	vld [tilespmem:s0+$0xFFFFFD20];
	_ =	sdelay $0x1  }
0x440: {  	v6 =	vld [tilespmem:s0+$0xFFFFFDA0]  }
0x441: {  	v7 =	vadd.f32 v4, v3  }
0x442: {  	v30 =	vld [tilespmem:s0+$0xFFFFFE20]  }
0x443: {  	v7 =	vadd.f32 v5, v7  }
0x444: {  	v31 =	vld [tilespmem:s0+$0xFFFFFEA0];
	v32 =	vmul.f32 v3, v3;
	v33 =	vmul.f32 v4, v4  }
0x445: {  	v7 =	vadd.f32 v6, v7  }
0x446: {  	v34 =	vld [tilespmem:s0+$0xFFFFFF20];
	v35 =	vmul.f32 v5, v5;
	v10 =	vadd.f32 v33, v32  }
0x447: {  	v7 =	vadd.f32 v30, v7  }
0x448: {  	v36 =	vld [tilespmem:s0+$0xFFFFFFA0];
	v37 =	vmul.f32 v6, v6;
	v10 =	vadd.f32 v35, v10  }
0x449: {  	v7 =	vadd.f32 v31, v7  }
0x44a: {  	v39 =	vld [tilespmem:s0+$0x20];
	v38 =	vmul.f32 v30, v30;
	v3 =	vmax.f32 v3, v4;
	v10 =	vadd.f32 v37, v10  }
0x44b: {  	v3 =	vmax.f32 v3, v5;
	v4 =	vadd.f32 v34, v7  }
0x44c: {  	v40 =	vld [tilespmem:s0+$0xA0];
	v3 =	vmax.f32 v3, v6;
	v5 =	vadd.f32 v38, v10;
	v7 =	vmul.f32 v31, v31  }
0x44d: {  	v3 =	vmax.f32 v3, v30;
	v4 =	vadd.f32 v36, v4  }
0x44e: {  	v3 =	vmax.f32 v3, v31;
	v5 =	vadd.f32 v7, v5;
	v7 =	vld [tilespmem:s0+$0x120]  }
0x44f: {  	v6 =	vmul.f32 v34, v34;
	v3 =	vmax.f32 v3, v34;
	v4 =	vadd.f32 v39, v4  }
0x450: {  	v41 =	vld [tilespmem:s0+$0x1A0];
	v3 =	vmax.f32 v3, v36  }
0x451: {  	v5 =	vadd.f32 v6, v5;
	v6 =	vmul.f32 v36, v36;
	v4 =	vadd.f32 v40, v4  }
0x452: {  	v42 =	vld [tilespmem:s0+$0x220];
	v3 =	vmax.f32 v3, v39  }
0x453: {  	v43 =	vld [tilespmem:s0+$0x2A0];
	v5 =	vadd.f32 v6, v5;
	v6 =	vmul.f32 v39, v39;
	v4 =	vadd.f32 v7, v4  }
0x454: {  	v3 =	vmax.f32 v3, v40;
	v10 =	vmul.f32 v40, v40  }
0x455: {  	v3 =	vmax.f32 v3, v7;
	v5 =	vadd.f32 v6, v5;
	v6 =	vld [tilespmem:s0+$0x320];
	v4 =	vadd.f32 v41, v4  }
0x456: {  	v3 =	vmax.f32 v3, v41;
	v7 =	vmul.f32 v7, v7  }
0x457: {  	v44 =	vld [tilespmem:s0+$0x3A0];
	v3 =	vmax.f32 v3, v42;
	v5 =	vadd.f32 v10, v5;
	v4 =	vadd.f32 v42, v4  }
0x458: {  	v3 =	vmax.f32 v3, v43  }
0x459: {  	v5 =	vadd.f32 v7, v5;
	v7 =	vmul.f32 v41, v41;
	v4 =	vadd.f32 v43, v4  }
0x45a: {  	v3 =	vmax.f32 v3, v6  }
0x45b: {  	v5 =	vadd.f32 v7, v5;
	v7 =	vmul.f32 v42, v42;
	v4 =	vadd.f32 v6, v4  }
0x45c: {  	v3 =	vmax.f32 v3, v44  }
0x45d: {  	v5 =	vadd.f32 v7, v5;
	v7 =	vmul.f32 v43, v43;
	v4 =	vadd.f32 v44, v4  }
0x45e: {  	[tilespmem:v1+s31+$0xFFFFFFF0 ss:$0x1] =	vst.idx.msk $0xffff, v3  }
0x45f: {  	v3 =	vadd.f32 v7, v5;
	v5 =	vmul.f32 v6, v6;
	[tilespmem:v2+s31+$0xFFFFFFF0 ss:$0x1] =	vst.idx.msk $0xffff, v4  }
0x460: {  	v4 =	vld [tilespmem:$0x16020]  }
0x461: {  	v3 =	vadd.f32 v5, v3;
	v5 =	vmul.f32 v44, v44;
	_ =	sdelay $0x1  }
0x462: {  	v3 =	vadd.f32 v5, v3;
	_ =	sdelay $0x1  }
0x463: {  	v3 =	vadd.f32 v4, v3;
	_ =	sdelay $0x1  }
0x464: {  	[tilespmem:$0x16020] =	vst v3  }
0x465: {  	v3 =	vld [tilespmem:s0+$0xFFFFFC30]  }
0x466: {  	v4 =	vld [tilespmem:s0+$0xFFFFFCB0];
	_ =	sdelay $0x1  }
0x467: {  	v5 =	vld [tilespmem:s0+$0xFFFFFD30];
	_ =	sdelay $0x1  }
0x468: {  	v6 =	vld [tilespmem:s0+$0xFFFFFDB0]  }
0x469: {  	v7 =	vadd.f32 v4, v3  }
0x46a: {  	v45 =	vld [tilespmem:s0+$0xFFFFFE30];
	v46 =	vmul.f32 v3, v3;
	v47 =	vmul.f32 v4, v4  }
0x46b: {  	v7 =	vadd.f32 v5, v7  }
0x46c: {  	v48 =	vld [tilespmem:s0+$0xFFFFFEB0];
	v49 =	vmul.f32 v5, v5;
	v9 =	vadd.f32 v47, v46  }
0x46d: {  	v7 =	vadd.f32 v6, v7  }
0x46e: {  	v50 =	vld [tilespmem:s0+$0xFFFFFF30];
	v51 =	vmul.f32 v6, v6;
	v9 =	vadd.f32 v49, v9  }
0x46f: {  	v7 =	vadd.f32 v45, v7  }
0x470: {  	v52 =	vld [tilespmem:s0+$0xFFFFFFB0];
	v53 =	vmul.f32 v45, v45;
	v9 =	vadd.f32 v51, v9  }
0x471: {  	v7 =	vadd.f32 v48, v7  }
0x472: {  	v54 =	vld [tilespmem:s0+$0x30];
	v55 =	vmul.f32 v48, v48;
	v9 =	vadd.f32 v53, v9  }
0x473: {  	v7 =	vadd.f32 v50, v7  }
0x474: {  	v15 =	vld [tilespmem:s0+$0xB0];
	v16 =	vmul.f32 v50, v50;
	v9 =	vadd.f32 v55, v9  }
0x475: {  	v7 =	vadd.f32 v52, v7  }
0x476: {  	v56 =	vld [tilespmem:s0+$0x130];
	v17 =	vmul.f32 v52, v52;
	v9 =	vadd.f32 v16, v9  }
0x477: {  	v3 =	vmax.f32 v3, v4;
	v4 =	vadd.f32 v54, v7  }
0x478: {  	v3 =	vmax.f32 v3, v5;
	v5 =	vld [tilespmem:s0+$0x1B0];
	v7 =	vmul.f32 v54, v54;
	v9 =	vadd.f32 v17, v9  }
0x479: {  	v3 =	vmax.f32 v3, v6;
	v4 =	vadd.f32 v15, v4  }
0x47a: {  	v57 =	vmul.f32 v15, v15;
	v3 =	vmax.f32 v3, v45;
	v6 =	vld [tilespmem:s0+$0x230];
	v7 =	vadd.f32 v7, v9  }
0x47b: {  	v3 =	vmax.f32 v3, v48;
	v4 =	vadd.f32 v56, v4  }
0x47c: {  	v58 =	vld [tilespmem:s0+$0x2B0];
	v59 =	vmul.f32 v56, v56;
	v3 =	vmax.f32 v3, v50;
	v7 =	vadd.f32 v57, v7  }
0x47d: {  	v3 =	vmax.f32 v3, v52;
	v4 =	vadd.f32 v5, v4  }
0x47e: {  	v60 =	vld [tilespmem:s0+$0x330];
	v3 =	vmax.f32 v3, v54;
	v61 =	vmul.f32 v5, v5;
	v7 =	vadd.f32 v59, v7  }
0x47f: {  	v3 =	vmax.f32 v3, v15;
	v4 =	vadd.f32 v6, v4  }
0x480: {  	v62 =	vld [tilespmem:s0+$0x3B0];
	v3 =	vmax.f32 v3, v56;
	v63 =	vmul.f32 v6, v6;
	v7 =	vadd.f32 v61, v7  }
0x481: {  	v3 =	vmax.f32 v3, v5;
	v4 =	vadd.f32 v58, v4  }
0x482: {  	v3 =	vmax.f32 v3, v6;
	v6 =	vmul.f32 v58, v58;
	v5 =	vadd.f32 v63, v7  }
0x483: {  	v3 =	vmax.f32 v3, v58;
	v4 =	vadd.f32 v60, v4  }
0x484: {  	v3 =	vmax.f32 v3, v60;
	v5 =	vadd.f32 v6, v5;
	v6 =	vmul.f32 v60, v60  }
0x485: {  	v3 =	vmax.f32 v3, v62;
	v4 =	vadd.f32 v62, v4  }
0x486: {  	[tilespmem:v1+s31+$0x0 ss:$0x1] =	vst.idx.msk $0xffff, v3;
	v3 =	vadd.f32 v6, v5;
	v5 =	vmul.f32 v62, v62  }
0x487: {  	[tilespmem:v2+s31+$0x0 ss:$0x1] =	vst.idx.msk $0xffff, v4  }
0x488: {  	s1 =	simm.s32 $0x200;
	v3 =	vadd.f32 v5, v3;
	v4 =	vld [tilespmem:$0x16030]  }
.LBB2_9:
0x489: {  	_ = 	snop  }
0x48a: {  	p1 =	sne.s32 s1, $0xE00  }
0x48b: {  	s0 =	sadd.s32 $0x800, s0;
	s12 =	smov.u32 s1;
	s1 =	sadd.s32 $0x200, s1  }
0x48c: {  	_ = 	snop  }
0x48d: {  	v3 =	vadd.f32 v4, v3;
	_ =	sdelay $0x1  }
0x48e: {  	[tilespmem:$0x16030] =	vst v3  }
0x48f: {  	v3 =	vld [tilespmem:s0+$0xFFFFFC80]  }
0x490: {  	v4 =	vld [tilespmem:s0+$0xFFFFFC00];
	_ =	sdelay $0x1  }
0x491: {  	v5 =	vld [tilespmem:s0+$0xFFFFFD00];
	_ =	sdelay $0x1  }
0x492: {  	v6 =	vld [tilespmem:s0+$0xFFFFFD80]  }
0x493: {  	v9 =	vmul.f32 v3, v3;
	v7 =	vmul.f32 v4, v4;
	v8 =	vadd.f32 v3, v4  }
0x494: {  	v3 =	vmax.f32 v4, v3;
	v4 =	vld [tilespmem:s0+$0xFFFFFE00]  }
0x495: {  	v7 =	vadd.f32 v9, v7;
	v8 =	vadd.f32 v5, v8;
	v9 =	vmul.f32 v5, v5  }
0x496: {  	v3 =	vmax.f32 v3, v5;
	v5 =	vld [tilespmem:s0+$0xFFFFFE80]  }
0x497: {  	v7 =	vadd.f32 v9, v7;
	v8 =	vadd.f32 v6, v8;
	v9 =	vmul.f32 v6, v6;
	v10 =	vld [tilespmem:s0+$0xFFFFFF00]  }
0x498: {  	v3 =	vmax.f32 v3, v6  }
0x499: {  	v6 =	vadd.f32 v9, v7;
	v7 =	vadd.f32 v4, v8;
	v8 =	vmul.f32 v4, v4  }
0x49a: {  	v3 =	vmax.f32 v3, v4;
	v4 =	vld [tilespmem:s0+$0xFFFFFF80]  }
0x49b: {  	v6 =	vadd.f32 v8, v6;
	v7 =	vadd.f32 v5, v7;
	v8 =	vmul.f32 v5, v5;
	v9 =	vld [tilespmem:s0+$0x0]  }
0x49c: {  	v3 =	vmax.f32 v3, v5;
	v5 =	vld [tilespmem:s0+$0x80]  }
0x49d: {  	v6 =	vadd.f32 v8, v6;
	v7 =	vadd.f32 v10, v7;
	v8 =	vmul.f32 v10, v10;
	v11 =	vld [tilespmem:s0+$0x100]  }
0x49e: {  	v3 =	vmax.f32 v3, v10;
	v10 =	vld [tilespmem:s0+$0x180]  }
0x49f: {  	v6 =	vadd.f32 v8, v6;
	v3 =	vmax.f32 v3, v4;
	v7 =	vadd.f32 v4, v7;
	v8 =	vld [tilespmem:s0+$0x200]  }
0x4a0: {  	v4 =	vmul.f32 v4, v4;
	v3 =	vmax.f32 v3, v9;
	v12 =	vld [tilespmem:s0+$0x280]  }
0x4a1: {  	v7 =	vadd.f32 v9, v7;
	v3 =	vmax.f32 v3, v5;
	v13 =	vld [tilespmem:s0+$0x300]  }
0x4a2: {  	v4 =	vadd.f32 v4, v6;
	v6 =	vmul.f32 v9, v9;
	v3 =	vmax.f32 v3, v11  }
0x4a3: {  	v7 =	vadd.f32 v5, v7;
	v3 =	vmax.f32 v3, v10  }
0x4a4: {  	v4 =	vadd.f32 v6, v4;
	v5 =	vmul.f32 v5, v5;
	v3 =	vmax.f32 v3, v8  }
0x4a5: {  	v6 =	vadd.f32 v11, v7;
	v3 =	vmax.f32 v3, v12  }
0x4a6: {  	v4 =	vadd.f32 v5, v4;
	v5 =	vmul.f32 v11, v11;
	v3 =	vmax.f32 v3, v13  }
0x4a7: {  	v6 =	vadd.f32 v10, v6  }
0x4a8: {  	v4 =	vadd.f32 v5, v4;
	v5 =	vmul.f32 v10, v10  }
0x4a9: {  	v6 =	vadd.f32 v8, v6  }
0x4aa: {  	v4 =	vadd.f32 v5, v4;
	v5 =	vmul.f32 v8, v8;
	v7 =	vld [tilespmem:s0+$0x380]  }
0x4ab: {  	v6 =	vadd.f32 v12, v6  }
0x4ac: {  	v4 =	vadd.f32 v5, v4;
	v5 =	vmul.f32 v12, v12  }
0x4ad: {  	v6 =	vadd.f32 v13, v6  }
0x4ae: {  	v4 =	vadd.f32 v5, v4;
	v5 =	vmul.f32 v13, v13  }
0x4af: {  	s12 =	sshra.s32 s12, $0x2;
	v3 =	vmax.f32 v3, v7;
	v6 =	vadd.f32 v7, v6  }
0x4b0: {  	v4 =	vadd.f32 v5, v4;
	[tilespmem:v1+s12+$0xFFFFFFD0 ss:$0x1] =	vst.idx.msk $0xffff, v3  }
0x4b1: {  	[tilespmem:v2+s12+$0xFFFFFFD0 ss:$0x1] =	vst.idx.msk $0xffff, v6  }
0x4b2: {  	v3 =	vld [tilespmem:$0x16000]  }
0x4b3: {  	v5 =	vmul.f32 v7, v7;
	_ =	sdelay $0x1  }
0x4b4: {  	v4 =	vadd.f32 v5, v4;
	_ =	sdelay $0x1  }
0x4b5: {  	v3 =	vadd.f32 v3, v4;
	_ =	sdelay $0x1  }
0x4b6: {  	[tilespmem:$0x16000] =	vst v3  }
0x4b7: {  	v3 =	vld [tilespmem:s0+$0xFFFFFC10]  }
0x4b8: {  	v4 =	vld [tilespmem:s0+$0xFFFFFC90];
	_ =	sdelay $0x1  }
0x4b9: {  	v5 =	vld [tilespmem:s0+$0xFFFFFD10];
	_ =	sdelay $0x1  }
0x4ba: {  	v6 =	vld [tilespmem:s0+$0xFFFFFD90]  }
0x4bb: {  	v7 =	vmul.f32 v3, v3;
	v8 =	vadd.f32 v4, v3;
	v9 =	vmul.f32 v4, v4  }
0x4bc: {  	v3 =	vmax.f32 v3, v4;
	v4 =	vld [tilespmem:s0+$0xFFFFFE10]  }
0x4bd: {  	v7 =	vadd.f32 v9, v7;
	v8 =	vadd.f32 v5, v8;
	v9 =	vmul.f32 v5, v5  }
0x4be: {  	v3 =	vmax.f32 v3, v5;
	v5 =	vld [tilespmem:s0+$0xFFFFFE90]  }
0x4bf: {  	v7 =	vadd.f32 v9, v7;
	v8 =	vadd.f32 v6, v8;
	v9 =	vmul.f32 v6, v6  }
0x4c0: {  	v3 =	vmax.f32 v3, v6;
	v6 =	vld [tilespmem:s0+$0xFFFFFF10]  }
0x4c1: {  	v7 =	vadd.f32 v9, v7;
	v8 =	vadd.f32 v4, v8;
	v9 =	vmul.f32 v4, v4;
	v10 =	vld [tilespmem:s0+$0xFFFFFF90]  }
0x4c2: {  	v3 =	vmax.f32 v3, v4;
	v4 =	vld [tilespmem:s0+$0x10]  }
0x4c3: {  	v7 =	vadd.f32 v9, v7;
	v8 =	vadd.f32 v5, v8;
	v9 =	vmul.f32 v5, v5;
	v11 =	vld [tilespmem:s0+$0x90]  }
0x4c4: {  	v3 =	vmax.f32 v3, v5;
	v5 =	vld [tilespmem:s0+$0x110]  }
0x4c5: {  	v7 =	vadd.f32 v9, v7;
	v3 =	vmax.f32 v3, v6;
	v8 =	vadd.f32 v6, v8;
	v9 =	vld [tilespmem:s0+$0x190]  }
0x4c6: {  	v3 =	vmax.f32 v3, v10;
	v12 =	vld [tilespmem:s0+$0x210]  }
0x4c7: {  	v6 =	vmul.f32 v6, v6;
	v8 =	vadd.f32 v10, v8;
	v3 =	vmax.f32 v3, v4;
	v13 =	vld [tilespmem:s0+$0x290]  }
0x4c8: {  	v10 =	vmul.f32 v10, v10;
	v3 =	vmax.f32 v3, v11;
	v14 =	vld [tilespmem:s0+$0x310]  }
0x4c9: {  	v6 =	vadd.f32 v6, v7;
	v7 =	vadd.f32 v4, v8;
	v3 =	vmax.f32 v3, v5;
	v8 =	vld [tilespmem:s0+$0x390]  }
0x4ca: {  	v4 =	vmul.f32 v4, v4;
	v3 =	vmax.f32 v3, v9  }
0x4cb: {  	v6 =	vadd.f32 v10, v6;
	v7 =	vadd.f32 v11, v7;
	v3 =	vmax.f32 v3, v12  }
0x4cc: {  	v10 =	vmul.f32 v11, v11;
	v3 =	vmax.f32 v3, v13  }
0x4cd: {  	v4 =	vadd.f32 v4, v6;
	v6 =	vadd.f32 v5, v7;
	v3 =	vmax.f32 v3, v14  }
0x4ce: {  	v3 =	vmax.f32 v3, v8  }
0x4cf: {  	v4 =	vadd.f32 v10, v4;
	v5 =	vmul.f32 v5, v5;
	v6 =	vadd.f32 v9, v6;
	_ =	sdelay $0x1  }
0x4d0: {  	v4 =	vadd.f32 v5, v4;
	v5 =	vmul.f32 v9, v9;
	v6 =	vadd.f32 v12, v6;
	_ =	sdelay $0x1  }
0x4d1: {  	v4 =	vadd.f32 v5, v4;
	v5 =	vmul.f32 v12, v12;
	v6 =	vadd.f32 v13, v6;
	_ =	sdelay $0x1  }
0x4d2: {  	v4 =	vadd.f32 v5, v4;
	v5 =	vmul.f32 v13, v13;
	v6 =	vadd.f32 v14, v6;
	_ =	sdelay $0x1  }
0x4d3: {  	v4 =	vadd.f32 v5, v4;
	v5 =	vmul.f32 v14, v14;
	v6 =	vadd.f32 v8, v6  }
0x4d4: {  	[tilespmem:v1+s12+$0xFFFFFFE0 ss:$0x1] =	vst.idx.msk $0xffff, v3  }
0x4d5: {  	v3 =	vadd.f32 v5, v4;
	[tilespmem:v2+s12+$0xFFFFFFE0 ss:$0x1] =	vst.idx.msk $0xffff, v6  }
0x4d6: {  	v4 =	vld [tilespmem:$0x16010]  }
0x4d7: {  	v5 =	vmul.f32 v8, v8;
	_ =	sdelay $0x1  }
0x4d8: {  	v3 =	vadd.f32 v5, v3;
	_ =	sdelay $0x1  }
0x4d9: {  	v3 =	vadd.f32 v4, v3;
	_ =	sdelay $0x1  }
0x4da: {  	[tilespmem:$0x16010] =	vst v3  }
0x4db: {  	v3 =	vld [tilespmem:s0+$0xFFFFFC20]  }
0x4dc: {  	v4 =	vld [tilespmem:s0+$0xFFFFFCA0]  }
0x4dd: {  	v5 =	vld [tilespmem:s0+$0xFFFFFD20]  }
0x4de: {  	v6 =	vld [tilespmem:s0+$0xFFFFFDA0]  }
0x4df: {  	v7 =	vld [tilespmem:s0+$0xFFFFFE20]  }
0x4e0: {  	v8 =	vld [tilespmem:s0+$0xFFFFFEA0]  }
0x4e1: {  	v9 =	vmul.f32 v3, v3;
	v10 =	vadd.f32 v4, v3;
	v11 =	vmul.f32 v4, v4;
	v12 =	vld [tilespmem:s0+$0xFFFFFF20]  }
0x4e2: {  	v3 =	vmax.f32 v3, v4;
	v4 =	vld [tilespmem:s0+$0xFFFFFFA0]  }
0x4e3: {  	v9 =	vadd.f32 v11, v9;
	v10 =	vadd.f32 v5, v10;
	v11 =	vmul.f32 v5, v5  }
0x4e4: {  	v3 =	vmax.f32 v3, v5  }
0x4e5: {  	v5 =	vadd.f32 v11, v9;
	v9 =	vadd.f32 v6, v10;
	v10 =	vmul.f32 v6, v6  }
0x4e6: {  	v3 =	vmax.f32 v3, v6  }
0x4e7: {  	v5 =	vadd.f32 v10, v5;
	v6 =	vadd.f32 v7, v9;
	v9 =	vmul.f32 v7, v7  }
0x4e8: {  	v3 =	vmax.f32 v3, v7  }
0x4e9: {  	v7 =	vmul.f32 v8, v8;
	v5 =	vadd.f32 v9, v5;
	v6 =	vadd.f32 v8, v6  }
0x4ea: {  	v3 =	vmax.f32 v3, v8;
	v8 =	vld [tilespmem:s0+$0x20]  }
0x4eb: {  	v5 =	vadd.f32 v7, v5;
	v6 =	vadd.f32 v12, v6;
	v7 =	vmul.f32 v12, v12;
	v9 =	vld [tilespmem:s0+$0xA0]  }
0x4ec: {  	v3 =	vmax.f32 v3, v12;
	v10 =	vld [tilespmem:s0+$0x120]  }
0x4ed: {  	v5 =	vadd.f32 v7, v5;
	v6 =	vadd.f32 v4, v6;
	v7 =	vmul.f32 v4, v4;
	v11 =	vld [tilespmem:s0+$0x1A0]  }
0x4ee: {  	v3 =	vmax.f32 v3, v4;
	v4 =	vld [tilespmem:s0+$0x220]  }
0x4ef: {  	v5 =	vadd.f32 v7, v5;
	v3 =	vmax.f32 v3, v8;
	v6 =	vadd.f32 v8, v6;
	v7 =	vld [tilespmem:s0+$0x2A0]  }
0x4f0: {  	v8 =	vmul.f32 v8, v8;
	v3 =	vmax.f32 v3, v9;
	v12 =	vld [tilespmem:s0+$0x320]  }
0x4f1: {  	v6 =	vadd.f32 v9, v6;
	v3 =	vmax.f32 v3, v10;
	v13 =	vld [tilespmem:s0+$0x3A0]  }
0x4f2: {  	v5 =	vadd.f32 v8, v5;
	v8 =	vmul.f32 v9, v9;
	v3 =	vmax.f32 v3, v11  }
0x4f3: {  	v6 =	vadd.f32 v10, v6;
	v3 =	vmax.f32 v3, v4  }
0x4f4: {  	v5 =	vadd.f32 v8, v5;
	v8 =	vmul.f32 v10, v10;
	v3 =	vmax.f32 v3, v7  }
0x4f5: {  	v6 =	vadd.f32 v11, v6;
	v3 =	vmax.f32 v3, v12  }
0x4f6: {  	v5 =	vadd.f32 v8, v5;
	v8 =	vmul.f32 v11, v11;
	v3 =	vmax.f32 v3, v13  }
0x4f7: {  	v6 =	vadd.f32 v4, v6;
	[tilespmem:v1+s12+$0xFFFFFFF0 ss:$0x1] =	vst.idx.msk $0xffff, v3  }
0x4f8: {  	v3 =	vadd.f32 v8, v5;
	v4 =	vmul.f32 v4, v4  }
0x4f9: {  	v5 =	vadd.f32 v7, v6  }
0x4fa: {  	v3 =	vadd.f32 v4, v3;
	v4 =	vmul.f32 v7, v7  }
0x4fb: {  	v5 =	vadd.f32 v12, v5  }
0x4fc: {  	v3 =	vadd.f32 v4, v3;
	v4 =	vmul.f32 v12, v12  }
0x4fd: {  	v5 =	vadd.f32 v13, v5  }
0x4fe: {  	v3 =	vadd.f32 v4, v3  }
0x4ff: {  	[tilespmem:v2+s12+$0xFFFFFFF0 ss:$0x1] =	vst.idx.msk $0xffff, v5  }
0x500: {  	v4 =	vld [tilespmem:$0x16020]  }
0x501: {  	v5 =	vmul.f32 v13, v13;
	_ =	sdelay $0x1  }
0x502: {  	v3 =	vadd.f32 v5, v3;
	_ =	sdelay $0x1  }
0x503: {  	v3 =	vadd.f32 v4, v3;
	_ =	sdelay $0x1  }
0x504: {  	[tilespmem:$0x16020] =	vst v3  }
0x505: {  	v3 =	vld [tilespmem:s0+$0xFFFFFC30]  }
0x506: {  	v4 =	vld [tilespmem:s0+$0xFFFFFCB0]  }
0x507: {  	v5 =	vld [tilespmem:s0+$0xFFFFFD30]  }
0x508: {  	v6 =	vld [tilespmem:s0+$0xFFFFFDB0]  }
0x509: {  	v7 =	vld [tilespmem:s0+$0xFFFFFE30]  }
0x50a: {  	v8 =	vld [tilespmem:s0+$0xFFFFFEB0]  }
0x50b: {  	v9 =	vmul.f32 v3, v3;
	v10 =	vadd.f32 v4, v3;
	v11 =	vmul.f32 v4, v4;
	v12 =	vld [tilespmem:s0+$0xFFFFFF30]  }
0x50c: {  	v3 =	vmax.f32 v3, v4;
	v4 =	vld [tilespmem:s0+$0xFFFFFFB0]  }
0x50d: {  	v9 =	vadd.f32 v11, v9;
	v10 =	vadd.f32 v5, v10;
	v11 =	vmul.f32 v5, v5;
	v13 =	vld [tilespmem:s0+$0x30]  }
0x50e: {  	v3 =	vmax.f32 v3, v5;
	v5 =	vld [tilespmem:s0+$0xB0]  }
0x50f: {  	v9 =	vadd.f32 v11, v9;
	v10 =	vadd.f32 v6, v10;
	v11 =	vmul.f32 v6, v6;
	v14 =	vld [tilespmem:s0+$0x130]  }
0x510: {  	v3 =	vmax.f32 v3, v6;
	v6 =	vld [tilespmem:s0+$0x230]  }
0x511: {  	v9 =	vadd.f32 v11, v9;
	v10 =	vadd.f32 v7, v10;
	v11 =	vmul.f32 v7, v7;
	v15 =	vld [tilespmem:s0+$0x2B0]  }
0x512: {  	v3 =	vmax.f32 v3, v7;
	v7 =	vld [tilespmem:s0+$0x330]  }
0x513: {  	v9 =	vadd.f32 v11, v9;
	v10 =	vadd.f32 v8, v10;
	v11 =	vmul.f32 v8, v8;
	v16 =	vld [tilespmem:s0+$0x1B0]  }
0x514: {  	v3 =	vmax.f32 v3, v8;
	v8 =	vmul.f32 v12, v12;
	v17 =	vld [tilespmem:s0+$0x3B0]  }
0x515: {  	v3 =	vmax.f32 v3, v12;
	v9 =	vadd.f32 v11, v9;
	v10 =	vadd.f32 v12, v10  }
0x516: {  	v3 =	vmax.f32 v3, v4;
	v11 =	vmul.f32 v4, v4  }
0x517: {  	v3 =	vmax.f32 v3, v13;
	v8 =	vadd.f32 v8, v9;
	v4 =	vadd.f32 v4, v10  }
0x518: {  	v3 =	vmax.f32 v3, v5;
	v9 =	vmul.f32 v13, v13  }
0x519: {  	v3 =	vmax.f32 v3, v14;
	v8 =	vadd.f32 v11, v8;
	v4 =	vadd.f32 v13, v4  }
0x51a: {  	v10 =	vmul.f32 v5, v5;
	v3 =	vmax.f32 v3, v16  }
0x51b: {  	v3 =	vmax.f32 v3, v6;
	v8 =	vadd.f32 v9, v8;
	v4 =	vadd.f32 v5, v4  }
0x51c: {  	v3 =	vmax.f32 v3, v15;
	v5 =	vmul.f32 v14, v14  }
0x51d: {  	v3 =	vmax.f32 v3, v7;
	v8 =	vadd.f32 v10, v8;
	v4 =	vadd.f32 v14, v4  }
0x51e: {  	v9 =	vmul.f32 v16, v16;
	v3 =	vmax.f32 v3, v17  }
0x51f: {  	v5 =	vadd.f32 v5, v8;
	v4 =	vadd.f32 v16, v4;
	[tilespmem:v1+s12+$0x0 ss:$0x1] =	vst.idx.msk $0xffff, v3;
	_ =	sdelay $0x1  }
0x520: {  	v3 =	vadd.f32 v9, v5;
	v4 =	vadd.f32 v6, v4;
	v5 =	vmul.f32 v6, v6;
	_ =	sdelay $0x1  }
0x521: {  	v3 =	vadd.f32 v5, v3;
	v4 =	vadd.f32 v15, v4;
	v5 =	vmul.f32 v15, v15;
	_ =	sdelay $0x1  }
0x522: {  	v3 =	vadd.f32 v5, v3;
	v4 =	vadd.f32 v7, v4;
	v5 =	vmul.f32 v7, v7  }
.Ltmp3:
0x523: {  	(pc) =	sbr.rel @p1 .LBB2_9-.Ltmp3, $3  }
0x524: {  	v3 =	vadd.f32 v5, v3;
	v4 =	vadd.f32 v17, v4;
	v5 =	vmul.f32 v17, v17;
	_ =	sdelay $0x1  }
0x525: {  	v3 =	vadd.f32 v5, v3;
	[tilespmem:v2+s12+$0x0 ss:$0x1] =	vst.idx.msk $0xffff, v4  }
0x526: {  	v4 =	vld [tilespmem:$0x16030]  }
0x527: {  	_ =	sdelay $0x3  }
0x528: {  	s0 =	sand.u32 $0x1, s25;
	v1 =	vadd.f32 v4, v3  }
0x529: {  	s1 =	sadd.s32 s6, s26;
	p1 =	seq.s32 s0, $0x1  }
0x52a: {  	s0 =	sadd.s32 s4, s1;
	s12 =	simm.s32 @p1 $0x0;
	s13 =	simm.s32 @p1 $0x13000;
	[tilespmem:$0x16030] =	vst v1  }
0x52b: {  	[hbm4b:s0+s12] =	stream.linear.scatter @p1 [tilespmem:s13], [sflag:$0x6], $0x1000, $0x38;
	[tilespmem:$0x16080] =	vst v63  }
0x52c: {  	s1 =	sadd.s32 s5, s1;
	s13 =	simm.s32 @p1 $0x15000  }
0x52d: {  	[hbm4b:s1+s12] =	stream.linear.scatter @p1 [tilespmem:s13], [sflag:$0x6], $0x1000, $0x38;
	[tilespmem:$0x16080] =	vst v63  }
0x52e: {  	s12 =	simm.s32 @!p1 $0x0;
	s13 =	simm.s32 @!p1 $0x12000  }
0x52f: {  	[hbm4b:s0+s12] =	stream.linear.scatter @!p1 [tilespmem:s13], [sflag:$0x5], $0x1000, $0x38;
	[tilespmem:$0x16080] =	vst v63  }
0x530: {  	s25 =	sadd.s32 $0x1, s25;
	s0 =	simm.s32 @!p1 $0x14000  }
0x531: {  	[hbm4b:s1+s12] =	stream.linear.scatter @!p1 [tilespmem:s0], [sflag:$0x5], $0x1000, $0x38;
	[tilespmem:$0x16080] =	vst v63  }
0x532: {  	p1 =	sne.s32 s25, $0x10  }
.Ltmp4:
0x533: {  	_ = 	snop;
	(pc) =	sbr.rel @p1 .LBB2_2-.Ltmp4, $2  }
0x534: {  	_ =	sdelay $0x2  }
0x535: {  	p0 =	por !p0, !p0  }
0x536: {  	[hbm4b:s8+s2] =	stream.linear.scatter [tilespmem:s21], [sflag:$0x7], $0x80, $0x38;
	[tilespmem:$0x16080] =	vst v63  }
0x537: {  	_ =	swait.ge [sflag:s10], $0x80  }
0x538: {  	[sflag:s10] =	ssyncset.done $0x0  }
0x539: {  	[sflag:s10] =	ssyncadd.s32 $0xFFFFFF80  }
0x53a: {  	_ =	swait.ge [sflag:s22], $0x1000  }
0x53b: {  	[sflag:s22] =	ssyncset.done $0x0  }
0x53c: {  	[sflag:s22] =	ssyncadd.s32 $0xFFFFF000  }
0x53d: {  	_ =	swait.ge [sflag:s22], $0x1000  }
0x53e: {  	[sflag:s22] =	ssyncset.done $0x0  }
0x53f: {  	s24 =	sadd.s32 $0x1, s24;
	[sflag:s22] =	ssyncadd.s32 $0xFFFFF000  }
0x540: {  	p0 =	sne.s32 s24, s9;
	_ =	swait.ge [sflag:s23], $0x1000  }
.Ltmp5:
0x541: {  	[sflag:s23] =	ssyncset.done $0x0;
	(pc) =	sbr.rel @p0 .LBB2_1-.Ltmp5, $4  }
0x542: {  	[sflag:s23] =	ssyncadd.s32 $0xFFFFF000  }
0x543: {  	_ =	swait.ge [sflag:s23], $0x1000  }
0x544: {  	[sflag:s23] =	ssyncset.done $0x0  }
0x545: {  	[sflag:s23] =	ssyncadd.s32 $0xFFFFF000  }
0x546: {  	_ =	sfence.sel $0x180000  }
0x547: {  	[bflag:$0x0] =	sbarrier.arrive $0xFFFF  }
0x548: {  	_ =	strace $0x90000047  }
0x549: {  	s0 =	stileid.u32;
	[bflag:$0x2] =	sbarrier.arrive $0xFFFF  }
0x54a: {  	p0 =	sne.s32 s0, $0x0;
	s0 =	rddreg [dreg:$0x2]  }
0x54b: {  	s0 =	sadd.s32 @!p0 $0x100000, s0  }
0x54c: {  	[sflag:s0] =	ssyncadd.tile.s32 @!p0 $0x1;
	_ =	shalt  }
.Lfunc_end2:
_tile_overlayer_lowered:
.L_overlay_start_2:
0x54d: {  	(tag) =	ssettag $0x2  }
0x54e: {  	s0 =	rddreg [dreg:$0x0];
	s2 =	stileid.u32  }
0x54f: {  	s1 =	rddreg [dreg:$0x1];
	p0 =	sne.s32 s2, $0x0  }
0x550: {  	s3 =	rddreg [dreg:$0x2];
	[bflag:$0x3] =	sbarrier.arrive $0xFFFF;
	s2 =	simm.s32 @!p0 $0x1C07  }
0x551: {  	[timem:s3], [sflag:s2] =	dma.local @!p0 [hbm:s0], s1  }
0x552: {  	s0 =	simm.s32 @!p0 $0x7  }
0x553: {  	_ =	swait.ge @!p0 [sflag:s0], s1  }
0x554: {  	s1 =	ssub.s32 @!p0 $0x0, s1;
	[sflag:s0] =	ssyncset.done @!p0 $0x0  }
0x555: {  	[sflag:s0] =	ssyncadd.s32 @!p0 s1  }
0x556: {  	[bflag:$0x3] =	sbarrier.arrive $0xFFFF  }
0x557: {  	_ =	shalt  }

</sc_bundles>
